<compile_context>
chip_gen: v7x
topology: tpu7x:2x2x1
jax: 0.10.2.dev20260603
libtpu: 0.0.44.dev20260713+nightly
codegen_flags: <defaults>
</compile_context>

<pallas_src>
import functools

import jax
import jax.numpy as jnp
from jax import lax
from jax.experimental import pallas as pl
from jax.experimental.pallas import tpu as pltpu
from jax.experimental.pallas import tpu_sc as plsc

VOCAB = 1_000_000
D = 16
EPS = 1e-5

B = 16384
H = 200

NC = 2
NS = 16
NW = NC * NS

BPW = B // NW
NBT = BPW // 128
HT = H // 8



_TC_BLOCK_W = 65536
VP = 1_048_576
VPX = VP // 128


_TC_BLOCK_K = _TC_BLOCK_W // 128


def _norm_body(t_ref, o_ref):
    tt = t_ref[...]
    m = jnp.mean(tt, axis=0, keepdims=True)
    d = tt - m
    v = jnp.mean(d * d, axis=0, keepdims=True)
    r = d * lax.rsqrt(v + EPS)
    o_ref[...] = r.reshape(2, 8, _TC_BLOCK_K, 128).swapaxes(1, 2)


def _normalize_table(table):
    grid = (VP + _TC_BLOCK_W - 1) // _TC_BLOCK_W
    return pl.pallas_call(
        _norm_body,
        grid=(grid,),
        in_specs=[pl.BlockSpec((D, _TC_BLOCK_W), lambda i: (0, i))],
        out_specs=pl.BlockSpec((2, _TC_BLOCK_K, 8, 128),
                               lambda i: (0, i, 0, 0)),
        out_shape=jax.ShapeDtypeStruct((2, VPX, 8, 128), jnp.float32),
    )(table.T)



VPT = VP // NW
TCH = 1024
NCH = VPT // TCH


def _make_prep():
    mesh = plsc.VectorSubcoreMesh(core_axis_name="c", subcore_axis_name="s",
                                  num_cores=NC, num_subcores=NS)

    @functools.partial(
        pl.kernel,
        out_type=jax.ShapeDtypeStruct((VP, D), jnp.float32),
        mesh=mesh,
        scratch_types=[
            pltpu.VMEM((2, 8, 8, 128), jnp.float32),
            pltpu.VMEM((2, 8, 8, 128), jnp.float32),
            pltpu.VMEM((TCH, 17), jnp.float32),
            pltpu.VMEM((TCH, 17), jnp.float32),
            pltpu.SemaphoreType.DMA,
            pltpu.SemaphoreType.DMA,
            pltpu.SemaphoreType.DMA,
            pltpu.SemaphoreType.DMA,
        ],
        compiler_params=pltpu.CompilerParams(use_tc_tiling_on_sc=False,
                                             needs_layout_passes=False),
    )
    def prep_k(ntp_hbm, out_hbm, in0, in1, ob0, ob1, si0, si1, so0, so1):
        wid = lax.axis_index("s") * NC + lax.axis_index("c")
        v0 = wid * VPT
        vt0 = v0 // 128
        in_b = (in0, in1)
        ob_b = (ob0, ob1)
        si_b = (si0, si1)
        so_b = (so0, so1)
        iota = lax.iota(jnp.int32, 16)
        col_d = [jnp.full((16,), 0, jnp.int32) + d for d in range(D)]

        def load(k, b):
            pltpu.async_copy(ntp_hbm.at[:, pl.ds(vt0 + k * 8, 8)],
                             in_b[b], si_b[b])

        def wait_load(b):
            pltpu.make_async_copy(ntp_hbm.at[:, pl.ds(0, 8)], in_b[b],
                                  si_b[b]).wait()

        def store(k, b):
            pltpu.async_copy(ob_b[b].at[:, pl.ds(0, D)],
                             out_hbm.at[pl.ds(v0 + k * TCH, TCH)], so_b[b])

        def wait_store(b):
            pltpu.make_async_copy(ob_b[b].at[:, pl.ds(0, D)],
                                  out_hbm.at[pl.ds(0, TCH)], so_b[b]).wait()

        def transpose_chunk(b):
            inb = in_b[b]
            ob = ob_b[b]

            def gbody(m, carry):
                vtl = lax.div(m, 8)
                g = lax.rem(m, 8)
                row_v = iota + m * 16
                for dt in range(2):
                    for ds in range(8):
                        v = inb[dt, vtl, ds, pl.ds(g * 16, 16)]
                        plsc.store_scatter(ob, [row_v, col_d[dt * 8 + ds]], v)
                return carry

            lax.fori_loop(0, TCH // 16, gbody, 0)

        load(0, 0)

        def body(kp, carry):
            for u in range(2):
                k = 2 * kp + u
                b = u
                wait_load(b)

                @pl.when(k < NCH - 1)
                def _():
                    load(k + 1, 1 - b)

                @pl.when(k >= 2)
                def _():
                    wait_store(b)

                transpose_chunk(b)
                store(k, b)
            return carry

        lax.fori_loop(0, NCH // 2, body, 0)
        wait_store(0)
        wait_store(1)

    return prep_k



_N_STEPS = H


def _make_gather():
    mesh = plsc.VectorSubcoreMesh(core_axis_name="c", subcore_axis_name="s",
                                  num_cores=NC, num_subcores=NS)

    @functools.partial(
        pl.kernel,
        out_type=jax.ShapeDtypeStruct((B * H * D // 128, 128), jnp.float32),
        mesh=mesh,
        scratch_types=[
            pltpu.VMEM((NBT * 8, 128), jnp.int32),
            pltpu.VMEM((NBT * 8, 128), jnp.int32),
            pltpu.SemaphoreType.DMA,
            pltpu.SemaphoreType.DMA,
            pltpu.VMEM((BPW, D), jnp.float32),
            pltpu.VMEM((BPW, D), jnp.float32),
            pltpu.VMEM((2, 40, 129), jnp.float32),
            pltpu.VMEM((2, 40, 129), jnp.float32),
            pltpu.SemaphoreType.DMA,
            pltpu.SemaphoreType.DMA,
            pltpu.SemaphoreType.DMA,
            pltpu.SemaphoreType.DMA,
        ],
        compiler_params=pltpu.CompilerParams(use_tc_tiling_on_sc=False,
                                             needs_layout_passes=False),
    )
    def gather_k(tab_hbm, q_hbm, p_hbm, idx0, idx1, qi0, qi1, rows0, rows1,
                 st0, st1, sg0, sg1, ss0, ss1):
        wid = lax.axis_index("s") * NC + lax.axis_index("c")
        idx_b = (idx0, idx1)
        qi_b = (qi0, qi1)
        rows_b = (rows0, rows1)
        stage_b = (st0, st1)
        sg_b = (sg0, sg1)
        ss_b = (ss0, ss1)

        iota = lax.iota(jnp.int32, 16)
        dt_vec = lax.shift_right_logical(iota, 3)
        ds_vec = lax.bitwise_and(iota, jnp.int32(7))

        def load_idx_block(ht, ib):
            pltpu.async_copy(q_hbm.at[pl.ds(ht * 1024 + wid * (NBT * 8),
                                            NBT * 8)], idx_b[ib], qi_b[ib])

        def wait_idx_block(ib):
            pltpu.make_async_copy(q_hbm.at[pl.ds(0, NBT * 8)], idx_b[ib],
                                  qi_b[ib]).wait()

        def fire(s, a, ib):
            hs1 = lax.rem(s, 8)
            idx_v = idx_b[ib]
            for c in range(NBT):
                pltpu.async_copy(tab_hbm.at[idx_v.at[c * 8 + hs1]],
                                 rows_b[a].at[pl.ds(c * 128, 128)], sg_b[a])

        def wait_gather(a):
            for c in range(NBT):
                pltpu.make_async_copy(tab_hbm.at[idx_b[0].at[0]],
                                      rows_b[a].at[pl.ds(c * 128, 128)],
                                      sg_b[a]).wait()

        def wait_store(a):
            for dt in range(2):
                pltpu.make_async_copy(
                    stage_b[a].at[dt, pl.ds(0, NBT * 8), pl.ds(0, 128)],
                    p_hbm.at[pl.ds(0, NBT * 8)],
                    ss_b[a]).wait()

        def transpose(a):
            rows_v = rows_b[a]
            stage = stage_b[a]
            for btl in range(NBT):
                row32 = ds_vec + btl * 8

                def tbody(g, carry):
                    base = btl * 128 + g * 8
                    for u in range(8):
                        r = base + u
                        v = rows_v[r, :]
                        bl_vec = jnp.full((16,), 0, jnp.int32) + (r - btl * 128)
                        plsc.store_scatter(stage, [dt_vec, row32, bl_vec], v)
                    return carry

                lax.fori_loop(0, 16, tbody, 0)

        def store(s, a):
            for dt in range(2):
                pltpu.async_copy(
                    stage_b[a].at[dt, pl.ds(0, NBT * 8), pl.ds(0, 128)],
                    p_hbm.at[pl.ds(s * 2048 + dt * 1024 + wid * (NBT * 8),
                                   NBT * 8)],
                    ss_b[a])

        def fire_sel(s, a, cur):
            @pl.when(cur == 0)
            def _():
                fire(s, a, 0)

            @pl.when(cur == 1)
            def _():
                fire(s, a, 1)

        load_idx_block(0, 0)
        wait_idx_block(0)
        fire(0, 0, 0)
        load_idx_block(1, 1)

        def body(k, carry):
            for u in range(2):
                s = 2 * k + u
                a = u
                hs = lax.rem(s, 8)
                ht = lax.div(s, 8)
                cur = lax.rem(ht, 2)

                @pl.when(jnp.logical_and(s < _N_STEPS - 1, hs != 7))
                def _():
                    fire_sel(s + 1, 1 - a, cur)

                wait_gather(a)

                @pl.when(jnp.logical_and(s < _N_STEPS - 1, hs == 7))
                def _():
                    @pl.when(cur == 0)
                    def _():
                        wait_idx_block(1)
                        fire(s + 1, 1 - a, 1)

                    @pl.when(cur == 1)
                    def _():
                        wait_idx_block(0)
                        fire(s + 1, 1 - a, 0)

                    @pl.when(ht + 2 < HT)
                    def _():
                        @pl.when(cur == 0)
                        def _():
                            load_idx_block(ht + 2, 0)

                        @pl.when(cur == 1)
                        def _():
                            load_idx_block(ht + 2, 1)

                @pl.when(s >= 2)
                def _():
                    wait_store(a)

                transpose(a)
                store(s, a)
            return carry

        lax.fori_loop(0, _N_STEPS // 2, body, 0)
        wait_store(0)
        wait_store(1)

    return gather_k


def kernel(x, table):
    ntab = _make_prep()(_normalize_table(table))
    q = (x.T.reshape(HT, 8, 128, 128).transpose(0, 2, 1, 3)
         .reshape(HT * 1024, 128))
    p = _make_gather()(ntab, q)
    out = (p.reshape(H, 2, 128, 8, 128).transpose(2, 4, 0, 1, 3)
           .reshape(B, H, D))
    return out

# --- scband reference (transcript-rebuilt; emitter-appended) ---
"""Pipeline reference for scband-embedding-403726926528 (READ-ONLY COPY).

The authoritative reference and input builder live on the scoring server;
editing this copy changes nothing except your own understanding.
"""

import jax, jax.numpy as jnp
import numpy as np

VOCAB = 1000000
EMBED_DIM = 16
BATCH = 16384
HIST = 200
EPS = 1e-5


def setup_inputs(seed: int = 0) -> dict:
    key = jax.random.key(seed)
    k1, k2 = jax.random.split(key)
    x = jax.random.randint(k1, (BATCH, HIST), 0, VOCAB, dtype=jnp.int64) if jax.config.jax_enable_x64 else jax.random.randint(k1, (BATCH, HIST), 0, VOCAB, dtype=jnp.int32)
    table = jax.random.normal(k2, (VOCAB, EMBED_DIM), dtype=jnp.float32)
    return {"x": x, "table": table}


def reference(x, table):
    # embedding lookup
    emb = jnp.take(table, x, axis=0)  # [B, L, D]
    # LayerNorm over last dim, no affine params (elementwise_affine=False)
    mean = jnp.mean(emb, axis=-1, keepdims=True)
    var = jnp.mean(jnp.square(emb - mean), axis=-1, keepdims=True)  # biased variance, matches torch
    out = (emb - mean) / jnp.sqrt(var + EPS)
    return out

if __name__ == "__main__":
    import jax
    _d = setup_inputs()
    print(jax.jit(kernel)(*tuple(_d.values())))

</pallas_src>

<mosaic_0001>
#map = affine_map<(d0, d1) -> (0, 0)>
module attributes {stable_mosaic.version = 14 : i64} {
  func.func @gather_k(%arg0: i32, %arg1: i32, %arg2: memref<1048576x16xf32, #tpu.memory_space<hbm>>, %arg3: memref<25600x128xi32, #tpu.memory_space<hbm>>, %arg4: memref<409600x128xf32, #tpu.memory_space<hbm>>, %arg5: memref<32x128xi32, #tpu.memory_space<vmem>>, %arg6: memref<32x128xi32, #tpu.memory_space<vmem>>, %arg7: memref<!tpu.dma_semaphore, #tpu.memory_space<semaphore_mem>>, %arg8: memref<!tpu.dma_semaphore, #tpu.memory_space<semaphore_mem>>, %arg9: memref<512x16xf32, #tpu.memory_space<vmem>>, %arg10: memref<512x16xf32, #tpu.memory_space<vmem>>, %arg11: memref<2x40x129xf32, #tpu.memory_space<vmem>>, %arg12: memref<2x40x129xf32, #tpu.memory_space<vmem>>, %arg13: memref<!tpu.dma_semaphore, #tpu.memory_space<semaphore_mem>>, %arg14: memref<!tpu.dma_semaphore, #tpu.memory_space<semaphore_mem>>, %arg15: memref<!tpu.dma_semaphore, #tpu.memory_space<semaphore_mem>>, %arg16: memref<!tpu.dma_semaphore, #tpu.memory_space<semaphore_mem>>) attributes {dimension_semantics = [#tpu.dimension_semantics<core_parallel>, #tpu.dimension_semantics<subcore_parallel>], iteration_bounds = array<i64: 2, 16>, scalar_prefetch = 0 : i64, scratch_operands = 12 : i64, tpu.core_type = #tpu.core_type<sc_vector_subcore>, window_params = [{transform_indices = #map}, {transform_indices = #map}, {transform_indices = #map}]} {
    %mul3A = arith.constant 2 : i32
    %mul3A_0 = arith.muli %arg1, %mul3A : i32
    %add3A = arith.addi %mul3A_0, %arg0 : i32
    %iota3A = tpu.iota {dimensions = array<i32: 0>} : vector<16xi32>
    %shift_right_logical3A = arith.constant 3 : i32
    %shift_right_logical3A_1 = vector.broadcast %shift_right_logical3A : i32 to vector<16xi32>
    %shift_right_logical3A_2 = arith.shrui %iota3A, %shift_right_logical3A_1 : vector<16xi32>
    %and3A = arith.constant 7 : i32
    %and3A_3 = vector.broadcast %and3A : i32 to vector<16xi32>
    %and3A_4 = arith.andi %iota3A, %and3A_3 : vector<16xi32>
    %mul3A_5 = arith.constant 32 : i32
    %mul3A_6 = arith.muli %add3A, %mul3A_5 : i32
    %add3A_7 = arith.constant 0 : i32
    %add3A_8 = arith.addi %add3A_7, %mul3A_6 : i32
    %dma_start3A = arith.constant 0 : i32
    %dma_start3A_9 = tpu.memref_slice %arg3[%add3A_8, %dma_start3A] : memref<25600x128xi32, #tpu.memory_space<hbm>> -> memref<32x128xi32, #tpu.memory_space<hbm>>
    %dma_start3A_10 = arith.constant 0 : i32
    %dma_start3A_11 = tpu.memref_slice %arg3[%add3A_8, %dma_start3A_10] : memref<25600x128xi32, #tpu.memory_space<hbm>> -> memref<32x128xi32, #tpu.memory_space<hbm>>
    tpu.enqueue_dma source(%dma_start3A_11 : memref<32x128xi32, #tpu.memory_space<hbm>>) target(%arg5 : memref<32x128xi32, #tpu.memory_space<vmem>>) target_semaphore(%arg7 : memref<!tpu.dma_semaphore, #tpu.memory_space<semaphore_mem>>)
    %dma_wait3A = arith.constant 0 : i32
    %dma_wait3A_12 = arith.constant 0 : i32
    %dma_wait3A_13 = tpu.memref_slice %arg3[%dma_wait3A, %dma_wait3A_12] : memref<25600x128xi32, #tpu.memory_space<hbm>> -> memref<32x128xi32, #tpu.memory_space<hbm>>
    %dma_wait3A_14 = arith.constant 0 : i32
    %dma_wait3A_15 = arith.constant 0 : i32
    %dma_wait3A_16 = tpu.memref_slice %arg3[%dma_wait3A_14, %dma_wait3A_15] : memref<25600x128xi32, #tpu.memory_space<hbm>> -> memref<32x128xi32, #tpu.memory_space<hbm>>
    tpu.wait_dma2 semaphore(%arg7 : memref<!tpu.dma_semaphore, #tpu.memory_space<semaphore_mem>>) src(%dma_wait3A_16 : memref<32x128xi32, #tpu.memory_space<hbm>>) dst(%arg5 : memref<32x128xi32, #tpu.memory_space<vmem>>)
    %rem3A = arith.constant 0 : i32
    %rem3A_17 = arith.constant 8 : i32
    %rem3A_18 = arith.remsi %rem3A, %rem3A_17 : i32
    %add3A_19 = arith.constant 0 : i32
    %add3A_20 = arith.addi %add3A_19, %rem3A_18 : i32
    %dma_start3A_21 = arith.constant 0 : i32
    %dma_start3A_22 = arith.constant 0 : i32
    %dma_start3A_23 = tpu.memref_slice %arg9[%dma_start3A_21, %dma_start3A_22] : memref<512x16xf32, #tpu.memory_space<vmem>> -> memref<128x16xf32, #tpu.memory_space<vmem>>
    %dma_start3A_24 = arith.constant 0 : i32
    %dma_start3A_25 = tpu.memref_slice %arg5[%add3A_20, %dma_start3A_24] : memref<32x128xi32, #tpu.memory_space<vmem>> -> memref<1x128xi32, #tpu.memory_space<vmem>>
    %dma_start3A_26 = tpu.memref_squeeze %dma_start3A_25 : memref<1x128xi32, #tpu.memory_space<vmem>> -> memref<128xi32, #tpu.memory_space<vmem>>
    %dma_start3A_27 = arith.constant 0 : i32
    %dma_start3A_28 = arith.constant 0 : i32
    %dma_start3A_29 = tpu.memref_slice %arg2[%dma_start3A_27, %dma_start3A_28] : memref<1048576x16xf32, #tpu.memory_space<hbm>> -> memref<1048576x16xf32, #tpu.memory_space<hbm>>
    tpu.enqueue_indirect_dma source(%dma_start3A_29 : memref<1048576x16xf32, #tpu.memory_space<hbm>>) target(%dma_start3A_23 : memref<128x16xf32, #tpu.memory_space<vmem>>) offsets(%dma_start3A_26 : memref<128xi32, #tpu.memory_space<vmem>>) semaphore(%arg13 : memref<!tpu.dma_semaphore, #tpu.memory_space<semaphore_mem>>)
    %add3A_30 = arith.constant 8 : i32
    %add3A_31 = arith.addi %add3A_30, %rem3A_18 : i32
    %dma_start3A_32 = arith.constant 128 : i32
    %dma_start3A_33 = arith.constant 0 : i32
    %dma_start3A_34 = tpu.memref_slice %arg9[%dma_start3A_32, %dma_start3A_33] : memref<512x16xf32, #tpu.memory_space<vmem>> -> memref<128x16xf32, #tpu.memory_space<vmem>>
    %dma_start3A_35 = arith.constant 0 : i32
    %dma_start3A_36 = tpu.memref_slice %arg5[%add3A_31, %dma_start3A_35] : memref<32x128xi32, #tpu.memory_space<vmem>> -> memref<1x128xi32, #tpu.memory_space<vmem>>
    %dma_start3A_37 = tpu.memref_squeeze %dma_start3A_36 : memref<1x128xi32, #tpu.memory_space<vmem>> -> memref<128xi32, #tpu.memory_space<vmem>>
    %dma_start3A_38 = arith.constant 0 : i32
    %dma_start3A_39 = arith.constant 0 : i32
    %dma_start3A_40 = tpu.memref_slice %arg2[%dma_start3A_38, %dma_start3A_39] : memref<1048576x16xf32, #tpu.memory_space<hbm>> -> memref<1048576x16xf32, #tpu.memory_space<hbm>>
    tpu.enqueue_indirect_dma source(%dma_start3A_40 : memref<1048576x16xf32, #tpu.memory_space<hbm>>) target(%dma_start3A_34 : memref<128x16xf32, #tpu.memory_space<vmem>>) offsets(%dma_start3A_37 : memref<128xi32, #tpu.memory_space<vmem>>) semaphore(%arg13 : memref<!tpu.dma_semaphore, #tpu.memory_space<semaphore_mem>>)
    %add3A_41 = arith.constant 16 : i32
    %add3A_42 = arith.addi %add3A_41, %rem3A_18 : i32
    %dma_start3A_43 = arith.constant 256 : i32
    %dma_start3A_44 = arith.constant 0 : i32
    %dma_start3A_45 = tpu.memref_slice %arg9[%dma_start3A_43, %dma_start3A_44] : memref<512x16xf32, #tpu.memory_space<vmem>> -> memref<128x16xf32, #tpu.memory_space<vmem>>
    %dma_start3A_46 = arith.constant 0 : i32
    %dma_start3A_47 = tpu.memref_slice %arg5[%add3A_42, %dma_start3A_46] : memref<32x128xi32, #tpu.memory_space<vmem>> -> memref<1x128xi32, #tpu.memory_space<vmem>>
    %dma_start3A_48 = tpu.memref_squeeze %dma_start3A_47 : memref<1x128xi32, #tpu.memory_space<vmem>> -> memref<128xi32, #tpu.memory_space<vmem>>
    %dma_start3A_49 = arith.constant 0 : i32
    %dma_start3A_50 = arith.constant 0 : i32
    %dma_start3A_51 = tpu.memref_slice %arg2[%dma_start3A_49, %dma_start3A_50] : memref<1048576x16xf32, #tpu.memory_space<hbm>> -> memref<1048576x16xf32, #tpu.memory_space<hbm>>
    tpu.enqueue_indirect_dma source(%dma_start3A_51 : memref<1048576x16xf32, #tpu.memory_space<hbm>>) target(%dma_start3A_45 : memref<128x16xf32, #tpu.memory_space<vmem>>) offsets(%dma_start3A_48 : memref<128xi32, #tpu.memory_space<vmem>>) semaphore(%arg13 : memref<!tpu.dma_semaphore, #tpu.memory_space<semaphore_mem>>)
    %add3A_52 = arith.constant 24 : i32
    %add3A_53 = arith.addi %add3A_52, %rem3A_18 : i32
    %dma_start3A_54 = arith.constant 384 : i32
    %dma_start3A_55 = arith.constant 0 : i32
    %dma_start3A_56 = tpu.memref_slice %arg9[%dma_start3A_54, %dma_start3A_55] : memref<512x16xf32, #tpu.memory_space<vmem>> -> memref<128x16xf32, #tpu.memory_space<vmem>>
    %dma_start3A_57 = arith.constant 0 : i32
    %dma_start3A_58 = tpu.memref_slice %arg5[%add3A_53, %dma_start3A_57] : memref<32x128xi32, #tpu.memory_space<vmem>> -> memref<1x128xi32, #tpu.memory_space<vmem>>
    %dma_start3A_59 = tpu.memref_squeeze %dma_start3A_58 : memref<1x128xi32, #tpu.memory_space<vmem>> -> memref<128xi32, #tpu.memory_space<vmem>>
    %dma_start3A_60 = arith.constant 0 : i32
    %dma_start3A_61 = arith.constant 0 : i32
    %dma_start3A_62 = tpu.memref_slice %arg2[%dma_start3A_60, %dma_start3A_61] : memref<1048576x16xf32, #tpu.memory_space<hbm>> -> memref<1048576x16xf32, #tpu.memory_space<hbm>>
    tpu.enqueue_indirect_dma source(%dma_start3A_62 : memref<1048576x16xf32, #tpu.memory_space<hbm>>) target(%dma_start3A_56 : memref<128x16xf32, #tpu.memory_space<vmem>>) offsets(%dma_start3A_59 : memref<128xi32, #tpu.memory_space<vmem>>) semaphore(%arg13 : memref<!tpu.dma_semaphore, #tpu.memory_space<semaphore_mem>>)
    %mul3A_63 = arith.constant 32 : i32
    %mul3A_64 = arith.muli %add3A, %mul3A_63 : i32
    %add3A_65 = arith.constant 1024 : i32
    %add3A_66 = arith.addi %add3A_65, %mul3A_64 : i32
    %dma_start3A_67 = arith.constant 0 : i32
    %dma_start3A_68 = tpu.memref_slice %arg3[%add3A_66, %dma_start3A_67] : memref<25600x128xi32, #tpu.memory_space<hbm>> -> memref<32x128xi32, #tpu.memory_space<hbm>>
    %dma_start3A_69 = arith.constant 0 : i32
    %dma_start3A_70 = tpu.memref_slice %arg3[%add3A_66, %dma_start3A_69] : memref<25600x128xi32, #tpu.memory_space<hbm>> -> memref<32x128xi32, #tpu.memory_space<hbm>>
    tpu.enqueue_dma source(%dma_start3A_70 : memref<32x128xi32, #tpu.memory_space<hbm>>) target(%arg6 : memref<32x128xi32, #tpu.memory_space<vmem>>) target_semaphore(%arg8 : memref<!tpu.dma_semaphore, #tpu.memory_space<semaphore_mem>>)
    %scan3A = arith.constant 0 : i32
    %scan3A_71 = arith.constant 0 : i32
    %scan3A_72 = arith.constant 100 : i32
    %scan3A_73 = arith.addi %scan3A_71, %scan3A_72 : i32
    %scan3A_74 = arith.constant 1 : i32
    scf.for %scan3A_136 = %scan3A_71 to %scan3A_73 step %scan3A_74  : i32 {
      %mul3A_137 = arith.constant 2 : i32
      %mul3A_138 = arith.muli %mul3A_137, %scan3A_136 : i32
      %add3A_139 = arith.constant 0 : i32
      %add3A_140 = arith.addi %mul3A_138, %add3A_139 : i32
      %rem3A_141 = arith.constant 8 : i32
      %rem3A_142 = arith.remsi %add3A_140, %rem3A_141 : i32
      %div3A = arith.constant 8 : i32
      %div3A_143 = arith.divsi %add3A_140, %div3A : i32
      %rem3A_144 = arith.constant 2 : i32
      %rem3A_145 = arith.remsi %div3A_143, %rem3A_144 : i32
      %lt3A = arith.constant 199 : i32
      %lt3A_146 = arith.cmpi slt, %add3A_140, %lt3A : i32
      %ne3A = arith.constant 7 : i32
      %ne3A_147 = arith.cmpi ne, %rem3A_142, %ne3A : i32
      %and3A_148 = arith.andi %lt3A_146, %ne3A_147 : i1
      %convert_element_type3A = arith.extui %and3A_148 : i1 to i32
      %cond3A = arith.constant 0 : i32
      %cond3A_149 = arith.cmpi ne, %convert_element_type3A, %cond3A : i32
      scf.if %cond3A_149 {
        %add3A_424 = arith.constant 1 : i32
        %add3A_425 = arith.addi %add3A_140, %add3A_424 : i32
        %eq3A_426 = arith.constant 0 : i32
        %eq3A_427 = arith.cmpi eq, %rem3A_145, %eq3A_426 : i32
        %convert_element_type3A_428 = arith.extui %eq3A_427 : i1 to i32
        %cond3A_429 = arith.constant 0 : i32
        %cond3A_430 = arith.cmpi ne, %convert_element_type3A_428, %cond3A_429 : i32
        scf.if %cond3A_430 {
          %rem3A_436 = arith.constant 8 : i32
          %rem3A_437 = arith.remsi %add3A_425, %rem3A_436 : i32
          %add3A_438 = arith.constant 0 : i32
          %add3A_439 = arith.addi %add3A_438, %rem3A_437 : i32
          %dma_start3A_440 = arith.constant 0 : i32
          %dma_start3A_441 = arith.constant 0 : i32
          %dma_start3A_442 = tpu.memref_slice %arg10[%dma_start3A_440, %dma_start3A_441] : memref<512x16xf32, #tpu.memory_space<vmem>> -> memref<128x16xf32, #tpu.memory_space<vmem>>
          %dma_start3A_443 = arith.constant 0 : i32
          %dma_start3A_444 = tpu.memref_slice %arg5[%add3A_439, %dma_start3A_443] : memref<32x128xi32, #tpu.memory_space<vmem>> -> memref<1x128xi32, #tpu.memory_space<vmem>>
          %dma_start3A_445 = tpu.memref_squeeze %dma_start3A_444 : memref<1x128xi32, #tpu.memory_space<vmem>> -> memref<128xi32, #tpu.memory_space<vmem>>
          %dma_start3A_446 = arith.constant 0 : i32
          %dma_start3A_447 = arith.constant 0 : i32
          %dma_start3A_448 = tpu.memref_slice %arg2[%dma_start3A_446, %dma_start3A_447] : memref<1048576x16xf32, #tpu.memory_space<hbm>> -> memref<1048576x16xf32, #tpu.memory_space<hbm>>
          tpu.enqueue_indirect_dma source(%dma_start3A_448 : memref<1048576x16xf32, #tpu.memory_space<hbm>>) target(%dma_start3A_442 : memref<128x16xf32, #tpu.memory_space<vmem>>) offsets(%dma_start3A_445 : memref<128xi32, #tpu.memory_space<vmem>>) semaphore(%arg14 : memref<!tpu.dma_semaphore, #tpu.memory_space<semaphore_mem>>)
          %add3A_449 = arith.constant 8 : i32
          %add3A_450 = arith.addi %add3A_449, %rem3A_437 : i32
          %dma_start3A_451 = arith.constant 128 : i32
          %dma_start3A_452 = arith.constant 0 : i32
          %dma_start3A_453 = tpu.memref_slice %arg10[%dma_start3A_451, %dma_start3A_452] : memref<512x16xf32, #tpu.memory_space<vmem>> -> memref<128x16xf32, #tpu.memory_space<vmem>>
          %dma_start3A_454 = arith.constant 0 : i32
          %dma_start3A_455 = tpu.memref_slice %arg5[%add3A_450, %dma_start3A_454] : memref<32x128xi32, #tpu.memory_space<vmem>> -> memref<1x128xi32, #tpu.memory_space<vmem>>
          %dma_start3A_456 = tpu.memref_squeeze %dma_start3A_455 : memref<1x128xi32, #tpu.memory_space<vmem>> -> memref<128xi32, #tpu.memory_space<vmem>>
          %dma_start3A_457 = arith.constant 0 : i32
          %dma_start3A_458 = arith.constant 0 : i32
          %dma_start3A_459 = tpu.memref_slice %arg2[%dma_start3A_457, %dma_start3A_458] : memref<1048576x16xf32, #tpu.memory_space<hbm>> -> memref<1048576x16xf32, #tpu.memory_space<hbm>>
          tpu.enqueue_indirect_dma source(%dma_start3A_459 : memref<1048576x16xf32, #tpu.memory_space<hbm>>) target(%dma_start3A_453 : memref<128x16xf32, #tpu.memory_space<vmem>>) offsets(%dma_start3A_456 : memref<128xi32, #tpu.memory_space<vmem>>) semaphore(%arg14 : memref<!tpu.dma_semaphore, #tpu.memory_space<semaphore_mem>>)
          %add3A_460 = arith.constant 16 : i32
          %add3A_461 = arith.addi %add3A_460, %rem3A_437 : i32
          %dma_start3A_462 = arith.constant 256 : i32
          %dma_start3A_463 = arith.constant 0 : i32
          %dma_start3A_464 = tpu.memref_slice %arg10[%dma_start3A_462, %dma_start3A_463] : memref<512x16xf32, #tpu.memory_space<vmem>> -> memref<128x16xf32, #tpu.memory_space<vmem>>
          %dma_start3A_465 = arith.constant 0 : i32
          %dma_start3A_466 = tpu.memref_slice %arg5[%add3A_461, %dma_start3A_465] : memref<32x128xi32, #tpu.memory_space<vmem>> -> memref<1x128xi32, #tpu.memory_space<vmem>>
          %dma_start3A_467 = tpu.memref_squeeze %dma_start3A_466 : memref<1x128xi32, #tpu.memory_space<vmem>> -> memref<128xi32, #tpu.memory_space<vmem>>
          %dma_start3A_468 = arith.constant 0 : i32
          %dma_start3A_469 = arith.constant 0 : i32
          %dma_start3A_470 = tpu.memref_slice %arg2[%dma_start3A_468, %dma_start3A_469] : memref<1048576x16xf32, #tpu.memory_space<hbm>> -> memref<1048576x16xf32, #tpu.memory_space<hbm>>
          tpu.enqueue_indirect_dma source(%dma_start3A_470 : memref<1048576x16xf32, #tpu.memory_space<hbm>>) target(%dma_start3A_464 : memref<128x16xf32, #tpu.memory_space<vmem>>) offsets(%dma_start3A_467 : memref<128xi32, #tpu.memory_space<vmem>>) semaphore(%arg14 : memref<!tpu.dma_semaphore, #tpu.memory_space<semaphore_mem>>)
          %add3A_471 = arith.constant 24 : i32
          %add3A_472 = arith.addi %add3A_471, %rem3A_437 : i32
          %dma_start3A_473 = arith.constant 384 : i32
          %dma_start3A_474 = arith.constant 0 : i32
          %dma_start3A_475 = tpu.memref_slice %arg10[%dma_start3A_473, %dma_start3A_474] : memref<512x16xf32, #tpu.memory_space<vmem>> -> memref<128x16xf32, #tpu.memory_space<vmem>>
          %dma_start3A_476 = arith.constant 0 : i32
          %dma_start3A_477 = tpu.memref_slice %arg5[%add3A_472, %dma_start3A_476] : memref<32x128xi32, #tpu.memory_space<vmem>> -> memref<1x128xi32, #tpu.memory_space<vmem>>
          %dma_start3A_478 = tpu.memref_squeeze %dma_start3A_477 : memref<1x128xi32, #tpu.memory_space<vmem>> -> memref<128xi32, #tpu.memory_space<vmem>>
          %dma_start3A_479 = arith.constant 0 : i32
          %dma_start3A_480 = arith.constant 0 : i32
          %dma_start3A_481 = tpu.memref_slice %arg2[%dma_start3A_479, %dma_start3A_480] : memref<1048576x16xf32, #tpu.memory_space<hbm>> -> memref<1048576x16xf32, #tpu.memory_space<hbm>>
          tpu.enqueue_indirect_dma source(%dma_start3A_481 : memref<1048576x16xf32, #tpu.memory_space<hbm>>) target(%dma_start3A_475 : memref<128x16xf32, #tpu.memory_space<vmem>>) offsets(%dma_start3A_478 : memref<128xi32, #tpu.memory_space<vmem>>) semaphore(%arg14 : memref<!tpu.dma_semaphore, #tpu.memory_space<semaphore_mem>>)
        } else {
        }
        %eq3A_431 = arith.constant 1 : i32
        %eq3A_432 = arith.cmpi eq, %rem3A_145, %eq3A_431 : i32
        %convert_element_type3A_433 = arith.extui %eq3A_432 : i1 to i32
        %cond3A_434 = arith.constant 0 : i32
        %cond3A_435 = arith.cmpi ne, %convert_element_type3A_433, %cond3A_434 : i32
        scf.if %cond3A_435 {
          %rem3A_436 = arith.constant 8 : i32
          %rem3A_437 = arith.remsi %add3A_425, %rem3A_436 : i32
          %add3A_438 = arith.constant 0 : i32
          %add3A_439 = arith.addi %add3A_438, %rem3A_437 : i32
          %dma_start3A_440 = arith.constant 0 : i32
          %dma_start3A_441 = arith.constant 0 : i32
          %dma_start3A_442 = tpu.memref_slice %arg10[%dma_start3A_440, %dma_start3A_441] : memref<512x16xf32, #tpu.memory_space<vmem>> -> memref<128x16xf32, #tpu.memory_space<vmem>>
          %dma_start3A_443 = arith.constant 0 : i32
          %dma_start3A_444 = tpu.memref_slice %arg6[%add3A_439, %dma_start3A_443] : memref<32x128xi32, #tpu.memory_space<vmem>> -> memref<1x128xi32, #tpu.memory_space<vmem>>
          %dma_start3A_445 = tpu.memref_squeeze %dma_start3A_444 : memref<1x128xi32, #tpu.memory_space<vmem>> -> memref<128xi32, #tpu.memory_space<vmem>>
          %dma_start3A_446 = arith.constant 0 : i32
          %dma_start3A_447 = arith.constant 0 : i32
          %dma_start3A_448 = tpu.memref_slice %arg2[%dma_start3A_446, %dma_start3A_447] : memref<1048576x16xf32, #tpu.memory_space<hbm>> -> memref<1048576x16xf32, #tpu.memory_space<hbm>>
          tpu.enqueue_indirect_dma source(%dma_start3A_448 : memref<1048576x16xf32, #tpu.memory_space<hbm>>) target(%dma_start3A_442 : memref<128x16xf32, #tpu.memory_space<vmem>>) offsets(%dma_start3A_445 : memref<128xi32, #tpu.memory_space<vmem>>) semaphore(%arg14 : memref<!tpu.dma_semaphore, #tpu.memory_space<semaphore_mem>>)
          %add3A_449 = arith.constant 8 : i32
          %add3A_450 = arith.addi %add3A_449, %rem3A_437 : i32
          %dma_start3A_451 = arith.constant 128 : i32
          %dma_start3A_452 = arith.constant 0 : i32
          %dma_start3A_453 = tpu.memref_slice %arg10[%dma_start3A_451, %dma_start3A_452] : memref<512x16xf32, #tpu.memory_space<vmem>> -> memref<128x16xf32, #tpu.memory_space<vmem>>
          %dma_start3A_454 = arith.constant 0 : i32
          %dma_start3A_455 = tpu.memref_slice %arg6[%add3A_450, %dma_start3A_454] : memref<32x128xi32, #tpu.memory_space<vmem>> -> memref<1x128xi32, #tpu.memory_space<vmem>>
          %dma_start3A_456 = tpu.memref_squeeze %dma_start3A_455 : memref<1x128xi32, #tpu.memory_space<vmem>> -> memref<128xi32, #tpu.memory_space<vmem>>
          %dma_start3A_457 = arith.constant 0 : i32
          %dma_start3A_458 = arith.constant 0 : i32
          %dma_start3A_459 = tpu.memref_slice %arg2[%dma_start3A_457, %dma_start3A_458] : memref<1048576x16xf32, #tpu.memory_space<hbm>> -> memref<1048576x16xf32, #tpu.memory_space<hbm>>
          tpu.enqueue_indirect_dma source(%dma_start3A_459 : memref<1048576x16xf32, #tpu.memory_space<hbm>>) target(%dma_start3A_453 : memref<128x16xf32, #tpu.memory_space<vmem>>) offsets(%dma_start3A_456 : memref<128xi32, #tpu.memory_space<vmem>>) semaphore(%arg14 : memref<!tpu.dma_semaphore, #tpu.memory_space<semaphore_mem>>)
          %add3A_460 = arith.constant 16 : i32
          %add3A_461 = arith.addi %add3A_460, %rem3A_437 : i32
          %dma_start3A_462 = arith.constant 256 : i32
          %dma_start3A_463 = arith.constant 0 : i32
          %dma_start3A_464 = tpu.memref_slice %arg10[%dma_start3A_462, %dma_start3A_463] : memref<512x16xf32, #tpu.memory_space<vmem>> -> memref<128x16xf32, #tpu.memory_space<vmem>>
          %dma_start3A_465 = arith.constant 0 : i32
          %dma_start3A_466 = tpu.memref_slice %arg6[%add3A_461, %dma_start3A_465] : memref<32x128xi32, #tpu.memory_space<vmem>> -> memref<1x128xi32, #tpu.memory_space<vmem>>
          %dma_start3A_467 = tpu.memref_squeeze %dma_start3A_466 : memref<1x128xi32, #tpu.memory_space<vmem>> -> memref<128xi32, #tpu.memory_space<vmem>>
          %dma_start3A_468 = arith.constant 0 : i32
          %dma_start3A_469 = arith.constant 0 : i32
          %dma_start3A_470 = tpu.memref_slice %arg2[%dma_start3A_468, %dma_start3A_469] : memref<1048576x16xf32, #tpu.memory_space<hbm>> -> memref<1048576x16xf32, #tpu.memory_space<hbm>>
          tpu.enqueue_indirect_dma source(%dma_start3A_470 : memref<1048576x16xf32, #tpu.memory_space<hbm>>) target(%dma_start3A_464 : memref<128x16xf32, #tpu.memory_space<vmem>>) offsets(%dma_start3A_467 : memref<128xi32, #tpu.memory_space<vmem>>) semaphore(%arg14 : memref<!tpu.dma_semaphore, #tpu.memory_space<semaphore_mem>>)
          %add3A_471 = arith.constant 24 : i32
          %add3A_472 = arith.addi %add3A_471, %rem3A_437 : i32
          %dma_start3A_473 = arith.constant 384 : i32
          %dma_start3A_474 = arith.constant 0 : i32
          %dma_start3A_475 = tpu.memref_slice %arg10[%dma_start3A_473, %dma_start3A_474] : memref<512x16xf32, #tpu.memory_space<vmem>> -> memref<128x16xf32, #tpu.memory_space<vmem>>
          %dma_start3A_476 = arith.constant 0 : i32
          %dma_start3A_477 = tpu.memref_slice %arg6[%add3A_472, %dma_start3A_476] : memref<32x128xi32, #tpu.memory_space<vmem>> -> memref<1x128xi32, #tpu.memory_space<vmem>>
          %dma_start3A_478 = tpu.memref_squeeze %dma_start3A_477 : memref<1x128xi32, #tpu.memory_space<vmem>> -> memref<128xi32, #tpu.memory_space<vmem>>
          %dma_start3A_479 = arith.constant 0 : i32
          %dma_start3A_480 = arith.constant 0 : i32
          %dma_start3A_481 = tpu.memref_slice %arg2[%dma_start3A_479, %dma_start3A_480] : memref<1048576x16xf32, #tpu.memory_space<hbm>> -> memref<1048576x16xf32, #tpu.memory_space<hbm>>
          tpu.enqueue_indirect_dma source(%dma_start3A_481 : memref<1048576x16xf32, #tpu.memory_space<hbm>>) target(%dma_start3A_475 : memref<128x16xf32, #tpu.memory_space<vmem>>) offsets(%dma_start3A_478 : memref<128xi32, #tpu.memory_space<vmem>>) semaphore(%arg14 : memref<!tpu.dma_semaphore, #tpu.memory_space<semaphore_mem>>)
        } else {
        }
      } else {
      }
      %dma_wait3A_150 = arith.constant 0 : i32
      %dma_wait3A_151 = arith.constant 0 : i32
      %dma_wait3A_152 = arith.constant 0 : i32
      %dma_wait3A_153 = tpu.memref_slice %arg9[%dma_wait3A_151, %dma_wait3A_152] : memref<512x16xf32, #tpu.memory_space<vmem>> -> memref<128x16xf32, #tpu.memory_space<vmem>>
      %dma_wait3A_154 = arith.constant 0 : i32
      %dma_wait3A_155 = tpu.memref_slice %arg5[%dma_wait3A_150, %dma_wait3A_154] : memref<32x128xi32, #tpu.memory_space<vmem>> -> memref<1x128xi32, #tpu.memory_space<vmem>>
      %dma_wait3A_156 = tpu.memref_squeeze %dma_wait3A_155 : memref<1x128xi32, #tpu.memory_space<vmem>> -> memref<128xi32, #tpu.memory_space<vmem>>
      %dma_wait3A_157 = arith.constant 0 : i32
      %dma_wait3A_158 = arith.constant 0 : i32
      %dma_wait3A_159 = tpu.memref_slice %arg2[%dma_wait3A_157, %dma_wait3A_158] : memref<1048576x16xf32, #tpu.memory_space<hbm>> -> memref<1048576x16xf32, #tpu.memory_space<hbm>>
      tpu.wait_indirect_dma semaphore(%arg13 : memref<!tpu.dma_semaphore, #tpu.memory_space<semaphore_mem>>) src(%dma_wait3A_159 : memref<1048576x16xf32, #tpu.memory_space<hbm>>) dst(%dma_wait3A_153 : memref<128x16xf32, #tpu.memory_space<vmem>>)
      %dma_wait3A_160 = arith.constant 0 : i32
      %dma_wait3A_161 = arith.constant 128 : i32
      %dma_wait3A_162 = arith.constant 0 : i32
      %dma_wait3A_163 = tpu.memref_slice %arg9[%dma_wait3A_161, %dma_wait3A_162] : memref<512x16xf32, #tpu.memory_space<vmem>> -> memref<128x16xf32, #tpu.memory_space<vmem>>
      %dma_wait3A_164 = arith.constant 0 : i32
      %dma_wait3A_165 = tpu.memref_slice %arg5[%dma_wait3A_160, %dma_wait3A_164] : memref<32x128xi32, #tpu.memory_space<vmem>> -> memref<1x128xi32, #tpu.memory_space<vmem>>
      %dma_wait3A_166 = tpu.memref_squeeze %dma_wait3A_165 : memref<1x128xi32, #tpu.memory_space<vmem>> -> memref<128xi32, #tpu.memory_space<vmem>>
      %dma_wait3A_167 = arith.constant 0 : i32
      %dma_wait3A_168 = arith.constant 0 : i32
      %dma_wait3A_169 = tpu.memref_slice %arg2[%dma_wait3A_167, %dma_wait3A_168] : memref<1048576x16xf32, #tpu.memory_space<hbm>> -> memref<1048576x16xf32, #tpu.memory_space<hbm>>
      tpu.wait_indirect_dma semaphore(%arg13 : memref<!tpu.dma_semaphore, #tpu.memory_space<semaphore_mem>>) src(%dma_wait3A_169 : memref<1048576x16xf32, #tpu.memory_space<hbm>>) dst(%dma_wait3A_163 : memref<128x16xf32, #tpu.memory_space<vmem>>)
      %dma_wait3A_170 = arith.constant 0 : i32
      %dma_wait3A_171 = arith.constant 256 : i32
      %dma_wait3A_172 = arith.constant 0 : i32
      %dma_wait3A_173 = tpu.memref_slice %arg9[%dma_wait3A_171, %dma_wait3A_172] : memref<512x16xf32, #tpu.memory_space<vmem>> -> memref<128x16xf32, #tpu.memory_space<vmem>>
      %dma_wait3A_174 = arith.constant 0 : i32
      %dma_wait3A_175 = tpu.memref_slice %arg5[%dma_wait3A_170, %dma_wait3A_174] : memref<32x128xi32, #tpu.memory_space<vmem>> -> memref<1x128xi32, #tpu.memory_space<vmem>>
      %dma_wait3A_176 = tpu.memref_squeeze %dma_wait3A_175 : memref<1x128xi32, #tpu.memory_space<vmem>> -> memref<128xi32, #tpu.memory_space<vmem>>
      %dma_wait3A_177 = arith.constant 0 : i32
      %dma_wait3A_178 = arith.constant 0 : i32
      %dma_wait3A_179 = tpu.memref_slice %arg2[%dma_wait3A_177, %dma_wait3A_178] : memref<1048576x16xf32, #tpu.memory_space<hbm>> -> memref<1048576x16xf32, #tpu.memory_space<hbm>>
      tpu.wait_indirect_dma semaphore(%arg13 : memref<!tpu.dma_semaphore, #tpu.memory_space<semaphore_mem>>) src(%dma_wait3A_179 : memref<1048576x16xf32, #tpu.memory_space<hbm>>) dst(%dma_wait3A_173 : memref<128x16xf32, #tpu.memory_space<vmem>>)
      %dma_wait3A_180 = arith.constant 0 : i32
      %dma_wait3A_181 = arith.constant 384 : i32
      %dma_wait3A_182 = arith.constant 0 : i32
      %dma_wait3A_183 = tpu.memref_slice %arg9[%dma_wait3A_181, %dma_wait3A_182] : memref<512x16xf32, #tpu.memory_space<vmem>> -> memref<128x16xf32, #tpu.memory_space<vmem>>
      %dma_wait3A_184 = arith.constant 0 : i32
      %dma_wait3A_185 = tpu.memref_slice %arg5[%dma_wait3A_180, %dma_wait3A_184] : memref<32x128xi32, #tpu.memory_space<vmem>> -> memref<1x128xi32, #tpu.memory_space<vmem>>
      %dma_wait3A_186 = tpu.memref_squeeze %dma_wait3A_185 : memref<1x128xi32, #tpu.memory_space<vmem>> -> memref<128xi32, #tpu.memory_space<vmem>>
      %dma_wait3A_187 = arith.constant 0 : i32
      %dma_wait3A_188 = arith.constant 0 : i32
      %dma_wait3A_189 = tpu.memref_slice %arg2[%dma_wait3A_187, %dma_wait3A_188] : memref<1048576x16xf32, #tpu.memory_space<hbm>> -> memref<1048576x16xf32, #tpu.memory_space<hbm>>
      tpu.wait_indirect_dma semaphore(%arg13 : memref<!tpu.dma_semaphore, #tpu.memory_space<semaphore_mem>>) src(%dma_wait3A_189 : memref<1048576x16xf32, #tpu.memory_space<hbm>>) dst(%dma_wait3A_183 : memref<128x16xf32, #tpu.memory_space<vmem>>)
      %lt3A_190 = arith.constant 199 : i32
      %lt3A_191 = arith.cmpi slt, %add3A_140, %lt3A_190 : i32
      %eq3A = arith.constant 7 : i32
      %eq3A_192 = arith.cmpi eq, %rem3A_142, %eq3A : i32
      %and3A_193 = arith.andi %lt3A_191, %eq3A_192 : i1
      %convert_element_type3A_194 = arith.extui %and3A_193 : i1 to i32
      %cond3A_195 = arith.constant 0 : i32
      %cond3A_196 = arith.cmpi ne, %convert_element_type3A_194, %cond3A_195 : i32
      scf.if %cond3A_196 {
        %eq3A_424 = arith.constant 0 : i32
        %eq3A_425 = arith.cmpi eq, %rem3A_145, %eq3A_424 : i32
        %convert_element_type3A_426 = arith.extui %eq3A_425 : i1 to i32
        %cond3A_427 = arith.constant 0 : i32
        %cond3A_428 = arith.cmpi ne, %convert_element_type3A_426, %cond3A_427 : i32
        scf.if %cond3A_428 {
          %dma_wait3A_441 = arith.constant 0 : i32
          %dma_wait3A_442 = arith.constant 0 : i32
          %dma_wait3A_443 = tpu.memref_slice %arg3[%dma_wait3A_441, %dma_wait3A_442] : memref<25600x128xi32, #tpu.memory_space<hbm>> -> memref<32x128xi32, #tpu.memory_space<hbm>>
          %dma_wait3A_444 = arith.constant 0 : i32
          %dma_wait3A_445 = arith.constant 0 : i32
          %dma_wait3A_446 = tpu.memref_slice %arg3[%dma_wait3A_444, %dma_wait3A_445] : memref<25600x128xi32, #tpu.memory_space<hbm>> -> memref<32x128xi32, #tpu.memory_space<hbm>>
          tpu.wait_dma2 semaphore(%arg8 : memref<!tpu.dma_semaphore, #tpu.memory_space<semaphore_mem>>) src(%dma_wait3A_446 : memref<32x128xi32, #tpu.memory_space<hbm>>) dst(%arg6 : memref<32x128xi32, #tpu.memory_space<vmem>>)
          %add3A_447 = arith.constant 1 : i32
          %add3A_448 = arith.addi %add3A_140, %add3A_447 : i32
          %rem3A_449 = arith.constant 8 : i32
          %rem3A_450 = arith.remsi %add3A_448, %rem3A_449 : i32
          %add3A_451 = arith.constant 0 : i32
          %add3A_452 = arith.addi %add3A_451, %rem3A_450 : i32
          %dma_start3A_453 = arith.constant 0 : i32
          %dma_start3A_454 = arith.constant 0 : i32
          %dma_start3A_455 = tpu.memref_slice %arg10[%dma_start3A_453, %dma_start3A_454] : memref<512x16xf32, #tpu.memory_space<vmem>> -> memref<128x16xf32, #tpu.memory_space<vmem>>
          %dma_start3A_456 = arith.constant 0 : i32
          %dma_start3A_457 = tpu.memref_slice %arg6[%add3A_452, %dma_start3A_456] : memref<32x128xi32, #tpu.memory_space<vmem>> -> memref<1x128xi32, #tpu.memory_space<vmem>>
          %dma_start3A_458 = tpu.memref_squeeze %dma_start3A_457 : memref<1x128xi32, #tpu.memory_space<vmem>> -> memref<128xi32, #tpu.memory_space<vmem>>
          %dma_start3A_459 = arith.constant 0 : i32
          %dma_start3A_460 = arith.constant 0 : i32
          %dma_start3A_461 = tpu.memref_slice %arg2[%dma_start3A_459, %dma_start3A_460] : memref<1048576x16xf32, #tpu.memory_space<hbm>> -> memref<1048576x16xf32, #tpu.memory_space<hbm>>
          tpu.enqueue_indirect_dma source(%dma_start3A_461 : memref<1048576x16xf32, #tpu.memory_space<hbm>>) target(%dma_start3A_455 : memref<128x16xf32, #tpu.memory_space<vmem>>) offsets(%dma_start3A_458 : memref<128xi32, #tpu.memory_space<vmem>>) semaphore(%arg14 : memref<!tpu.dma_semaphore, #tpu.memory_space<semaphore_mem>>)
          %add3A_462 = arith.constant 8 : i32
          %add3A_463 = arith.addi %add3A_462, %rem3A_450 : i32
          %dma_start3A_464 = arith.constant 128 : i32
          %dma_start3A_465 = arith.constant 0 : i32
          %dma_start3A_466 = tpu.memref_slice %arg10[%dma_start3A_464, %dma_start3A_465] : memref<512x16xf32, #tpu.memory_space<vmem>> -> memref<128x16xf32, #tpu.memory_space<vmem>>
          %dma_start3A_467 = arith.constant 0 : i32
          %dma_start3A_468 = tpu.memref_slice %arg6[%add3A_463, %dma_start3A_467] : memref<32x128xi32, #tpu.memory_space<vmem>> -> memref<1x128xi32, #tpu.memory_space<vmem>>
          %dma_start3A_469 = tpu.memref_squeeze %dma_start3A_468 : memref<1x128xi32, #tpu.memory_space<vmem>> -> memref<128xi32, #tpu.memory_space<vmem>>
          %dma_start3A_470 = arith.constant 0 : i32
          %dma_start3A_471 = arith.constant 0 : i32
          %dma_start3A_472 = tpu.memref_slice %arg2[%dma_start3A_470, %dma_start3A_471] : memref<1048576x16xf32, #tpu.memory_space<hbm>> -> memref<1048576x16xf32, #tpu.memory_space<hbm>>
          tpu.enqueue_indirect_dma source(%dma_start3A_472 : memref<1048576x16xf32, #tpu.memory_space<hbm>>) target(%dma_start3A_466 : memref<128x16xf32, #tpu.memory_space<vmem>>) offsets(%dma_start3A_469 : memref<128xi32, #tpu.memory_space<vmem>>) semaphore(%arg14 : memref<!tpu.dma_semaphore, #tpu.memory_space<semaphore_mem>>)
          %add3A_473 = arith.constant 16 : i32
          %add3A_474 = arith.addi %add3A_473, %rem3A_450 : i32
          %dma_start3A_475 = arith.constant 256 : i32
          %dma_start3A_476 = arith.constant 0 : i32
          %dma_start3A_477 = tpu.memref_slice %arg10[%dma_start3A_475, %dma_start3A_476] : memref<512x16xf32, #tpu.memory_space<vmem>> -> memref<128x16xf32, #tpu.memory_space<vmem>>
          %dma_start3A_478 = arith.constant 0 : i32
          %dma_start3A_479 = tpu.memref_slice %arg6[%add3A_474, %dma_start3A_478] : memref<32x128xi32, #tpu.memory_space<vmem>> -> memref<1x128xi32, #tpu.memory_space<vmem>>
          %dma_start3A_480 = tpu.memref_squeeze %dma_start3A_479 : memref<1x128xi32, #tpu.memory_space<vmem>> -> memref<128xi32, #tpu.memory_space<vmem>>
          %dma_start3A_481 = arith.constant 0 : i32
          %dma_start3A_482 = arith.constant 0 : i32
          %dma_start3A_483 = tpu.memref_slice %arg2[%dma_start3A_481, %dma_start3A_482] : memref<1048576x16xf32, #tpu.memory_space<hbm>> -> memref<1048576x16xf32, #tpu.memory_space<hbm>>
          tpu.enqueue_indirect_dma source(%dma_start3A_483 : memref<1048576x16xf32, #tpu.memory_space<hbm>>) target(%dma_start3A_477 : memref<128x16xf32, #tpu.memory_space<vmem>>) offsets(%dma_start3A_480 : memref<128xi32, #tpu.memory_space<vmem>>) semaphore(%arg14 : memref<!tpu.dma_semaphore, #tpu.memory_space<semaphore_mem>>)
          %add3A_484 = arith.constant 24 : i32
          %add3A_485 = arith.addi %add3A_484, %rem3A_450 : i32
          %dma_start3A_486 = arith.constant 384 : i32
          %dma_start3A_487 = arith.constant 0 : i32
          %dma_start3A_488 = tpu.memref_slice %arg10[%dma_start3A_486, %dma_start3A_487] : memref<512x16xf32, #tpu.memory_space<vmem>> -> memref<128x16xf32, #tpu.memory_space<vmem>>
          %dma_start3A_489 = arith.constant 0 : i32
          %dma_start3A_490 = tpu.memref_slice %arg6[%add3A_485, %dma_start3A_489] : memref<32x128xi32, #tpu.memory_space<vmem>> -> memref<1x128xi32, #tpu.memory_space<vmem>>
          %dma_start3A_491 = tpu.memref_squeeze %dma_start3A_490 : memref<1x128xi32, #tpu.memory_space<vmem>> -> memref<128xi32, #tpu.memory_space<vmem>>
          %dma_start3A_492 = arith.constant 0 : i32
          %dma_start3A_493 = arith.constant 0 : i32
          %dma_start3A_494 = tpu.memref_slice %arg2[%dma_start3A_492, %dma_start3A_493] : memref<1048576x16xf32, #tpu.memory_space<hbm>> -> memref<1048576x16xf32, #tpu.memory_space<hbm>>
          tpu.enqueue_indirect_dma source(%dma_start3A_494 : memref<1048576x16xf32, #tpu.memory_space<hbm>>) target(%dma_start3A_488 : memref<128x16xf32, #tpu.memory_space<vmem>>) offsets(%dma_start3A_491 : memref<128xi32, #tpu.memory_space<vmem>>) semaphore(%arg14 : memref<!tpu.dma_semaphore, #tpu.memory_space<semaphore_mem>>)
        } else {
        }
        %eq3A_429 = arith.constant 1 : i32
        %eq3A_430 = arith.cmpi eq, %rem3A_145, %eq3A_429 : i32
        %convert_element_type3A_431 = arith.extui %eq3A_430 : i1 to i32
        %cond3A_432 = arith.constant 0 : i32
        %cond3A_433 = arith.cmpi ne, %convert_element_type3A_431, %cond3A_432 : i32
        scf.if %cond3A_433 {
          %dma_wait3A_441 = arith.constant 0 : i32
          %dma_wait3A_442 = arith.constant 0 : i32
          %dma_wait3A_443 = tpu.memref_slice %arg3[%dma_wait3A_441, %dma_wait3A_442] : memref<25600x128xi32, #tpu.memory_space<hbm>> -> memref<32x128xi32, #tpu.memory_space<hbm>>
          %dma_wait3A_444 = arith.constant 0 : i32
          %dma_wait3A_445 = arith.constant 0 : i32
          %dma_wait3A_446 = tpu.memref_slice %arg3[%dma_wait3A_444, %dma_wait3A_445] : memref<25600x128xi32, #tpu.memory_space<hbm>> -> memref<32x128xi32, #tpu.memory_space<hbm>>
          tpu.wait_dma2 semaphore(%arg7 : memref<!tpu.dma_semaphore, #tpu.memory_space<semaphore_mem>>) src(%dma_wait3A_446 : memref<32x128xi32, #tpu.memory_space<hbm>>) dst(%arg5 : memref<32x128xi32, #tpu.memory_space<vmem>>)
          %add3A_447 = arith.constant 1 : i32
          %add3A_448 = arith.addi %add3A_140, %add3A_447 : i32
          %rem3A_449 = arith.constant 8 : i32
          %rem3A_450 = arith.remsi %add3A_448, %rem3A_449 : i32
          %add3A_451 = arith.constant 0 : i32
          %add3A_452 = arith.addi %add3A_451, %rem3A_450 : i32
          %dma_start3A_453 = arith.constant 0 : i32
          %dma_start3A_454 = arith.constant 0 : i32
          %dma_start3A_455 = tpu.memref_slice %arg10[%dma_start3A_453, %dma_start3A_454] : memref<512x16xf32, #tpu.memory_space<vmem>> -> memref<128x16xf32, #tpu.memory_space<vmem>>
          %dma_start3A_456 = arith.constant 0 : i32
          %dma_start3A_457 = tpu.memref_slice %arg5[%add3A_452, %dma_start3A_456] : memref<32x128xi32, #tpu.memory_space<vmem>> -> memref<1x128xi32, #tpu.memory_space<vmem>>
          %dma_start3A_458 = tpu.memref_squeeze %dma_start3A_457 : memref<1x128xi32, #tpu.memory_space<vmem>> -> memref<128xi32, #tpu.memory_space<vmem>>
          %dma_start3A_459 = arith.constant 0 : i32
          %dma_start3A_460 = arith.constant 0 : i32
          %dma_start3A_461 = tpu.memref_slice %arg2[%dma_start3A_459, %dma_start3A_460] : memref<1048576x16xf32, #tpu.memory_space<hbm>> -> memref<1048576x16xf32, #tpu.memory_space<hbm>>
          tpu.enqueue_indirect_dma source(%dma_start3A_461 : memref<1048576x16xf32, #tpu.memory_space<hbm>>) target(%dma_start3A_455 : memref<128x16xf32, #tpu.memory_space<vmem>>) offsets(%dma_start3A_458 : memref<128xi32, #tpu.memory_space<vmem>>) semaphore(%arg14 : memref<!tpu.dma_semaphore, #tpu.memory_space<semaphore_mem>>)
          %add3A_462 = arith.constant 8 : i32
          %add3A_463 = arith.addi %add3A_462, %rem3A_450 : i32
          %dma_start3A_464 = arith.constant 128 : i32
          %dma_start3A_465 = arith.constant 0 : i32
          %dma_start3A_466 = tpu.memref_slice %arg10[%dma_start3A_464, %dma_start3A_465] : memref<512x16xf32, #tpu.memory_space<vmem>> -> memref<128x16xf32, #tpu.memory_space<vmem>>
          %dma_start3A_467 = arith.constant 0 : i32
          %dma_start3A_468 = tpu.memref_slice %arg5[%add3A_463, %dma_start3A_467] : memref<32x128xi32, #tpu.memory_space<vmem>> -> memref<1x128xi32, #tpu.memory_space<vmem>>
          %dma_start3A_469 = tpu.memref_squeeze %dma_start3A_468 : memref<1x128xi32, #tpu.memory_space<vmem>> -> memref<128xi32, #tpu.memory_space<vmem>>
          %dma_start3A_470 = arith.constant 0 : i32
          %dma_start3A_471 = arith.constant 0 : i32
          %dma_start3A_472 = tpu.memref_slice %arg2[%dma_start3A_470, %dma_start3A_471] : memref<1048576x16xf32, #tpu.memory_space<hbm>> -> memref<1048576x16xf32, #tpu.memory_space<hbm>>
          tpu.enqueue_indirect_dma source(%dma_start3A_472 : memref<1048576x16xf32, #tpu.memory_space<hbm>>) target(%dma_start3A_466 : memref<128x16xf32, #tpu.memory_space<vmem>>) offsets(%dma_start3A_469 : memref<128xi32, #tpu.memory_space<vmem>>) semaphore(%arg14 : memref<!tpu.dma_semaphore, #tpu.memory_space<semaphore_mem>>)
          %add3A_473 = arith.constant 16 : i32
          %add3A_474 = arith.addi %add3A_473, %rem3A_450 : i32
          %dma_start3A_475 = arith.constant 256 : i32
          %dma_start3A_476 = arith.constant 0 : i32
          %dma_start3A_477 = tpu.memref_slice %arg10[%dma_start3A_475, %dma_start3A_476] : memref<512x16xf32, #tpu.memory_space<vmem>> -> memref<128x16xf32, #tpu.memory_space<vmem>>
          %dma_start3A_478 = arith.constant 0 : i32
          %dma_start3A_479 = tpu.memref_slice %arg5[%add3A_474, %dma_start3A_478] : memref<32x128xi32, #tpu.memory_space<vmem>> -> memref<1x128xi32, #tpu.memory_space<vmem>>
          %dma_start3A_480 = tpu.memref_squeeze %dma_start3A_479 : memref<1x128xi32, #tpu.memory_space<vmem>> -> memref<128xi32, #tpu.memory_space<vmem>>
          %dma_start3A_481 = arith.constant 0 : i32
          %dma_start3A_482 = arith.constant 0 : i32
          %dma_start3A_483 = tpu.memref_slice %arg2[%dma_start3A_481, %dma_start3A_482] : memref<1048576x16xf32, #tpu.memory_space<hbm>> -> memref<1048576x16xf32, #tpu.memory_space<hbm>>
          tpu.enqueue_indirect_dma source(%dma_start3A_483 : memref<1048576x16xf32, #tpu.memory_space<hbm>>) target(%dma_start3A_477 : memref<128x16xf32, #tpu.memory_space<vmem>>) offsets(%dma_start3A_480 : memref<128xi32, #tpu.memory_space<vmem>>) semaphore(%arg14 : memref<!tpu.dma_semaphore, #tpu.memory_space<semaphore_mem>>)
          %add3A_484 = arith.constant 24 : i32
          %add3A_485 = arith.addi %add3A_484, %rem3A_450 : i32
          %dma_start3A_486 = arith.constant 384 : i32
          %dma_start3A_487 = arith.constant 0 : i32
          %dma_start3A_488 = tpu.memref_slice %arg10[%dma_start3A_486, %dma_start3A_487] : memref<512x16xf32, #tpu.memory_space<vmem>> -> memref<128x16xf32, #tpu.memory_space<vmem>>
          %dma_start3A_489 = arith.constant 0 : i32
          %dma_start3A_490 = tpu.memref_slice %arg5[%add3A_485, %dma_start3A_489] : memref<32x128xi32, #tpu.memory_space<vmem>> -> memref<1x128xi32, #tpu.memory_space<vmem>>
          %dma_start3A_491 = tpu.memref_squeeze %dma_start3A_490 : memref<1x128xi32, #tpu.memory_space<vmem>> -> memref<128xi32, #tpu.memory_space<vmem>>
          %dma_start3A_492 = arith.constant 0 : i32
          %dma_start3A_493 = arith.constant 0 : i32
          %dma_start3A_494 = tpu.memref_slice %arg2[%dma_start3A_492, %dma_start3A_493] : memref<1048576x16xf32, #tpu.memory_space<hbm>> -> memref<1048576x16xf32, #tpu.memory_space<hbm>>
          tpu.enqueue_indirect_dma source(%dma_start3A_494 : memref<1048576x16xf32, #tpu.memory_space<hbm>>) target(%dma_start3A_488 : memref<128x16xf32, #tpu.memory_space<vmem>>) offsets(%dma_start3A_491 : memref<128xi32, #tpu.memory_space<vmem>>) semaphore(%arg14 : memref<!tpu.dma_semaphore, #tpu.memory_space<semaphore_mem>>)
        } else {
        }
        %add3A_434 = arith.constant 2 : i32
        %add3A_435 = arith.addi %div3A_143, %add3A_434 : i32
        %lt3A_436 = arith.constant 25 : i32
        %lt3A_437 = arith.cmpi slt, %add3A_435, %lt3A_436 : i32
        %convert_element_type3A_438 = arith.extui %lt3A_437 : i1 to i32
        %cond3A_439 = arith.constant 0 : i32
        %cond3A_440 = arith.cmpi ne, %convert_element_type3A_438, %cond3A_439 : i32
        scf.if %cond3A_440 {
          %eq3A_441 = arith.constant 0 : i32
          %eq3A_442 = arith.cmpi eq, %rem3A_145, %eq3A_441 : i32
          %convert_element_type3A_443 = arith.extui %eq3A_442 : i1 to i32
          %cond3A_444 = arith.constant 0 : i32
          %cond3A_445 = arith.cmpi ne, %convert_element_type3A_443, %cond3A_444 : i32
          scf.if %cond3A_445 {
            %add3A_451 = arith.constant 2 : i32
            %add3A_452 = arith.addi %div3A_143, %add3A_451 : i32
            %mul3A_453 = arith.constant 1024 : i32
            %mul3A_454 = arith.muli %add3A_452, %mul3A_453 : i32
            %mul3A_455 = arith.constant 32 : i32
            %mul3A_456 = arith.muli %add3A, %mul3A_455 : i32
            %add3A_457 = arith.addi %mul3A_454, %mul3A_456 : i32
            %dma_start3A_458 = arith.constant 0 : i32
            %dma_start3A_459 = tpu.memref_slice %arg3[%add3A_457, %dma_start3A_458] : memref<25600x128xi32, #tpu.memory_space<hbm>> -> memref<32x128xi32, #tpu.memory_space<hbm>>
            %dma_start3A_460 = arith.constant 0 : i32
            %dma_start3A_461 = tpu.memref_slice %arg3[%add3A_457, %dma_start3A_460] : memref<25600x128xi32, #tpu.memory_space<hbm>> -> memref<32x128xi32, #tpu.memory_space<hbm>>
            tpu.enqueue_dma source(%dma_start3A_461 : memref<32x128xi32, #tpu.memory_space<hbm>>) target(%arg5 : memref<32x128xi32, #tpu.memory_space<vmem>>) target_semaphore(%arg7 : memref<!tpu.dma_semaphore, #tpu.memory_space<semaphore_mem>>)
          } else {
          }
          %eq3A_446 = arith.constant 1 : i32
          %eq3A_447 = arith.cmpi eq, %rem3A_145, %eq3A_446 : i32
          %convert_element_type3A_448 = arith.extui %eq3A_447 : i1 to i32
          %cond3A_449 = arith.constant 0 : i32
          %cond3A_450 = arith.cmpi ne, %convert_element_type3A_448, %cond3A_449 : i32
          scf.if %cond3A_450 {
            %add3A_451 = arith.constant 2 : i32
            %add3A_452 = arith.addi %div3A_143, %add3A_451 : i32
            %mul3A_453 = arith.constant 1024 : i32
            %mul3A_454 = arith.muli %add3A_452, %mul3A_453 : i32
            %mul3A_455 = arith.constant 32 : i32
            %mul3A_456 = arith.muli %add3A, %mul3A_455 : i32
            %add3A_457 = arith.addi %mul3A_454, %mul3A_456 : i32
            %dma_start3A_458 = arith.constant 0 : i32
            %dma_start3A_459 = tpu.memref_slice %arg3[%add3A_457, %dma_start3A_458] : memref<25600x128xi32, #tpu.memory_space<hbm>> -> memref<32x128xi32, #tpu.memory_space<hbm>>
            %dma_start3A_460 = arith.constant 0 : i32
            %dma_start3A_461 = tpu.memref_slice %arg3[%add3A_457, %dma_start3A_460] : memref<25600x128xi32, #tpu.memory_space<hbm>> -> memref<32x128xi32, #tpu.memory_space<hbm>>
            tpu.enqueue_dma source(%dma_start3A_461 : memref<32x128xi32, #tpu.memory_space<hbm>>) target(%arg6 : memref<32x128xi32, #tpu.memory_space<vmem>>) target_semaphore(%arg8 : memref<!tpu.dma_semaphore, #tpu.memory_space<semaphore_mem>>)
          } else {
          }
        } else {
        }
      } else {
      }
      %ge3A = arith.constant 2 : i32
      %ge3A_197 = arith.cmpi sge, %add3A_140, %ge3A : i32
      %convert_element_type3A_198 = arith.extui %ge3A_197 : i1 to i32
      %cond3A_199 = arith.constant 0 : i32
      %cond3A_200 = arith.cmpi ne, %convert_element_type3A_198, %cond3A_199 : i32
      scf.if %cond3A_200 {
        %dma_wait3A_424 = arith.constant 0 : i32
        %dma_wait3A_425 = arith.constant 0 : i32
        %dma_wait3A_426 = arith.constant 0 : i32
        %dma_wait3A_427 = tpu.memref_slice %arg11[%dma_wait3A_424, %dma_wait3A_425, %dma_wait3A_426] : memref<2x40x129xf32, #tpu.memory_space<vmem>> -> memref<1x32x128xf32, #tpu.memory_space<vmem>>
        %dma_wait3A_428 = tpu.memref_squeeze %dma_wait3A_427 : memref<1x32x128xf32, #tpu.memory_space<vmem>> -> memref<32x128xf32, #tpu.memory_space<vmem>>
        %dma_wait3A_429 = arith.constant 0 : i32
        %dma_wait3A_430 = arith.constant 0 : i32
        %dma_wait3A_431 = tpu.memref_slice %arg4[%dma_wait3A_429, %dma_wait3A_430] : memref<409600x128xf32, #tpu.memory_space<hbm>> -> memref<32x128xf32, #tpu.memory_space<hbm>>
        %dma_wait3A_432 = arith.constant 0 : i32
        %dma_wait3A_433 = arith.constant 0 : i32
        %dma_wait3A_434 = tpu.memref_slice %arg4[%dma_wait3A_432, %dma_wait3A_433] : memref<409600x128xf32, #tpu.memory_space<hbm>> -> memref<32x128xf32, #tpu.memory_space<hbm>>
        %dma_wait3A_435 = arith.constant 0 : i32
        %dma_wait3A_436 = arith.constant 0 : i32
        %dma_wait3A_437 = tpu.memref_slice %arg11[%dma_wait3A_424, %dma_wait3A_435, %dma_wait3A_436] : memref<2x40x129xf32, #tpu.memory_space<vmem>> -> memref<1x32x128xf32, #tpu.memory_space<vmem>>
        %dma_wait3A_438 = tpu.memref_squeeze %dma_wait3A_437 : memref<1x32x128xf32, #tpu.memory_space<vmem>> -> memref<32x128xf32, #tpu.memory_space<vmem>>
        tpu.wait_dma2 semaphore(%arg15 : memref<!tpu.dma_semaphore, #tpu.memory_space<semaphore_mem>>) src(%dma_wait3A_438 : memref<32x128xf32, #tpu.memory_space<vmem>>) dst(%dma_wait3A_434 : memref<32x128xf32, #tpu.memory_space<hbm>>)
        %dma_wait3A_439 = arith.constant 1 : i32
        %dma_wait3A_440 = arith.constant 0 : i32
        %dma_wait3A_441 = arith.constant 0 : i32
        %dma_wait3A_442 = tpu.memref_slice %arg11[%dma_wait3A_439, %dma_wait3A_440, %dma_wait3A_441] : memref<2x40x129xf32, #tpu.memory_space<vmem>> -> memref<1x32x128xf32, #tpu.memory_space<vmem>>
        %dma_wait3A_443 = tpu.memref_squeeze %dma_wait3A_442 : memref<1x32x128xf32, #tpu.memory_space<vmem>> -> memref<32x128xf32, #tpu.memory_space<vmem>>
        %dma_wait3A_444 = arith.constant 0 : i32
        %dma_wait3A_445 = arith.constant 0 : i32
        %dma_wait3A_446 = tpu.memref_slice %arg4[%dma_wait3A_444, %dma_wait3A_445] : memref<409600x128xf32, #tpu.memory_space<hbm>> -> memref<32x128xf32, #tpu.memory_space<hbm>>
        %dma_wait3A_447 = arith.constant 0 : i32
        %dma_wait3A_448 = arith.constant 0 : i32
        %dma_wait3A_449 = tpu.memref_slice %arg4[%dma_wait3A_447, %dma_wait3A_448] : memref<409600x128xf32, #tpu.memory_space<hbm>> -> memref<32x128xf32, #tpu.memory_space<hbm>>
        %dma_wait3A_450 = arith.constant 0 : i32
        %dma_wait3A_451 = arith.constant 0 : i32
        %dma_wait3A_452 = tpu.memref_slice %arg11[%dma_wait3A_439, %dma_wait3A_450, %dma_wait3A_451] : memref<2x40x129xf32, #tpu.memory_space<vmem>> -> memref<1x32x128xf32, #tpu.memory_space<vmem>>
        %dma_wait3A_453 = tpu.memref_squeeze %dma_wait3A_452 : memref<1x32x128xf32, #tpu.memory_space<vmem>> -> memref<32x128xf32, #tpu.memory_space<vmem>>
        tpu.wait_dma2 semaphore(%arg15 : memref<!tpu.dma_semaphore, #tpu.memory_space<semaphore_mem>>) src(%dma_wait3A_453 : memref<32x128xf32, #tpu.memory_space<vmem>>) dst(%dma_wait3A_449 : memref<32x128xf32, #tpu.memory_space<hbm>>)
      } else {
      }
      %add3A_201 = arith.constant 0 : i32
      %add3A_202 = vector.broadcast %add3A_201 : i32 to vector<16xi32>
      %add3A_203 = arith.addi %and3A_4, %add3A_202 : vector<16xi32>
      %scan3A_204 = arith.constant 0 : i32
      %scan3A_205 = arith.constant 0 : i32
      %scan3A_206 = arith.constant 16 : i32
      %scan3A_207 = arith.addi %scan3A_205, %scan3A_206 : i32
      %scan3A_208 = arith.constant 1 : i32
      scf.for %scan3A_424 = %scan3A_205 to %scan3A_207 step %scan3A_208  : i32 {
        %mul3A_425 = arith.constant 8 : i32
        %mul3A_426 = arith.muli %scan3A_424, %mul3A_425 : i32
        %add3A_427 = arith.constant 0 : i32
        %add3A_428 = arith.addi %add3A_427, %mul3A_426 : i32
        %add3A_429 = arith.constant 0 : i32
        %add3A_430 = arith.addi %add3A_428, %add3A_429 : i32
        %get3A = arith.index_cast %add3A_430 : i32 to index
        %get3A_431 = arith.constant 0 : index
        %get3A_432 = tpu.vector_load %arg9[%get3A, %get3A_431] {strides = array<i32>} : memref<512x16xf32, #tpu.memory_space<vmem>>, vector<16xf32>,
        %broadcast_in_dim3A = arith.constant 0 : i32
        %broadcast_in_dim3A_433 = vector.broadcast %broadcast_in_dim3A : i32 to vector<16xi32>
        %sub3A = arith.constant 0 : i32
        %sub3A_434 = arith.subi %add3A_430, %sub3A : i32
        %add3A_435 = vector.broadcast %sub3A_434 : i32 to vector<16xi32>
        %add3A_436 = arith.addi %broadcast_in_dim3A_433, %add3A_435 : vector<16xi32>
        tpu.vector_store_idx %arg11[%shift_right_logical3A_2, %add3A_203, %add3A_436], %get3A_432 : memref<2x40x129xf32, #tpu.memory_space<vmem>>[vector<16xi32>, vector<16xi32>, vector<16xi32>], vector<16xf32>,
        %add3A_437 = arith.constant 1 : i32
        %add3A_438 = arith.addi %add3A_428, %add3A_437 : i32
        %get3A_439 = arith.index_cast %add3A_438 : i32 to index
        %get3A_440 = arith.constant 0 : index
        %get3A_441 = tpu.vector_load %arg9[%get3A_439, %get3A_440] {strides = array<i32>} : memref<512x16xf32, #tpu.memory_space<vmem>>, vector<16xf32>,
        %broadcast_in_dim3A_442 = arith.constant 0 : i32
        %broadcast_in_dim3A_443 = vector.broadcast %broadcast_in_dim3A_442 : i32 to vector<16xi32>
        %sub3A_444 = arith.constant 0 : i32
        %sub3A_445 = arith.subi %add3A_438, %sub3A_444 : i32
        %add3A_446 = vector.broadcast %sub3A_445 : i32 to vector<16xi32>
        %add3A_447 = arith.addi %broadcast_in_dim3A_443, %add3A_446 : vector<16xi32>
        tpu.vector_store_idx %arg11[%shift_right_logical3A_2, %add3A_203, %add3A_447], %get3A_441 : memref<2x40x129xf32, #tpu.memory_space<vmem>>[vector<16xi32>, vector<16xi32>, vector<16xi32>], vector<16xf32>,
        %add3A_448 = arith.constant 2 : i32
        %add3A_449 = arith.addi %add3A_428, %add3A_448 : i32
        %get3A_450 = arith.index_cast %add3A_449 : i32 to index
        %get3A_451 = arith.constant 0 : index
        %get3A_452 = tpu.vector_load %arg9[%get3A_450, %get3A_451] {strides = array<i32>} : memref<512x16xf32, #tpu.memory_space<vmem>>, vector<16xf32>,
        %broadcast_in_dim3A_453 = arith.constant 0 : i32
        %broadcast_in_dim3A_454 = vector.broadcast %broadcast_in_dim3A_453 : i32 to vector<16xi32>
        %sub3A_455 = arith.constant 0 : i32
        %sub3A_456 = arith.subi %add3A_449, %sub3A_455 : i32
        %add3A_457 = vector.broadcast %sub3A_456 : i32 to vector<16xi32>
        %add3A_458 = arith.addi %broadcast_in_dim3A_454, %add3A_457 : vector<16xi32>
        tpu.vector_store_idx %arg11[%shift_right_logical3A_2, %add3A_203, %add3A_458], %get3A_452 : memref<2x40x129xf32, #tpu.memory_space<vmem>>[vector<16xi32>, vector<16xi32>, vector<16xi32>], vector<16xf32>,
        %add3A_459 = arith.constant 3 : i32
        %add3A_460 = arith.addi %add3A_428, %add3A_459 : i32
        %get3A_461 = arith.index_cast %add3A_460 : i32 to index
        %get3A_462 = arith.constant 0 : index
        %get3A_463 = tpu.vector_load %arg9[%get3A_461, %get3A_462] {strides = array<i32>} : memref<512x16xf32, #tpu.memory_space<vmem>>, vector<16xf32>,
        %broadcast_in_dim3A_464 = arith.constant 0 : i32
        %broadcast_in_dim3A_465 = vector.broadcast %broadcast_in_dim3A_464 : i32 to vector<16xi32>
        %sub3A_466 = arith.constant 0 : i32
        %sub3A_467 = arith.subi %add3A_460, %sub3A_466 : i32
        %add3A_468 = vector.broadcast %sub3A_467 : i32 to vector<16xi32>
        %add3A_469 = arith.addi %broadcast_in_dim3A_465, %add3A_468 : vector<16xi32>
        tpu.vector_store_idx %arg11[%shift_right_logical3A_2, %add3A_203, %add3A_469], %get3A_463 : memref<2x40x129xf32, #tpu.memory_space<vmem>>[vector<16xi32>, vector<16xi32>, vector<16xi32>], vector<16xf32>,
        %add3A_470 = arith.constant 4 : i32
        %add3A_471 = arith.addi %add3A_428, %add3A_470 : i32
        %get3A_472 = arith.index_cast %add3A_471 : i32 to index
        %get3A_473 = arith.constant 0 : index
        %get3A_474 = tpu.vector_load %arg9[%get3A_472, %get3A_473] {strides = array<i32>} : memref<512x16xf32, #tpu.memory_space<vmem>>, vector<16xf32>,
        %broadcast_in_dim3A_475 = arith.constant 0 : i32
        %broadcast_in_dim3A_476 = vector.broadcast %broadcast_in_dim3A_475 : i32 to vector<16xi32>
        %sub3A_477 = arith.constant 0 : i32
        %sub3A_478 = arith.subi %add3A_471, %sub3A_477 : i32
        %add3A_479 = vector.broadcast %sub3A_478 : i32 to vector<16xi32>
        %add3A_480 = arith.addi %broadcast_in_dim3A_476, %add3A_479 : vector<16xi32>
        tpu.vector_store_idx %arg11[%shift_right_logical3A_2, %add3A_203, %add3A_480], %get3A_474 : memref<2x40x129xf32, #tpu.memory_space<vmem>>[vector<16xi32>, vector<16xi32>, vector<16xi32>], vector<16xf32>,
        %add3A_481 = arith.constant 5 : i32
        %add3A_482 = arith.addi %add3A_428, %add3A_481 : i32
        %get3A_483 = arith.index_cast %add3A_482 : i32 to index
        %get3A_484 = arith.constant 0 : index
        %get3A_485 = tpu.vector_load %arg9[%get3A_483, %get3A_484] {strides = array<i32>} : memref<512x16xf32, #tpu.memory_space<vmem>>, vector<16xf32>,
        %broadcast_in_dim3A_486 = arith.constant 0 : i32
        %broadcast_in_dim3A_487 = vector.broadcast %broadcast_in_dim3A_486 : i32 to vector<16xi32>
        %sub3A_488 = arith.constant 0 : i32
        %sub3A_489 = arith.subi %add3A_482, %sub3A_488 : i32
        %add3A_490 = vector.broadcast %sub3A_489 : i32 to vector<16xi32>
        %add3A_491 = arith.addi %broadcast_in_dim3A_487, %add3A_490 : vector<16xi32>
        tpu.vector_store_idx %arg11[%shift_right_logical3A_2, %add3A_203, %add3A_491], %get3A_485 : memref<2x40x129xf32, #tpu.memory_space<vmem>>[vector<16xi32>, vector<16xi32>, vector<16xi32>], vector<16xf32>,
        %add3A_492 = arith.constant 6 : i32
        %add3A_493 = arith.addi %add3A_428, %add3A_492 : i32
        %get3A_494 = arith.index_cast %add3A_493 : i32 to index
        %get3A_495 = arith.constant 0 : index
        %get3A_496 = tpu.vector_load %arg9[%get3A_494, %get3A_495] {strides = array<i32>} : memref<512x16xf32, #tpu.memory_space<vmem>>, vector<16xf32>,
        %broadcast_in_dim3A_497 = arith.constant 0 : i32
        %broadcast_in_dim3A_498 = vector.broadcast %broadcast_in_dim3A_497 : i32 to vector<16xi32>
        %sub3A_499 = arith.constant 0 : i32
        %sub3A_500 = arith.subi %add3A_493, %sub3A_499 : i32
        %add3A_501 = vector.broadcast %sub3A_500 : i32 to vector<16xi32>
        %add3A_502 = arith.addi %broadcast_in_dim3A_498, %add3A_501 : vector<16xi32>
        tpu.vector_store_idx %arg11[%shift_right_logical3A_2, %add3A_203, %add3A_502], %get3A_496 : memref<2x40x129xf32, #tpu.memory_space<vmem>>[vector<16xi32>, vector<16xi32>, vector<16xi32>], vector<16xf32>,
        %add3A_503 = arith.constant 7 : i32
        %add3A_504 = arith.addi %add3A_428, %add3A_503 : i32
        %get3A_505 = arith.index_cast %add3A_504 : i32 to index
        %get3A_506 = arith.constant 0 : index
        %get3A_507 = tpu.vector_load %arg9[%get3A_505, %get3A_506] {strides = array<i32>} : memref<512x16xf32, #tpu.memory_space<vmem>>, vector<16xf32>,
        %broadcast_in_dim3A_508 = arith.constant 0 : i32
        %broadcast_in_dim3A_509 = vector.broadcast %broadcast_in_dim3A_508 : i32 to vector<16xi32>
        %sub3A_510 = arith.constant 0 : i32
        %sub3A_511 = arith.subi %add3A_504, %sub3A_510 : i32
        %add3A_512 = vector.broadcast %sub3A_511 : i32 to vector<16xi32>
        %add3A_513 = arith.addi %broadcast_in_dim3A_509, %add3A_512 : vector<16xi32>
        tpu.vector_store_idx %arg11[%shift_right_logical3A_2, %add3A_203, %add3A_513], %get3A_507 : memref<2x40x129xf32, #tpu.memory_space<vmem>>[vector<16xi32>, vector<16xi32>, vector<16xi32>], vector<16xf32>,
      }
      %scan3A_209 = arith.constant 16 : i32
      %add3A_210 = arith.constant 8 : i32
      %add3A_211 = vector.broadcast %add3A_210 : i32 to vector<16xi32>
      %add3A_212 = arith.addi %and3A_4, %add3A_211 : vector<16xi32>
      %scan3A_213 = arith.constant 0 : i32
      %scan3A_214 = arith.constant 0 : i32
      %scan3A_215 = arith.constant 16 : i32
      %scan3A_216 = arith.addi %scan3A_214, %scan3A_215 : i32
      %scan3A_217 = arith.constant 1 : i32
      scf.for %scan3A_424 = %scan3A_214 to %scan3A_216 step %scan3A_217  : i32 {
        %mul3A_425 = arith.constant 8 : i32
        %mul3A_426 = arith.muli %scan3A_424, %mul3A_425 : i32
        %add3A_427 = arith.constant 128 : i32
        %add3A_428 = arith.addi %add3A_427, %mul3A_426 : i32
        %add3A_429 = arith.constant 0 : i32
        %add3A_430 = arith.addi %add3A_428, %add3A_429 : i32
        %get3A = arith.index_cast %add3A_430 : i32 to index
        %get3A_431 = arith.constant 0 : index
        %get3A_432 = tpu.vector_load %arg9[%get3A, %get3A_431] {strides = array<i32>} : memref<512x16xf32, #tpu.memory_space<vmem>>, vector<16xf32>,
        %broadcast_in_dim3A = arith.constant 0 : i32
        %broadcast_in_dim3A_433 = vector.broadcast %broadcast_in_dim3A : i32 to vector<16xi32>
        %sub3A = arith.constant 128 : i32
        %sub3A_434 = arith.subi %add3A_430, %sub3A : i32
        %add3A_435 = vector.broadcast %sub3A_434 : i32 to vector<16xi32>
        %add3A_436 = arith.addi %broadcast_in_dim3A_433, %add3A_435 : vector<16xi32>
        tpu.vector_store_idx %arg11[%shift_right_logical3A_2, %add3A_212, %add3A_436], %get3A_432 : memref<2x40x129xf32, #tpu.memory_space<vmem>>[vector<16xi32>, vector<16xi32>, vector<16xi32>], vector<16xf32>,
        %add3A_437 = arith.constant 1 : i32
        %add3A_438 = arith.addi %add3A_428, %add3A_437 : i32
        %get3A_439 = arith.index_cast %add3A_438 : i32 to index
        %get3A_440 = arith.constant 0 : index
        %get3A_441 = tpu.vector_load %arg9[%get3A_439, %get3A_440] {strides = array<i32>} : memref<512x16xf32, #tpu.memory_space<vmem>>, vector<16xf32>,
        %broadcast_in_dim3A_442 = arith.constant 0 : i32
        %broadcast_in_dim3A_443 = vector.broadcast %broadcast_in_dim3A_442 : i32 to vector<16xi32>
        %sub3A_444 = arith.constant 128 : i32
        %sub3A_445 = arith.subi %add3A_438, %sub3A_444 : i32
        %add3A_446 = vector.broadcast %sub3A_445 : i32 to vector<16xi32>
        %add3A_447 = arith.addi %broadcast_in_dim3A_443, %add3A_446 : vector<16xi32>
        tpu.vector_store_idx %arg11[%shift_right_logical3A_2, %add3A_212, %add3A_447], %get3A_441 : memref<2x40x129xf32, #tpu.memory_space<vmem>>[vector<16xi32>, vector<16xi32>, vector<16xi32>], vector<16xf32>,
        %add3A_448 = arith.constant 2 : i32
        %add3A_449 = arith.addi %add3A_428, %add3A_448 : i32
        %get3A_450 = arith.index_cast %add3A_449 : i32 to index
        %get3A_451 = arith.constant 0 : index
        %get3A_452 = tpu.vector_load %arg9[%get3A_450, %get3A_451] {strides = array<i32>} : memref<512x16xf32, #tpu.memory_space<vmem>>, vector<16xf32>,
        %broadcast_in_dim3A_453 = arith.constant 0 : i32
        %broadcast_in_dim3A_454 = vector.broadcast %broadcast_in_dim3A_453 : i32 to vector<16xi32>
        %sub3A_455 = arith.constant 128 : i32
        %sub3A_456 = arith.subi %add3A_449, %sub3A_455 : i32
        %add3A_457 = vector.broadcast %sub3A_456 : i32 to vector<16xi32>
        %add3A_458 = arith.addi %broadcast_in_dim3A_454, %add3A_457 : vector<16xi32>
        tpu.vector_store_idx %arg11[%shift_right_logical3A_2, %add3A_212, %add3A_458], %get3A_452 : memref<2x40x129xf32, #tpu.memory_space<vmem>>[vector<16xi32>, vector<16xi32>, vector<16xi32>], vector<16xf32>,
        %add3A_459 = arith.constant 3 : i32
        %add3A_460 = arith.addi %add3A_428, %add3A_459 : i32
        %get3A_461 = arith.index_cast %add3A_460 : i32 to index
        %get3A_462 = arith.constant 0 : index
        %get3A_463 = tpu.vector_load %arg9[%get3A_461, %get3A_462] {strides = array<i32>} : memref<512x16xf32, #tpu.memory_space<vmem>>, vector<16xf32>,
        %broadcast_in_dim3A_464 = arith.constant 0 : i32
        %broadcast_in_dim3A_465 = vector.broadcast %broadcast_in_dim3A_464 : i32 to vector<16xi32>
        %sub3A_466 = arith.constant 128 : i32
        %sub3A_467 = arith.subi %add3A_460, %sub3A_466 : i32
        %add3A_468 = vector.broadcast %sub3A_467 : i32 to vector<16xi32>
        %add3A_469 = arith.addi %broadcast_in_dim3A_465, %add3A_468 : vector<16xi32>
        tpu.vector_store_idx %arg11[%shift_right_logical3A_2, %add3A_212, %add3A_469], %get3A_463 : memref<2x40x129xf32, #tpu.memory_space<vmem>>[vector<16xi32>, vector<16xi32>, vector<16xi32>], vector<16xf32>,
        %add3A_470 = arith.constant 4 : i32
        %add3A_471 = arith.addi %add3A_428, %add3A_470 : i32
        %get3A_472 = arith.index_cast %add3A_471 : i32 to index
        %get3A_473 = arith.constant 0 : index
        %get3A_474 = tpu.vector_load %arg9[%get3A_472, %get3A_473] {strides = array<i32>} : memref<512x16xf32, #tpu.memory_space<vmem>>, vector<16xf32>,
        %broadcast_in_dim3A_475 = arith.constant 0 : i32
        %broadcast_in_dim3A_476 = vector.broadcast %broadcast_in_dim3A_475 : i32 to vector<16xi32>
        %sub3A_477 = arith.constant 128 : i32
        %sub3A_478 = arith.subi %add3A_471, %sub3A_477 : i32
        %add3A_479 = vector.broadcast %sub3A_478 : i32 to vector<16xi32>
        %add3A_480 = arith.addi %broadcast_in_dim3A_476, %add3A_479 : vector<16xi32>
        tpu.vector_store_idx %arg11[%shift_right_logical3A_2, %add3A_212, %add3A_480], %get3A_474 : memref<2x40x129xf32, #tpu.memory_space<vmem>>[vector<16xi32>, vector<16xi32>, vector<16xi32>], vector<16xf32>,
        %add3A_481 = arith.constant 5 : i32
        %add3A_482 = arith.addi %add3A_428, %add3A_481 : i32
        %get3A_483 = arith.index_cast %add3A_482 : i32 to index
        %get3A_484 = arith.constant 0 : index
        %get3A_485 = tpu.vector_load %arg9[%get3A_483, %get3A_484] {strides = array<i32>} : memref<512x16xf32, #tpu.memory_space<vmem>>, vector<16xf32>,
        %broadcast_in_dim3A_486 = arith.constant 0 : i32
        %broadcast_in_dim3A_487 = vector.broadcast %broadcast_in_dim3A_486 : i32 to vector<16xi32>
        %sub3A_488 = arith.constant 128 : i32
        %sub3A_489 = arith.subi %add3A_482, %sub3A_488 : i32
        %add3A_490 = vector.broadcast %sub3A_489 : i32 to vector<16xi32>
        %add3A_491 = arith.addi %broadcast_in_dim3A_487, %add3A_490 : vector<16xi32>
        tpu.vector_store_idx %arg11[%shift_right_logical3A_2, %add3A_212, %add3A_491], %get3A_485 : memref<2x40x129xf32, #tpu.memory_space<vmem>>[vector<16xi32>, vector<16xi32>, vector<16xi32>], vector<16xf32>,
        %add3A_492 = arith.constant 6 : i32
        %add3A_493 = arith.addi %add3A_428, %add3A_492 : i32
        %get3A_494 = arith.index_cast %add3A_493 : i32 to index
        %get3A_495 = arith.constant 0 : index
        %get3A_496 = tpu.vector_load %arg9[%get3A_494, %get3A_495] {strides = array<i32>} : memref<512x16xf32, #tpu.memory_space<vmem>>, vector<16xf32>,
        %broadcast_in_dim3A_497 = arith.constant 0 : i32
        %broadcast_in_dim3A_498 = vector.broadcast %broadcast_in_dim3A_497 : i32 to vector<16xi32>
        %sub3A_499 = arith.constant 128 : i32
        %sub3A_500 = arith.subi %add3A_493, %sub3A_499 : i32
        %add3A_501 = vector.broadcast %sub3A_500 : i32 to vector<16xi32>
        %add3A_502 = arith.addi %broadcast_in_dim3A_498, %add3A_501 : vector<16xi32>
        tpu.vector_store_idx %arg11[%shift_right_logical3A_2, %add3A_212, %add3A_502], %get3A_496 : memref<2x40x129xf32, #tpu.memory_space<vmem>>[vector<16xi32>, vector<16xi32>, vector<16xi32>], vector<16xf32>,
        %add3A_503 = arith.constant 7 : i32
        %add3A_504 = arith.addi %add3A_428, %add3A_503 : i32
        %get3A_505 = arith.index_cast %add3A_504 : i32 to index
        %get3A_506 = arith.constant 0 : index
        %get3A_507 = tpu.vector_load %arg9[%get3A_505, %get3A_506] {strides = array<i32>} : memref<512x16xf32, #tpu.memory_space<vmem>>, vector<16xf32>,
        %broadcast_in_dim3A_508 = arith.constant 0 : i32
        %broadcast_in_dim3A_509 = vector.broadcast %broadcast_in_dim3A_508 : i32 to vector<16xi32>
        %sub3A_510 = arith.constant 128 : i32
        %sub3A_511 = arith.subi %add3A_504, %sub3A_510 : i32
        %add3A_512 = vector.broadcast %sub3A_511 : i32 to vector<16xi32>
        %add3A_513 = arith.addi %broadcast_in_dim3A_509, %add3A_512 : vector<16xi32>
        tpu.vector_store_idx %arg11[%shift_right_logical3A_2, %add3A_212, %add3A_513], %get3A_507 : memref<2x40x129xf32, #tpu.memory_space<vmem>>[vector<16xi32>, vector<16xi32>, vector<16xi32>], vector<16xf32>,
      }
      %scan3A_218 = arith.constant 16 : i32
      %add3A_219 = arith.constant 16 : i32
      %add3A_220 = vector.broadcast %add3A_219 : i32 to vector<16xi32>
      %add3A_221 = arith.addi %and3A_4, %add3A_220 : vector<16xi32>
      %scan3A_222 = arith.constant 0 : i32
      %scan3A_223 = arith.constant 0 : i32
      %scan3A_224 = arith.constant 16 : i32
      %scan3A_225 = arith.addi %scan3A_223, %scan3A_224 : i32
      %scan3A_226 = arith.constant 1 : i32
      scf.for %scan3A_424 = %scan3A_223 to %scan3A_225 step %scan3A_226  : i32 {
        %mul3A_425 = arith.constant 8 : i32
        %mul3A_426 = arith.muli %scan3A_424, %mul3A_425 : i32
        %add3A_427 = arith.constant 256 : i32
        %add3A_428 = arith.addi %add3A_427, %mul3A_426 : i32
        %add3A_429 = arith.constant 0 : i32
        %add3A_430 = arith.addi %add3A_428, %add3A_429 : i32
        %get3A = arith.index_cast %add3A_430 : i32 to index
        %get3A_431 = arith.constant 0 : index
        %get3A_432 = tpu.vector_load %arg9[%get3A, %get3A_431] {strides = array<i32>} : memref<512x16xf32, #tpu.memory_space<vmem>>, vector<16xf32>,
        %broadcast_in_dim3A = arith.constant 0 : i32
        %broadcast_in_dim3A_433 = vector.broadcast %broadcast_in_dim3A : i32 to vector<16xi32>
        %sub3A = arith.constant 256 : i32
        %sub3A_434 = arith.subi %add3A_430, %sub3A : i32
        %add3A_435 = vector.broadcast %sub3A_434 : i32 to vector<16xi32>
        %add3A_436 = arith.addi %broadcast_in_dim3A_433, %add3A_435 : vector<16xi32>
        tpu.vector_store_idx %arg11[%shift_right_logical3A_2, %add3A_221, %add3A_436], %get3A_432 : memref<2x40x129xf32, #tpu.memory_space<vmem>>[vector<16xi32>, vector<16xi32>, vector<16xi32>], vector<16xf32>,
        %add3A_437 = arith.constant 1 : i32
        %add3A_438 = arith.addi %add3A_428, %add3A_437 : i32
        %get3A_439 = arith.index_cast %add3A_438 : i32 to index
        %get3A_440 = arith.constant 0 : index
        %get3A_441 = tpu.vector_load %arg9[%get3A_439, %get3A_440] {strides = array<i32>} : memref<512x16xf32, #tpu.memory_space<vmem>>, vector<16xf32>,
        %broadcast_in_dim3A_442 = arith.constant 0 : i32
        %broadcast_in_dim3A_443 = vector.broadcast %broadcast_in_dim3A_442 : i32 to vector<16xi32>
        %sub3A_444 = arith.constant 256 : i32
        %sub3A_445 = arith.subi %add3A_438, %sub3A_444 : i32
        %add3A_446 = vector.broadcast %sub3A_445 : i32 to vector<16xi32>
        %add3A_447 = arith.addi %broadcast_in_dim3A_443, %add3A_446 : vector<16xi32>
        tpu.vector_store_idx %arg11[%shift_right_logical3A_2, %add3A_221, %add3A_447], %get3A_441 : memref<2x40x129xf32, #tpu.memory_space<vmem>>[vector<16xi32>, vector<16xi32>, vector<16xi32>], vector<16xf32>,
        %add3A_448 = arith.constant 2 : i32
        %add3A_449 = arith.addi %add3A_428, %add3A_448 : i32
        %get3A_450 = arith.index_cast %add3A_449 : i32 to index
        %get3A_451 = arith.constant 0 : index
        %get3A_452 = tpu.vector_load %arg9[%get3A_450, %get3A_451] {strides = array<i32>} : memref<512x16xf32, #tpu.memory_space<vmem>>, vector<16xf32>,
        %broadcast_in_dim3A_453 = arith.constant 0 : i32
        %broadcast_in_dim3A_454 = vector.broadcast %broadcast_in_dim3A_453 : i32 to vector<16xi32>
        %sub3A_455 = arith.constant 256 : i32
        %sub3A_456 = arith.subi %add3A_449, %sub3A_455 : i32
        %add3A_457 = vector.broadcast %sub3A_456 : i32 to vector<16xi32>
        %add3A_458 = arith.addi %broadcast_in_dim3A_454, %add3A_457 : vector<16xi32>
        tpu.vector_store_idx %arg11[%shift_right_logical3A_2, %add3A_221, %add3A_458], %get3A_452 : memref<2x40x129xf32, #tpu.memory_space<vmem>>[vector<16xi32>, vector<16xi32>, vector<16xi32>], vector<16xf32>,
        %add3A_459 = arith.constant 3 : i32
        %add3A_460 = arith.addi %add3A_428, %add3A_459 : i32
        %get3A_461 = arith.index_cast %add3A_460 : i32 to index
        %get3A_462 = arith.constant 0 : index
        %get3A_463 = tpu.vector_load %arg9[%get3A_461, %get3A_462] {strides = array<i32>} : memref<512x16xf32, #tpu.memory_space<vmem>>, vector<16xf32>,
        %broadcast_in_dim3A_464 = arith.constant 0 : i32
        %broadcast_in_dim3A_465 = vector.broadcast %broadcast_in_dim3A_464 : i32 to vector<16xi32>
        %sub3A_466 = arith.constant 256 : i32
        %sub3A_467 = arith.subi %add3A_460, %sub3A_466 : i32
        %add3A_468 = vector.broadcast %sub3A_467 : i32 to vector<16xi32>
        %add3A_469 = arith.addi %broadcast_in_dim3A_465, %add3A_468 : vector<16xi32>
        tpu.vector_store_idx %arg11[%shift_right_logical3A_2, %add3A_221, %add3A_469], %get3A_463 : memref<2x40x129xf32, #tpu.memory_space<vmem>>[vector<16xi32>, vector<16xi32>, vector<16xi32>], vector<16xf32>,
        %add3A_470 = arith.constant 4 : i32
        %add3A_471 = arith.addi %add3A_428, %add3A_470 : i32
        %get3A_472 = arith.index_cast %add3A_471 : i32 to index
        %get3A_473 = arith.constant 0 : index
        %get3A_474 = tpu.vector_load %arg9[%get3A_472, %get3A_473] {strides = array<i32>} : memref<512x16xf32, #tpu.memory_space<vmem>>, vector<16xf32>,
        %broadcast_in_dim3A_475 = arith.constant 0 : i32
        %broadcast_in_dim3A_476 = vector.broadcast %broadcast_in_dim3A_475 : i32 to vector<16xi32>
        %sub3A_477 = arith.constant 256 : i32
        %sub3A_478 = arith.subi %add3A_471, %sub3A_477 : i32
        %add3A_479 = vector.broadcast %sub3A_478 : i32 to vector<16xi32>
        %add3A_480 = arith.addi %broadcast_in_dim3A_476, %add3A_479 : vector<16xi32>
        tpu.vector_store_idx %arg11[%shift_right_logical3A_2, %add3A_221, %add3A_480], %get3A_474 : memref<2x40x129xf32, #tpu.memory_space<vmem>>[vector<16xi32>, vector<16xi32>, vector<16xi32>], vector<16xf32>,
        %add3A_481 = arith.constant 5 : i32
        %add3A_482 = arith.addi %add3A_428, %add3A_481 : i32
        %get3A_483 = arith.index_cast %add3A_482 : i32 to index
        %get3A_484 = arith.constant 0 : index
        %get3A_485 = tpu.vector_load %arg9[%get3A_483, %get3A_484] {strides = array<i32>} : memref<512x16xf32, #tpu.memory_space<vmem>>, vector<16xf32>,
        %broadcast_in_dim3A_486 = arith.constant 0 : i32
        %broadcast_in_dim3A_487 = vector.broadcast %broadcast_in_dim3A_486 : i32 to vector<16xi32>
        %sub3A_488 = arith.constant 256 : i32
        %sub3A_489 = arith.subi %add3A_482, %sub3A_488 : i32
        %add3A_490 = vector.broadcast %sub3A_489 : i32 to vector<16xi32>
        %add3A_491 = arith.addi %broadcast_in_dim3A_487, %add3A_490 : vector<16xi32>
        tpu.vector_store_idx %arg11[%shift_right_logical3A_2, %add3A_221, %add3A_491], %get3A_485 : memref<2x40x129xf32, #tpu.memory_space<vmem>>[vector<16xi32>, vector<16xi32>, vector<16xi32>], vector<16xf32>,
        %add3A_492 = arith.constant 6 : i32
        %add3A_493 = arith.addi %add3A_428, %add3A_492 : i32
        %get3A_494 = arith.index_cast %add3A_493 : i32 to index
        %get3A_495 = arith.constant 0 : index
        %get3A_496 = tpu.vector_load %arg9[%get3A_494, %get3A_495] {strides = array<i32>} : memref<512x16xf32, #tpu.memory_space<vmem>>, vector<16xf32>,
        %broadcast_in_dim3A_497 = arith.constant 0 : i32
        %broadcast_in_dim3A_498 = vector.broadcast %broadcast_in_dim3A_497 : i32 to vector<16xi32>
        %sub3A_499 = arith.constant 256 : i32
        %sub3A_500 = arith.subi %add3A_493, %sub3A_499 : i32
        %add3A_501 = vector.broadcast %sub3A_500 : i32 to vector<16xi32>
        %add3A_502 = arith.addi %broadcast_in_dim3A_498, %add3A_501 : vector<16xi32>
        tpu.vector_store_idx %arg11[%shift_right_logical3A_2, %add3A_221, %add3A_502], %get3A_496 : memref<2x40x129xf32, #tpu.memory_space<vmem>>[vector<16xi32>, vector<16xi32>, vector<16xi32>], vector<16xf32>,
        %add3A_503 = arith.constant 7 : i32
        %add3A_504 = arith.addi %add3A_428, %add3A_503 : i32
        %get3A_505 = arith.index_cast %add3A_504 : i32 to index
        %get3A_506 = arith.constant 0 : index
        %get3A_507 = tpu.vector_load %arg9[%get3A_505, %get3A_506] {strides = array<i32>} : memref<512x16xf32, #tpu.memory_space<vmem>>, vector<16xf32>,
        %broadcast_in_dim3A_508 = arith.constant 0 : i32
        %broadcast_in_dim3A_509 = vector.broadcast %broadcast_in_dim3A_508 : i32 to vector<16xi32>
        %sub3A_510 = arith.constant 256 : i32
        %sub3A_511 = arith.subi %add3A_504, %sub3A_510 : i32
        %add3A_512 = vector.broadcast %sub3A_511 : i32 to vector<16xi32>
        %add3A_513 = arith.addi %broadcast_in_dim3A_509, %add3A_512 : vector<16xi32>
        tpu.vector_store_idx %arg11[%shift_right_logical3A_2, %add3A_221, %add3A_513], %get3A_507 : memref<2x40x129xf32, #tpu.memory_space<vmem>>[vector<16xi32>, vector<16xi32>, vector<16xi32>], vector<16xf32>,
      }
      %scan3A_227 = arith.constant 16 : i32
      %add3A_228 = arith.constant 24 : i32
      %add3A_229 = vector.broadcast %add3A_228 : i32 to vector<16xi32>
      %add3A_230 = arith.addi %and3A_4, %add3A_229 : vector<16xi32>
      %scan3A_231 = arith.constant 0 : i32
      %scan3A_232 = arith.constant 0 : i32
      %scan3A_233 = arith.constant 16 : i32
      %scan3A_234 = arith.addi %scan3A_232, %scan3A_233 : i32
      %scan3A_235 = arith.constant 1 : i32
      scf.for %scan3A_424 = %scan3A_232 to %scan3A_234 step %scan3A_235  : i32 {
        %mul3A_425 = arith.constant 8 : i32
        %mul3A_426 = arith.muli %scan3A_424, %mul3A_425 : i32
        %add3A_427 = arith.constant 384 : i32
        %add3A_428 = arith.addi %add3A_427, %mul3A_426 : i32
        %add3A_429 = arith.constant 0 : i32
        %add3A_430 = arith.addi %add3A_428, %add3A_429 : i32
        %get3A = arith.index_cast %add3A_430 : i32 to index
        %get3A_431 = arith.constant 0 : index
        %get3A_432 = tpu.vector_load %arg9[%get3A, %get3A_431] {strides = array<i32>} : memref<512x16xf32, #tpu.memory_space<vmem>>, vector<16xf32>,
        %broadcast_in_dim3A = arith.constant 0 : i32
        %broadcast_in_dim3A_433 = vector.broadcast %broadcast_in_dim3A : i32 to vector<16xi32>
        %sub3A = arith.constant 384 : i32
        %sub3A_434 = arith.subi %add3A_430, %sub3A : i32
        %add3A_435 = vector.broadcast %sub3A_434 : i32 to vector<16xi32>
        %add3A_436 = arith.addi %broadcast_in_dim3A_433, %add3A_435 : vector<16xi32>
        tpu.vector_store_idx %arg11[%shift_right_logical3A_2, %add3A_230, %add3A_436], %get3A_432 : memref<2x40x129xf32, #tpu.memory_space<vmem>>[vector<16xi32>, vector<16xi32>, vector<16xi32>], vector<16xf32>,
        %add3A_437 = arith.constant 1 : i32
        %add3A_438 = arith.addi %add3A_428, %add3A_437 : i32
        %get3A_439 = arith.index_cast %add3A_438 : i32 to index
        %get3A_440 = arith.constant 0 : index
        %get3A_441 = tpu.vector_load %arg9[%get3A_439, %get3A_440] {strides = array<i32>} : memref<512x16xf32, #tpu.memory_space<vmem>>, vector<16xf32>,
        %broadcast_in_dim3A_442 = arith.constant 0 : i32
        %broadcast_in_dim3A_443 = vector.broadcast %broadcast_in_dim3A_442 : i32 to vector<16xi32>
        %sub3A_444 = arith.constant 384 : i32
        %sub3A_445 = arith.subi %add3A_438, %sub3A_444 : i32
        %add3A_446 = vector.broadcast %sub3A_445 : i32 to vector<16xi32>
        %add3A_447 = arith.addi %broadcast_in_dim3A_443, %add3A_446 : vector<16xi32>
        tpu.vector_store_idx %arg11[%shift_right_logical3A_2, %add3A_230, %add3A_447], %get3A_441 : memref<2x40x129xf32, #tpu.memory_space<vmem>>[vector<16xi32>, vector<16xi32>, vector<16xi32>], vector<16xf32>,
        %add3A_448 = arith.constant 2 : i32
        %add3A_449 = arith.addi %add3A_428, %add3A_448 : i32
        %get3A_450 = arith.index_cast %add3A_449 : i32 to index
        %get3A_451 = arith.constant 0 : index
        %get3A_452 = tpu.vector_load %arg9[%get3A_450, %get3A_451] {strides = array<i32>} : memref<512x16xf32, #tpu.memory_space<vmem>>, vector<16xf32>,
        %broadcast_in_dim3A_453 = arith.constant 0 : i32
        %broadcast_in_dim3A_454 = vector.broadcast %broadcast_in_dim3A_453 : i32 to vector<16xi32>
        %sub3A_455 = arith.constant 384 : i32
        %sub3A_456 = arith.subi %add3A_449, %sub3A_455 : i32
        %add3A_457 = vector.broadcast %sub3A_456 : i32 to vector<16xi32>
        %add3A_458 = arith.addi %broadcast_in_dim3A_454, %add3A_457 : vector<16xi32>
        tpu.vector_store_idx %arg11[%shift_right_logical3A_2, %add3A_230, %add3A_458], %get3A_452 : memref<2x40x129xf32, #tpu.memory_space<vmem>>[vector<16xi32>, vector<16xi32>, vector<16xi32>], vector<16xf32>,
        %add3A_459 = arith.constant 3 : i32
        %add3A_460 = arith.addi %add3A_428, %add3A_459 : i32
        %get3A_461 = arith.index_cast %add3A_460 : i32 to index
        %get3A_462 = arith.constant 0 : index
        %get3A_463 = tpu.vector_load %arg9[%get3A_461, %get3A_462] {strides = array<i32>} : memref<512x16xf32, #tpu.memory_space<vmem>>, vector<16xf32>,
        %broadcast_in_dim3A_464 = arith.constant 0 : i32
        %broadcast_in_dim3A_465 = vector.broadcast %broadcast_in_dim3A_464 : i32 to vector<16xi32>
        %sub3A_466 = arith.constant 384 : i32
        %sub3A_467 = arith.subi %add3A_460, %sub3A_466 : i32
        %add3A_468 = vector.broadcast %sub3A_467 : i32 to vector<16xi32>
        %add3A_469 = arith.addi %broadcast_in_dim3A_465, %add3A_468 : vector<16xi32>
        tpu.vector_store_idx %arg11[%shift_right_logical3A_2, %add3A_230, %add3A_469], %get3A_463 : memref<2x40x129xf32, #tpu.memory_space<vmem>>[vector<16xi32>, vector<16xi32>, vector<16xi32>], vector<16xf32>,
        %add3A_470 = arith.constant 4 : i32
        %add3A_471 = arith.addi %add3A_428, %add3A_470 : i32
        %get3A_472 = arith.index_cast %add3A_471 : i32 to index
        %get3A_473 = arith.constant 0 : index
        %get3A_474 = tpu.vector_load %arg9[%get3A_472, %get3A_473] {strides = array<i32>} : memref<512x16xf32, #tpu.memory_space<vmem>>, vector<16xf32>,
        %broadcast_in_dim3A_475 = arith.constant 0 : i32
        %broadcast_in_dim3A_476 = vector.broadcast %broadcast_in_dim3A_475 : i32 to vector<16xi32>
        %sub3A_477 = arith.constant 384 : i32
        %sub3A_478 = arith.subi %add3A_471, %sub3A_477 : i32
        %add3A_479 = vector.broadcast %sub3A_478 : i32 to vector<16xi32>
        %add3A_480 = arith.addi %broadcast_in_dim3A_476, %add3A_479 : vector<16xi32>
        tpu.vector_store_idx %arg11[%shift_right_logical3A_2, %add3A_230, %add3A_480], %get3A_474 : memref<2x40x129xf32, #tpu.memory_space<vmem>>[vector<16xi32>, vector<16xi32>, vector<16xi32>], vector<16xf32>,
        %add3A_481 = arith.constant 5 : i32
        %add3A_482 = arith.addi %add3A_428, %add3A_481 : i32
        %get3A_483 = arith.index_cast %add3A_482 : i32 to index
        %get3A_484 = arith.constant 0 : index
        %get3A_485 = tpu.vector_load %arg9[%get3A_483, %get3A_484] {strides = array<i32>} : memref<512x16xf32, #tpu.memory_space<vmem>>, vector<16xf32>,
        %broadcast_in_dim3A_486 = arith.constant 0 : i32
        %broadcast_in_dim3A_487 = vector.broadcast %broadcast_in_dim3A_486 : i32 to vector<16xi32>
        %sub3A_488 = arith.constant 384 : i32
        %sub3A_489 = arith.subi %add3A_482, %sub3A_488 : i32
        %add3A_490 = vector.broadcast %sub3A_489 : i32 to vector<16xi32>
        %add3A_491 = arith.addi %broadcast_in_dim3A_487, %add3A_490 : vector<16xi32>
        tpu.vector_store_idx %arg11[%shift_right_logical3A_2, %add3A_230, %add3A_491], %get3A_485 : memref<2x40x129xf32, #tpu.memory_space<vmem>>[vector<16xi32>, vector<16xi32>, vector<16xi32>], vector<16xf32>,
        %add3A_492 = arith.constant 6 : i32
        %add3A_493 = arith.addi %add3A_428, %add3A_492 : i32
        %get3A_494 = arith.index_cast %add3A_493 : i32 to index
        %get3A_495 = arith.constant 0 : index
        %get3A_496 = tpu.vector_load %arg9[%get3A_494, %get3A_495] {strides = array<i32>} : memref<512x16xf32, #tpu.memory_space<vmem>>, vector<16xf32>,
        %broadcast_in_dim3A_497 = arith.constant 0 : i32
        %broadcast_in_dim3A_498 = vector.broadcast %broadcast_in_dim3A_497 : i32 to vector<16xi32>
        %sub3A_499 = arith.constant 384 : i32
        %sub3A_500 = arith.subi %add3A_493, %sub3A_499 : i32
        %add3A_501 = vector.broadcast %sub3A_500 : i32 to vector<16xi32>
        %add3A_502 = arith.addi %broadcast_in_dim3A_498, %add3A_501 : vector<16xi32>
        tpu.vector_store_idx %arg11[%shift_right_logical3A_2, %add3A_230, %add3A_502], %get3A_496 : memref<2x40x129xf32, #tpu.memory_space<vmem>>[vector<16xi32>, vector<16xi32>, vector<16xi32>], vector<16xf32>,
        %add3A_503 = arith.constant 7 : i32
        %add3A_504 = arith.addi %add3A_428, %add3A_503 : i32
        %get3A_505 = arith.index_cast %add3A_504 : i32 to index
        %get3A_506 = arith.constant 0 : index
        %get3A_507 = tpu.vector_load %arg9[%get3A_505, %get3A_506] {strides = array<i32>} : memref<512x16xf32, #tpu.memory_space<vmem>>, vector<16xf32>,
        %broadcast_in_dim3A_508 = arith.constant 0 : i32
        %broadcast_in_dim3A_509 = vector.broadcast %broadcast_in_dim3A_508 : i32 to vector<16xi32>
        %sub3A_510 = arith.constant 384 : i32
        %sub3A_511 = arith.subi %add3A_504, %sub3A_510 : i32
        %add3A_512 = vector.broadcast %sub3A_511 : i32 to vector<16xi32>
        %add3A_513 = arith.addi %broadcast_in_dim3A_509, %add3A_512 : vector<16xi32>
        tpu.vector_store_idx %arg11[%shift_right_logical3A_2, %add3A_230, %add3A_513], %get3A_507 : memref<2x40x129xf32, #tpu.memory_space<vmem>>[vector<16xi32>, vector<16xi32>, vector<16xi32>], vector<16xf32>,
      }
      %scan3A_236 = arith.constant 16 : i32
      %mul3A_237 = arith.constant 2048 : i32
      %mul3A_238 = arith.muli %add3A_140, %mul3A_237 : i32
      %add3A_239 = arith.constant 0 : i32
      %add3A_240 = arith.addi %mul3A_238, %add3A_239 : i32
      %mul3A_241 = arith.constant 32 : i32
      %mul3A_242 = arith.muli %add3A, %mul3A_241 : i32
      %add3A_243 = arith.addi %add3A_240, %mul3A_242 : i32
      %dma_start3A_244 = arith.constant 0 : i32
      %dma_start3A_245 = arith.constant 0 : i32
      %dma_start3A_246 = arith.constant 0 : i32
      %dma_start3A_247 = tpu.memref_slice %arg11[%dma_start3A_244, %dma_start3A_245, %dma_start3A_246] : memref<2x40x129xf32, #tpu.memory_space<vmem>> -> memref<1x32x128xf32, #tpu.memory_space<vmem>>
      %dma_start3A_248 = tpu.memref_squeeze %dma_start3A_247 : memref<1x32x128xf32, #tpu.memory_space<vmem>> -> memref<32x128xf32, #tpu.memory_space<vmem>>
      %dma_start3A_249 = arith.constant 0 : i32
      %dma_start3A_250 = tpu.memref_slice %arg4[%add3A_243, %dma_start3A_249] : memref<409600x128xf32, #tpu.memory_space<hbm>> -> memref<32x128xf32, #tpu.memory_space<hbm>>
      %dma_start3A_251 = arith.constant 0 : i32
      %dma_start3A_252 = tpu.memref_slice %arg4[%add3A_243, %dma_start3A_251] : memref<409600x128xf32, #tpu.memory_space<hbm>> -> memref<32x128xf32, #tpu.memory_space<hbm>>
      %dma_start3A_253 = arith.constant 0 : i32
      %dma_start3A_254 = arith.constant 0 : i32
      %dma_start3A_255 = tpu.memref_slice %arg11[%dma_start3A_244, %dma_start3A_253, %dma_start3A_254] : memref<2x40x129xf32, #tpu.memory_space<vmem>> -> memref<1x32x128xf32, #tpu.memory_space<vmem>>
      %dma_start3A_256 = tpu.memref_squeeze %dma_start3A_255 : memref<1x32x128xf32, #tpu.memory_space<vmem>> -> memref<32x128xf32, #tpu.memory_space<vmem>>
      tpu.enqueue_dma source(%dma_start3A_256 : memref<32x128xf32, #tpu.memory_space<vmem>>) target(%dma_start3A_252 : memref<32x128xf32, #tpu.memory_space<hbm>>) target_semaphore(%arg15 : memref<!tpu.dma_semaphore, #tpu.memory_space<semaphore_mem>>)
      %mul3A_257 = arith.constant 2048 : i32
      %mul3A_258 = arith.muli %add3A_140, %mul3A_257 : i32
      %add3A_259 = arith.constant 1024 : i32
      %add3A_260 = arith.addi %mul3A_258, %add3A_259 : i32
      %mul3A_261 = arith.constant 32 : i32
      %mul3A_262 = arith.muli %add3A, %mul3A_261 : i32
      %add3A_263 = arith.addi %add3A_260, %mul3A_262 : i32
      %dma_start3A_264 = arith.constant 1 : i32
      %dma_start3A_265 = arith.constant 0 : i32
      %dma_start3A_266 = arith.constant 0 : i32
      %dma_start3A_267 = tpu.memref_slice %arg11[%dma_start3A_264, %dma_start3A_265, %dma_start3A_266] : memref<2x40x129xf32, #tpu.memory_space<vmem>> -> memref<1x32x128xf32, #tpu.memory_space<vmem>>
      %dma_start3A_268 = tpu.memref_squeeze %dma_start3A_267 : memref<1x32x128xf32, #tpu.memory_space<vmem>> -> memref<32x128xf32, #tpu.memory_space<vmem>>
      %dma_start3A_269 = arith.constant 0 : i32
      %dma_start3A_270 = tpu.memref_slice %arg4[%add3A_263, %dma_start3A_269] : memref<409600x128xf32, #tpu.memory_space<hbm>> -> memref<32x128xf32, #tpu.memory_space<hbm>>
      %dma_start3A_271 = arith.constant 0 : i32
      %dma_start3A_272 = tpu.memref_slice %arg4[%add3A_263, %dma_start3A_271] : memref<409600x128xf32, #tpu.memory_space<hbm>> -> memref<32x128xf32, #tpu.memory_space<hbm>>
      %dma_start3A_273 = arith.constant 0 : i32
      %dma_start3A_274 = arith.constant 0 : i32
      %dma_start3A_275 = tpu.memref_slice %arg11[%dma_start3A_264, %dma_start3A_273, %dma_start3A_274] : memref<2x40x129xf32, #tpu.memory_space<vmem>> -> memref<1x32x128xf32, #tpu.memory_space<vmem>>
      %dma_start3A_276 = tpu.memref_squeeze %dma_start3A_275 : memref<1x32x128xf32, #tpu.memory_space<vmem>> -> memref<32x128xf32, #tpu.memory_space<vmem>>
      tpu.enqueue_dma source(%dma_start3A_276 : memref<32x128xf32, #tpu.memory_space<vmem>>) target(%dma_start3A_272 : memref<32x128xf32, #tpu.memory_space<hbm>>) target_semaphore(%arg15 : memref<!tpu.dma_semaphore, #tpu.memory_space<semaphore_mem>>)
      %mul3A_277 = arith.constant 2 : i32
      %mul3A_278 = arith.muli %mul3A_277, %scan3A_136 : i32
      %add3A_279 = arith.constant 1 : i32
      %add3A_280 = arith.addi %mul3A_278, %add3A_279 : i32
      %rem3A_281 = arith.constant 8 : i32
      %rem3A_282 = arith.remsi %add3A_280, %rem3A_281 : i32
      %div3A_283 = arith.constant 8 : i32
      %div3A_284 = arith.divsi %add3A_280, %div3A_283 : i32
      %rem3A_285 = arith.constant 2 : i32
      %rem3A_286 = arith.remsi %div3A_284, %rem3A_285 : i32
      %lt3A_287 = arith.constant 199 : i32
      %lt3A_288 = arith.cmpi slt, %add3A_280, %lt3A_287 : i32
      %ne3A_289 = arith.constant 7 : i32
      %ne3A_290 = arith.cmpi ne, %rem3A_282, %ne3A_289 : i32
      %and3A_291 = arith.andi %lt3A_288, %ne3A_290 : i1
      %convert_element_type3A_292 = arith.extui %and3A_291 : i1 to i32
      %cond3A_293 = arith.constant 0 : i32
      %cond3A_294 = arith.cmpi ne, %convert_element_type3A_292, %cond3A_293 : i32
      scf.if %cond3A_294 {
        %add3A_424 = arith.constant 1 : i32
        %add3A_425 = arith.addi %add3A_280, %add3A_424 : i32
        %eq3A_426 = arith.constant 0 : i32
        %eq3A_427 = arith.cmpi eq, %rem3A_286, %eq3A_426 : i32
        %convert_element_type3A_428 = arith.extui %eq3A_427 : i1 to i32
        %cond3A_429 = arith.constant 0 : i32
        %cond3A_430 = arith.cmpi ne, %convert_element_type3A_428, %cond3A_429 : i32
        scf.if %cond3A_430 {
          %rem3A_436 = arith.constant 8 : i32
          %rem3A_437 = arith.remsi %add3A_425, %rem3A_436 : i32
          %add3A_438 = arith.constant 0 : i32
          %add3A_439 = arith.addi %add3A_438, %rem3A_437 : i32
          %dma_start3A_440 = arith.constant 0 : i32
          %dma_start3A_441 = arith.constant 0 : i32
          %dma_start3A_442 = tpu.memref_slice %arg9[%dma_start3A_440, %dma_start3A_441] : memref<512x16xf32, #tpu.memory_space<vmem>> -> memref<128x16xf32, #tpu.memory_space<vmem>>
          %dma_start3A_443 = arith.constant 0 : i32
          %dma_start3A_444 = tpu.memref_slice %arg5[%add3A_439, %dma_start3A_443] : memref<32x128xi32, #tpu.memory_space<vmem>> -> memref<1x128xi32, #tpu.memory_space<vmem>>
          %dma_start3A_445 = tpu.memref_squeeze %dma_start3A_444 : memref<1x128xi32, #tpu.memory_space<vmem>> -> memref<128xi32, #tpu.memory_space<vmem>>
          %dma_start3A_446 = arith.constant 0 : i32
          %dma_start3A_447 = arith.constant 0 : i32
          %dma_start3A_448 = tpu.memref_slice %arg2[%dma_start3A_446, %dma_start3A_447] : memref<1048576x16xf32, #tpu.memory_space<hbm>> -> memref<1048576x16xf32, #tpu.memory_space<hbm>>
          tpu.enqueue_indirect_dma source(%dma_start3A_448 : memref<1048576x16xf32, #tpu.memory_space<hbm>>) target(%dma_start3A_442 : memref<128x16xf32, #tpu.memory_space<vmem>>) offsets(%dma_start3A_445 : memref<128xi32, #tpu.memory_space<vmem>>) semaphore(%arg13 : memref<!tpu.dma_semaphore, #tpu.memory_space<semaphore_mem>>)
          %add3A_449 = arith.constant 8 : i32
          %add3A_450 = arith.addi %add3A_449, %rem3A_437 : i32
          %dma_start3A_451 = arith.constant 128 : i32
          %dma_start3A_452 = arith.constant 0 : i32
          %dma_start3A_453 = tpu.memref_slice %arg9[%dma_start3A_451, %dma_start3A_452] : memref<512x16xf32, #tpu.memory_space<vmem>> -> memref<128x16xf32, #tpu.memory_space<vmem>>
          %dma_start3A_454 = arith.constant 0 : i32
          %dma_start3A_455 = tpu.memref_slice %arg5[%add3A_450, %dma_start3A_454] : memref<32x128xi32, #tpu.memory_space<vmem>> -> memref<1x128xi32, #tpu.memory_space<vmem>>
          %dma_start3A_456 = tpu.memref_squeeze %dma_start3A_455 : memref<1x128xi32, #tpu.memory_space<vmem>> -> memref<128xi32, #tpu.memory_space<vmem>>
          %dma_start3A_457 = arith.constant 0 : i32
          %dma_start3A_458 = arith.constant 0 : i32
          %dma_start3A_459 = tpu.memref_slice %arg2[%dma_start3A_457, %dma_start3A_458] : memref<1048576x16xf32, #tpu.memory_space<hbm>> -> memref<1048576x16xf32, #tpu.memory_space<hbm>>
          tpu.enqueue_indirect_dma source(%dma_start3A_459 : memref<1048576x16xf32, #tpu.memory_space<hbm>>) target(%dma_start3A_453 : memref<128x16xf32, #tpu.memory_space<vmem>>) offsets(%dma_start3A_456 : memref<128xi32, #tpu.memory_space<vmem>>) semaphore(%arg13 : memref<!tpu.dma_semaphore, #tpu.memory_space<semaphore_mem>>)
          %add3A_460 = arith.constant 16 : i32
          %add3A_461 = arith.addi %add3A_460, %rem3A_437 : i32
          %dma_start3A_462 = arith.constant 256 : i32
          %dma_start3A_463 = arith.constant 0 : i32
          %dma_start3A_464 = tpu.memref_slice %arg9[%dma_start3A_462, %dma_start3A_463] : memref<512x16xf32, #tpu.memory_space<vmem>> -> memref<128x16xf32, #tpu.memory_space<vmem>>
          %dma_start3A_465 = arith.constant 0 : i32
          %dma_start3A_466 = tpu.memref_slice %arg5[%add3A_461, %dma_start3A_465] : memref<32x128xi32, #tpu.memory_space<vmem>> -> memref<1x128xi32, #tpu.memory_space<vmem>>
          %dma_start3A_467 = tpu.memref_squeeze %dma_start3A_466 : memref<1x128xi32, #tpu.memory_space<vmem>> -> memref<128xi32, #tpu.memory_space<vmem>>
          %dma_start3A_468 = arith.constant 0 : i32
          %dma_start3A_469 = arith.constant 0 : i32
          %dma_start3A_470 = tpu.memref_slice %arg2[%dma_start3A_468, %dma_start3A_469] : memref<1048576x16xf32, #tpu.memory_space<hbm>> -> memref<1048576x16xf32, #tpu.memory_space<hbm>>
          tpu.enqueue_indirect_dma source(%dma_start3A_470 : memref<1048576x16xf32, #tpu.memory_space<hbm>>) target(%dma_start3A_464 : memref<128x16xf32, #tpu.memory_space<vmem>>) offsets(%dma_start3A_467 : memref<128xi32, #tpu.memory_space<vmem>>) semaphore(%arg13 : memref<!tpu.dma_semaphore, #tpu.memory_space<semaphore_mem>>)
          %add3A_471 = arith.constant 24 : i32
          %add3A_472 = arith.addi %add3A_471, %rem3A_437 : i32
          %dma_start3A_473 = arith.constant 384 : i32
          %dma_start3A_474 = arith.constant 0 : i32
          %dma_start3A_475 = tpu.memref_slice %arg9[%dma_start3A_473, %dma_start3A_474] : memref<512x16xf32, #tpu.memory_space<vmem>> -> memref<128x16xf32, #tpu.memory_space<vmem>>
          %dma_start3A_476 = arith.constant 0 : i32
          %dma_start3A_477 = tpu.memref_slice %arg5[%add3A_472, %dma_start3A_476] : memref<32x128xi32, #tpu.memory_space<vmem>> -> memref<1x128xi32, #tpu.memory_space<vmem>>
          %dma_start3A_478 = tpu.memref_squeeze %dma_start3A_477 : memref<1x128xi32, #tpu.memory_space<vmem>> -> memref<128xi32, #tpu.memory_space<vmem>>
          %dma_start3A_479 = arith.constant 0 : i32
          %dma_start3A_480 = arith.constant 0 : i32
          %dma_start3A_481 = tpu.memref_slice %arg2[%dma_start3A_479, %dma_start3A_480] : memref<1048576x16xf32, #tpu.memory_space<hbm>> -> memref<1048576x16xf32, #tpu.memory_space<hbm>>
          tpu.enqueue_indirect_dma source(%dma_start3A_481 : memref<1048576x16xf32, #tpu.memory_space<hbm>>) target(%dma_start3A_475 : memref<128x16xf32, #tpu.memory_space<vmem>>) offsets(%dma_start3A_478 : memref<128xi32, #tpu.memory_space<vmem>>) semaphore(%arg13 : memref<!tpu.dma_semaphore, #tpu.memory_space<semaphore_mem>>)
        } else {
        }
        %eq3A_431 = arith.constant 1 : i32
        %eq3A_432 = arith.cmpi eq, %rem3A_286, %eq3A_431 : i32
        %convert_element_type3A_433 = arith.extui %eq3A_432 : i1 to i32
        %cond3A_434 = arith.constant 0 : i32
        %cond3A_435 = arith.cmpi ne, %convert_element_type3A_433, %cond3A_434 : i32
        scf.if %cond3A_435 {
          %rem3A_436 = arith.constant 8 : i32
          %rem3A_437 = arith.remsi %add3A_425, %rem3A_436 : i32
          %add3A_438 = arith.constant 0 : i32
          %add3A_439 = arith.addi %add3A_438, %rem3A_437 : i32
          %dma_start3A_440 = arith.constant 0 : i32
          %dma_start3A_441 = arith.constant 0 : i32
          %dma_start3A_442 = tpu.memref_slice %arg9[%dma_start3A_440, %dma_start3A_441] : memref<512x16xf32, #tpu.memory_space<vmem>> -> memref<128x16xf32, #tpu.memory_space<vmem>>
          %dma_start3A_443 = arith.constant 0 : i32
          %dma_start3A_444 = tpu.memref_slice %arg6[%add3A_439, %dma_start3A_443] : memref<32x128xi32, #tpu.memory_space<vmem>> -> memref<1x128xi32, #tpu.memory_space<vmem>>
          %dma_start3A_445 = tpu.memref_squeeze %dma_start3A_444 : memref<1x128xi32, #tpu.memory_space<vmem>> -> memref<128xi32, #tpu.memory_space<vmem>>
          %dma_start3A_446 = arith.constant 0 : i32
          %dma_start3A_447 = arith.constant 0 : i32
          %dma_start3A_448 = tpu.memref_slice %arg2[%dma_start3A_446, %dma_start3A_447] : memref<1048576x16xf32, #tpu.memory_space<hbm>> -> memref<1048576x16xf32, #tpu.memory_space<hbm>>
          tpu.enqueue_indirect_dma source(%dma_start3A_448 : memref<1048576x16xf32, #tpu.memory_space<hbm>>) target(%dma_start3A_442 : memref<128x16xf32, #tpu.memory_space<vmem>>) offsets(%dma_start3A_445 : memref<128xi32, #tpu.memory_space<vmem>>) semaphore(%arg13 : memref<!tpu.dma_semaphore, #tpu.memory_space<semaphore_mem>>)
          %add3A_449 = arith.constant 8 : i32
          %add3A_450 = arith.addi %add3A_449, %rem3A_437 : i32
          %dma_start3A_451 = arith.constant 128 : i32
          %dma_start3A_452 = arith.constant 0 : i32
          %dma_start3A_453 = tpu.memref_slice %arg9[%dma_start3A_451, %dma_start3A_452] : memref<512x16xf32, #tpu.memory_space<vmem>> -> memref<128x16xf32, #tpu.memory_space<vmem>>
          %dma_start3A_454 = arith.constant 0 : i32
          %dma_start3A_455 = tpu.memref_slice %arg6[%add3A_450, %dma_start3A_454] : memref<32x128xi32, #tpu.memory_space<vmem>> -> memref<1x128xi32, #tpu.memory_space<vmem>>
          %dma_start3A_456 = tpu.memref_squeeze %dma_start3A_455 : memref<1x128xi32, #tpu.memory_space<vmem>> -> memref<128xi32, #tpu.memory_space<vmem>>
          %dma_start3A_457 = arith.constant 0 : i32
          %dma_start3A_458 = arith.constant 0 : i32
          %dma_start3A_459 = tpu.memref_slice %arg2[%dma_start3A_457, %dma_start3A_458] : memref<1048576x16xf32, #tpu.memory_space<hbm>> -> memref<1048576x16xf32, #tpu.memory_space<hbm>>
          tpu.enqueue_indirect_dma source(%dma_start3A_459 : memref<1048576x16xf32, #tpu.memory_space<hbm>>) target(%dma_start3A_453 : memref<128x16xf32, #tpu.memory_space<vmem>>) offsets(%dma_start3A_456 : memref<128xi32, #tpu.memory_space<vmem>>) semaphore(%arg13 : memref<!tpu.dma_semaphore, #tpu.memory_space<semaphore_mem>>)
          %add3A_460 = arith.constant 16 : i32
          %add3A_461 = arith.addi %add3A_460, %rem3A_437 : i32
          %dma_start3A_462 = arith.constant 256 : i32
          %dma_start3A_463 = arith.constant 0 : i32
          %dma_start3A_464 = tpu.memref_slice %arg9[%dma_start3A_462, %dma_start3A_463] : memref<512x16xf32, #tpu.memory_space<vmem>> -> memref<128x16xf32, #tpu.memory_space<vmem>>
          %dma_start3A_465 = arith.constant 0 : i32
          %dma_start3A_466 = tpu.memref_slice %arg6[%add3A_461, %dma_start3A_465] : memref<32x128xi32, #tpu.memory_space<vmem>> -> memref<1x128xi32, #tpu.memory_space<vmem>>
          %dma_start3A_467 = tpu.memref_squeeze %dma_start3A_466 : memref<1x128xi32, #tpu.memory_space<vmem>> -> memref<128xi32, #tpu.memory_space<vmem>>
          %dma_start3A_468 = arith.constant 0 : i32
          %dma_start3A_469 = arith.constant 0 : i32
          %dma_start3A_470 = tpu.memref_slice %arg2[%dma_start3A_468, %dma_start3A_469] : memref<1048576x16xf32, #tpu.memory_space<hbm>> -> memref<1048576x16xf32, #tpu.memory_space<hbm>>
          tpu.enqueue_indirect_dma source(%dma_start3A_470 : memref<1048576x16xf32, #tpu.memory_space<hbm>>) target(%dma_start3A_464 : memref<128x16xf32, #tpu.memory_space<vmem>>) offsets(%dma_start3A_467 : memref<128xi32, #tpu.memory_space<vmem>>) semaphore(%arg13 : memref<!tpu.dma_semaphore, #tpu.memory_space<semaphore_mem>>)
          %add3A_471 = arith.constant 24 : i32
          %add3A_472 = arith.addi %add3A_471, %rem3A_437 : i32
          %dma_start3A_473 = arith.constant 384 : i32
          %dma_start3A_474 = arith.constant 0 : i32
          %dma_start3A_475 = tpu.memref_slice %arg9[%dma_start3A_473, %dma_start3A_474] : memref<512x16xf32, #tpu.memory_space<vmem>> -> memref<128x16xf32, #tpu.memory_space<vmem>>
          %dma_start3A_476 = arith.constant 0 : i32
          %dma_start3A_477 = tpu.memref_slice %arg6[%add3A_472, %dma_start3A_476] : memref<32x128xi32, #tpu.memory_space<vmem>> -> memref<1x128xi32, #tpu.memory_space<vmem>>
          %dma_start3A_478 = tpu.memref_squeeze %dma_start3A_477 : memref<1x128xi32, #tpu.memory_space<vmem>> -> memref<128xi32, #tpu.memory_space<vmem>>
          %dma_start3A_479 = arith.constant 0 : i32
          %dma_start3A_480 = arith.constant 0 : i32
          %dma_start3A_481 = tpu.memref_slice %arg2[%dma_start3A_479, %dma_start3A_480] : memref<1048576x16xf32, #tpu.memory_space<hbm>> -> memref<1048576x16xf32, #tpu.memory_space<hbm>>
          tpu.enqueue_indirect_dma source(%dma_start3A_481 : memref<1048576x16xf32, #tpu.memory_space<hbm>>) target(%dma_start3A_475 : memref<128x16xf32, #tpu.memory_space<vmem>>) offsets(%dma_start3A_478 : memref<128xi32, #tpu.memory_space<vmem>>) semaphore(%arg13 : memref<!tpu.dma_semaphore, #tpu.memory_space<semaphore_mem>>)
        } else {
        }
      } else {
      }
      %dma_wait3A_295 = arith.constant 0 : i32
      %dma_wait3A_296 = arith.constant 0 : i32
      %dma_wait3A_297 = arith.constant 0 : i32
      %dma_wait3A_298 = tpu.memref_slice %arg10[%dma_wait3A_296, %dma_wait3A_297] : memref<512x16xf32, #tpu.memory_space<vmem>> -> memref<128x16xf32, #tpu.memory_space<vmem>>
      %dma_wait3A_299 = arith.constant 0 : i32
      %dma_wait3A_300 = tpu.memref_slice %arg5[%dma_wait3A_295, %dma_wait3A_299] : memref<32x128xi32, #tpu.memory_space<vmem>> -> memref<1x128xi32, #tpu.memory_space<vmem>>
      %dma_wait3A_301 = tpu.memref_squeeze %dma_wait3A_300 : memref<1x128xi32, #tpu.memory_space<vmem>> -> memref<128xi32, #tpu.memory_space<vmem>>
      %dma_wait3A_302 = arith.constant 0 : i32
      %dma_wait3A_303 = arith.constant 0 : i32
      %dma_wait3A_304 = tpu.memref_slice %arg2[%dma_wait3A_302, %dma_wait3A_303] : memref<1048576x16xf32, #tpu.memory_space<hbm>> -> memref<1048576x16xf32, #tpu.memory_space<hbm>>
      tpu.wait_indirect_dma semaphore(%arg14 : memref<!tpu.dma_semaphore, #tpu.memory_space<semaphore_mem>>) src(%dma_wait3A_304 : memref<1048576x16xf32, #tpu.memory_space<hbm>>) dst(%dma_wait3A_298 : memref<128x16xf32, #tpu.memory_space<vmem>>)
      %dma_wait3A_305 = arith.constant 0 : i32
      %dma_wait3A_306 = arith.constant 128 : i32
      %dma_wait3A_307 = arith.constant 0 : i32
      %dma_wait3A_308 = tpu.memref_slice %arg10[%dma_wait3A_306, %dma_wait3A_307] : memref<512x16xf32, #tpu.memory_space<vmem>> -> memref<128x16xf32, #tpu.memory_space<vmem>>
      %dma_wait3A_309 = arith.constant 0 : i32
      %dma_wait3A_310 = tpu.memref_slice %arg5[%dma_wait3A_305, %dma_wait3A_309] : memref<32x128xi32, #tpu.memory_space<vmem>> -> memref<1x128xi32, #tpu.memory_space<vmem>>
      %dma_wait3A_311 = tpu.memref_squeeze %dma_wait3A_310 : memref<1x128xi32, #tpu.memory_space<vmem>> -> memref<128xi32, #tpu.memory_space<vmem>>
      %dma_wait3A_312 = arith.constant 0 : i32
      %dma_wait3A_313 = arith.constant 0 : i32
      %dma_wait3A_314 = tpu.memref_slice %arg2[%dma_wait3A_312, %dma_wait3A_313] : memref<1048576x16xf32, #tpu.memory_space<hbm>> -> memref<1048576x16xf32, #tpu.memory_space<hbm>>
      tpu.wait_indirect_dma semaphore(%arg14 : memref<!tpu.dma_semaphore, #tpu.memory_space<semaphore_mem>>) src(%dma_wait3A_314 : memref<1048576x16xf32, #tpu.memory_space<hbm>>) dst(%dma_wait3A_308 : memref<128x16xf32, #tpu.memory_space<vmem>>)
      %dma_wait3A_315 = arith.constant 0 : i32
      %dma_wait3A_316 = arith.constant 256 : i32
      %dma_wait3A_317 = arith.constant 0 : i32
      %dma_wait3A_318 = tpu.memref_slice %arg10[%dma_wait3A_316, %dma_wait3A_317] : memref<512x16xf32, #tpu.memory_space<vmem>> -> memref<128x16xf32, #tpu.memory_space<vmem>>
      %dma_wait3A_319 = arith.constant 0 : i32
      %dma_wait3A_320 = tpu.memref_slice %arg5[%dma_wait3A_315, %dma_wait3A_319] : memref<32x128xi32, #tpu.memory_space<vmem>> -> memref<1x128xi32, #tpu.memory_space<vmem>>
      %dma_wait3A_321 = tpu.memref_squeeze %dma_wait3A_320 : memref<1x128xi32, #tpu.memory_space<vmem>> -> memref<128xi32, #tpu.memory_space<vmem>>
      %dma_wait3A_322 = arith.constant 0 : i32
      %dma_wait3A_323 = arith.constant 0 : i32
      %dma_wait3A_324 = tpu.memref_slice %arg2[%dma_wait3A_322, %dma_wait3A_323] : memref<1048576x16xf32, #tpu.memory_space<hbm>> -> memref<1048576x16xf32, #tpu.memory_space<hbm>>
      tpu.wait_indirect_dma semaphore(%arg14 : memref<!tpu.dma_semaphore, #tpu.memory_space<semaphore_mem>>) src(%dma_wait3A_324 : memref<1048576x16xf32, #tpu.memory_space<hbm>>) dst(%dma_wait3A_318 : memref<128x16xf32, #tpu.memory_space<vmem>>)
      %dma_wait3A_325 = arith.constant 0 : i32
      %dma_wait3A_326 = arith.constant 384 : i32
      %dma_wait3A_327 = arith.constant 0 : i32
      %dma_wait3A_328 = tpu.memref_slice %arg10[%dma_wait3A_326, %dma_wait3A_327] : memref<512x16xf32, #tpu.memory_space<vmem>> -> memref<128x16xf32, #tpu.memory_space<vmem>>
      %dma_wait3A_329 = arith.constant 0 : i32
      %dma_wait3A_330 = tpu.memref_slice %arg5[%dma_wait3A_325, %dma_wait3A_329] : memref<32x128xi32, #tpu.memory_space<vmem>> -> memref<1x128xi32, #tpu.memory_space<vmem>>
      %dma_wait3A_331 = tpu.memref_squeeze %dma_wait3A_330 : memref<1x128xi32, #tpu.memory_space<vmem>> -> memref<128xi32, #tpu.memory_space<vmem>>
      %dma_wait3A_332 = arith.constant 0 : i32
      %dma_wait3A_333 = arith.constant 0 : i32
      %dma_wait3A_334 = tpu.memref_slice %arg2[%dma_wait3A_332, %dma_wait3A_333] : memref<1048576x16xf32, #tpu.memory_space<hbm>> -> memref<1048576x16xf32, #tpu.memory_space<hbm>>
      tpu.wait_indirect_dma semaphore(%arg14 : memref<!tpu.dma_semaphore, #tpu.memory_space<semaphore_mem>>) src(%dma_wait3A_334 : memref<1048576x16xf32, #tpu.memory_space<hbm>>) dst(%dma_wait3A_328 : memref<128x16xf32, #tpu.memory_space<vmem>>)
      %lt3A_335 = arith.constant 199 : i32
      %lt3A_336 = arith.cmpi slt, %add3A_280, %lt3A_335 : i32
      %eq3A_337 = arith.constant 7 : i32
      %eq3A_338 = arith.cmpi eq, %rem3A_282, %eq3A_337 : i32
      %and3A_339 = arith.andi %lt3A_336, %eq3A_338 : i1
      %convert_element_type3A_340 = arith.extui %and3A_339 : i1 to i32
      %cond3A_341 = arith.constant 0 : i32
      %cond3A_342 = arith.cmpi ne, %convert_element_type3A_340, %cond3A_341 : i32
      scf.if %cond3A_342 {
        %eq3A_424 = arith.constant 0 : i32
        %eq3A_425 = arith.cmpi eq, %rem3A_286, %eq3A_424 : i32
        %convert_element_type3A_426 = arith.extui %eq3A_425 : i1 to i32
        %cond3A_427 = arith.constant 0 : i32
        %cond3A_428 = arith.cmpi ne, %convert_element_type3A_426, %cond3A_427 : i32
        scf.if %cond3A_428 {
          %dma_wait3A_441 = arith.constant 0 : i32
          %dma_wait3A_442 = arith.constant 0 : i32
          %dma_wait3A_443 = tpu.memref_slice %arg3[%dma_wait3A_441, %dma_wait3A_442] : memref<25600x128xi32, #tpu.memory_space<hbm>> -> memref<32x128xi32, #tpu.memory_space<hbm>>
          %dma_wait3A_444 = arith.constant 0 : i32
          %dma_wait3A_445 = arith.constant 0 : i32
          %dma_wait3A_446 = tpu.memref_slice %arg3[%dma_wait3A_444, %dma_wait3A_445] : memref<25600x128xi32, #tpu.memory_space<hbm>> -> memref<32x128xi32, #tpu.memory_space<hbm>>
          tpu.wait_dma2 semaphore(%arg8 : memref<!tpu.dma_semaphore, #tpu.memory_space<semaphore_mem>>) src(%dma_wait3A_446 : memref<32x128xi32, #tpu.memory_space<hbm>>) dst(%arg6 : memref<32x128xi32, #tpu.memory_space<vmem>>)
          %add3A_447 = arith.constant 1 : i32
          %add3A_448 = arith.addi %add3A_280, %add3A_447 : i32
          %rem3A_449 = arith.constant 8 : i32
          %rem3A_450 = arith.remsi %add3A_448, %rem3A_449 : i32
          %add3A_451 = arith.constant 0 : i32
          %add3A_452 = arith.addi %add3A_451, %rem3A_450 : i32
          %dma_start3A_453 = arith.constant 0 : i32
          %dma_start3A_454 = arith.constant 0 : i32
          %dma_start3A_455 = tpu.memref_slice %arg9[%dma_start3A_453, %dma_start3A_454] : memref<512x16xf32, #tpu.memory_space<vmem>> -> memref<128x16xf32, #tpu.memory_space<vmem>>
          %dma_start3A_456 = arith.constant 0 : i32
          %dma_start3A_457 = tpu.memref_slice %arg6[%add3A_452, %dma_start3A_456] : memref<32x128xi32, #tpu.memory_space<vmem>> -> memref<1x128xi32, #tpu.memory_space<vmem>>
          %dma_start3A_458 = tpu.memref_squeeze %dma_start3A_457 : memref<1x128xi32, #tpu.memory_space<vmem>> -> memref<128xi32, #tpu.memory_space<vmem>>
          %dma_start3A_459 = arith.constant 0 : i32
          %dma_start3A_460 = arith.constant 0 : i32
          %dma_start3A_461 = tpu.memref_slice %arg2[%dma_start3A_459, %dma_start3A_460] : memref<1048576x16xf32, #tpu.memory_space<hbm>> -> memref<1048576x16xf32, #tpu.memory_space<hbm>>
          tpu.enqueue_indirect_dma source(%dma_start3A_461 : memref<1048576x16xf32, #tpu.memory_space<hbm>>) target(%dma_start3A_455 : memref<128x16xf32, #tpu.memory_space<vmem>>) offsets(%dma_start3A_458 : memref<128xi32, #tpu.memory_space<vmem>>) semaphore(%arg13 : memref<!tpu.dma_semaphore, #tpu.memory_space<semaphore_mem>>)
          %add3A_462 = arith.constant 8 : i32
          %add3A_463 = arith.addi %add3A_462, %rem3A_450 : i32
          %dma_start3A_464 = arith.constant 128 : i32
          %dma_start3A_465 = arith.constant 0 : i32
          %dma_start3A_466 = tpu.memref_slice %arg9[%dma_start3A_464, %dma_start3A_465] : memref<512x16xf32, #tpu.memory_space<vmem>> -> memref<128x16xf32, #tpu.memory_space<vmem>>
          %dma_start3A_467 = arith.constant 0 : i32
          %dma_start3A_468 = tpu.memref_slice %arg6[%add3A_463, %dma_start3A_467] : memref<32x128xi32, #tpu.memory_space<vmem>> -> memref<1x128xi32, #tpu.memory_space<vmem>>
          %dma_start3A_469 = tpu.memref_squeeze %dma_start3A_468 : memref<1x128xi32, #tpu.memory_space<vmem>> -> memref<128xi32, #tpu.memory_space<vmem>>
          %dma_start3A_470 = arith.constant 0 : i32
          %dma_start3A_471 = arith.constant 0 : i32
          %dma_start3A_472 = tpu.memref_slice %arg2[%dma_start3A_470, %dma_start3A_471] : memref<1048576x16xf32, #tpu.memory_space<hbm>> -> memref<1048576x16xf32, #tpu.memory_space<hbm>>
          tpu.enqueue_indirect_dma source(%dma_start3A_472 : memref<1048576x16xf32, #tpu.memory_space<hbm>>) target(%dma_start3A_466 : memref<128x16xf32, #tpu.memory_space<vmem>>) offsets(%dma_start3A_469 : memref<128xi32, #tpu.memory_space<vmem>>) semaphore(%arg13 : memref<!tpu.dma_semaphore, #tpu.memory_space<semaphore_mem>>)
          %add3A_473 = arith.constant 16 : i32
          %add3A_474 = arith.addi %add3A_473, %rem3A_450 : i32
          %dma_start3A_475 = arith.constant 256 : i32
          %dma_start3A_476 = arith.constant 0 : i32
          %dma_start3A_477 = tpu.memref_slice %arg9[%dma_start3A_475, %dma_start3A_476] : memref<512x16xf32, #tpu.memory_space<vmem>> -> memref<128x16xf32, #tpu.memory_space<vmem>>
          %dma_start3A_478 = arith.constant 0 : i32
          %dma_start3A_479 = tpu.memref_slice %arg6[%add3A_474, %dma_start3A_478] : memref<32x128xi32, #tpu.memory_space<vmem>> -> memref<1x128xi32, #tpu.memory_space<vmem>>
          %dma_start3A_480 = tpu.memref_squeeze %dma_start3A_479 : memref<1x128xi32, #tpu.memory_space<vmem>> -> memref<128xi32, #tpu.memory_space<vmem>>
          %dma_start3A_481 = arith.constant 0 : i32
          %dma_start3A_482 = arith.constant 0 : i32
          %dma_start3A_483 = tpu.memref_slice %arg2[%dma_start3A_481, %dma_start3A_482] : memref<1048576x16xf32, #tpu.memory_space<hbm>> -> memref<1048576x16xf32, #tpu.memory_space<hbm>>
          tpu.enqueue_indirect_dma source(%dma_start3A_483 : memref<1048576x16xf32, #tpu.memory_space<hbm>>) target(%dma_start3A_477 : memref<128x16xf32, #tpu.memory_space<vmem>>) offsets(%dma_start3A_480 : memref<128xi32, #tpu.memory_space<vmem>>) semaphore(%arg13 : memref<!tpu.dma_semaphore, #tpu.memory_space<semaphore_mem>>)
          %add3A_484 = arith.constant 24 : i32
          %add3A_485 = arith.addi %add3A_484, %rem3A_450 : i32
          %dma_start3A_486 = arith.constant 384 : i32
          %dma_start3A_487 = arith.constant 0 : i32
          %dma_start3A_488 = tpu.memref_slice %arg9[%dma_start3A_486, %dma_start3A_487] : memref<512x16xf32, #tpu.memory_space<vmem>> -> memref<128x16xf32, #tpu.memory_space<vmem>>
          %dma_start3A_489 = arith.constant 0 : i32
          %dma_start3A_490 = tpu.memref_slice %arg6[%add3A_485, %dma_start3A_489] : memref<32x128xi32, #tpu.memory_space<vmem>> -> memref<1x128xi32, #tpu.memory_space<vmem>>
          %dma_start3A_491 = tpu.memref_squeeze %dma_start3A_490 : memref<1x128xi32, #tpu.memory_space<vmem>> -> memref<128xi32, #tpu.memory_space<vmem>>
          %dma_start3A_492 = arith.constant 0 : i32
          %dma_start3A_493 = arith.constant 0 : i32
          %dma_start3A_494 = tpu.memref_slice %arg2[%dma_start3A_492, %dma_start3A_493] : memref<1048576x16xf32, #tpu.memory_space<hbm>> -> memref<1048576x16xf32, #tpu.memory_space<hbm>>
          tpu.enqueue_indirect_dma source(%dma_start3A_494 : memref<1048576x16xf32, #tpu.memory_space<hbm>>) target(%dma_start3A_488 : memref<128x16xf32, #tpu.memory_space<vmem>>) offsets(%dma_start3A_491 : memref<128xi32, #tpu.memory_space<vmem>>) semaphore(%arg13 : memref<!tpu.dma_semaphore, #tpu.memory_space<semaphore_mem>>)
        } else {
        }
        %eq3A_429 = arith.constant 1 : i32
        %eq3A_430 = arith.cmpi eq, %rem3A_286, %eq3A_429 : i32
        %convert_element_type3A_431 = arith.extui %eq3A_430 : i1 to i32
        %cond3A_432 = arith.constant 0 : i32
        %cond3A_433 = arith.cmpi ne, %convert_element_type3A_431, %cond3A_432 : i32
        scf.if %cond3A_433 {
          %dma_wait3A_441 = arith.constant 0 : i32
          %dma_wait3A_442 = arith.constant 0 : i32
          %dma_wait3A_443 = tpu.memref_slice %arg3[%dma_wait3A_441, %dma_wait3A_442] : memref<25600x128xi32, #tpu.memory_space<hbm>> -> memref<32x128xi32, #tpu.memory_space<hbm>>
          %dma_wait3A_444 = arith.constant 0 : i32
          %dma_wait3A_445 = arith.constant 0 : i32
          %dma_wait3A_446 = tpu.memref_slice %arg3[%dma_wait3A_444, %dma_wait3A_445] : memref<25600x128xi32, #tpu.memory_space<hbm>> -> memref<32x128xi32, #tpu.memory_space<hbm>>
          tpu.wait_dma2 semaphore(%arg7 : memref<!tpu.dma_semaphore, #tpu.memory_space<semaphore_mem>>) src(%dma_wait3A_446 : memref<32x128xi32, #tpu.memory_space<hbm>>) dst(%arg5 : memref<32x128xi32, #tpu.memory_space<vmem>>)
          %add3A_447 = arith.constant 1 : i32
          %add3A_448 = arith.addi %add3A_280, %add3A_447 : i32
          %rem3A_449 = arith.constant 8 : i32
          %rem3A_450 = arith.remsi %add3A_448, %rem3A_449 : i32
          %add3A_451 = arith.constant 0 : i32
          %add3A_452 = arith.addi %add3A_451, %rem3A_450 : i32
          %dma_start3A_453 = arith.constant 0 : i32
          %dma_start3A_454 = arith.constant 0 : i32
          %dma_start3A_455 = tpu.memref_slice %arg9[%dma_start3A_453, %dma_start3A_454] : memref<512x16xf32, #tpu.memory_space<vmem>> -> memref<128x16xf32, #tpu.memory_space<vmem>>
          %dma_start3A_456 = arith.constant 0 : i32
          %dma_start3A_457 = tpu.memref_slice %arg5[%add3A_452, %dma_start3A_456] : memref<32x128xi32, #tpu.memory_space<vmem>> -> memref<1x128xi32, #tpu.memory_space<vmem>>
          %dma_start3A_458 = tpu.memref_squeeze %dma_start3A_457 : memref<1x128xi32, #tpu.memory_space<vmem>> -> memref<128xi32, #tpu.memory_space<vmem>>
          %dma_start3A_459 = arith.constant 0 : i32
          %dma_start3A_460 = arith.constant 0 : i32
          %dma_start3A_461 = tpu.memref_slice %arg2[%dma_start3A_459, %dma_start3A_460] : memref<1048576x16xf32, #tpu.memory_space<hbm>> -> memref<1048576x16xf32, #tpu.memory_space<hbm>>
          tpu.enqueue_indirect_dma source(%dma_start3A_461 : memref<1048576x16xf32, #tpu.memory_space<hbm>>) target(%dma_start3A_455 : memref<128x16xf32, #tpu.memory_space<vmem>>) offsets(%dma_start3A_458 : memref<128xi32, #tpu.memory_space<vmem>>) semaphore(%arg13 : memref<!tpu.dma_semaphore, #tpu.memory_space<semaphore_mem>>)
          %add3A_462 = arith.constant 8 : i32
          %add3A_463 = arith.addi %add3A_462, %rem3A_450 : i32
          %dma_start3A_464 = arith.constant 128 : i32
          %dma_start3A_465 = arith.constant 0 : i32
          %dma_start3A_466 = tpu.memref_slice %arg9[%dma_start3A_464, %dma_start3A_465] : memref<512x16xf32, #tpu.memory_space<vmem>> -> memref<128x16xf32, #tpu.memory_space<vmem>>
          %dma_start3A_467 = arith.constant 0 : i32
          %dma_start3A_468 = tpu.memref_slice %arg5[%add3A_463, %dma_start3A_467] : memref<32x128xi32, #tpu.memory_space<vmem>> -> memref<1x128xi32, #tpu.memory_space<vmem>>
          %dma_start3A_469 = tpu.memref_squeeze %dma_start3A_468 : memref<1x128xi32, #tpu.memory_space<vmem>> -> memref<128xi32, #tpu.memory_space<vmem>>
          %dma_start3A_470 = arith.constant 0 : i32
          %dma_start3A_471 = arith.constant 0 : i32
          %dma_start3A_472 = tpu.memref_slice %arg2[%dma_start3A_470, %dma_start3A_471] : memref<1048576x16xf32, #tpu.memory_space<hbm>> -> memref<1048576x16xf32, #tpu.memory_space<hbm>>
          tpu.enqueue_indirect_dma source(%dma_start3A_472 : memref<1048576x16xf32, #tpu.memory_space<hbm>>) target(%dma_start3A_466 : memref<128x16xf32, #tpu.memory_space<vmem>>) offsets(%dma_start3A_469 : memref<128xi32, #tpu.memory_space<vmem>>) semaphore(%arg13 : memref<!tpu.dma_semaphore, #tpu.memory_space<semaphore_mem>>)
          %add3A_473 = arith.constant 16 : i32
          %add3A_474 = arith.addi %add3A_473, %rem3A_450 : i32
          %dma_start3A_475 = arith.constant 256 : i32
          %dma_start3A_476 = arith.constant 0 : i32
          %dma_start3A_477 = tpu.memref_slice %arg9[%dma_start3A_475, %dma_start3A_476] : memref<512x16xf32, #tpu.memory_space<vmem>> -> memref<128x16xf32, #tpu.memory_space<vmem>>
          %dma_start3A_478 = arith.constant 0 : i32
          %dma_start3A_479 = tpu.memref_slice %arg5[%add3A_474, %dma_start3A_478] : memref<32x128xi32, #tpu.memory_space<vmem>> -> memref<1x128xi32, #tpu.memory_space<vmem>>
          %dma_start3A_480 = tpu.memref_squeeze %dma_start3A_479 : memref<1x128xi32, #tpu.memory_space<vmem>> -> memref<128xi32, #tpu.memory_space<vmem>>
          %dma_start3A_481 = arith.constant 0 : i32
          %dma_start3A_482 = arith.constant 0 : i32
          %dma_start3A_483 = tpu.memref_slice %arg2[%dma_start3A_481, %dma_start3A_482] : memref<1048576x16xf32, #tpu.memory_space<hbm>> -> memref<1048576x16xf32, #tpu.memory_space<hbm>>
          tpu.enqueue_indirect_dma source(%dma_start3A_483 : memref<1048576x16xf32, #tpu.memory_space<hbm>>) target(%dma_start3A_477 : memref<128x16xf32, #tpu.memory_space<vmem>>) offsets(%dma_start3A_480 : memref<128xi32, #tpu.memory_space<vmem>>) semaphore(%arg13 : memref<!tpu.dma_semaphore, #tpu.memory_space<semaphore_mem>>)
          %add3A_484 = arith.constant 24 : i32
          %add3A_485 = arith.addi %add3A_484, %rem3A_450 : i32
          %dma_start3A_486 = arith.constant 384 : i32
          %dma_start3A_487 = arith.constant 0 : i32
          %dma_start3A_488 = tpu.memref_slice %arg9[%dma_start3A_486, %dma_start3A_487] : memref<512x16xf32, #tpu.memory_space<vmem>> -> memref<128x16xf32, #tpu.memory_space<vmem>>
          %dma_start3A_489 = arith.constant 0 : i32
          %dma_start3A_490 = tpu.memref_slice %arg5[%add3A_485, %dma_start3A_489] : memref<32x128xi32, #tpu.memory_space<vmem>> -> memref<1x128xi32, #tpu.memory_space<vmem>>
          %dma_start3A_491 = tpu.memref_squeeze %dma_start3A_490 : memref<1x128xi32, #tpu.memory_space<vmem>> -> memref<128xi32, #tpu.memory_space<vmem>>
          %dma_start3A_492 = arith.constant 0 : i32
          %dma_start3A_493 = arith.constant 0 : i32
          %dma_start3A_494 = tpu.memref_slice %arg2[%dma_start3A_492, %dma_start3A_493] : memref<1048576x16xf32, #tpu.memory_space<hbm>> -> memref<1048576x16xf32, #tpu.memory_space<hbm>>
          tpu.enqueue_indirect_dma source(%dma_start3A_494 : memref<1048576x16xf32, #tpu.memory_space<hbm>>) target(%dma_start3A_488 : memref<128x16xf32, #tpu.memory_space<vmem>>) offsets(%dma_start3A_491 : memref<128xi32, #tpu.memory_space<vmem>>) semaphore(%arg13 : memref<!tpu.dma_semaphore, #tpu.memory_space<semaphore_mem>>)
        } else {
        }
        %add3A_434 = arith.constant 2 : i32
        %add3A_435 = arith.addi %div3A_284, %add3A_434 : i32
        %lt3A_436 = arith.constant 25 : i32
        %lt3A_437 = arith.cmpi slt, %add3A_435, %lt3A_436 : i32
        %convert_element_type3A_438 = arith.extui %lt3A_437 : i1 to i32
        %cond3A_439 = arith.constant 0 : i32
        %cond3A_440 = arith.cmpi ne, %convert_element_type3A_438, %cond3A_439 : i32
        scf.if %cond3A_440 {
          %eq3A_441 = arith.constant 0 : i32
          %eq3A_442 = arith.cmpi eq, %rem3A_286, %eq3A_441 : i32
          %convert_element_type3A_443 = arith.extui %eq3A_442 : i1 to i32
          %cond3A_444 = arith.constant 0 : i32
          %cond3A_445 = arith.cmpi ne, %convert_element_type3A_443, %cond3A_444 : i32
          scf.if %cond3A_445 {
            %add3A_451 = arith.constant 2 : i32
            %add3A_452 = arith.addi %div3A_284, %add3A_451 : i32
            %mul3A_453 = arith.constant 1024 : i32
            %mul3A_454 = arith.muli %add3A_452, %mul3A_453 : i32
            %mul3A_455 = arith.constant 32 : i32
            %mul3A_456 = arith.muli %add3A, %mul3A_455 : i32
            %add3A_457 = arith.addi %mul3A_454, %mul3A_456 : i32
            %dma_start3A_458 = arith.constant 0 : i32
            %dma_start3A_459 = tpu.memref_slice %arg3[%add3A_457, %dma_start3A_458] : memref<25600x128xi32, #tpu.memory_space<hbm>> -> memref<32x128xi32, #tpu.memory_space<hbm>>
            %dma_start3A_460 = arith.constant 0 : i32
            %dma_start3A_461 = tpu.memref_slice %arg3[%add3A_457, %dma_start3A_460] : memref<25600x128xi32, #tpu.memory_space<hbm>> -> memref<32x128xi32, #tpu.memory_space<hbm>>
            tpu.enqueue_dma source(%dma_start3A_461 : memref<32x128xi32, #tpu.memory_space<hbm>>) target(%arg5 : memref<32x128xi32, #tpu.memory_space<vmem>>) target_semaphore(%arg7 : memref<!tpu.dma_semaphore, #tpu.memory_space<semaphore_mem>>)
          } else {
          }
          %eq3A_446 = arith.constant 1 : i32
          %eq3A_447 = arith.cmpi eq, %rem3A_286, %eq3A_446 : i32
          %convert_element_type3A_448 = arith.extui %eq3A_447 : i1 to i32
          %cond3A_449 = arith.constant 0 : i32
          %cond3A_450 = arith.cmpi ne, %convert_element_type3A_448, %cond3A_449 : i32
          scf.if %cond3A_450 {
            %add3A_451 = arith.constant 2 : i32
            %add3A_452 = arith.addi %div3A_284, %add3A_451 : i32
            %mul3A_453 = arith.constant 1024 : i32
            %mul3A_454 = arith.muli %add3A_452, %mul3A_453 : i32
            %mul3A_455 = arith.constant 32 : i32
            %mul3A_456 = arith.muli %add3A, %mul3A_455 : i32
            %add3A_457 = arith.addi %mul3A_454, %mul3A_456 : i32
            %dma_start3A_458 = arith.constant 0 : i32
            %dma_start3A_459 = tpu.memref_slice %arg3[%add3A_457, %dma_start3A_458] : memref<25600x128xi32, #tpu.memory_space<hbm>> -> memref<32x128xi32, #tpu.memory_space<hbm>>
            %dma_start3A_460 = arith.constant 0 : i32
            %dma_start3A_461 = tpu.memref_slice %arg3[%add3A_457, %dma_start3A_460] : memref<25600x128xi32, #tpu.memory_space<hbm>> -> memref<32x128xi32, #tpu.memory_space<hbm>>
            tpu.enqueue_dma source(%dma_start3A_461 : memref<32x128xi32, #tpu.memory_space<hbm>>) target(%arg6 : memref<32x128xi32, #tpu.memory_space<vmem>>) target_semaphore(%arg8 : memref<!tpu.dma_semaphore, #tpu.memory_space<semaphore_mem>>)
          } else {
          }
        } else {
        }
      } else {
      }
      %ge3A_343 = arith.constant 2 : i32
      %ge3A_344 = arith.cmpi sge, %add3A_280, %ge3A_343 : i32
      %convert_element_type3A_345 = arith.extui %ge3A_344 : i1 to i32
      %cond3A_346 = arith.constant 0 : i32
      %cond3A_347 = arith.cmpi ne, %convert_element_type3A_345, %cond3A_346 : i32
      scf.if %cond3A_347 {
        %dma_wait3A_424 = arith.constant 0 : i32
        %dma_wait3A_425 = arith.constant 0 : i32
        %dma_wait3A_426 = arith.constant 0 : i32
        %dma_wait3A_427 = tpu.memref_slice %arg12[%dma_wait3A_424, %dma_wait3A_425, %dma_wait3A_426] : memref<2x40x129xf32, #tpu.memory_space<vmem>> -> memref<1x32x128xf32, #tpu.memory_space<vmem>>
        %dma_wait3A_428 = tpu.memref_squeeze %dma_wait3A_427 : memref<1x32x128xf32, #tpu.memory_space<vmem>> -> memref<32x128xf32, #tpu.memory_space<vmem>>
        %dma_wait3A_429 = arith.constant 0 : i32
        %dma_wait3A_430 = arith.constant 0 : i32
        %dma_wait3A_431 = tpu.memref_slice %arg4[%dma_wait3A_429, %dma_wait3A_430] : memref<409600x128xf32, #tpu.memory_space<hbm>> -> memref<32x128xf32, #tpu.memory_space<hbm>>
        %dma_wait3A_432 = arith.constant 0 : i32
        %dma_wait3A_433 = arith.constant 0 : i32
        %dma_wait3A_434 = tpu.memref_slice %arg4[%dma_wait3A_432, %dma_wait3A_433] : memref<409600x128xf32, #tpu.memory_space<hbm>> -> memref<32x128xf32, #tpu.memory_space<hbm>>
        %dma_wait3A_435 = arith.constant 0 : i32
        %dma_wait3A_436 = arith.constant 0 : i32
        %dma_wait3A_437 = tpu.memref_slice %arg12[%dma_wait3A_424, %dma_wait3A_435, %dma_wait3A_436] : memref<2x40x129xf32, #tpu.memory_space<vmem>> -> memref<1x32x128xf32, #tpu.memory_space<vmem>>
        %dma_wait3A_438 = tpu.memref_squeeze %dma_wait3A_437 : memref<1x32x128xf32, #tpu.memory_space<vmem>> -> memref<32x128xf32, #tpu.memory_space<vmem>>
        tpu.wait_dma2 semaphore(%arg16 : memref<!tpu.dma_semaphore, #tpu.memory_space<semaphore_mem>>) src(%dma_wait3A_438 : memref<32x128xf32, #tpu.memory_space<vmem>>) dst(%dma_wait3A_434 : memref<32x128xf32, #tpu.memory_space<hbm>>)
        %dma_wait3A_439 = arith.constant 1 : i32
        %dma_wait3A_440 = arith.constant 0 : i32
        %dma_wait3A_441 = arith.constant 0 : i32
        %dma_wait3A_442 = tpu.memref_slice %arg12[%dma_wait3A_439, %dma_wait3A_440, %dma_wait3A_441] : memref<2x40x129xf32, #tpu.memory_space<vmem>> -> memref<1x32x128xf32, #tpu.memory_space<vmem>>
        %dma_wait3A_443 = tpu.memref_squeeze %dma_wait3A_442 : memref<1x32x128xf32, #tpu.memory_space<vmem>> -> memref<32x128xf32, #tpu.memory_space<vmem>>
        %dma_wait3A_444 = arith.constant 0 : i32
        %dma_wait3A_445 = arith.constant 0 : i32
        %dma_wait3A_446 = tpu.memref_slice %arg4[%dma_wait3A_444, %dma_wait3A_445] : memref<409600x128xf32, #tpu.memory_space<hbm>> -> memref<32x128xf32, #tpu.memory_space<hbm>>
        %dma_wait3A_447 = arith.constant 0 : i32
        %dma_wait3A_448 = arith.constant 0 : i32
        %dma_wait3A_449 = tpu.memref_slice %arg4[%dma_wait3A_447, %dma_wait3A_448] : memref<409600x128xf32, #tpu.memory_space<hbm>> -> memref<32x128xf32, #tpu.memory_space<hbm>>
        %dma_wait3A_450 = arith.constant 0 : i32
        %dma_wait3A_451 = arith.constant 0 : i32
        %dma_wait3A_452 = tpu.memref_slice %arg12[%dma_wait3A_439, %dma_wait3A_450, %dma_wait3A_451] : memref<2x40x129xf32, #tpu.memory_space<vmem>> -> memref<1x32x128xf32, #tpu.memory_space<vmem>>
        %dma_wait3A_453 = tpu.memref_squeeze %dma_wait3A_452 : memref<1x32x128xf32, #tpu.memory_space<vmem>> -> memref<32x128xf32, #tpu.memory_space<vmem>>
        tpu.wait_dma2 semaphore(%arg16 : memref<!tpu.dma_semaphore, #tpu.memory_space<semaphore_mem>>) src(%dma_wait3A_453 : memref<32x128xf32, #tpu.memory_space<vmem>>) dst(%dma_wait3A_449 : memref<32x128xf32, #tpu.memory_space<hbm>>)
      } else {
      }
      %add3A_348 = arith.constant 0 : i32
      %add3A_349 = vector.broadcast %add3A_348 : i32 to vector<16xi32>
      %add3A_350 = arith.addi %and3A_4, %add3A_349 : vector<16xi32>
      %scan3A_351 = arith.constant 0 : i32
      %scan3A_352 = arith.constant 0 : i32
      %scan3A_353 = arith.constant 16 : i32
      %scan3A_354 = arith.addi %scan3A_352, %scan3A_353 : i32
      %scan3A_355 = arith.constant 1 : i32
      scf.for %scan3A_424 = %scan3A_352 to %scan3A_354 step %scan3A_355  : i32 {
        %mul3A_425 = arith.constant 8 : i32
        %mul3A_426 = arith.muli %scan3A_424, %mul3A_425 : i32
        %add3A_427 = arith.constant 0 : i32
        %add3A_428 = arith.addi %add3A_427, %mul3A_426 : i32
        %add3A_429 = arith.constant 0 : i32
        %add3A_430 = arith.addi %add3A_428, %add3A_429 : i32
        %get3A = arith.index_cast %add3A_430 : i32 to index
        %get3A_431 = arith.constant 0 : index
        %get3A_432 = tpu.vector_load %arg10[%get3A, %get3A_431] {strides = array<i32>} : memref<512x16xf32, #tpu.memory_space<vmem>>, vector<16xf32>,
        %broadcast_in_dim3A = arith.constant 0 : i32
        %broadcast_in_dim3A_433 = vector.broadcast %broadcast_in_dim3A : i32 to vector<16xi32>
        %sub3A = arith.constant 0 : i32
        %sub3A_434 = arith.subi %add3A_430, %sub3A : i32
        %add3A_435 = vector.broadcast %sub3A_434 : i32 to vector<16xi32>
        %add3A_436 = arith.addi %broadcast_in_dim3A_433, %add3A_435 : vector<16xi32>
        tpu.vector_store_idx %arg12[%shift_right_logical3A_2, %add3A_350, %add3A_436], %get3A_432 : memref<2x40x129xf32, #tpu.memory_space<vmem>>[vector<16xi32>, vector<16xi32>, vector<16xi32>], vector<16xf32>,
        %add3A_437 = arith.constant 1 : i32
        %add3A_438 = arith.addi %add3A_428, %add3A_437 : i32
        %get3A_439 = arith.index_cast %add3A_438 : i32 to index
        %get3A_440 = arith.constant 0 : index
        %get3A_441 = tpu.vector_load %arg10[%get3A_439, %get3A_440] {strides = array<i32>} : memref<512x16xf32, #tpu.memory_space<vmem>>, vector<16xf32>,
        %broadcast_in_dim3A_442 = arith.constant 0 : i32
        %broadcast_in_dim3A_443 = vector.broadcast %broadcast_in_dim3A_442 : i32 to vector<16xi32>
        %sub3A_444 = arith.constant 0 : i32
        %sub3A_445 = arith.subi %add3A_438, %sub3A_444 : i32
        %add3A_446 = vector.broadcast %sub3A_445 : i32 to vector<16xi32>
        %add3A_447 = arith.addi %broadcast_in_dim3A_443, %add3A_446 : vector<16xi32>
        tpu.vector_store_idx %arg12[%shift_right_logical3A_2, %add3A_350, %add3A_447], %get3A_441 : memref<2x40x129xf32, #tpu.memory_space<vmem>>[vector<16xi32>, vector<16xi32>, vector<16xi32>], vector<16xf32>,
        %add3A_448 = arith.constant 2 : i32
        %add3A_449 = arith.addi %add3A_428, %add3A_448 : i32
        %get3A_450 = arith.index_cast %add3A_449 : i32 to index
        %get3A_451 = arith.constant 0 : index
        %get3A_452 = tpu.vector_load %arg10[%get3A_450, %get3A_451] {strides = array<i32>} : memref<512x16xf32, #tpu.memory_space<vmem>>, vector<16xf32>,
        %broadcast_in_dim3A_453 = arith.constant 0 : i32
        %broadcast_in_dim3A_454 = vector.broadcast %broadcast_in_dim3A_453 : i32 to vector<16xi32>
        %sub3A_455 = arith.constant 0 : i32
        %sub3A_456 = arith.subi %add3A_449, %sub3A_455 : i32
        %add3A_457 = vector.broadcast %sub3A_456 : i32 to vector<16xi32>
        %add3A_458 = arith.addi %broadcast_in_dim3A_454, %add3A_457 : vector<16xi32>
        tpu.vector_store_idx %arg12[%shift_right_logical3A_2, %add3A_350, %add3A_458], %get3A_452 : memref<2x40x129xf32, #tpu.memory_space<vmem>>[vector<16xi32>, vector<16xi32>, vector<16xi32>], vector<16xf32>,
        %add3A_459 = arith.constant 3 : i32
        %add3A_460 = arith.addi %add3A_428, %add3A_459 : i32
        %get3A_461 = arith.index_cast %add3A_460 : i32 to index
        %get3A_462 = arith.constant 0 : index
        %get3A_463 = tpu.vector_load %arg10[%get3A_461, %get3A_462] {strides = array<i32>} : memref<512x16xf32, #tpu.memory_space<vmem>>, vector<16xf32>,
        %broadcast_in_dim3A_464 = arith.constant 0 : i32
        %broadcast_in_dim3A_465 = vector.broadcast %broadcast_in_dim3A_464 : i32 to vector<16xi32>
        %sub3A_466 = arith.constant 0 : i32
        %sub3A_467 = arith.subi %add3A_460, %sub3A_466 : i32
        %add3A_468 = vector.broadcast %sub3A_467 : i32 to vector<16xi32>
        %add3A_469 = arith.addi %broadcast_in_dim3A_465, %add3A_468 : vector<16xi32>
        tpu.vector_store_idx %arg12[%shift_right_logical3A_2, %add3A_350, %add3A_469], %get3A_463 : memref<2x40x129xf32, #tpu.memory_space<vmem>>[vector<16xi32>, vector<16xi32>, vector<16xi32>], vector<16xf32>,
        %add3A_470 = arith.constant 4 : i32
        %add3A_471 = arith.addi %add3A_428, %add3A_470 : i32
        %get3A_472 = arith.index_cast %add3A_471 : i32 to index
        %get3A_473 = arith.constant 0 : index
        %get3A_474 = tpu.vector_load %arg10[%get3A_472, %get3A_473] {strides = array<i32>} : memref<512x16xf32, #tpu.memory_space<vmem>>, vector<16xf32>,
        %broadcast_in_dim3A_475 = arith.constant 0 : i32
        %broadcast_in_dim3A_476 = vector.broadcast %broadcast_in_dim3A_475 : i32 to vector<16xi32>
        %sub3A_477 = arith.constant 0 : i32
        %sub3A_478 = arith.subi %add3A_471, %sub3A_477 : i32
        %add3A_479 = vector.broadcast %sub3A_478 : i32 to vector<16xi32>
        %add3A_480 = arith.addi %broadcast_in_dim3A_476, %add3A_479 : vector<16xi32>
        tpu.vector_store_idx %arg12[%shift_right_logical3A_2, %add3A_350, %add3A_480], %get3A_474 : memref<2x40x129xf32, #tpu.memory_space<vmem>>[vector<16xi32>, vector<16xi32>, vector<16xi32>], vector<16xf32>,
        %add3A_481 = arith.constant 5 : i32
        %add3A_482 = arith.addi %add3A_428, %add3A_481 : i32
        %get3A_483 = arith.index_cast %add3A_482 : i32 to index
        %get3A_484 = arith.constant 0 : index
        %get3A_485 = tpu.vector_load %arg10[%get3A_483, %get3A_484] {strides = array<i32>} : memref<512x16xf32, #tpu.memory_space<vmem>>, vector<16xf32>,
        %broadcast_in_dim3A_486 = arith.constant 0 : i32
        %broadcast_in_dim3A_487 = vector.broadcast %broadcast_in_dim3A_486 : i32 to vector<16xi32>
        %sub3A_488 = arith.constant 0 : i32
        %sub3A_489 = arith.subi %add3A_482, %sub3A_488 : i32
        %add3A_490 = vector.broadcast %sub3A_489 : i32 to vector<16xi32>
        %add3A_491 = arith.addi %broadcast_in_dim3A_487, %add3A_490 : vector<16xi32>
        tpu.vector_store_idx %arg12[%shift_right_logical3A_2, %add3A_350, %add3A_491], %get3A_485 : memref<2x40x129xf32, #tpu.memory_space<vmem>>[vector<16xi32>, vector<16xi32>, vector<16xi32>], vector<16xf32>,
        %add3A_492 = arith.constant 6 : i32
        %add3A_493 = arith.addi %add3A_428, %add3A_492 : i32
        %get3A_494 = arith.index_cast %add3A_493 : i32 to index
        %get3A_495 = arith.constant 0 : index
        %get3A_496 = tpu.vector_load %arg10[%get3A_494, %get3A_495] {strides = array<i32>} : memref<512x16xf32, #tpu.memory_space<vmem>>, vector<16xf32>,
        %broadcast_in_dim3A_497 = arith.constant 0 : i32
        %broadcast_in_dim3A_498 = vector.broadcast %broadcast_in_dim3A_497 : i32 to vector<16xi32>
        %sub3A_499 = arith.constant 0 : i32
        %sub3A_500 = arith.subi %add3A_493, %sub3A_499 : i32
        %add3A_501 = vector.broadcast %sub3A_500 : i32 to vector<16xi32>
        %add3A_502 = arith.addi %broadcast_in_dim3A_498, %add3A_501 : vector<16xi32>
        tpu.vector_store_idx %arg12[%shift_right_logical3A_2, %add3A_350, %add3A_502], %get3A_496 : memref<2x40x129xf32, #tpu.memory_space<vmem>>[vector<16xi32>, vector<16xi32>, vector<16xi32>], vector<16xf32>,
        %add3A_503 = arith.constant 7 : i32
        %add3A_504 = arith.addi %add3A_428, %add3A_503 : i32
        %get3A_505 = arith.index_cast %add3A_504 : i32 to index
        %get3A_506 = arith.constant 0 : index
        %get3A_507 = tpu.vector_load %arg10[%get3A_505, %get3A_506] {strides = array<i32>} : memref<512x16xf32, #tpu.memory_space<vmem>>, vector<16xf32>,
        %broadcast_in_dim3A_508 = arith.constant 0 : i32
        %broadcast_in_dim3A_509 = vector.broadcast %broadcast_in_dim3A_508 : i32 to vector<16xi32>
        %sub3A_510 = arith.constant 0 : i32
        %sub3A_511 = arith.subi %add3A_504, %sub3A_510 : i32
        %add3A_512 = vector.broadcast %sub3A_511 : i32 to vector<16xi32>
        %add3A_513 = arith.addi %broadcast_in_dim3A_509, %add3A_512 : vector<16xi32>
        tpu.vector_store_idx %arg12[%shift_right_logical3A_2, %add3A_350, %add3A_513], %get3A_507 : memref<2x40x129xf32, #tpu.memory_space<vmem>>[vector<16xi32>, vector<16xi32>, vector<16xi32>], vector<16xf32>,
      }
      %scan3A_356 = arith.constant 16 : i32
      %add3A_357 = arith.constant 8 : i32
      %add3A_358 = vector.broadcast %add3A_357 : i32 to vector<16xi32>
      %add3A_359 = arith.addi %and3A_4, %add3A_358 : vector<16xi32>
      %scan3A_360 = arith.constant 0 : i32
      %scan3A_361 = arith.constant 0 : i32
      %scan3A_362 = arith.constant 16 : i32
      %scan3A_363 = arith.addi %scan3A_361, %scan3A_362 : i32
      %scan3A_364 = arith.constant 1 : i32
      scf.for %scan3A_424 = %scan3A_361 to %scan3A_363 step %scan3A_364  : i32 {
        %mul3A_425 = arith.constant 8 : i32
        %mul3A_426 = arith.muli %scan3A_424, %mul3A_425 : i32
        %add3A_427 = arith.constant 128 : i32
        %add3A_428 = arith.addi %add3A_427, %mul3A_426 : i32
        %add3A_429 = arith.constant 0 : i32
        %add3A_430 = arith.addi %add3A_428, %add3A_429 : i32
        %get3A = arith.index_cast %add3A_430 : i32 to index
        %get3A_431 = arith.constant 0 : index
        %get3A_432 = tpu.vector_load %arg10[%get3A, %get3A_431] {strides = array<i32>} : memref<512x16xf32, #tpu.memory_space<vmem>>, vector<16xf32>,
        %broadcast_in_dim3A = arith.constant 0 : i32
        %broadcast_in_dim3A_433 = vector.broadcast %broadcast_in_dim3A : i32 to vector<16xi32>
        %sub3A = arith.constant 128 : i32
        %sub3A_434 = arith.subi %add3A_430, %sub3A : i32
        %add3A_435 = vector.broadcast %sub3A_434 : i32 to vector<16xi32>
        %add3A_436 = arith.addi %broadcast_in_dim3A_433, %add3A_435 : vector<16xi32>
        tpu.vector_store_idx %arg12[%shift_right_logical3A_2, %add3A_359, %add3A_436], %get3A_432 : memref<2x40x129xf32, #tpu.memory_space<vmem>>[vector<16xi32>, vector<16xi32>, vector<16xi32>], vector<16xf32>,
        %add3A_437 = arith.constant 1 : i32
        %add3A_438 = arith.addi %add3A_428, %add3A_437 : i32
        %get3A_439 = arith.index_cast %add3A_438 : i32 to index
        %get3A_440 = arith.constant 0 : index
        %get3A_441 = tpu.vector_load %arg10[%get3A_439, %get3A_440] {strides = array<i32>} : memref<512x16xf32, #tpu.memory_space<vmem>>, vector<16xf32>,
        %broadcast_in_dim3A_442 = arith.constant 0 : i32
        %broadcast_in_dim3A_443 = vector.broadcast %broadcast_in_dim3A_442 : i32 to vector<16xi32>
        %sub3A_444 = arith.constant 128 : i32
        %sub3A_445 = arith.subi %add3A_438, %sub3A_444 : i32
        %add3A_446 = vector.broadcast %sub3A_445 : i32 to vector<16xi32>
        %add3A_447 = arith.addi %broadcast_in_dim3A_443, %add3A_446 : vector<16xi32>
        tpu.vector_store_idx %arg12[%shift_right_logical3A_2, %add3A_359, %add3A_447], %get3A_441 : memref<2x40x129xf32, #tpu.memory_space<vmem>>[vector<16xi32>, vector<16xi32>, vector<16xi32>], vector<16xf32>,
        %add3A_448 = arith.constant 2 : i32
        %add3A_449 = arith.addi %add3A_428, %add3A_448 : i32
        %get3A_450 = arith.index_cast %add3A_449 : i32 to index
        %get3A_451 = arith.constant 0 : index
        %get3A_452 = tpu.vector_load %arg10[%get3A_450, %get3A_451] {strides = array<i32>} : memref<512x16xf32, #tpu.memory_space<vmem>>, vector<16xf32>,
        %broadcast_in_dim3A_453 = arith.constant 0 : i32
        %broadcast_in_dim3A_454 = vector.broadcast %broadcast_in_dim3A_453 : i32 to vector<16xi32>
        %sub3A_455 = arith.constant 128 : i32
        %sub3A_456 = arith.subi %add3A_449, %sub3A_455 : i32
        %add3A_457 = vector.broadcast %sub3A_456 : i32 to vector<16xi32>
        %add3A_458 = arith.addi %broadcast_in_dim3A_454, %add3A_457 : vector<16xi32>
        tpu.vector_store_idx %arg12[%shift_right_logical3A_2, %add3A_359, %add3A_458], %get3A_452 : memref<2x40x129xf32, #tpu.memory_space<vmem>>[vector<16xi32>, vector<16xi32>, vector<16xi32>], vector<16xf32>,
        %add3A_459 = arith.constant 3 : i32
        %add3A_460 = arith.addi %add3A_428, %add3A_459 : i32
        %get3A_461 = arith.index_cast %add3A_460 : i32 to index
        %get3A_462 = arith.constant 0 : index
        %get3A_463 = tpu.vector_load %arg10[%get3A_461, %get3A_462] {strides = array<i32>} : memref<512x16xf32, #tpu.memory_space<vmem>>, vector<16xf32>,
        %broadcast_in_dim3A_464 = arith.constant 0 : i32
        %broadcast_in_dim3A_465 = vector.broadcast %broadcast_in_dim3A_464 : i32 to vector<16xi32>
        %sub3A_466 = arith.constant 128 : i32
        %sub3A_467 = arith.subi %add3A_460, %sub3A_466 : i32
        %add3A_468 = vector.broadcast %sub3A_467 : i32 to vector<16xi32>
        %add3A_469 = arith.addi %broadcast_in_dim3A_465, %add3A_468 : vector<16xi32>
        tpu.vector_store_idx %arg12[%shift_right_logical3A_2, %add3A_359, %add3A_469], %get3A_463 : memref<2x40x129xf32, #tpu.memory_space<vmem>>[vector<16xi32>, vector<16xi32>, vector<16xi32>], vector<16xf32>,
        %add3A_470 = arith.constant 4 : i32
        %add3A_471 = arith.addi %add3A_428, %add3A_470 : i32
        %get3A_472 = arith.index_cast %add3A_471 : i32 to index
        %get3A_473 = arith.constant 0 : index
        %get3A_474 = tpu.vector_load %arg10[%get3A_472, %get3A_473] {strides = array<i32>} : memref<512x16xf32, #tpu.memory_space<vmem>>, vector<16xf32>,
        %broadcast_in_dim3A_475 = arith.constant 0 : i32
        %broadcast_in_dim3A_476 = vector.broadcast %broadcast_in_dim3A_475 : i32 to vector<16xi32>
        %sub3A_477 = arith.constant 128 : i32
        %sub3A_478 = arith.subi %add3A_471, %sub3A_477 : i32
        %add3A_479 = vector.broadcast %sub3A_478 : i32 to vector<16xi32>
        %add3A_480 = arith.addi %broadcast_in_dim3A_476, %add3A_479 : vector<16xi32>
        tpu.vector_store_idx %arg12[%shift_right_logical3A_2, %add3A_359, %add3A_480], %get3A_474 : memref<2x40x129xf32, #tpu.memory_space<vmem>>[vector<16xi32>, vector<16xi32>, vector<16xi32>], vector<16xf32>,
        %add3A_481 = arith.constant 5 : i32
        %add3A_482 = arith.addi %add3A_428, %add3A_481 : i32
        %get3A_483 = arith.index_cast %add3A_482 : i32 to index
        %get3A_484 = arith.constant 0 : index
        %get3A_485 = tpu.vector_load %arg10[%get3A_483, %get3A_484] {strides = array<i32>} : memref<512x16xf32, #tpu.memory_space<vmem>>, vector<16xf32>,
        %broadcast_in_dim3A_486 = arith.constant 0 : i32
        %broadcast_in_dim3A_487 = vector.broadcast %broadcast_in_dim3A_486 : i32 to vector<16xi32>
        %sub3A_488 = arith.constant 128 : i32
        %sub3A_489 = arith.subi %add3A_482, %sub3A_488 : i32
        %add3A_490 = vector.broadcast %sub3A_489 : i32 to vector<16xi32>
        %add3A_491 = arith.addi %broadcast_in_dim3A_487, %add3A_490 : vector<16xi32>
        tpu.vector_store_idx %arg12[%shift_right_logical3A_2, %add3A_359, %add3A_491], %get3A_485 : memref<2x40x129xf32, #tpu.memory_space<vmem>>[vector<16xi32>, vector<16xi32>, vector<16xi32>], vector<16xf32>,
        %add3A_492 = arith.constant 6 : i32
        %add3A_493 = arith.addi %add3A_428, %add3A_492 : i32
        %get3A_494 = arith.index_cast %add3A_493 : i32 to index
        %get3A_495 = arith.constant 0 : index
        %get3A_496 = tpu.vector_load %arg10[%get3A_494, %get3A_495] {strides = array<i32>} : memref<512x16xf32, #tpu.memory_space<vmem>>, vector<16xf32>,
        %broadcast_in_dim3A_497 = arith.constant 0 : i32
        %broadcast_in_dim3A_498 = vector.broadcast %broadcast_in_dim3A_497 : i32 to vector<16xi32>
        %sub3A_499 = arith.constant 128 : i32
        %sub3A_500 = arith.subi %add3A_493, %sub3A_499 : i32
        %add3A_501 = vector.broadcast %sub3A_500 : i32 to vector<16xi32>
        %add3A_502 = arith.addi %broadcast_in_dim3A_498, %add3A_501 : vector<16xi32>
        tpu.vector_store_idx %arg12[%shift_right_logical3A_2, %add3A_359, %add3A_502], %get3A_496 : memref<2x40x129xf32, #tpu.memory_space<vmem>>[vector<16xi32>, vector<16xi32>, vector<16xi32>], vector<16xf32>,
        %add3A_503 = arith.constant 7 : i32
        %add3A_504 = arith.addi %add3A_428, %add3A_503 : i32
        %get3A_505 = arith.index_cast %add3A_504 : i32 to index
        %get3A_506 = arith.constant 0 : index
        %get3A_507 = tpu.vector_load %arg10[%get3A_505, %get3A_506] {strides = array<i32>} : memref<512x16xf32, #tpu.memory_space<vmem>>, vector<16xf32>,
        %broadcast_in_dim3A_508 = arith.constant 0 : i32
        %broadcast_in_dim3A_509 = vector.broadcast %broadcast_in_dim3A_508 : i32 to vector<16xi32>
        %sub3A_510 = arith.constant 128 : i32
        %sub3A_511 = arith.subi %add3A_504, %sub3A_510 : i32
        %add3A_512 = vector.broadcast %sub3A_511 : i32 to vector<16xi32>
        %add3A_513 = arith.addi %broadcast_in_dim3A_509, %add3A_512 : vector<16xi32>
        tpu.vector_store_idx %arg12[%shift_right_logical3A_2, %add3A_359, %add3A_513], %get3A_507 : memref<2x40x129xf32, #tpu.memory_space<vmem>>[vector<16xi32>, vector<16xi32>, vector<16xi32>], vector<16xf32>,
      }
      %scan3A_365 = arith.constant 16 : i32
      %add3A_366 = arith.constant 16 : i32
      %add3A_367 = vector.broadcast %add3A_366 : i32 to vector<16xi32>
      %add3A_368 = arith.addi %and3A_4, %add3A_367 : vector<16xi32>
      %scan3A_369 = arith.constant 0 : i32
      %scan3A_370 = arith.constant 0 : i32
      %scan3A_371 = arith.constant 16 : i32
      %scan3A_372 = arith.addi %scan3A_370, %scan3A_371 : i32
      %scan3A_373 = arith.constant 1 : i32
      scf.for %scan3A_424 = %scan3A_370 to %scan3A_372 step %scan3A_373  : i32 {
        %mul3A_425 = arith.constant 8 : i32
        %mul3A_426 = arith.muli %scan3A_424, %mul3A_425 : i32
        %add3A_427 = arith.constant 256 : i32
        %add3A_428 = arith.addi %add3A_427, %mul3A_426 : i32
        %add3A_429 = arith.constant 0 : i32
        %add3A_430 = arith.addi %add3A_428, %add3A_429 : i32
        %get3A = arith.index_cast %add3A_430 : i32 to index
        %get3A_431 = arith.constant 0 : index
        %get3A_432 = tpu.vector_load %arg10[%get3A, %get3A_431] {strides = array<i32>} : memref<512x16xf32, #tpu.memory_space<vmem>>, vector<16xf32>,
        %broadcast_in_dim3A = arith.constant 0 : i32
        %broadcast_in_dim3A_433 = vector.broadcast %broadcast_in_dim3A : i32 to vector<16xi32>
        %sub3A = arith.constant 256 : i32
        %sub3A_434 = arith.subi %add3A_430, %sub3A : i32
        %add3A_435 = vector.broadcast %sub3A_434 : i32 to vector<16xi32>
        %add3A_436 = arith.addi %broadcast_in_dim3A_433, %add3A_435 : vector<16xi32>
        tpu.vector_store_idx %arg12[%shift_right_logical3A_2, %add3A_368, %add3A_436], %get3A_432 : memref<2x40x129xf32, #tpu.memory_space<vmem>>[vector<16xi32>, vector<16xi32>, vector<16xi32>], vector<16xf32>,
        %add3A_437 = arith.constant 1 : i32
        %add3A_438 = arith.addi %add3A_428, %add3A_437 : i32
        %get3A_439 = arith.index_cast %add3A_438 : i32 to index
        %get3A_440 = arith.constant 0 : index
        %get3A_441 = tpu.vector_load %arg10[%get3A_439, %get3A_440] {strides = array<i32>} : memref<512x16xf32, #tpu.memory_space<vmem>>, vector<16xf32>,
        %broadcast_in_dim3A_442 = arith.constant 0 : i32
        %broadcast_in_dim3A_443 = vector.broadcast %broadcast_in_dim3A_442 : i32 to vector<16xi32>
        %sub3A_444 = arith.constant 256 : i32
        %sub3A_445 = arith.subi %add3A_438, %sub3A_444 : i32
        %add3A_446 = vector.broadcast %sub3A_445 : i32 to vector<16xi32>
        %add3A_447 = arith.addi %broadcast_in_dim3A_443, %add3A_446 : vector<16xi32>
        tpu.vector_store_idx %arg12[%shift_right_logical3A_2, %add3A_368, %add3A_447], %get3A_441 : memref<2x40x129xf32, #tpu.memory_space<vmem>>[vector<16xi32>, vector<16xi32>, vector<16xi32>], vector<16xf32>,
        %add3A_448 = arith.constant 2 : i32
        %add3A_449 = arith.addi %add3A_428, %add3A_448 : i32
        %get3A_450 = arith.index_cast %add3A_449 : i32 to index
        %get3A_451 = arith.constant 0 : index
        %get3A_452 = tpu.vector_load %arg10[%get3A_450, %get3A_451] {strides = array<i32>} : memref<512x16xf32, #tpu.memory_space<vmem>>, vector<16xf32>,
        %broadcast_in_dim3A_453 = arith.constant 0 : i32
        %broadcast_in_dim3A_454 = vector.broadcast %broadcast_in_dim3A_453 : i32 to vector<16xi32>
        %sub3A_455 = arith.constant 256 : i32
        %sub3A_456 = arith.subi %add3A_449, %sub3A_455 : i32
        %add3A_457 = vector.broadcast %sub3A_456 : i32 to vector<16xi32>
        %add3A_458 = arith.addi %broadcast_in_dim3A_454, %add3A_457 : vector<16xi32>
        tpu.vector_store_idx %arg12[%shift_right_logical3A_2, %add3A_368, %add3A_458], %get3A_452 : memref<2x40x129xf32, #tpu.memory_space<vmem>>[vector<16xi32>, vector<16xi32>, vector<16xi32>], vector<16xf32>,
        %add3A_459 = arith.constant 3 : i32
        %add3A_460 = arith.addi %add3A_428, %add3A_459 : i32
        %get3A_461 = arith.index_cast %add3A_460 : i32 to index
        %get3A_462 = arith.constant 0 : index
        %get3A_463 = tpu.vector_load %arg10[%get3A_461, %get3A_462] {strides = array<i32>} : memref<512x16xf32, #tpu.memory_space<vmem>>, vector<16xf32>,
        %broadcast_in_dim3A_464 = arith.constant 0 : i32
        %broadcast_in_dim3A_465 = vector.broadcast %broadcast_in_dim3A_464 : i32 to vector<16xi32>
        %sub3A_466 = arith.constant 256 : i32
        %sub3A_467 = arith.subi %add3A_460, %sub3A_466 : i32
        %add3A_468 = vector.broadcast %sub3A_467 : i32 to vector<16xi32>
        %add3A_469 = arith.addi %broadcast_in_dim3A_465, %add3A_468 : vector<16xi32>
        tpu.vector_store_idx %arg12[%shift_right_logical3A_2, %add3A_368, %add3A_469], %get3A_463 : memref<2x40x129xf32, #tpu.memory_space<vmem>>[vector<16xi32>, vector<16xi32>, vector<16xi32>], vector<16xf32>,
        %add3A_470 = arith.constant 4 : i32
        %add3A_471 = arith.addi %add3A_428, %add3A_470 : i32
        %get3A_472 = arith.index_cast %add3A_471 : i32 to index
        %get3A_473 = arith.constant 0 : index
        %get3A_474 = tpu.vector_load %arg10[%get3A_472, %get3A_473] {strides = array<i32>} : memref<512x16xf32, #tpu.memory_space<vmem>>, vector<16xf32>,
        %broadcast_in_dim3A_475 = arith.constant 0 : i32
        %broadcast_in_dim3A_476 = vector.broadcast %broadcast_in_dim3A_475 : i32 to vector<16xi32>
        %sub3A_477 = arith.constant 256 : i32
        %sub3A_478 = arith.subi %add3A_471, %sub3A_477 : i32
        %add3A_479 = vector.broadcast %sub3A_478 : i32 to vector<16xi32>
        %add3A_480 = arith.addi %broadcast_in_dim3A_476, %add3A_479 : vector<16xi32>
        tpu.vector_store_idx %arg12[%shift_right_logical3A_2, %add3A_368, %add3A_480], %get3A_474 : memref<2x40x129xf32, #tpu.memory_space<vmem>>[vector<16xi32>, vector<16xi32>, vector<16xi32>], vector<16xf32>,
        %add3A_481 = arith.constant 5 : i32
        %add3A_482 = arith.addi %add3A_428, %add3A_481 : i32
        %get3A_483 = arith.index_cast %add3A_482 : i32 to index
        %get3A_484 = arith.constant 0 : index
        %get3A_485 = tpu.vector_load %arg10[%get3A_483, %get3A_484] {strides = array<i32>} : memref<512x16xf32, #tpu.memory_space<vmem>>, vector<16xf32>,
        %broadcast_in_dim3A_486 = arith.constant 0 : i32
        %broadcast_in_dim3A_487 = vector.broadcast %broadcast_in_dim3A_486 : i32 to vector<16xi32>
        %sub3A_488 = arith.constant 256 : i32
        %sub3A_489 = arith.subi %add3A_482, %sub3A_488 : i32
        %add3A_490 = vector.broadcast %sub3A_489 : i32 to vector<16xi32>
        %add3A_491 = arith.addi %broadcast_in_dim3A_487, %add3A_490 : vector<16xi32>
        tpu.vector_store_idx %arg12[%shift_right_logical3A_2, %add3A_368, %add3A_491], %get3A_485 : memref<2x40x129xf32, #tpu.memory_space<vmem>>[vector<16xi32>, vector<16xi32>, vector<16xi32>], vector<16xf32>,
        %add3A_492 = arith.constant 6 : i32
        %add3A_493 = arith.addi %add3A_428, %add3A_492 : i32
        %get3A_494 = arith.index_cast %add3A_493 : i32 to index
        %get3A_495 = arith.constant 0 : index
        %get3A_496 = tpu.vector_load %arg10[%get3A_494, %get3A_495] {strides = array<i32>} : memref<512x16xf32, #tpu.memory_space<vmem>>, vector<16xf32>,
        %broadcast_in_dim3A_497 = arith.constant 0 : i32
        %broadcast_in_dim3A_498 = vector.broadcast %broadcast_in_dim3A_497 : i32 to vector<16xi32>
        %sub3A_499 = arith.constant 256 : i32
        %sub3A_500 = arith.subi %add3A_493, %sub3A_499 : i32
        %add3A_501 = vector.broadcast %sub3A_500 : i32 to vector<16xi32>
        %add3A_502 = arith.addi %broadcast_in_dim3A_498, %add3A_501 : vector<16xi32>
        tpu.vector_store_idx %arg12[%shift_right_logical3A_2, %add3A_368, %add3A_502], %get3A_496 : memref<2x40x129xf32, #tpu.memory_space<vmem>>[vector<16xi32>, vector<16xi32>, vector<16xi32>], vector<16xf32>,
        %add3A_503 = arith.constant 7 : i32
        %add3A_504 = arith.addi %add3A_428, %add3A_503 : i32
        %get3A_505 = arith.index_cast %add3A_504 : i32 to index
        %get3A_506 = arith.constant 0 : index
        %get3A_507 = tpu.vector_load %arg10[%get3A_505, %get3A_506] {strides = array<i32>} : memref<512x16xf32, #tpu.memory_space<vmem>>, vector<16xf32>,
        %broadcast_in_dim3A_508 = arith.constant 0 : i32
        %broadcast_in_dim3A_509 = vector.broadcast %broadcast_in_dim3A_508 : i32 to vector<16xi32>
        %sub3A_510 = arith.constant 256 : i32
        %sub3A_511 = arith.subi %add3A_504, %sub3A_510 : i32
        %add3A_512 = vector.broadcast %sub3A_511 : i32 to vector<16xi32>
        %add3A_513 = arith.addi %broadcast_in_dim3A_509, %add3A_512 : vector<16xi32>
        tpu.vector_store_idx %arg12[%shift_right_logical3A_2, %add3A_368, %add3A_513], %get3A_507 : memref<2x40x129xf32, #tpu.memory_space<vmem>>[vector<16xi32>, vector<16xi32>, vector<16xi32>], vector<16xf32>,
      }
      %scan3A_374 = arith.constant 16 : i32
      %add3A_375 = arith.constant 24 : i32
      %add3A_376 = vector.broadcast %add3A_375 : i32 to vector<16xi32>
      %add3A_377 = arith.addi %and3A_4, %add3A_376 : vector<16xi32>
      %scan3A_378 = arith.constant 0 : i32
      %scan3A_379 = arith.constant 0 : i32
      %scan3A_380 = arith.constant 16 : i32
      %scan3A_381 = arith.addi %scan3A_379, %scan3A_380 : i32
      %scan3A_382 = arith.constant 1 : i32
      scf.for %scan3A_424 = %scan3A_379 to %scan3A_381 step %scan3A_382  : i32 {
        %mul3A_425 = arith.constant 8 : i32
        %mul3A_426 = arith.muli %scan3A_424, %mul3A_425 : i32
        %add3A_427 = arith.constant 384 : i32
        %add3A_428 = arith.addi %add3A_427, %mul3A_426 : i32
        %add3A_429 = arith.constant 0 : i32
        %add3A_430 = arith.addi %add3A_428, %add3A_429 : i32
        %get3A = arith.index_cast %add3A_430 : i32 to index
        %get3A_431 = arith.constant 0 : index
        %get3A_432 = tpu.vector_load %arg10[%get3A, %get3A_431] {strides = array<i32>} : memref<512x16xf32, #tpu.memory_space<vmem>>, vector<16xf32>,
        %broadcast_in_dim3A = arith.constant 0 : i32
        %broadcast_in_dim3A_433 = vector.broadcast %broadcast_in_dim3A : i32 to vector<16xi32>
        %sub3A = arith.constant 384 : i32
        %sub3A_434 = arith.subi %add3A_430, %sub3A : i32
        %add3A_435 = vector.broadcast %sub3A_434 : i32 to vector<16xi32>
        %add3A_436 = arith.addi %broadcast_in_dim3A_433, %add3A_435 : vector<16xi32>
        tpu.vector_store_idx %arg12[%shift_right_logical3A_2, %add3A_377, %add3A_436], %get3A_432 : memref<2x40x129xf32, #tpu.memory_space<vmem>>[vector<16xi32>, vector<16xi32>, vector<16xi32>], vector<16xf32>,
        %add3A_437 = arith.constant 1 : i32
        %add3A_438 = arith.addi %add3A_428, %add3A_437 : i32
        %get3A_439 = arith.index_cast %add3A_438 : i32 to index
        %get3A_440 = arith.constant 0 : index
        %get3A_441 = tpu.vector_load %arg10[%get3A_439, %get3A_440] {strides = array<i32>} : memref<512x16xf32, #tpu.memory_space<vmem>>, vector<16xf32>,
        %broadcast_in_dim3A_442 = arith.constant 0 : i32
        %broadcast_in_dim3A_443 = vector.broadcast %broadcast_in_dim3A_442 : i32 to vector<16xi32>
        %sub3A_444 = arith.constant 384 : i32
        %sub3A_445 = arith.subi %add3A_438, %sub3A_444 : i32
        %add3A_446 = vector.broadcast %sub3A_445 : i32 to vector<16xi32>
        %add3A_447 = arith.addi %broadcast_in_dim3A_443, %add3A_446 : vector<16xi32>
        tpu.vector_store_idx %arg12[%shift_right_logical3A_2, %add3A_377, %add3A_447], %get3A_441 : memref<2x40x129xf32, #tpu.memory_space<vmem>>[vector<16xi32>, vector<16xi32>, vector<16xi32>], vector<16xf32>,
        %add3A_448 = arith.constant 2 : i32
        %add3A_449 = arith.addi %add3A_428, %add3A_448 : i32
        %get3A_450 = arith.index_cast %add3A_449 : i32 to index
        %get3A_451 = arith.constant 0 : index
        %get3A_452 = tpu.vector_load %arg10[%get3A_450, %get3A_451] {strides = array<i32>} : memref<512x16xf32, #tpu.memory_space<vmem>>, vector<16xf32>,
        %broadcast_in_dim3A_453 = arith.constant 0 : i32
        %broadcast_in_dim3A_454 = vector.broadcast %broadcast_in_dim3A_453 : i32 to vector<16xi32>
        %sub3A_455 = arith.constant 384 : i32
        %sub3A_456 = arith.subi %add3A_449, %sub3A_455 : i32
        %add3A_457 = vector.broadcast %sub3A_456 : i32 to vector<16xi32>
        %add3A_458 = arith.addi %broadcast_in_dim3A_454, %add3A_457 : vector<16xi32>
        tpu.vector_store_idx %arg12[%shift_right_logical3A_2, %add3A_377, %add3A_458], %get3A_452 : memref<2x40x129xf32, #tpu.memory_space<vmem>>[vector<16xi32>, vector<16xi32>, vector<16xi32>], vector<16xf32>,
        %add3A_459 = arith.constant 3 : i32
        %add3A_460 = arith.addi %add3A_428, %add3A_459 : i32
        %get3A_461 = arith.index_cast %add3A_460 : i32 to index
        %get3A_462 = arith.constant 0 : index
        %get3A_463 = tpu.vector_load %arg10[%get3A_461, %get3A_462] {strides = array<i32>} : memref<512x16xf32, #tpu.memory_space<vmem>>, vector<16xf32>,
        %broadcast_in_dim3A_464 = arith.constant 0 : i32
        %broadcast_in_dim3A_465 = vector.broadcast %broadcast_in_dim3A_464 : i32 to vector<16xi32>
        %sub3A_466 = arith.constant 384 : i32
        %sub3A_467 = arith.subi %add3A_460, %sub3A_466 : i32
        %add3A_468 = vector.broadcast %sub3A_467 : i32 to vector<16xi32>
        %add3A_469 = arith.addi %broadcast_in_dim3A_465, %add3A_468 : vector<16xi32>
        tpu.vector_store_idx %arg12[%shift_right_logical3A_2, %add3A_377, %add3A_469], %get3A_463 : memref<2x40x129xf32, #tpu.memory_space<vmem>>[vector<16xi32>, vector<16xi32>, vector<16xi32>], vector<16xf32>,
        %add3A_470 = arith.constant 4 : i32
        %add3A_471 = arith.addi %add3A_428, %add3A_470 : i32
        %get3A_472 = arith.index_cast %add3A_471 : i32 to index
        %get3A_473 = arith.constant 0 : index
        %get3A_474 = tpu.vector_load %arg10[%get3A_472, %get3A_473] {strides = array<i32>} : memref<512x16xf32, #tpu.memory_space<vmem>>, vector<16xf32>,
        %broadcast_in_dim3A_475 = arith.constant 0 : i32
        %broadcast_in_dim3A_476 = vector.broadcast %broadcast_in_dim3A_475 : i32 to vector<16xi32>
        %sub3A_477 = arith.constant 384 : i32
        %sub3A_478 = arith.subi %add3A_471, %sub3A_477 : i32
        %add3A_479 = vector.broadcast %sub3A_478 : i32 to vector<16xi32>
        %add3A_480 = arith.addi %broadcast_in_dim3A_476, %add3A_479 : vector<16xi32>
        tpu.vector_store_idx %arg12[%shift_right_logical3A_2, %add3A_377, %add3A_480], %get3A_474 : memref<2x40x129xf32, #tpu.memory_space<vmem>>[vector<16xi32>, vector<16xi32>, vector<16xi32>], vector<16xf32>,
        %add3A_481 = arith.constant 5 : i32
        %add3A_482 = arith.addi %add3A_428, %add3A_481 : i32
        %get3A_483 = arith.index_cast %add3A_482 : i32 to index
        %get3A_484 = arith.constant 0 : index
        %get3A_485 = tpu.vector_load %arg10[%get3A_483, %get3A_484] {strides = array<i32>} : memref<512x16xf32, #tpu.memory_space<vmem>>, vector<16xf32>,
        %broadcast_in_dim3A_486 = arith.constant 0 : i32
        %broadcast_in_dim3A_487 = vector.broadcast %broadcast_in_dim3A_486 : i32 to vector<16xi32>
        %sub3A_488 = arith.constant 384 : i32
        %sub3A_489 = arith.subi %add3A_482, %sub3A_488 : i32
        %add3A_490 = vector.broadcast %sub3A_489 : i32 to vector<16xi32>
        %add3A_491 = arith.addi %broadcast_in_dim3A_487, %add3A_490 : vector<16xi32>
        tpu.vector_store_idx %arg12[%shift_right_logical3A_2, %add3A_377, %add3A_491], %get3A_485 : memref<2x40x129xf32, #tpu.memory_space<vmem>>[vector<16xi32>, vector<16xi32>, vector<16xi32>], vector<16xf32>,
        %add3A_492 = arith.constant 6 : i32
        %add3A_493 = arith.addi %add3A_428, %add3A_492 : i32
        %get3A_494 = arith.index_cast %add3A_493 : i32 to index
        %get3A_495 = arith.constant 0 : index
        %get3A_496 = tpu.vector_load %arg10[%get3A_494, %get3A_495] {strides = array<i32>} : memref<512x16xf32, #tpu.memory_space<vmem>>, vector<16xf32>,
        %broadcast_in_dim3A_497 = arith.constant 0 : i32
        %broadcast_in_dim3A_498 = vector.broadcast %broadcast_in_dim3A_497 : i32 to vector<16xi32>
        %sub3A_499 = arith.constant 384 : i32
        %sub3A_500 = arith.subi %add3A_493, %sub3A_499 : i32
        %add3A_501 = vector.broadcast %sub3A_500 : i32 to vector<16xi32>
        %add3A_502 = arith.addi %broadcast_in_dim3A_498, %add3A_501 : vector<16xi32>
        tpu.vector_store_idx %arg12[%shift_right_logical3A_2, %add3A_377, %add3A_502], %get3A_496 : memref<2x40x129xf32, #tpu.memory_space<vmem>>[vector<16xi32>, vector<16xi32>, vector<16xi32>], vector<16xf32>,
        %add3A_503 = arith.constant 7 : i32
        %add3A_504 = arith.addi %add3A_428, %add3A_503 : i32
        %get3A_505 = arith.index_cast %add3A_504 : i32 to index
        %get3A_506 = arith.constant 0 : index
        %get3A_507 = tpu.vector_load %arg10[%get3A_505, %get3A_506] {strides = array<i32>} : memref<512x16xf32, #tpu.memory_space<vmem>>, vector<16xf32>,
        %broadcast_in_dim3A_508 = arith.constant 0 : i32
        %broadcast_in_dim3A_509 = vector.broadcast %broadcast_in_dim3A_508 : i32 to vector<16xi32>
        %sub3A_510 = arith.constant 384 : i32
        %sub3A_511 = arith.subi %add3A_504, %sub3A_510 : i32
        %add3A_512 = vector.broadcast %sub3A_511 : i32 to vector<16xi32>
        %add3A_513 = arith.addi %broadcast_in_dim3A_509, %add3A_512 : vector<16xi32>
        tpu.vector_store_idx %arg12[%shift_right_logical3A_2, %add3A_377, %add3A_513], %get3A_507 : memref<2x40x129xf32, #tpu.memory_space<vmem>>[vector<16xi32>, vector<16xi32>, vector<16xi32>], vector<16xf32>,
      }
      %scan3A_383 = arith.constant 16 : i32
      %mul3A_384 = arith.constant 2048 : i32
      %mul3A_385 = arith.muli %add3A_280, %mul3A_384 : i32
      %add3A_386 = arith.constant 0 : i32
      %add3A_387 = arith.addi %mul3A_385, %add3A_386 : i32
      %mul3A_388 = arith.constant 32 : i32
      %mul3A_389 = arith.muli %add3A, %mul3A_388 : i32
      %add3A_390 = arith.addi %add3A_387, %mul3A_389 : i32
      %dma_start3A_391 = arith.constant 0 : i32
      %dma_start3A_392 = arith.constant 0 : i32
      %dma_start3A_393 = arith.constant 0 : i32
      %dma_start3A_394 = tpu.memref_slice %arg12[%dma_start3A_391, %dma_start3A_392, %dma_start3A_393] : memref<2x40x129xf32, #tpu.memory_space<vmem>> -> memref<1x32x128xf32, #tpu.memory_space<vmem>>
      %dma_start3A_395 = tpu.memref_squeeze %dma_start3A_394 : memref<1x32x128xf32, #tpu.memory_space<vmem>> -> memref<32x128xf32, #tpu.memory_space<vmem>>
      %dma_start3A_396 = arith.constant 0 : i32
      %dma_start3A_397 = tpu.memref_slice %arg4[%add3A_390, %dma_start3A_396] : memref<409600x128xf32, #tpu.memory_space<hbm>> -> memref<32x128xf32, #tpu.memory_space<hbm>>
      %dma_start3A_398 = arith.constant 0 : i32
      %dma_start3A_399 = tpu.memref_slice %arg4[%add3A_390, %dma_start3A_398] : memref<409600x128xf32, #tpu.memory_space<hbm>> -> memref<32x128xf32, #tpu.memory_space<hbm>>
      %dma_start3A_400 = arith.constant 0 : i32
      %dma_start3A_401 = arith.constant 0 : i32
      %dma_start3A_402 = tpu.memref_slice %arg12[%dma_start3A_391, %dma_start3A_400, %dma_start3A_401] : memref<2x40x129xf32, #tpu.memory_space<vmem>> -> memref<1x32x128xf32, #tpu.memory_space<vmem>>
      %dma_start3A_403 = tpu.memref_squeeze %dma_start3A_402 : memref<1x32x128xf32, #tpu.memory_space<vmem>> -> memref<32x128xf32, #tpu.memory_space<vmem>>
      tpu.enqueue_dma source(%dma_start3A_403 : memref<32x128xf32, #tpu.memory_space<vmem>>) target(%dma_start3A_399 : memref<32x128xf32, #tpu.memory_space<hbm>>) target_semaphore(%arg16 : memref<!tpu.dma_semaphore, #tpu.memory_space<semaphore_mem>>)
      %mul3A_404 = arith.constant 2048 : i32
      %mul3A_405 = arith.muli %add3A_280, %mul3A_404 : i32
      %add3A_406 = arith.constant 1024 : i32
      %add3A_407 = arith.addi %mul3A_405, %add3A_406 : i32
      %mul3A_408 = arith.constant 32 : i32
      %mul3A_409 = arith.muli %add3A, %mul3A_408 : i32
      %add3A_410 = arith.addi %add3A_407, %mul3A_409 : i32
      %dma_start3A_411 = arith.constant 1 : i32
      %dma_start3A_412 = arith.constant 0 : i32
      %dma_start3A_413 = arith.constant 0 : i32
      %dma_start3A_414 = tpu.memref_slice %arg12[%dma_start3A_411, %dma_start3A_412, %dma_start3A_413] : memref<2x40x129xf32, #tpu.memory_space<vmem>> -> memref<1x32x128xf32, #tpu.memory_space<vmem>>
      %dma_start3A_415 = tpu.memref_squeeze %dma_start3A_414 : memref<1x32x128xf32, #tpu.memory_space<vmem>> -> memref<32x128xf32, #tpu.memory_space<vmem>>
      %dma_start3A_416 = arith.constant 0 : i32
      %dma_start3A_417 = tpu.memref_slice %arg4[%add3A_410, %dma_start3A_416] : memref<409600x128xf32, #tpu.memory_space<hbm>> -> memref<32x128xf32, #tpu.memory_space<hbm>>
      %dma_start3A_418 = arith.constant 0 : i32
      %dma_start3A_419 = tpu.memref_slice %arg4[%add3A_410, %dma_start3A_418] : memref<409600x128xf32, #tpu.memory_space<hbm>> -> memref<32x128xf32, #tpu.memory_space<hbm>>
      %dma_start3A_420 = arith.constant 0 : i32
      %dma_start3A_421 = arith.constant 0 : i32
      %dma_start3A_422 = tpu.memref_slice %arg12[%dma_start3A_411, %dma_start3A_420, %dma_start3A_421] : memref<2x40x129xf32, #tpu.memory_space<vmem>> -> memref<1x32x128xf32, #tpu.memory_space<vmem>>
      %dma_start3A_423 = tpu.memref_squeeze %dma_start3A_422 : memref<1x32x128xf32, #tpu.memory_space<vmem>> -> memref<32x128xf32, #tpu.memory_space<vmem>>
      tpu.enqueue_dma source(%dma_start3A_423 : memref<32x128xf32, #tpu.memory_space<vmem>>) target(%dma_start3A_419 : memref<32x128xf32, #tpu.memory_space<hbm>>) target_semaphore(%arg16 : memref<!tpu.dma_semaphore, #tpu.memory_space<semaphore_mem>>)
    }
    %scan3A_75 = arith.constant 100 : i32
    %dma_wait3A_76 = arith.constant 0 : i32
    %dma_wait3A_77 = arith.constant 0 : i32
    %dma_wait3A_78 = arith.constant 0 : i32
    %dma_wait3A_79 = tpu.memref_slice %arg11[%dma_wait3A_76, %dma_wait3A_77, %dma_wait3A_78] : memref<2x40x129xf32, #tpu.memory_space<vmem>> -> memref<1x32x128xf32, #tpu.memory_space<vmem>>
    %dma_wait3A_80 = tpu.memref_squeeze %dma_wait3A_79 : memref<1x32x128xf32, #tpu.memory_space<vmem>> -> memref<32x128xf32, #tpu.memory_space<vmem>>
    %dma_wait3A_81 = arith.constant 0 : i32
    %dma_wait3A_82 = arith.constant 0 : i32
    %dma_wait3A_83 = tpu.memref_slice %arg4[%dma_wait3A_81, %dma_wait3A_82] : memref<409600x128xf32, #tpu.memory_space<hbm>> -> memref<32x128xf32, #tpu.memory_space<hbm>>
    %dma_wait3A_84 = arith.constant 0 : i32
    %dma_wait3A_85 = arith.constant 0 : i32
    %dma_wait3A_86 = tpu.memref_slice %arg4[%dma_wait3A_84, %dma_wait3A_85] : memref<409600x128xf32, #tpu.memory_space<hbm>> -> memref<32x128xf32, #tpu.memory_space<hbm>>
    %dma_wait3A_87 = arith.constant 0 : i32
    %dma_wait3A_88 = arith.constant 0 : i32
    %dma_wait3A_89 = tpu.memref_slice %arg11[%dma_wait3A_76, %dma_wait3A_87, %dma_wait3A_88] : memref<2x40x129xf32, #tpu.memory_space<vmem>> -> memref<1x32x128xf32, #tpu.memory_space<vmem>>
    %dma_wait3A_90 = tpu.memref_squeeze %dma_wait3A_89 : memref<1x32x128xf32, #tpu.memory_space<vmem>> -> memref<32x128xf32, #tpu.memory_space<vmem>>
    tpu.wait_dma2 semaphore(%arg15 : memref<!tpu.dma_semaphore, #tpu.memory_space<semaphore_mem>>) src(%dma_wait3A_90 : memref<32x128xf32, #tpu.memory_space<vmem>>) dst(%dma_wait3A_86 : memref<32x128xf32, #tpu.memory_space<hbm>>)
    %dma_wait3A_91 = arith.constant 1 : i32
    %dma_wait3A_92 = arith.constant 0 : i32
    %dma_wait3A_93 = arith.constant 0 : i32
    %dma_wait3A_94 = tpu.memref_slice %arg11[%dma_wait3A_91, %dma_wait3A_92, %dma_wait3A_93] : memref<2x40x129xf32, #tpu.memory_space<vmem>> -> memref<1x32x128xf32, #tpu.memory_space<vmem>>
    %dma_wait3A_95 = tpu.memref_squeeze %dma_wait3A_94 : memref<1x32x128xf32, #tpu.memory_space<vmem>> -> memref<32x128xf32, #tpu.memory_space<vmem>>
    %dma_wait3A_96 = arith.constant 0 : i32
    %dma_wait3A_97 = arith.constant 0 : i32
    %dma_wait3A_98 = tpu.memref_slice %arg4[%dma_wait3A_96, %dma_wait3A_97] : memref<409600x128xf32, #tpu.memory_space<hbm>> -> memref<32x128xf32, #tpu.memory_space<hbm>>
    %dma_wait3A_99 = arith.constant 0 : i32
    %dma_wait3A_100 = arith.constant 0 : i32
    %dma_wait3A_101 = tpu.memref_slice %arg4[%dma_wait3A_99, %dma_wait3A_100] : memref<409600x128xf32, #tpu.memory_space<hbm>> -> memref<32x128xf32, #tpu.memory_space<hbm>>
    %dma_wait3A_102 = arith.constant 0 : i32
    %dma_wait3A_103 = arith.constant 0 : i32
    %dma_wait3A_104 = tpu.memref_slice %arg11[%dma_wait3A_91, %dma_wait3A_102, %dma_wait3A_103] : memref<2x40x129xf32, #tpu.memory_space<vmem>> -> memref<1x32x128xf32, #tpu.memory_space<vmem>>
    %dma_wait3A_105 = tpu.memref_squeeze %dma_wait3A_104 : memref<1x32x128xf32, #tpu.memory_space<vmem>> -> memref<32x128xf32, #tpu.memory_space<vmem>>
    tpu.wait_dma2 semaphore(%arg15 : memref<!tpu.dma_semaphore, #tpu.memory_space<semaphore_mem>>) src(%dma_wait3A_105 : memref<32x128xf32, #tpu.memory_space<vmem>>) dst(%dma_wait3A_101 : memref<32x128xf32, #tpu.memory_space<hbm>>)
    %dma_wait3A_106 = arith.constant 0 : i32
    %dma_wait3A_107 = arith.constant 0 : i32
    %dma_wait3A_108 = arith.constant 0 : i32
    %dma_wait3A_109 = tpu.memref_slice %arg12[%dma_wait3A_106, %dma_wait3A_107, %dma_wait3A_108] : memref<2x40x129xf32, #tpu.memory_space<vmem>> -> memref<1x32x128xf32, #tpu.memory_space<vmem>>
    %dma_wait3A_110 = tpu.memref_squeeze %dma_wait3A_109 : memref<1x32x128xf32, #tpu.memory_space<vmem>> -> memref<32x128xf32, #tpu.memory_space<vmem>>
    %dma_wait3A_111 = arith.constant 0 : i32
    %dma_wait3A_112 = arith.constant 0 : i32
    %dma_wait3A_113 = tpu.memref_slice %arg4[%dma_wait3A_111, %dma_wait3A_112] : memref<409600x128xf32, #tpu.memory_space<hbm>> -> memref<32x128xf32, #tpu.memory_space<hbm>>
    %dma_wait3A_114 = arith.constant 0 : i32
    %dma_wait3A_115 = arith.constant 0 : i32
    %dma_wait3A_116 = tpu.memref_slice %arg4[%dma_wait3A_114, %dma_wait3A_115] : memref<409600x128xf32, #tpu.memory_space<hbm>> -> memref<32x128xf32, #tpu.memory_space<hbm>>
    %dma_wait3A_117 = arith.constant 0 : i32
    %dma_wait3A_118 = arith.constant 0 : i32
    %dma_wait3A_119 = tpu.memref_slice %arg12[%dma_wait3A_106, %dma_wait3A_117, %dma_wait3A_118] : memref<2x40x129xf32, #tpu.memory_space<vmem>> -> memref<1x32x128xf32, #tpu.memory_space<vmem>>
    %dma_wait3A_120 = tpu.memref_squeeze %dma_wait3A_119 : memref<1x32x128xf32, #tpu.memory_space<vmem>> -> memref<32x128xf32, #tpu.memory_space<vmem>>
    tpu.wait_dma2 semaphore(%arg16 : memref<!tpu.dma_semaphore, #tpu.memory_space<semaphore_mem>>) src(%dma_wait3A_120 : memref<32x128xf32, #tpu.memory_space<vmem>>) dst(%dma_wait3A_116 : memref<32x128xf32, #tpu.memory_space<hbm>>)
    %dma_wait3A_121 = arith.constant 1 : i32
    %dma_wait3A_122 = arith.constant 0 : i32
    %dma_wait3A_123 = arith.constant 0 : i32
    %dma_wait3A_124 = tpu.memref_slice %arg12[%dma_wait3A_121, %dma_wait3A_122, %dma_wait3A_123] : memref<2x40x129xf32, #tpu.memory_space<vmem>> -> memref<1x32x128xf32, #tpu.memory_space<vmem>>
    %dma_wait3A_125 = tpu.memref_squeeze %dma_wait3A_124 : memref<1x32x128xf32, #tpu.memory_space<vmem>> -> memref<32x128xf32, #tpu.memory_space<vmem>>
    %dma_wait3A_126 = arith.constant 0 : i32
    %dma_wait3A_127 = arith.constant 0 : i32
    %dma_wait3A_128 = tpu.memref_slice %arg4[%dma_wait3A_126, %dma_wait3A_127] : memref<409600x128xf32, #tpu.memory_space<hbm>> -> memref<32x128xf32, #tpu.memory_space<hbm>>
    %dma_wait3A_129 = arith.constant 0 : i32
    %dma_wait3A_130 = arith.constant 0 : i32
    %dma_wait3A_131 = tpu.memref_slice %arg4[%dma_wait3A_129, %dma_wait3A_130] : memref<409600x128xf32, #tpu.memory_space<hbm>> -> memref<32x128xf32, #tpu.memory_space<hbm>>
    %dma_wait3A_132 = arith.constant 0 : i32
    %dma_wait3A_133 = arith.constant 0 : i32
    %dma_wait3A_134 = tpu.memref_slice %arg12[%dma_wait3A_121, %dma_wait3A_132, %dma_wait3A_133] : memref<2x40x129xf32, #tpu.memory_space<vmem>> -> memref<1x32x128xf32, #tpu.memory_space<vmem>>
    %dma_wait3A_135 = tpu.memref_squeeze %dma_wait3A_134 : memref<1x32x128xf32, #tpu.memory_space<vmem>> -> memref<32x128xf32, #tpu.memory_space<vmem>>
    tpu.wait_dma2 semaphore(%arg16 : memref<!tpu.dma_semaphore, #tpu.memory_space<semaphore_mem>>) src(%dma_wait3A_135 : memref<32x128xf32, #tpu.memory_space<vmem>>) dst(%dma_wait3A_131 : memref<32x128xf32, #tpu.memory_space<hbm>>)
    return
  }
}

#map = affine_map<(d0, d1) -> (0, 0, 0, 0)>
#map1 = affine_map<(d0, d1) -> (0, 0)>
module attributes {stable_mosaic.version = 14 : i64} {
  func.func @prep_k(%arg0: i32, %arg1: i32, %arg2: memref<2x8192x8x128xf32, #tpu.memory_space<hbm>>, %arg3: memref<1048576x16xf32, #tpu.memory_space<hbm>>, %arg4: memref<2x8x8x128xf32, #tpu.memory_space<vmem>>, %arg5: memref<2x8x8x128xf32, #tpu.memory_space<vmem>>, %arg6: memref<1024x17xf32, #tpu.memory_space<vmem>>, %arg7: memref<1024x17xf32, #tpu.memory_space<vmem>>, %arg8: memref<!tpu.dma_semaphore, #tpu.memory_space<semaphore_mem>>, %arg9: memref<!tpu.dma_semaphore, #tpu.memory_space<semaphore_mem>>, %arg10: memref<!tpu.dma_semaphore, #tpu.memory_space<semaphore_mem>>, %arg11: memref<!tpu.dma_semaphore, #tpu.memory_space<semaphore_mem>>) attributes {dimension_semantics = [#tpu.dimension_semantics<core_parallel>, #tpu.dimension_semantics<subcore_parallel>], iteration_bounds = array<i64: 2, 16>, scalar_prefetch = 0 : i64, scratch_operands = 8 : i64, tpu.core_type = #tpu.core_type<sc_vector_subcore>, window_params = [{transform_indices = #map}, {transform_indices = #map1}]} {
    %mul3A = arith.constant 2 : i32
    %mul3A_0 = arith.muli %arg1, %mul3A : i32
    %add3A = arith.addi %mul3A_0, %arg0 : i32
    %mul3A_1 = arith.constant 32768 : i32
    %mul3A_2 = arith.muli %add3A, %mul3A_1 : i32
    %jit3A = arith.constant 128 : i32
    %div3A = arith.divsi %mul3A_2, %jit3A : i32
    %sign3A = arith.constant 0 : i32
    %sign3A_3 = arith.cmpi sgt, %mul3A_2, %sign3A : i32
    %sign3A_4 = arith.extui %sign3A_3 : i1 to i32
    %sign3A_5 = arith.constant 0 : i32
    %sign3A_6 = arith.cmpi slt, %mul3A_2, %sign3A_5 : i32
    %sign3A_7 = arith.extui %sign3A_6 : i1 to i32
    %sign3A_8 = arith.subi %sign3A_4, %sign3A_7 : i32
    %sign3A_9 = arith.constant 0 : i32
    %sign3A_10 = arith.cmpi sgt, %jit3A, %sign3A_9 : i32
    %sign3A_11 = arith.extui %sign3A_10 : i1 to i32
    %sign3A_12 = arith.constant 0 : i32
    %sign3A_13 = arith.cmpi slt, %jit3A, %sign3A_12 : i32
    %sign3A_14 = arith.extui %sign3A_13 : i1 to i32
    %sign3A_15 = arith.subi %sign3A_11, %sign3A_14 : i32
    %ne3A = arith.cmpi ne, %sign3A_8, %sign3A_15 : i32
    %rem3A = arith.remsi %mul3A_2, %jit3A : i32
    %ne3A_16 = arith.constant 0 : i32
    %ne3A_17 = arith.cmpi ne, %rem3A, %ne3A_16 : i32
    %and3A = arith.andi %ne3A, %ne3A_17 : i1
    %sub3A = arith.constant 1 : i32
    %sub3A_18 = arith.subi %div3A, %sub3A : i32
    %select_n3A = arith.select %and3A, %sub3A_18, %div3A : i32
    %iota3A = tpu.iota {dimensions = array<i32: 0>} : vector<16xi32>
    %broadcast_in_dim3A = arith.constant 0 : i32
    %broadcast_in_dim3A_19 = vector.broadcast %broadcast_in_dim3A : i32 to vector<16xi32>
    %add3A_20 = arith.constant 0 : i32
    %add3A_21 = vector.broadcast %add3A_20 : i32 to vector<16xi32>
    %add3A_22 = arith.addi %broadcast_in_dim3A_19, %add3A_21 : vector<16xi32>
    %broadcast_in_dim3A_23 = arith.constant 0 : i32
    %broadcast_in_dim3A_24 = vector.broadcast %broadcast_in_dim3A_23 : i32 to vector<16xi32>
    %add3A_25 = arith.constant 1 : i32
    %add3A_26 = vector.broadcast %add3A_25 : i32 to vector<16xi32>
    %add3A_27 = arith.addi %broadcast_in_dim3A_24, %add3A_26 : vector<16xi32>
    %broadcast_in_dim3A_28 = arith.constant 0 : i32
    %broadcast_in_dim3A_29 = vector.broadcast %broadcast_in_dim3A_28 : i32 to vector<16xi32>
    %add3A_30 = arith.constant 2 : i32
    %add3A_31 = vector.broadcast %add3A_30 : i32 to vector<16xi32>
    %add3A_32 = arith.addi %broadcast_in_dim3A_29, %add3A_31 : vector<16xi32>
    %broadcast_in_dim3A_33 = arith.constant 0 : i32
    %broadcast_in_dim3A_34 = vector.broadcast %broadcast_in_dim3A_33 : i32 to vector<16xi32>
    %add3A_35 = arith.constant 3 : i32
    %add3A_36 = vector.broadcast %add3A_35 : i32 to vector<16xi32>
    %add3A_37 = arith.addi %broadcast_in_dim3A_34, %add3A_36 : vector<16xi32>
    %broadcast_in_dim3A_38 = arith.constant 0 : i32
    %broadcast_in_dim3A_39 = vector.broadcast %broadcast_in_dim3A_38 : i32 to vector<16xi32>
    %add3A_40 = arith.constant 4 : i32
    %add3A_41 = vector.broadcast %add3A_40 : i32 to vector<16xi32>
    %add3A_42 = arith.addi %broadcast_in_dim3A_39, %add3A_41 : vector<16xi32>
    %broadcast_in_dim3A_43 = arith.constant 0 : i32
    %broadcast_in_dim3A_44 = vector.broadcast %broadcast_in_dim3A_43 : i32 to vector<16xi32>
    %add3A_45 = arith.constant 5 : i32
    %add3A_46 = vector.broadcast %add3A_45 : i32 to vector<16xi32>
    %add3A_47 = arith.addi %broadcast_in_dim3A_44, %add3A_46 : vector<16xi32>
    %broadcast_in_dim3A_48 = arith.constant 0 : i32
    %broadcast_in_dim3A_49 = vector.broadcast %broadcast_in_dim3A_48 : i32 to vector<16xi32>
    %add3A_50 = arith.constant 6 : i32
    %add3A_51 = vector.broadcast %add3A_50 : i32 to vector<16xi32>
    %add3A_52 = arith.addi %broadcast_in_dim3A_49, %add3A_51 : vector<16xi32>
    %broadcast_in_dim3A_53 = arith.constant 0 : i32
    %broadcast_in_dim3A_54 = vector.broadcast %broadcast_in_dim3A_53 : i32 to vector<16xi32>
    %add3A_55 = arith.constant 7 : i32
    %add3A_56 = vector.broadcast %add3A_55 : i32 to vector<16xi32>
    %add3A_57 = arith.addi %broadcast_in_dim3A_54, %add3A_56 : vector<16xi32>
    %broadcast_in_dim3A_58 = arith.constant 0 : i32
    %broadcast_in_dim3A_59 = vector.broadcast %broadcast_in_dim3A_58 : i32 to vector<16xi32>
    %add3A_60 = arith.constant 8 : i32
    %add3A_61 = vector.broadcast %add3A_60 : i32 to vector<16xi32>
    %add3A_62 = arith.addi %broadcast_in_dim3A_59, %add3A_61 : vector<16xi32>
    %broadcast_in_dim3A_63 = arith.constant 0 : i32
    %broadcast_in_dim3A_64 = vector.broadcast %broadcast_in_dim3A_63 : i32 to vector<16xi32>
    %add3A_65 = arith.constant 9 : i32
    %add3A_66 = vector.broadcast %add3A_65 : i32 to vector<16xi32>
    %add3A_67 = arith.addi %broadcast_in_dim3A_64, %add3A_66 : vector<16xi32>
    %broadcast_in_dim3A_68 = arith.constant 0 : i32
    %broadcast_in_dim3A_69 = vector.broadcast %broadcast_in_dim3A_68 : i32 to vector<16xi32>
    %add3A_70 = arith.constant 10 : i32
    %add3A_71 = vector.broadcast %add3A_70 : i32 to vector<16xi32>
    %add3A_72 = arith.addi %broadcast_in_dim3A_69, %add3A_71 : vector<16xi32>
    %broadcast_in_dim3A_73 = arith.constant 0 : i32
    %broadcast_in_dim3A_74 = vector.broadcast %broadcast_in_dim3A_73 : i32 to vector<16xi32>
    %add3A_75 = arith.constant 11 : i32
    %add3A_76 = vector.broadcast %add3A_75 : i32 to vector<16xi32>
    %add3A_77 = arith.addi %broadcast_in_dim3A_74, %add3A_76 : vector<16xi32>
    %broadcast_in_dim3A_78 = arith.constant 0 : i32
    %broadcast_in_dim3A_79 = vector.broadcast %broadcast_in_dim3A_78 : i32 to vector<16xi32>
    %add3A_80 = arith.constant 12 : i32
    %add3A_81 = vector.broadcast %add3A_80 : i32 to vector<16xi32>
    %add3A_82 = arith.addi %broadcast_in_dim3A_79, %add3A_81 : vector<16xi32>
    %broadcast_in_dim3A_83 = arith.constant 0 : i32
    %broadcast_in_dim3A_84 = vector.broadcast %broadcast_in_dim3A_83 : i32 to vector<16xi32>
    %add3A_85 = arith.constant 13 : i32
    %add3A_86 = vector.broadcast %add3A_85 : i32 to vector<16xi32>
    %add3A_87 = arith.addi %broadcast_in_dim3A_84, %add3A_86 : vector<16xi32>
    %broadcast_in_dim3A_88 = arith.constant 0 : i32
    %broadcast_in_dim3A_89 = vector.broadcast %broadcast_in_dim3A_88 : i32 to vector<16xi32>
    %add3A_90 = arith.constant 14 : i32
    %add3A_91 = vector.broadcast %add3A_90 : i32 to vector<16xi32>
    %add3A_92 = arith.addi %broadcast_in_dim3A_89, %add3A_91 : vector<16xi32>
    %broadcast_in_dim3A_93 = arith.constant 0 : i32
    %broadcast_in_dim3A_94 = vector.broadcast %broadcast_in_dim3A_93 : i32 to vector<16xi32>
    %add3A_95 = arith.constant 15 : i32
    %add3A_96 = vector.broadcast %add3A_95 : i32 to vector<16xi32>
    %add3A_97 = arith.addi %broadcast_in_dim3A_94, %add3A_96 : vector<16xi32>
    %add3A_98 = arith.constant 0 : i32
    %add3A_99 = arith.addi %select_n3A, %add3A_98 : i32
    %dma_start3A = arith.constant 0 : i32
    %dma_start3A_100 = arith.constant 0 : i32
    %dma_start3A_101 = arith.constant 0 : i32
    %dma_start3A_102 = tpu.memref_slice %arg2[%dma_start3A, %add3A_99, %dma_start3A_100, %dma_start3A_101] : memref<2x8192x8x128xf32, #tpu.memory_space<hbm>> -> memref<2x8x8x128xf32, #tpu.memory_space<hbm>>
    %dma_start3A_103 = arith.constant 0 : i32
    %dma_start3A_104 = arith.constant 0 : i32
    %dma_start3A_105 = arith.constant 0 : i32
    %dma_start3A_106 = tpu.memref_slice %arg2[%dma_start3A_103, %add3A_99, %dma_start3A_104, %dma_start3A_105] : memref<2x8192x8x128xf32, #tpu.memory_space<hbm>> -> memref<2x8x8x128xf32, #tpu.memory_space<hbm>>
    tpu.enqueue_dma source(%dma_start3A_106 : memref<2x8x8x128xf32, #tpu.memory_space<hbm>>) target(%arg4 : memref<2x8x8x128xf32, #tpu.memory_space<vmem>>) target_semaphore(%arg8 : memref<!tpu.dma_semaphore, #tpu.memory_space<semaphore_mem>>)
    %scan3A = arith.constant 0 : i32
    %scan3A_107 = arith.constant 0 : i32
    %scan3A_108 = arith.constant 16 : i32
    %scan3A_109 = arith.addi %scan3A_107, %scan3A_108 : i32
    %scan3A_110 = arith.constant 1 : i32
    scf.for %scan3A_135 = %scan3A_107 to %scan3A_109 step %scan3A_110  : i32 {
      %mul3A_136 = arith.constant 2 : i32
      %mul3A_137 = arith.muli %mul3A_136, %scan3A_135 : i32
      %add3A_138 = arith.constant 0 : i32
      %add3A_139 = arith.addi %mul3A_137, %add3A_138 : i32
      %dma_wait3A_140 = arith.constant 0 : i32
      %dma_wait3A_141 = arith.constant 0 : i32
      %dma_wait3A_142 = arith.constant 0 : i32
      %dma_wait3A_143 = arith.constant 0 : i32
      %dma_wait3A_144 = tpu.memref_slice %arg2[%dma_wait3A_140, %dma_wait3A_141, %dma_wait3A_142, %dma_wait3A_143] : memref<2x8192x8x128xf32, #tpu.memory_space<hbm>> -> memref<2x8x8x128xf32, #tpu.memory_space<hbm>>
      %dma_wait3A_145 = arith.constant 0 : i32
      %dma_wait3A_146 = arith.constant 0 : i32
      %dma_wait3A_147 = arith.constant 0 : i32
      %dma_wait3A_148 = arith.constant 0 : i32
      %dma_wait3A_149 = tpu.memref_slice %arg2[%dma_wait3A_145, %dma_wait3A_146, %dma_wait3A_147, %dma_wait3A_148] : memref<2x8192x8x128xf32, #tpu.memory_space<hbm>> -> memref<2x8x8x128xf32, #tpu.memory_space<hbm>>
      tpu.wait_dma2 semaphore(%arg8 : memref<!tpu.dma_semaphore, #tpu.memory_space<semaphore_mem>>) src(%dma_wait3A_149 : memref<2x8x8x128xf32, #tpu.memory_space<hbm>>) dst(%arg4 : memref<2x8x8x128xf32, #tpu.memory_space<vmem>>)
      %lt3A = arith.constant 31 : i32
      %lt3A_150 = arith.cmpi slt, %add3A_139, %lt3A : i32
      %convert_element_type3A = arith.extui %lt3A_150 : i1 to i32
      %cond3A = arith.constant 0 : i32
      %cond3A_151 = arith.cmpi ne, %convert_element_type3A, %cond3A : i32
      scf.if %cond3A_151 {
        %add3A_218 = arith.constant 1 : i32
        %add3A_219 = arith.addi %add3A_139, %add3A_218 : i32
        %mul3A_220 = arith.constant 8 : i32
        %mul3A_221 = arith.muli %add3A_219, %mul3A_220 : i32
        %add3A_222 = arith.addi %select_n3A, %mul3A_221 : i32
        %dma_start3A_223 = arith.constant 0 : i32
        %dma_start3A_224 = arith.constant 0 : i32
        %dma_start3A_225 = arith.constant 0 : i32
        %dma_start3A_226 = tpu.memref_slice %arg2[%dma_start3A_223, %add3A_222, %dma_start3A_224, %dma_start3A_225] : memref<2x8192x8x128xf32, #tpu.memory_space<hbm>> -> memref<2x8x8x128xf32, #tpu.memory_space<hbm>>
        %dma_start3A_227 = arith.constant 0 : i32
        %dma_start3A_228 = arith.constant 0 : i32
        %dma_start3A_229 = arith.constant 0 : i32
        %dma_start3A_230 = tpu.memref_slice %arg2[%dma_start3A_227, %add3A_222, %dma_start3A_228, %dma_start3A_229] : memref<2x8192x8x128xf32, #tpu.memory_space<hbm>> -> memref<2x8x8x128xf32, #tpu.memory_space<hbm>>
        tpu.enqueue_dma source(%dma_start3A_230 : memref<2x8x8x128xf32, #tpu.memory_space<hbm>>) target(%arg5 : memref<2x8x8x128xf32, #tpu.memory_space<vmem>>) target_semaphore(%arg9 : memref<!tpu.dma_semaphore, #tpu.memory_space<semaphore_mem>>)
      } else {
      }
      %ge3A = arith.constant 2 : i32
      %ge3A_152 = arith.cmpi sge, %add3A_139, %ge3A : i32
      %convert_element_type3A_153 = arith.extui %ge3A_152 : i1 to i32
      %cond3A_154 = arith.constant 0 : i32
      %cond3A_155 = arith.cmpi ne, %convert_element_type3A_153, %cond3A_154 : i32
      scf.if %cond3A_155 {
        %dma_wait3A_218 = arith.constant 0 : i32
        %dma_wait3A_219 = arith.constant 0 : i32
        %dma_wait3A_220 = tpu.memref_slice %arg6[%dma_wait3A_218, %dma_wait3A_219] : memref<1024x17xf32, #tpu.memory_space<vmem>> -> memref<1024x16xf32, #tpu.memory_space<vmem>>
        %dma_wait3A_221 = arith.constant 0 : i32
        %dma_wait3A_222 = arith.constant 0 : i32
        %dma_wait3A_223 = tpu.memref_slice %arg3[%dma_wait3A_221, %dma_wait3A_222] : memref<1048576x16xf32, #tpu.memory_space<hbm>> -> memref<1024x16xf32, #tpu.memory_space<hbm>>
        %dma_wait3A_224 = arith.constant 0 : i32
        %dma_wait3A_225 = arith.constant 0 : i32
        %dma_wait3A_226 = tpu.memref_slice %arg3[%dma_wait3A_224, %dma_wait3A_225] : memref<1048576x16xf32, #tpu.memory_space<hbm>> -> memref<1024x16xf32, #tpu.memory_space<hbm>>
        %dma_wait3A_227 = arith.constant 0 : i32
        %dma_wait3A_228 = arith.constant 0 : i32
        %dma_wait3A_229 = tpu.memref_slice %arg6[%dma_wait3A_227, %dma_wait3A_228] : memref<1024x17xf32, #tpu.memory_space<vmem>> -> memref<1024x16xf32, #tpu.memory_space<vmem>>
        tpu.wait_dma2 semaphore(%arg10 : memref<!tpu.dma_semaphore, #tpu.memory_space<semaphore_mem>>) src(%dma_wait3A_229 : memref<1024x16xf32, #tpu.memory_space<vmem>>) dst(%dma_wait3A_226 : memref<1024x16xf32, #tpu.memory_space<hbm>>)
      } else {
      }
      %scan3A_156 = arith.constant 0 : i32
      %scan3A_157 = arith.constant 0 : i32
      %scan3A_158 = arith.constant 64 : i32
      %scan3A_159 = arith.addi %scan3A_157, %scan3A_158 : i32
      %scan3A_160 = arith.constant 1 : i32
      scf.for %scan3A_218 = %scan3A_157 to %scan3A_159 step %scan3A_160  : i32 {
        %div3A_219 = arith.constant 8 : i32
        %div3A_220 = arith.divsi %scan3A_218, %div3A_219 : i32
        %rem3A_221 = arith.constant 8 : i32
        %rem3A_222 = arith.remsi %scan3A_218, %rem3A_221 : i32
        %mul3A_223 = arith.constant 16 : i32
        %mul3A_224 = arith.muli %scan3A_218, %mul3A_223 : i32
        %add3A_225 = vector.broadcast %mul3A_224 : i32 to vector<16xi32>
        %add3A_226 = arith.addi %iota3A, %add3A_225 : vector<16xi32>
        %mul3A_227 = arith.constant 16 : i32
        %mul3A_228 = arith.muli %rem3A_222, %mul3A_227 : i32
        %get3A = arith.constant 0 : i32
        %get3A_229 = arith.constant 0 : i32
        %get3A_230 = arith.index_cast %get3A : i32 to index
        %get3A_231 = arith.index_cast %div3A_220 : i32 to index
        %get3A_232 = arith.index_cast %get3A_229 : i32 to index
        %get3A_233 = arith.index_cast %mul3A_228 : i32 to index
        %get3A_234 = tpu.vector_load %arg4[%get3A_230, %get3A_231, %get3A_232, %get3A_233] {strides = array<i32>} : memref<2x8x8x128xf32, #tpu.memory_space<vmem>>, vector<16xf32>,
        tpu.vector_store_idx %arg6[%add3A_226, %add3A_22], %get3A_234 : memref<1024x17xf32, #tpu.memory_space<vmem>>[vector<16xi32>, vector<16xi32>], vector<16xf32>,
        %mul3A_235 = arith.constant 16 : i32
        %mul3A_236 = arith.muli %rem3A_222, %mul3A_235 : i32
        %get3A_237 = arith.constant 0 : i32
        %get3A_238 = arith.constant 1 : i32
        %get3A_239 = arith.index_cast %get3A_237 : i32 to index
        %get3A_240 = arith.index_cast %div3A_220 : i32 to index
        %get3A_241 = arith.index_cast %get3A_238 : i32 to index
        %get3A_242 = arith.index_cast %mul3A_236 : i32 to index
        %get3A_243 = tpu.vector_load %arg4[%get3A_239, %get3A_240, %get3A_241, %get3A_242] {strides = array<i32>} : memref<2x8x8x128xf32, #tpu.memory_space<vmem>>, vector<16xf32>,
        tpu.vector_store_idx %arg6[%add3A_226, %add3A_27], %get3A_243 : memref<1024x17xf32, #tpu.memory_space<vmem>>[vector<16xi32>, vector<16xi32>], vector<16xf32>,
        %mul3A_244 = arith.constant 16 : i32
        %mul3A_245 = arith.muli %rem3A_222, %mul3A_244 : i32
        %get3A_246 = arith.constant 0 : i32
        %get3A_247 = arith.constant 2 : i32
        %get3A_248 = arith.index_cast %get3A_246 : i32 to index
        %get3A_249 = arith.index_cast %div3A_220 : i32 to index
        %get3A_250 = arith.index_cast %get3A_247 : i32 to index
        %get3A_251 = arith.index_cast %mul3A_245 : i32 to index
        %get3A_252 = tpu.vector_load %arg4[%get3A_248, %get3A_249, %get3A_250, %get3A_251] {strides = array<i32>} : memref<2x8x8x128xf32, #tpu.memory_space<vmem>>, vector<16xf32>,
        tpu.vector_store_idx %arg6[%add3A_226, %add3A_32], %get3A_252 : memref<1024x17xf32, #tpu.memory_space<vmem>>[vector<16xi32>, vector<16xi32>], vector<16xf32>,
        %mul3A_253 = arith.constant 16 : i32
        %mul3A_254 = arith.muli %rem3A_222, %mul3A_253 : i32
        %get3A_255 = arith.constant 0 : i32
        %get3A_256 = arith.constant 3 : i32
        %get3A_257 = arith.index_cast %get3A_255 : i32 to index
        %get3A_258 = arith.index_cast %div3A_220 : i32 to index
        %get3A_259 = arith.index_cast %get3A_256 : i32 to index
        %get3A_260 = arith.index_cast %mul3A_254 : i32 to index
        %get3A_261 = tpu.vector_load %arg4[%get3A_257, %get3A_258, %get3A_259, %get3A_260] {strides = array<i32>} : memref<2x8x8x128xf32, #tpu.memory_space<vmem>>, vector<16xf32>,
        tpu.vector_store_idx %arg6[%add3A_226, %add3A_37], %get3A_261 : memref<1024x17xf32, #tpu.memory_space<vmem>>[vector<16xi32>, vector<16xi32>], vector<16xf32>,
        %mul3A_262 = arith.constant 16 : i32
        %mul3A_263 = arith.muli %rem3A_222, %mul3A_262 : i32
        %get3A_264 = arith.constant 0 : i32
        %get3A_265 = arith.constant 4 : i32
        %get3A_266 = arith.index_cast %get3A_264 : i32 to index
        %get3A_267 = arith.index_cast %div3A_220 : i32 to index
        %get3A_268 = arith.index_cast %get3A_265 : i32 to index
        %get3A_269 = arith.index_cast %mul3A_263 : i32 to index
        %get3A_270 = tpu.vector_load %arg4[%get3A_266, %get3A_267, %get3A_268, %get3A_269] {strides = array<i32>} : memref<2x8x8x128xf32, #tpu.memory_space<vmem>>, vector<16xf32>,
        tpu.vector_store_idx %arg6[%add3A_226, %add3A_42], %get3A_270 : memref<1024x17xf32, #tpu.memory_space<vmem>>[vector<16xi32>, vector<16xi32>], vector<16xf32>,
        %mul3A_271 = arith.constant 16 : i32
        %mul3A_272 = arith.muli %rem3A_222, %mul3A_271 : i32
        %get3A_273 = arith.constant 0 : i32
        %get3A_274 = arith.constant 5 : i32
        %get3A_275 = arith.index_cast %get3A_273 : i32 to index
        %get3A_276 = arith.index_cast %div3A_220 : i32 to index
        %get3A_277 = arith.index_cast %get3A_274 : i32 to index
        %get3A_278 = arith.index_cast %mul3A_272 : i32 to index
        %get3A_279 = tpu.vector_load %arg4[%get3A_275, %get3A_276, %get3A_277, %get3A_278] {strides = array<i32>} : memref<2x8x8x128xf32, #tpu.memory_space<vmem>>, vector<16xf32>,
        tpu.vector_store_idx %arg6[%add3A_226, %add3A_47], %get3A_279 : memref<1024x17xf32, #tpu.memory_space<vmem>>[vector<16xi32>, vector<16xi32>], vector<16xf32>,
        %mul3A_280 = arith.constant 16 : i32
        %mul3A_281 = arith.muli %rem3A_222, %mul3A_280 : i32
        %get3A_282 = arith.constant 0 : i32
        %get3A_283 = arith.constant 6 : i32
        %get3A_284 = arith.index_cast %get3A_282 : i32 to index
        %get3A_285 = arith.index_cast %div3A_220 : i32 to index
        %get3A_286 = arith.index_cast %get3A_283 : i32 to index
        %get3A_287 = arith.index_cast %mul3A_281 : i32 to index
        %get3A_288 = tpu.vector_load %arg4[%get3A_284, %get3A_285, %get3A_286, %get3A_287] {strides = array<i32>} : memref<2x8x8x128xf32, #tpu.memory_space<vmem>>, vector<16xf32>,
        tpu.vector_store_idx %arg6[%add3A_226, %add3A_52], %get3A_288 : memref<1024x17xf32, #tpu.memory_space<vmem>>[vector<16xi32>, vector<16xi32>], vector<16xf32>,
        %mul3A_289 = arith.constant 16 : i32
        %mul3A_290 = arith.muli %rem3A_222, %mul3A_289 : i32
        %get3A_291 = arith.constant 0 : i32
        %get3A_292 = arith.constant 7 : i32
        %get3A_293 = arith.index_cast %get3A_291 : i32 to index
        %get3A_294 = arith.index_cast %div3A_220 : i32 to index
        %get3A_295 = arith.index_cast %get3A_292 : i32 to index
        %get3A_296 = arith.index_cast %mul3A_290 : i32 to index
        %get3A_297 = tpu.vector_load %arg4[%get3A_293, %get3A_294, %get3A_295, %get3A_296] {strides = array<i32>} : memref<2x8x8x128xf32, #tpu.memory_space<vmem>>, vector<16xf32>,
        tpu.vector_store_idx %arg6[%add3A_226, %add3A_57], %get3A_297 : memref<1024x17xf32, #tpu.memory_space<vmem>>[vector<16xi32>, vector<16xi32>], vector<16xf32>,
        %mul3A_298 = arith.constant 16 : i32
        %mul3A_299 = arith.muli %rem3A_222, %mul3A_298 : i32
        %get3A_300 = arith.constant 1 : i32
        %get3A_301 = arith.constant 0 : i32
        %get3A_302 = arith.index_cast %get3A_300 : i32 to index
        %get3A_303 = arith.index_cast %div3A_220 : i32 to index
        %get3A_304 = arith.index_cast %get3A_301 : i32 to index
        %get3A_305 = arith.index_cast %mul3A_299 : i32 to index
        %get3A_306 = tpu.vector_load %arg4[%get3A_302, %get3A_303, %get3A_304, %get3A_305] {strides = array<i32>} : memref<2x8x8x128xf32, #tpu.memory_space<vmem>>, vector<16xf32>,
        tpu.vector_store_idx %arg6[%add3A_226, %add3A_62], %get3A_306 : memref<1024x17xf32, #tpu.memory_space<vmem>>[vector<16xi32>, vector<16xi32>], vector<16xf32>,
        %mul3A_307 = arith.constant 16 : i32
        %mul3A_308 = arith.muli %rem3A_222, %mul3A_307 : i32
        %get3A_309 = arith.constant 1 : i32
        %get3A_310 = arith.constant 1 : i32
        %get3A_311 = arith.index_cast %get3A_309 : i32 to index
        %get3A_312 = arith.index_cast %div3A_220 : i32 to index
        %get3A_313 = arith.index_cast %get3A_310 : i32 to index
        %get3A_314 = arith.index_cast %mul3A_308 : i32 to index
        %get3A_315 = tpu.vector_load %arg4[%get3A_311, %get3A_312, %get3A_313, %get3A_314] {strides = array<i32>} : memref<2x8x8x128xf32, #tpu.memory_space<vmem>>, vector<16xf32>,
        tpu.vector_store_idx %arg6[%add3A_226, %add3A_67], %get3A_315 : memref<1024x17xf32, #tpu.memory_space<vmem>>[vector<16xi32>, vector<16xi32>], vector<16xf32>,
        %mul3A_316 = arith.constant 16 : i32
        %mul3A_317 = arith.muli %rem3A_222, %mul3A_316 : i32
        %get3A_318 = arith.constant 1 : i32
        %get3A_319 = arith.constant 2 : i32
        %get3A_320 = arith.index_cast %get3A_318 : i32 to index
        %get3A_321 = arith.index_cast %div3A_220 : i32 to index
        %get3A_322 = arith.index_cast %get3A_319 : i32 to index
        %get3A_323 = arith.index_cast %mul3A_317 : i32 to index
        %get3A_324 = tpu.vector_load %arg4[%get3A_320, %get3A_321, %get3A_322, %get3A_323] {strides = array<i32>} : memref<2x8x8x128xf32, #tpu.memory_space<vmem>>, vector<16xf32>,
        tpu.vector_store_idx %arg6[%add3A_226, %add3A_72], %get3A_324 : memref<1024x17xf32, #tpu.memory_space<vmem>>[vector<16xi32>, vector<16xi32>], vector<16xf32>,
        %mul3A_325 = arith.constant 16 : i32
        %mul3A_326 = arith.muli %rem3A_222, %mul3A_325 : i32
        %get3A_327 = arith.constant 1 : i32
        %get3A_328 = arith.constant 3 : i32
        %get3A_329 = arith.index_cast %get3A_327 : i32 to index
        %get3A_330 = arith.index_cast %div3A_220 : i32 to index
        %get3A_331 = arith.index_cast %get3A_328 : i32 to index
        %get3A_332 = arith.index_cast %mul3A_326 : i32 to index
        %get3A_333 = tpu.vector_load %arg4[%get3A_329, %get3A_330, %get3A_331, %get3A_332] {strides = array<i32>} : memref<2x8x8x128xf32, #tpu.memory_space<vmem>>, vector<16xf32>,
        tpu.vector_store_idx %arg6[%add3A_226, %add3A_77], %get3A_333 : memref<1024x17xf32, #tpu.memory_space<vmem>>[vector<16xi32>, vector<16xi32>], vector<16xf32>,
        %mul3A_334 = arith.constant 16 : i32
        %mul3A_335 = arith.muli %rem3A_222, %mul3A_334 : i32
        %get3A_336 = arith.constant 1 : i32
        %get3A_337 = arith.constant 4 : i32
        %get3A_338 = arith.index_cast %get3A_336 : i32 to index
        %get3A_339 = arith.index_cast %div3A_220 : i32 to index
        %get3A_340 = arith.index_cast %get3A_337 : i32 to index
        %get3A_341 = arith.index_cast %mul3A_335 : i32 to index
        %get3A_342 = tpu.vector_load %arg4[%get3A_338, %get3A_339, %get3A_340, %get3A_341] {strides = array<i32>} : memref<2x8x8x128xf32, #tpu.memory_space<vmem>>, vector<16xf32>,
        tpu.vector_store_idx %arg6[%add3A_226, %add3A_82], %get3A_342 : memref<1024x17xf32, #tpu.memory_space<vmem>>[vector<16xi32>, vector<16xi32>], vector<16xf32>,
        %mul3A_343 = arith.constant 16 : i32
        %mul3A_344 = arith.muli %rem3A_222, %mul3A_343 : i32
        %get3A_345 = arith.constant 1 : i32
        %get3A_346 = arith.constant 5 : i32
        %get3A_347 = arith.index_cast %get3A_345 : i32 to index
        %get3A_348 = arith.index_cast %div3A_220 : i32 to index
        %get3A_349 = arith.index_cast %get3A_346 : i32 to index
        %get3A_350 = arith.index_cast %mul3A_344 : i32 to index
        %get3A_351 = tpu.vector_load %arg4[%get3A_347, %get3A_348, %get3A_349, %get3A_350] {strides = array<i32>} : memref<2x8x8x128xf32, #tpu.memory_space<vmem>>, vector<16xf32>,
        tpu.vector_store_idx %arg6[%add3A_226, %add3A_87], %get3A_351 : memref<1024x17xf32, #tpu.memory_space<vmem>>[vector<16xi32>, vector<16xi32>], vector<16xf32>,
        %mul3A_352 = arith.constant 16 : i32
        %mul3A_353 = arith.muli %rem3A_222, %mul3A_352 : i32
        %get3A_354 = arith.constant 1 : i32
        %get3A_355 = arith.constant 6 : i32
        %get3A_356 = arith.index_cast %get3A_354 : i32 to index
        %get3A_357 = arith.index_cast %div3A_220 : i32 to index
        %get3A_358 = arith.index_cast %get3A_355 : i32 to index
        %get3A_359 = arith.index_cast %mul3A_353 : i32 to index
        %get3A_360 = tpu.vector_load %arg4[%get3A_356, %get3A_357, %get3A_358, %get3A_359] {strides = array<i32>} : memref<2x8x8x128xf32, #tpu.memory_space<vmem>>, vector<16xf32>,
        tpu.vector_store_idx %arg6[%add3A_226, %add3A_92], %get3A_360 : memref<1024x17xf32, #tpu.memory_space<vmem>>[vector<16xi32>, vector<16xi32>], vector<16xf32>,
        %mul3A_361 = arith.constant 16 : i32
        %mul3A_362 = arith.muli %rem3A_222, %mul3A_361 : i32
        %get3A_363 = arith.constant 1 : i32
        %get3A_364 = arith.constant 7 : i32
        %get3A_365 = arith.index_cast %get3A_363 : i32 to index
        %get3A_366 = arith.index_cast %div3A_220 : i32 to index
        %get3A_367 = arith.index_cast %get3A_364 : i32 to index
        %get3A_368 = arith.index_cast %mul3A_362 : i32 to index
        %get3A_369 = tpu.vector_load %arg4[%get3A_365, %get3A_366, %get3A_367, %get3A_368] {strides = array<i32>} : memref<2x8x8x128xf32, #tpu.memory_space<vmem>>, vector<16xf32>,
        tpu.vector_store_idx %arg6[%add3A_226, %add3A_97], %get3A_369 : memref<1024x17xf32, #tpu.memory_space<vmem>>[vector<16xi32>, vector<16xi32>], vector<16xf32>,
      }
      %scan3A_161 = arith.constant 64 : i32
      %mul3A_162 = arith.constant 1024 : i32
      %mul3A_163 = arith.muli %add3A_139, %mul3A_162 : i32
      %add3A_164 = arith.addi %mul3A_2, %mul3A_163 : i32
      %dma_start3A_165 = arith.constant 0 : i32
      %dma_start3A_166 = arith.constant 0 : i32
      %dma_start3A_167 = tpu.memref_slice %arg6[%dma_start3A_165, %dma_start3A_166] : memref<1024x17xf32, #tpu.memory_space<vmem>> -> memref<1024x16xf32, #tpu.memory_space<vmem>>
      %dma_start3A_168 = arith.constant 0 : i32
      %dma_start3A_169 = tpu.memref_slice %arg3[%add3A_164, %dma_start3A_168] : memref<1048576x16xf32, #tpu.memory_space<hbm>> -> memref<1024x16xf32, #tpu.memory_space<hbm>>
      %dma_start3A_170 = arith.constant 0 : i32
      %dma_start3A_171 = tpu.memref_slice %arg3[%add3A_164, %dma_start3A_170] : memref<1048576x16xf32, #tpu.memory_space<hbm>> -> memref<1024x16xf32, #tpu.memory_space<hbm>>
      %dma_start3A_172 = arith.constant 0 : i32
      %dma_start3A_173 = arith.constant 0 : i32
      %dma_start3A_174 = tpu.memref_slice %arg6[%dma_start3A_172, %dma_start3A_173] : memref<1024x17xf32, #tpu.memory_space<vmem>> -> memref<1024x16xf32, #tpu.memory_space<vmem>>
      tpu.enqueue_dma source(%dma_start3A_174 : memref<1024x16xf32, #tpu.memory_space<vmem>>) target(%dma_start3A_171 : memref<1024x16xf32, #tpu.memory_space<hbm>>) target_semaphore(%arg10 : memref<!tpu.dma_semaphore, #tpu.memory_space<semaphore_mem>>)
      %mul3A_175 = arith.constant 2 : i32
      %mul3A_176 = arith.muli %mul3A_175, %scan3A_135 : i32
      %add3A_177 = arith.constant 1 : i32
      %add3A_178 = arith.addi %mul3A_176, %add3A_177 : i32
      %dma_wait3A_179 = arith.constant 0 : i32
      %dma_wait3A_180 = arith.constant 0 : i32
      %dma_wait3A_181 = arith.constant 0 : i32
      %dma_wait3A_182 = arith.constant 0 : i32
      %dma_wait3A_183 = tpu.memref_slice %arg2[%dma_wait3A_179, %dma_wait3A_180, %dma_wait3A_181, %dma_wait3A_182] : memref<2x8192x8x128xf32, #tpu.memory_space<hbm>> -> memref<2x8x8x128xf32, #tpu.memory_space<hbm>>
      %dma_wait3A_184 = arith.constant 0 : i32
      %dma_wait3A_185 = arith.constant 0 : i32
      %dma_wait3A_186 = arith.constant 0 : i32
      %dma_wait3A_187 = arith.constant 0 : i32
      %dma_wait3A_188 = tpu.memref_slice %arg2[%dma_wait3A_184, %dma_wait3A_185, %dma_wait3A_186, %dma_wait3A_187] : memref<2x8192x8x128xf32, #tpu.memory_space<hbm>> -> memref<2x8x8x128xf32, #tpu.memory_space<hbm>>
      tpu.wait_dma2 semaphore(%arg9 : memref<!tpu.dma_semaphore, #tpu.memory_space<semaphore_mem>>) src(%dma_wait3A_188 : memref<2x8x8x128xf32, #tpu.memory_space<hbm>>) dst(%arg5 : memref<2x8x8x128xf32, #tpu.memory_space<vmem>>)
      %lt3A_189 = arith.constant 31 : i32
      %lt3A_190 = arith.cmpi slt, %add3A_178, %lt3A_189 : i32
      %convert_element_type3A_191 = arith.extui %lt3A_190 : i1 to i32
      %cond3A_192 = arith.constant 0 : i32
      %cond3A_193 = arith.cmpi ne, %convert_element_type3A_191, %cond3A_192 : i32
      scf.if %cond3A_193 {
        %add3A_218 = arith.constant 1 : i32
        %add3A_219 = arith.addi %add3A_178, %add3A_218 : i32
        %mul3A_220 = arith.constant 8 : i32
        %mul3A_221 = arith.muli %add3A_219, %mul3A_220 : i32
        %add3A_222 = arith.addi %select_n3A, %mul3A_221 : i32
        %dma_start3A_223 = arith.constant 0 : i32
        %dma_start3A_224 = arith.constant 0 : i32
        %dma_start3A_225 = arith.constant 0 : i32
        %dma_start3A_226 = tpu.memref_slice %arg2[%dma_start3A_223, %add3A_222, %dma_start3A_224, %dma_start3A_225] : memref<2x8192x8x128xf32, #tpu.memory_space<hbm>> -> memref<2x8x8x128xf32, #tpu.memory_space<hbm>>
        %dma_start3A_227 = arith.constant 0 : i32
        %dma_start3A_228 = arith.constant 0 : i32
        %dma_start3A_229 = arith.constant 0 : i32
        %dma_start3A_230 = tpu.memref_slice %arg2[%dma_start3A_227, %add3A_222, %dma_start3A_228, %dma_start3A_229] : memref<2x8192x8x128xf32, #tpu.memory_space<hbm>> -> memref<2x8x8x128xf32, #tpu.memory_space<hbm>>
        tpu.enqueue_dma source(%dma_start3A_230 : memref<2x8x8x128xf32, #tpu.memory_space<hbm>>) target(%arg4 : memref<2x8x8x128xf32, #tpu.memory_space<vmem>>) target_semaphore(%arg8 : memref<!tpu.dma_semaphore, #tpu.memory_space<semaphore_mem>>)
      } else {
      }
      %ge3A_194 = arith.constant 2 : i32
      %ge3A_195 = arith.cmpi sge, %add3A_178, %ge3A_194 : i32
      %convert_element_type3A_196 = arith.extui %ge3A_195 : i1 to i32
      %cond3A_197 = arith.constant 0 : i32
      %cond3A_198 = arith.cmpi ne, %convert_element_type3A_196, %cond3A_197 : i32
      scf.if %cond3A_198 {
        %dma_wait3A_218 = arith.constant 0 : i32
        %dma_wait3A_219 = arith.constant 0 : i32
        %dma_wait3A_220 = tpu.memref_slice %arg7[%dma_wait3A_218, %dma_wait3A_219] : memref<1024x17xf32, #tpu.memory_space<vmem>> -> memref<1024x16xf32, #tpu.memory_space<vmem>>
        %dma_wait3A_221 = arith.constant 0 : i32
        %dma_wait3A_222 = arith.constant 0 : i32
        %dma_wait3A_223 = tpu.memref_slice %arg3[%dma_wait3A_221, %dma_wait3A_222] : memref<1048576x16xf32, #tpu.memory_space<hbm>> -> memref<1024x16xf32, #tpu.memory_space<hbm>>
        %dma_wait3A_224 = arith.constant 0 : i32
        %dma_wait3A_225 = arith.constant 0 : i32
        %dma_wait3A_226 = tpu.memref_slice %arg3[%dma_wait3A_224, %dma_wait3A_225] : memref<1048576x16xf32, #tpu.memory_space<hbm>> -> memref<1024x16xf32, #tpu.memory_space<hbm>>
        %dma_wait3A_227 = arith.constant 0 : i32
        %dma_wait3A_228 = arith.constant 0 : i32
        %dma_wait3A_229 = tpu.memref_slice %arg7[%dma_wait3A_227, %dma_wait3A_228] : memref<1024x17xf32, #tpu.memory_space<vmem>> -> memref<1024x16xf32, #tpu.memory_space<vmem>>
        tpu.wait_dma2 semaphore(%arg11 : memref<!tpu.dma_semaphore, #tpu.memory_space<semaphore_mem>>) src(%dma_wait3A_229 : memref<1024x16xf32, #tpu.memory_space<vmem>>) dst(%dma_wait3A_226 : memref<1024x16xf32, #tpu.memory_space<hbm>>)
      } else {
      }
      %scan3A_199 = arith.constant 0 : i32
      %scan3A_200 = arith.constant 0 : i32
      %scan3A_201 = arith.constant 64 : i32
      %scan3A_202 = arith.addi %scan3A_200, %scan3A_201 : i32
      %scan3A_203 = arith.constant 1 : i32
      scf.for %scan3A_218 = %scan3A_200 to %scan3A_202 step %scan3A_203  : i32 {
        %div3A_219 = arith.constant 8 : i32
        %div3A_220 = arith.divsi %scan3A_218, %div3A_219 : i32
        %rem3A_221 = arith.constant 8 : i32
        %rem3A_222 = arith.remsi %scan3A_218, %rem3A_221 : i32
        %mul3A_223 = arith.constant 16 : i32
        %mul3A_224 = arith.muli %scan3A_218, %mul3A_223 : i32
        %add3A_225 = vector.broadcast %mul3A_224 : i32 to vector<16xi32>
        %add3A_226 = arith.addi %iota3A, %add3A_225 : vector<16xi32>
        %mul3A_227 = arith.constant 16 : i32
        %mul3A_228 = arith.muli %rem3A_222, %mul3A_227 : i32
        %get3A = arith.constant 0 : i32
        %get3A_229 = arith.constant 0 : i32
        %get3A_230 = arith.index_cast %get3A : i32 to index
        %get3A_231 = arith.index_cast %div3A_220 : i32 to index
        %get3A_232 = arith.index_cast %get3A_229 : i32 to index
        %get3A_233 = arith.index_cast %mul3A_228 : i32 to index
        %get3A_234 = tpu.vector_load %arg5[%get3A_230, %get3A_231, %get3A_232, %get3A_233] {strides = array<i32>} : memref<2x8x8x128xf32, #tpu.memory_space<vmem>>, vector<16xf32>,
        tpu.vector_store_idx %arg7[%add3A_226, %add3A_22], %get3A_234 : memref<1024x17xf32, #tpu.memory_space<vmem>>[vector<16xi32>, vector<16xi32>], vector<16xf32>,
        %mul3A_235 = arith.constant 16 : i32
        %mul3A_236 = arith.muli %rem3A_222, %mul3A_235 : i32
        %get3A_237 = arith.constant 0 : i32
        %get3A_238 = arith.constant 1 : i32
        %get3A_239 = arith.index_cast %get3A_237 : i32 to index
        %get3A_240 = arith.index_cast %div3A_220 : i32 to index
        %get3A_241 = arith.index_cast %get3A_238 : i32 to index
        %get3A_242 = arith.index_cast %mul3A_236 : i32 to index
        %get3A_243 = tpu.vector_load %arg5[%get3A_239, %get3A_240, %get3A_241, %get3A_242] {strides = array<i32>} : memref<2x8x8x128xf32, #tpu.memory_space<vmem>>, vector<16xf32>,
        tpu.vector_store_idx %arg7[%add3A_226, %add3A_27], %get3A_243 : memref<1024x17xf32, #tpu.memory_space<vmem>>[vector<16xi32>, vector<16xi32>], vector<16xf32>,
        %mul3A_244 = arith.constant 16 : i32
        %mul3A_245 = arith.muli %rem3A_222, %mul3A_244 : i32
        %get3A_246 = arith.constant 0 : i32
        %get3A_247 = arith.constant 2 : i32
        %get3A_248 = arith.index_cast %get3A_246 : i32 to index
        %get3A_249 = arith.index_cast %div3A_220 : i32 to index
        %get3A_250 = arith.index_cast %get3A_247 : i32 to index
        %get3A_251 = arith.index_cast %mul3A_245 : i32 to index
        %get3A_252 = tpu.vector_load %arg5[%get3A_248, %get3A_249, %get3A_250, %get3A_251] {strides = array<i32>} : memref<2x8x8x128xf32, #tpu.memory_space<vmem>>, vector<16xf32>,
        tpu.vector_store_idx %arg7[%add3A_226, %add3A_32], %get3A_252 : memref<1024x17xf32, #tpu.memory_space<vmem>>[vector<16xi32>, vector<16xi32>], vector<16xf32>,
        %mul3A_253 = arith.constant 16 : i32
        %mul3A_254 = arith.muli %rem3A_222, %mul3A_253 : i32
        %get3A_255 = arith.constant 0 : i32
        %get3A_256 = arith.constant 3 : i32
        %get3A_257 = arith.index_cast %get3A_255 : i32 to index
        %get3A_258 = arith.index_cast %div3A_220 : i32 to index
        %get3A_259 = arith.index_cast %get3A_256 : i32 to index
        %get3A_260 = arith.index_cast %mul3A_254 : i32 to index
        %get3A_261 = tpu.vector_load %arg5[%get3A_257, %get3A_258, %get3A_259, %get3A_260] {strides = array<i32>} : memref<2x8x8x128xf32, #tpu.memory_space<vmem>>, vector<16xf32>,
        tpu.vector_store_idx %arg7[%add3A_226, %add3A_37], %get3A_261 : memref<1024x17xf32, #tpu.memory_space<vmem>>[vector<16xi32>, vector<16xi32>], vector<16xf32>,
        %mul3A_262 = arith.constant 16 : i32
        %mul3A_263 = arith.muli %rem3A_222, %mul3A_262 : i32
        %get3A_264 = arith.constant 0 : i32
        %get3A_265 = arith.constant 4 : i32
        %get3A_266 = arith.index_cast %get3A_264 : i32 to index
        %get3A_267 = arith.index_cast %div3A_220 : i32 to index
        %get3A_268 = arith.index_cast %get3A_265 : i32 to index
        %get3A_269 = arith.index_cast %mul3A_263 : i32 to index
        %get3A_270 = tpu.vector_load %arg5[%get3A_266, %get3A_267, %get3A_268, %get3A_269] {strides = array<i32>} : memref<2x8x8x128xf32, #tpu.memory_space<vmem>>, vector<16xf32>,
        tpu.vector_store_idx %arg7[%add3A_226, %add3A_42], %get3A_270 : memref<1024x17xf32, #tpu.memory_space<vmem>>[vector<16xi32>, vector<16xi32>], vector<16xf32>,
        %mul3A_271 = arith.constant 16 : i32
        %mul3A_272 = arith.muli %rem3A_222, %mul3A_271 : i32
        %get3A_273 = arith.constant 0 : i32
        %get3A_274 = arith.constant 5 : i32
        %get3A_275 = arith.index_cast %get3A_273 : i32 to index
        %get3A_276 = arith.index_cast %div3A_220 : i32 to index
        %get3A_277 = arith.index_cast %get3A_274 : i32 to index
        %get3A_278 = arith.index_cast %mul3A_272 : i32 to index
        %get3A_279 = tpu.vector_load %arg5[%get3A_275, %get3A_276, %get3A_277, %get3A_278] {strides = array<i32>} : memref<2x8x8x128xf32, #tpu.memory_space<vmem>>, vector<16xf32>,
        tpu.vector_store_idx %arg7[%add3A_226, %add3A_47], %get3A_279 : memref<1024x17xf32, #tpu.memory_space<vmem>>[vector<16xi32>, vector<16xi32>], vector<16xf32>,
        %mul3A_280 = arith.constant 16 : i32
        %mul3A_281 = arith.muli %rem3A_222, %mul3A_280 : i32
        %get3A_282 = arith.constant 0 : i32
        %get3A_283 = arith.constant 6 : i32
        %get3A_284 = arith.index_cast %get3A_282 : i32 to index
        %get3A_285 = arith.index_cast %div3A_220 : i32 to index
        %get3A_286 = arith.index_cast %get3A_283 : i32 to index
        %get3A_287 = arith.index_cast %mul3A_281 : i32 to index
        %get3A_288 = tpu.vector_load %arg5[%get3A_284, %get3A_285, %get3A_286, %get3A_287] {strides = array<i32>} : memref<2x8x8x128xf32, #tpu.memory_space<vmem>>, vector<16xf32>,
        tpu.vector_store_idx %arg7[%add3A_226, %add3A_52], %get3A_288 : memref<1024x17xf32, #tpu.memory_space<vmem>>[vector<16xi32>, vector<16xi32>], vector<16xf32>,
        %mul3A_289 = arith.constant 16 : i32
        %mul3A_290 = arith.muli %rem3A_222, %mul3A_289 : i32
        %get3A_291 = arith.constant 0 : i32
        %get3A_292 = arith.constant 7 : i32
        %get3A_293 = arith.index_cast %get3A_291 : i32 to index
        %get3A_294 = arith.index_cast %div3A_220 : i32 to index
        %get3A_295 = arith.index_cast %get3A_292 : i32 to index
        %get3A_296 = arith.index_cast %mul3A_290 : i32 to index
        %get3A_297 = tpu.vector_load %arg5[%get3A_293, %get3A_294, %get3A_295, %get3A_296] {strides = array<i32>} : memref<2x8x8x128xf32, #tpu.memory_space<vmem>>, vector<16xf32>,
        tpu.vector_store_idx %arg7[%add3A_226, %add3A_57], %get3A_297 : memref<1024x17xf32, #tpu.memory_space<vmem>>[vector<16xi32>, vector<16xi32>], vector<16xf32>,
        %mul3A_298 = arith.constant 16 : i32
        %mul3A_299 = arith.muli %rem3A_222, %mul3A_298 : i32
        %get3A_300 = arith.constant 1 : i32
        %get3A_301 = arith.constant 0 : i32
        %get3A_302 = arith.index_cast %get3A_300 : i32 to index
        %get3A_303 = arith.index_cast %div3A_220 : i32 to index
        %get3A_304 = arith.index_cast %get3A_301 : i32 to index
        %get3A_305 = arith.index_cast %mul3A_299 : i32 to index
        %get3A_306 = tpu.vector_load %arg5[%get3A_302, %get3A_303, %get3A_304, %get3A_305] {strides = array<i32>} : memref<2x8x8x128xf32, #tpu.memory_space<vmem>>, vector<16xf32>,
        tpu.vector_store_idx %arg7[%add3A_226, %add3A_62], %get3A_306 : memref<1024x17xf32, #tpu.memory_space<vmem>>[vector<16xi32>, vector<16xi32>], vector<16xf32>,
        %mul3A_307 = arith.constant 16 : i32
        %mul3A_308 = arith.muli %rem3A_222, %mul3A_307 : i32
        %get3A_309 = arith.constant 1 : i32
        %get3A_310 = arith.constant 1 : i32
        %get3A_311 = arith.index_cast %get3A_309 : i32 to index
        %get3A_312 = arith.index_cast %div3A_220 : i32 to index
        %get3A_313 = arith.index_cast %get3A_310 : i32 to index
        %get3A_314 = arith.index_cast %mul3A_308 : i32 to index
        %get3A_315 = tpu.vector_load %arg5[%get3A_311, %get3A_312, %get3A_313, %get3A_314] {strides = array<i32>} : memref<2x8x8x128xf32, #tpu.memory_space<vmem>>, vector<16xf32>,
        tpu.vector_store_idx %arg7[%add3A_226, %add3A_67], %get3A_315 : memref<1024x17xf32, #tpu.memory_space<vmem>>[vector<16xi32>, vector<16xi32>], vector<16xf32>,
        %mul3A_316 = arith.constant 16 : i32
        %mul3A_317 = arith.muli %rem3A_222, %mul3A_316 : i32
        %get3A_318 = arith.constant 1 : i32
        %get3A_319 = arith.constant 2 : i32
        %get3A_320 = arith.index_cast %get3A_318 : i32 to index
        %get3A_321 = arith.index_cast %div3A_220 : i32 to index
        %get3A_322 = arith.index_cast %get3A_319 : i32 to index
        %get3A_323 = arith.index_cast %mul3A_317 : i32 to index
        %get3A_324 = tpu.vector_load %arg5[%get3A_320, %get3A_321, %get3A_322, %get3A_323] {strides = array<i32>} : memref<2x8x8x128xf32, #tpu.memory_space<vmem>>, vector<16xf32>,
        tpu.vector_store_idx %arg7[%add3A_226, %add3A_72], %get3A_324 : memref<1024x17xf32, #tpu.memory_space<vmem>>[vector<16xi32>, vector<16xi32>], vector<16xf32>,
        %mul3A_325 = arith.constant 16 : i32
        %mul3A_326 = arith.muli %rem3A_222, %mul3A_325 : i32
        %get3A_327 = arith.constant 1 : i32
        %get3A_328 = arith.constant 3 : i32
        %get3A_329 = arith.index_cast %get3A_327 : i32 to index
        %get3A_330 = arith.index_cast %div3A_220 : i32 to index
        %get3A_331 = arith.index_cast %get3A_328 : i32 to index
        %get3A_332 = arith.index_cast %mul3A_326 : i32 to index
        %get3A_333 = tpu.vector_load %arg5[%get3A_329, %get3A_330, %get3A_331, %get3A_332] {strides = array<i32>} : memref<2x8x8x128xf32, #tpu.memory_space<vmem>>, vector<16xf32>,
        tpu.vector_store_idx %arg7[%add3A_226, %add3A_77], %get3A_333 : memref<1024x17xf32, #tpu.memory_space<vmem>>[vector<16xi32>, vector<16xi32>], vector<16xf32>,
        %mul3A_334 = arith.constant 16 : i32
        %mul3A_335 = arith.muli %rem3A_222, %mul3A_334 : i32
        %get3A_336 = arith.constant 1 : i32
        %get3A_337 = arith.constant 4 : i32
        %get3A_338 = arith.index_cast %get3A_336 : i32 to index
        %get3A_339 = arith.index_cast %div3A_220 : i32 to index
        %get3A_340 = arith.index_cast %get3A_337 : i32 to index
        %get3A_341 = arith.index_cast %mul3A_335 : i32 to index
        %get3A_342 = tpu.vector_load %arg5[%get3A_338, %get3A_339, %get3A_340, %get3A_341] {strides = array<i32>} : memref<2x8x8x128xf32, #tpu.memory_space<vmem>>, vector<16xf32>,
        tpu.vector_store_idx %arg7[%add3A_226, %add3A_82], %get3A_342 : memref<1024x17xf32, #tpu.memory_space<vmem>>[vector<16xi32>, vector<16xi32>], vector<16xf32>,
        %mul3A_343 = arith.constant 16 : i32
        %mul3A_344 = arith.muli %rem3A_222, %mul3A_343 : i32
        %get3A_345 = arith.constant 1 : i32
        %get3A_346 = arith.constant 5 : i32
        %get3A_347 = arith.index_cast %get3A_345 : i32 to index
        %get3A_348 = arith.index_cast %div3A_220 : i32 to index
        %get3A_349 = arith.index_cast %get3A_346 : i32 to index
        %get3A_350 = arith.index_cast %mul3A_344 : i32 to index
        %get3A_351 = tpu.vector_load %arg5[%get3A_347, %get3A_348, %get3A_349, %get3A_350] {strides = array<i32>} : memref<2x8x8x128xf32, #tpu.memory_space<vmem>>, vector<16xf32>,
        tpu.vector_store_idx %arg7[%add3A_226, %add3A_87], %get3A_351 : memref<1024x17xf32, #tpu.memory_space<vmem>>[vector<16xi32>, vector<16xi32>], vector<16xf32>,
        %mul3A_352 = arith.constant 16 : i32
        %mul3A_353 = arith.muli %rem3A_222, %mul3A_352 : i32
        %get3A_354 = arith.constant 1 : i32
        %get3A_355 = arith.constant 6 : i32
        %get3A_356 = arith.index_cast %get3A_354 : i32 to index
        %get3A_357 = arith.index_cast %div3A_220 : i32 to index
        %get3A_358 = arith.index_cast %get3A_355 : i32 to index
        %get3A_359 = arith.index_cast %mul3A_353 : i32 to index
        %get3A_360 = tpu.vector_load %arg5[%get3A_356, %get3A_357, %get3A_358, %get3A_359] {strides = array<i32>} : memref<2x8x8x128xf32, #tpu.memory_space<vmem>>, vector<16xf32>,
        tpu.vector_store_idx %arg7[%add3A_226, %add3A_92], %get3A_360 : memref<1024x17xf32, #tpu.memory_space<vmem>>[vector<16xi32>, vector<16xi32>], vector<16xf32>,
        %mul3A_361 = arith.constant 16 : i32
        %mul3A_362 = arith.muli %rem3A_222, %mul3A_361 : i32
        %get3A_363 = arith.constant 1 : i32
        %get3A_364 = arith.constant 7 : i32
        %get3A_365 = arith.index_cast %get3A_363 : i32 to index
        %get3A_366 = arith.index_cast %div3A_220 : i32 to index
        %get3A_367 = arith.index_cast %get3A_364 : i32 to index
        %get3A_368 = arith.index_cast %mul3A_362 : i32 to index
        %get3A_369 = tpu.vector_load %arg5[%get3A_365, %get3A_366, %get3A_367, %get3A_368] {strides = array<i32>} : memref<2x8x8x128xf32, #tpu.memory_space<vmem>>, vector<16xf32>,
        tpu.vector_store_idx %arg7[%add3A_226, %add3A_97], %get3A_369 : memref<1024x17xf32, #tpu.memory_space<vmem>>[vector<16xi32>, vector<16xi32>], vector<16xf32>,
      }
      %scan3A_204 = arith.constant 64 : i32
      %mul3A_205 = arith.constant 1024 : i32
      %mul3A_206 = arith.muli %add3A_178, %mul3A_205 : i32
      %add3A_207 = arith.addi %mul3A_2, %mul3A_206 : i32
      %dma_start3A_208 = arith.constant 0 : i32
      %dma_start3A_209 = arith.constant 0 : i32
      %dma_start3A_210 = tpu.memref_slice %arg7[%dma_start3A_208, %dma_start3A_209] : memref<1024x17xf32, #tpu.memory_space<vmem>> -> memref<1024x16xf32, #tpu.memory_space<vmem>>
      %dma_start3A_211 = arith.constant 0 : i32
      %dma_start3A_212 = tpu.memref_slice %arg3[%add3A_207, %dma_start3A_211] : memref<1048576x16xf32, #tpu.memory_space<hbm>> -> memref<1024x16xf32, #tpu.memory_space<hbm>>
      %dma_start3A_213 = arith.constant 0 : i32
      %dma_start3A_214 = tpu.memref_slice %arg3[%add3A_207, %dma_start3A_213] : memref<1048576x16xf32, #tpu.memory_space<hbm>> -> memref<1024x16xf32, #tpu.memory_space<hbm>>
      %dma_start3A_215 = arith.constant 0 : i32
      %dma_start3A_216 = arith.constant 0 : i32
      %dma_start3A_217 = tpu.memref_slice %arg7[%dma_start3A_215, %dma_start3A_216] : memref<1024x17xf32, #tpu.memory_space<vmem>> -> memref<1024x16xf32, #tpu.memory_space<vmem>>
      tpu.enqueue_dma source(%dma_start3A_217 : memref<1024x16xf32, #tpu.memory_space<vmem>>) target(%dma_start3A_214 : memref<1024x16xf32, #tpu.memory_space<hbm>>) target_semaphore(%arg11 : memref<!tpu.dma_semaphore, #tpu.memory_space<semaphore_mem>>)
    }
    %scan3A_111 = arith.constant 16 : i32
    %dma_wait3A = arith.constant 0 : i32
    %dma_wait3A_112 = arith.constant 0 : i32
    %dma_wait3A_113 = tpu.memref_slice %arg6[%dma_wait3A, %dma_wait3A_112] : memref<1024x17xf32, #tpu.memory_space<vmem>> -> memref<1024x16xf32, #tpu.memory_space<vmem>>
    %dma_wait3A_114 = arith.constant 0 : i32
    %dma_wait3A_115 = arith.constant 0 : i32
    %dma_wait3A_116 = tpu.memref_slice %arg3[%dma_wait3A_114, %dma_wait3A_115] : memref<1048576x16xf32, #tpu.memory_space<hbm>> -> memref<1024x16xf32, #tpu.memory_space<hbm>>
    %dma_wait3A_117 = arith.constant 0 : i32
    %dma_wait3A_118 = arith.constant 0 : i32
    %dma_wait3A_119 = tpu.memref_slice %arg3[%dma_wait3A_117, %dma_wait3A_118] : memref<1048576x16xf32, #tpu.memory_space<hbm>> -> memref<1024x16xf32, #tpu.memory_space<hbm>>
    %dma_wait3A_120 = arith.constant 0 : i32
    %dma_wait3A_121 = arith.constant 0 : i32
    %dma_wait3A_122 = tpu.memref_slice %arg6[%dma_wait3A_120, %dma_wait3A_121] : memref<1024x17xf32, #tpu.memory_space<vmem>> -> memref<1024x16xf32, #tpu.memory_space<vmem>>
    tpu.wait_dma2 semaphore(%arg10 : memref<!tpu.dma_semaphore, #tpu.memory_space<semaphore_mem>>) src(%dma_wait3A_122 : memref<1024x16xf32, #tpu.memory_space<vmem>>) dst(%dma_wait3A_119 : memref<1024x16xf32, #tpu.memory_space<hbm>>)
    %dma_wait3A_123 = arith.constant 0 : i32
    %dma_wait3A_124 = arith.constant 0 : i32
    %dma_wait3A_125 = tpu.memref_slice %arg7[%dma_wait3A_123, %dma_wait3A_124] : memref<1024x17xf32, #tpu.memory_space<vmem>> -> memref<1024x16xf32, #tpu.memory_space<vmem>>
    %dma_wait3A_126 = arith.constant 0 : i32
    %dma_wait3A_127 = arith.constant 0 : i32
    %dma_wait3A_128 = tpu.memref_slice %arg3[%dma_wait3A_126, %dma_wait3A_127] : memref<1048576x16xf32, #tpu.memory_space<hbm>> -> memref<1024x16xf32, #tpu.memory_space<hbm>>
    %dma_wait3A_129 = arith.constant 0 : i32
    %dma_wait3A_130 = arith.constant 0 : i32
    %dma_wait3A_131 = tpu.memref_slice %arg3[%dma_wait3A_129, %dma_wait3A_130] : memref<1048576x16xf32, #tpu.memory_space<hbm>> -> memref<1024x16xf32, #tpu.memory_space<hbm>>
    %dma_wait3A_132 = arith.constant 0 : i32
    %dma_wait3A_133 = arith.constant 0 : i32
    %dma_wait3A_134 = tpu.memref_slice %arg7[%dma_wait3A_132, %dma_wait3A_133] : memref<1024x17xf32, #tpu.memory_space<vmem>> -> memref<1024x16xf32, #tpu.memory_space<vmem>>
    tpu.wait_dma2 semaphore(%arg11 : memref<!tpu.dma_semaphore, #tpu.memory_space<semaphore_mem>>) src(%dma_wait3A_134 : memref<1024x16xf32, #tpu.memory_space<vmem>>) dst(%dma_wait3A_131 : memref<1024x16xf32, #tpu.memory_space<hbm>>)
    return
  }
}

module attributes {stable_mosaic.version = 14 : i64} {
  func.func @_norm_body(%arg0: i32, %arg1: memref<16x65536xf32, #tpu.memory_space<vmem>>, %arg2: memref<2x512x8x128xf32, #tpu.memory_space<vmem>>) attributes {dimension_semantics = [#tpu.dimension_semantics<arbitrary>], iteration_bounds = array<i64: 16>, scalar_prefetch = 0 : i64, scratch_operands = 0 : i64, tpu.core_type = #tpu.core_type<tc>, window_params = [{transform_indices = @transform_0, window_bounds = array<i64: 16, 65536>}, {transform_indices = @transform_1, window_bounds = array<i64: 2, 512, 8, 128>}]} {
    %get3A = arith.constant 0 : index
    %get3A_0 = arith.constant 0 : index
    %get3A_1 = vector.load %arg1[%get3A, %get3A_0] : memref<16x65536xf32, #tpu.memory_space<vmem>>, vector<16x65536xf32>
    %reduce_sum3A = arith.constant dense<0.000000e+00> : vector<65536xf32>
    %reduce_sum3A_2 = vector.multi_reduction <add>, %get3A_1, %reduce_sum3A [0] : vector<16x65536xf32> to vector<65536xf32>
    %broadcast_in_dim3A = vector.shape_cast %reduce_sum3A_2 : vector<65536xf32> to vector<1x65536xf32>
    %div3A = arith.constant 1.600000e+01 : f32
    %div3A_3 = vector.broadcast %div3A : f32 to vector<1x65536xf32>
    %div3A_4 = arith.divf %broadcast_in_dim3A, %div3A_3 : vector<1x65536xf32>
    %sub3A = vector.broadcast %div3A_4 : vector<1x65536xf32> to vector<16x65536xf32>
    %sub3A_5 = arith.subf %get3A_1, %sub3A : vector<16x65536xf32>
    %mul3A = arith.mulf %sub3A_5, %sub3A_5 : vector<16x65536xf32>
    %reduce_sum3A_6 = arith.constant dense<0.000000e+00> : vector<65536xf32>
    %reduce_sum3A_7 = vector.multi_reduction <add>, %mul3A, %reduce_sum3A_6 [0] : vector<16x65536xf32> to vector<65536xf32>
    %broadcast_in_dim3A_8 = vector.shape_cast %reduce_sum3A_7 : vector<65536xf32> to vector<1x65536xf32>
    %div3A_9 = arith.constant 1.600000e+01 : f32
    %div3A_10 = vector.broadcast %div3A_9 : f32 to vector<1x65536xf32>
    %div3A_11 = arith.divf %broadcast_in_dim3A_8, %div3A_10 : vector<1x65536xf32>
    %add3A = arith.constant 9.99999974E-6 : f32
    %add3A_12 = vector.broadcast %add3A : f32 to vector<1x65536xf32>
    %add3A_13 = arith.addf %div3A_11, %add3A_12 : vector<1x65536xf32>
    %rsqrt3A = math.rsqrt %add3A_13 : vector<1x65536xf32>
    %mul3A_14 = vector.broadcast %rsqrt3A : vector<1x65536xf32> to vector<16x65536xf32>
    %mul3A_15 = arith.mulf %sub3A_5, %mul3A_14 : vector<16x65536xf32>
    %reshape3A = vector.shape_cast %mul3A_15 : vector<16x65536xf32> to vector<2x8x512x128xf32>
    %transpose3A = tpu.transpose %reshape3A, [0, 2, 1, 3] : vector<2x8x512x128xf32> -> vector<2x512x8x128xf32>
    %swap3A = arith.constant 0 : index
    %swap3A_16 = arith.constant 0 : index
    %swap3A_17 = arith.constant 0 : index
    %swap3A_18 = arith.constant 0 : index
    %swap3A_19 = vector.load %arg2[%swap3A, %swap3A_16, %swap3A_17, %swap3A_18] : memref<2x512x8x128xf32, #tpu.memory_space<vmem>>, vector<2x512x8x128xf32>
    tpu.vector_store %arg2[%swap3A, %swap3A_16, %swap3A_17, %swap3A_18], %transpose3A {strides = array<i32>} : memref<2x512x8x128xf32, #tpu.memory_space<vmem>>, vector<2x512x8x128xf32>,
    return
  }
  func.func @transform_0(%arg0: i32) -> (i32, i32) {
    %c0_i32 = arith.constant 0 : i32
    %c0_i32_0 = arith.constant 0 : i32
    return %c0_i32, %arg0 : i32, i32
  }
  func.func @transform_1(%arg0: i32) -> (i32, i32, i32, i32) {
    %c0_i32 = arith.constant 0 : i32
    %c0_i32_0 = arith.constant 0 : i32
    %c0_i32_1 = arith.constant 0 : i32
    %c0_i32_2 = arith.constant 0 : i32
    return %c0_i32, %arg0, %c0_i32_0, %c0_i32_1 : i32, i32, i32, i32
  }
}

</mosaic_0001>

<sc_bundles>
// kernel: kernel.5.cloned.1.call-start
scs
__scs_entry_jumppad:
0x0: {  	(pc) =	sbr.rel $0x88, $3  }
0x1: {  	(tag) =	ssettag $0x0;
	lr =	simm.s32 $0x1  }
0x2: {  	[smem:$0x3F9F] =	sst lr;
	_ =	strace $0xD0000000  }
0x3: {  	_ = 	snop  }
0x4: {  	_ = 	snop  }
0x5: {  	_ = 	snop  }
0x6: {  	_ = 	snop  }
0x7: {  	_ = 	snop  }
__scs_overlays_trampoline_lowered:
0x8: {  	[smem:$0x3FAE] =	sst s0  }
0x9: {  	[smem:$0x3FAF] =	sst s1  }
0xa: {  	[smem:$0x3FB0] =	sst s2  }
0xb: {  	[smem:$0x3FB1] =	sst s3  }
0xc: {  	[smem:$0x3FB2] =	sst s4  }
0xd: {  	[smem:$0x3FB3] =	sst s5  }
0xe: {  	[smem:$0x3FB4] =	sst s6  }
0xf: {  	[smem:$0x3FB5] =	sst s7  }
0x10: {  	[smem:$0x3FB6] =	sst s8  }
0x11: {  	[smem:$0x3FB7] =	sst s9;
	s0 =	simm.s32 @!p0 $0x0  }
0x12: {  	s1 =	sld [smem:$0x3F9D];
	s0 =	simm.s32 @p0 $0x1  }
0x13: {  	[smem:$0x3FB8] =	sst s0;
	s0 =	simm.s32 @!p1 $0x0  }
0x14: {  	s2 =	sld [smem:$0x3F9C];
	s0 =	simm.s32 @p1 $0x1  }
0x15: {  	[smem:$0x3FB9] =	sst s0;
	s0 =	simm.s32 @!p2 $0x0  }
0x16: {  	s3 =	sld [smem:$0x3FDB];
	s0 =	simm.s32 @p2 $0x1  }
0x17: {  	s4 =	simm.s32 $0x1BF5;
	[smem:$0x3FBB] =	sst s0  }
0x18: {  	s0 =	sld [smem:$0x3F9E];
	_ =	swait.ge [sflag:s4], $0x0  }
0x19: {  	s7 =	sld [smem:$0x3F9F]  }
0x1a: {  	s8 =	sadd.s32 $0xFFFFE003, lr  }
0x1b: {  	s9 =	sadd.s32 $0xFFFFFEF7, lr;
	s5 =	simm.s32 $0xFFFFFFFF;
	p2 =	slt.u32 s8, $0xFFFFF086  }
0x1c: {  	p1 =	slt.u32 s9, $0xF7A;
	s5 =	simm.s32 @!p2 $0x0  }
0x1d: {  	s5 =	simm.s32 @p1 $0x1;
	p0 =	seq.s32 s7, s2  }
0x1e: {  	s7 =	smul.u32 @!p0 $0xF7A, s2;
	p2 =	seq.s32 @!p0 s5, $0x0  }
0x1f: {  	s9 =	smul.u32 $0xF7A, s1;
	s8 =	simm.s32 @!p0 $0x1BF5;
	p2 =	por !p2, p0  }
0x20: {  	[sflag:s8] =	ssyncset.s32 @!p0 $0xFFFFF086;
	s6 =	sadd.s32 @!p0 s3, s7;
	s7 =	simm.s32 @!p0 $0x108  }
0x21: {  	s3 =	sadd.s32 s3, s9;
	s6 =	sadd.s32 @!p0 $0x88, s6;
	s7 =	simm.s32 @p2 $0x1082  }
0x22: {  	[simem:s7], [sflag:s8] =	dma.local @!p0 [hbm:s6], $0xF7A  }
0x23: {  	s9 =	sor.u32 $0xD0000000, s2;
	s6 =	simm.s32 $0x108;
	_ =	swait.ge @!p0 [sflag:s8], $0x0  }
0x24: {  	s3 =	sadd.s32 $0x88, s3;
	s6 =	simm.s32 @!p1 $0x1082;
	[sflag:s4] =	ssyncset.s32 $0xFFFFF086  }
0x25: {  	[simem:s6], [sflag:s4] =	dma.local [hbm:s3], $0xF7A  }
0x26: {  	[smem:$0x3F9F] =	sst s1;
	(tag) =	ssettag s2;
	_ =	strace s9  }
0x27: {  	s1 =	sld [smem:$0x3FAF]  }
0x28: {  	s2 =	sld [smem:$0x3FB0]  }
0x29: {  	s4 =	sld [smem:$0x3FB2]  }
0x2a: {  	p0 =	seq.s32 s5, $0x0;
	s5 =	sld [smem:$0x3FB3]  }
0x2b: {  	s6 =	sld [smem:$0x3FB4]  }
0x2c: {  	s7 =	sld [smem:$0x3FB5]  }
0x2d: {  	s3 =	simm.s32 $0x108;
	s8 =	sld [smem:$0x3FB6]  }
0x2e: {  	s3 =	simm.s32 @!p0 $0x1082;
	s9 =	sld [smem:$0x3FB7]  }
0x2f: {  	lr =	sadd.s32 s0, s3;
	s0 =	sld [smem:$0x3FAE]  }
0x30: {  	s3 =	sld [smem:$0x3FB1]  }
0x31: {  	[smem:$0x3FBA] =	sst s10  }
0x32: {  	s10 =	sld [smem:$0x3FB8];
	_ =	sdelay $0x3  }
0x33: {  	p0 =	seq.s32 s10, $0x1;
	s10 =	sld [smem:$0x3FBA];
	_ =	sdelay $0x3  }
0x34: {  	[smem:$0x3FBA] =	sst s10  }
0x35: {  	s10 =	sld [smem:$0x3FB9];
	_ =	sdelay $0x3  }
0x36: {  	p1 =	seq.s32 s10, $0x1;
	s10 =	sld [smem:$0x3FBA];
	_ =	sdelay $0x3  }
0x37: {  	[smem:$0x3FBA] =	sst s10  }
0x38: {  	s10 =	sld [smem:$0x3FBB]  }
0x39: {  	_ = 	snop;
	(pc) =	sbr.ind lr, $3  }
0x3a: {  	_ = 	snop  }
0x3b: {  	_ = 	snop  }
0x3c: {  	p2 =	seq.s32 s10, $0x1;
	s10 =	sld [smem:$0x3FBA]  }
0x3d: {  	_ =	shalt  }
0x3e: {  	_ =	shalt  }
0x3f: {  	_ =	shalt  }
0x40: {  	_ =	shalt  }
0x41: {  	_ =	shalt  }
0x42: {  	_ =	shalt  }
0x43: {  	_ =	shalt  }
0x44: {  	_ =	shalt  }
0x45: {  	_ =	shalt  }
0x46: {  	_ =	shalt  }
0x47: {  	_ =	shalt  }
0x48: {  	_ =	shalt  }
0x49: {  	_ =	shalt  }
0x4a: {  	_ =	shalt  }
0x4b: {  	_ =	shalt  }
0x4c: {  	_ =	shalt  }
0x4d: {  	_ =	shalt  }
0x4e: {  	_ =	shalt  }
0x4f: {  	_ =	shalt  }
0x50: {  	_ =	shalt  }
0x51: {  	_ =	shalt  }
0x52: {  	_ =	shalt  }
0x53: {  	_ =	shalt  }
0x54: {  	_ =	shalt  }
0x55: {  	_ =	shalt  }
0x56: {  	_ =	shalt  }
0x57: {  	_ =	shalt  }
0x58: {  	_ =	shalt  }
0x59: {  	_ =	shalt  }
0x5a: {  	_ =	shalt  }
0x5b: {  	_ =	shalt  }
0x5c: {  	_ =	shalt  }
0x5d: {  	_ =	shalt  }
0x5e: {  	_ =	shalt  }
0x5f: {  	_ =	shalt  }
0x60: {  	_ =	shalt  }
0x61: {  	_ =	shalt  }
0x62: {  	_ =	shalt  }
0x63: {  	_ =	shalt  }
0x64: {  	_ =	shalt  }
0x65: {  	_ =	shalt  }
0x66: {  	_ =	shalt  }
0x67: {  	_ =	shalt  }
0x68: {  	_ =	shalt  }
0x69: {  	_ =	shalt  }
0x6a: {  	_ =	shalt  }
0x6b: {  	_ =	shalt  }
0x6c: {  	_ =	shalt  }
0x6d: {  	_ =	shalt  }
0x6e: {  	_ =	shalt  }
0x6f: {  	_ =	shalt  }
0x70: {  	_ =	shalt  }
0x71: {  	_ =	shalt  }
0x72: {  	_ =	shalt  }
0x73: {  	_ =	shalt  }
0x74: {  	_ =	shalt  }
0x75: {  	_ =	shalt  }
0x76: {  	_ =	shalt  }
0x77: {  	_ =	shalt  }
0x78: {  	_ =	shalt  }
0x79: {  	_ =	shalt  }
0x7a: {  	_ =	shalt  }
0x7b: {  	_ =	shalt  }
0x7c: {  	_ =	shalt  }
0x7d: {  	_ =	shalt  }
0x7e: {  	_ =	shalt  }
0x7f: {  	_ =	shalt  }
0x80: {  	_ =	shalt  }
0x81: {  	_ =	shalt  }
0x82: {  	_ =	shalt  }
0x83: {  	_ =	shalt  }
0x84: {  	_ =	shalt  }
0x85: {  	_ =	shalt  }
0x86: {  	_ =	shalt  }
0x87: {  	_ =	shalt  }
.Lfunc_end0:
.L_simem_size_0:
called_computation_lowered:
.L_overlay_start_0:
0x88: {  	s2 =	sld [smem:$0x3FD9]  }
0x89: {  	s3 =	sld [smem:$0x3FFE];
	_ =	sdelay $0x1  }
0x8a: {  	s1 =	srdreg.scid  }
0x8b: {  	s0 =	sand.u32 $0x1, s1  }
0x8c: {  	s17 =	sshll.u32 s0, $0xA;
	s2 =	sadd.s32 s3, s2  }
0x8d: {  	s2 =	sadd.s32 s2, s17  }
0x8e: {  	[smem:$0x3FC6] =	sst s2  }
0x8f: {  	_ = 	snop  }
0x90: {  	s2 =	sld [smem:$0x3FD0];
	(tm) =	ssettm $0x1  }
0x91: {  	s18 =	sld [smem:$0x3FFB];
	_ =	sdelay $0x3  }
0x92: {  	_ =	strace s18  }
0x93: {  	s3 =	sld [smem:$0x3FFC];
	_ =	sdelay $0x3  }
0x94: {  	_ =	strace s3  }
0x95: {  	s3 =	sld [smem:$0x3FFD];
	_ =	sdelay $0x3  }
0x96: {  	_ =	strace s3  }
0x97: {  	_ =	strace $0x8FFFFFFF  }
0x98: {  	s19 =	sld [smem:$0x3FDB];
	_ =	sdelay $0x1  }
0x99: {  	s4 =	simm.s32 $_scs_section_size  }
0x9a: {  	s5 =	simm.s32 $_size__tile_overlayer_lowered;
	s6 =	simm.s32 $_tile_overlayer_lowered  }
0x9b: {  	s22 =	simm.s32 $0x1BFF;
	s21 =	sshll.u32 s6, $0x1;
	s3 =	sadd.s32 s4, s19  }
0x9c: {  	s7 =	simm.s32 $0x0;
	s20 =	sshll.u32 s5, $0x1;
	s5 =	sadd.s32 s21, s3  }
0x9d: {  	[timem:s7], [sflag:s22] =	dma.local [hbm:s5], s20  }
0x9e: {  	_ =	swait.ge [sflag:s22], s20  }
0x9f: {  	s4 =	ssub.s32 $0x0, s20;
	[sflag:s22] =	ssyncset.done $0x0  }
0xa0: {  	[sflag:s22] =	ssyncadd.s32 s4;
	_ =	sdelay $0x1  }
0xa1: {  	s23 =	simm.s32 $0x1B8B  }
0xa2: {  	_ =	swait.ge [sflag:s23], $0x1  }
0xa3: {  	[sflag:s23] =	ssyncset.done $0x0  }
0xa4: {  	s25 =	simm.s32 $0x1B8E;
	s24 =	sld [smem:$0x3FFE];
	[sflag:s23] =	ssyncadd.s32 $0xFFFFFFFF  }
0xa5: {  	s26 =	simm.s32 $execute0_lowered;
	[smem:$0x3FD2] =	sst s25  }
0xa6: {  	s5 =	sshll.u32 s26, $0x1;
	_ =	strace $0x80000046;
	[dreg:$0x1] =	wrdreg $0xFFFFFFFF  }
0xa7: {  	s28 =	simm.s32 $_size_execute0_lowered;
	s3 =	sadd.s32 s3, s5;
	[dreg:$0x0] =	wrdreg $0x0  }
0xa8: {  	s5 =	sshll.u32 s28, $0x1;
	[dreg:$0x2] =	wrdreg s3  }
0xa9: {  	[dreg:$0x3] =	wrdreg s5  }
0xaa: {  	[dreg:$0x4] =	wrdreg $0xC0  }
0xab: {  	_ =	task [dreg:s7], $0x5FFFF  }
0xac: {  	[dreg:$0x1] =	wrdreg $0xFFFFFFFF  }
0xad: {  	[dreg:$0x0] =	wrdreg $0x60  }
0xae: {  	[dreg:$0x2] =	wrdreg s2  }
0xaf: {  	[dreg:$0x3] =	wrdreg s24  }
0xb0: {  	[dreg:$0x4] =	wrdreg $0x9  }
0xb1: {  	_ =	task.clear_ibuf [dreg:s7], $0x5FFFF;
	_ =	strace $0x90000046  }
0xb2: {  	s29 =	simm.s32 $0x9;
	_ =	strace $0x80000048  }
0xb3: {  	_ =	swait.ge [sflag:s29], $0x1  }
0xb4: {  	[sflag:s29] =	ssyncadd.s32 $0xFFFFFFFF  }
0xb5: {  	_ =	strace $0x90000048  }
0xb6: {  	_ =	sfence  }
0xb7: {  	s30 =	sld [smem:$0x0];
	_ =	sdelay $0x2  }
0xb8: {  	s31 =	sshll.u32 s1, $0xD;
	s1 =	sshrl.u32 s1, $0x2  }
0xb9: {  	s3 =	sand.u32 $0x4000, s31;
	s1 =	sadd.s32 s1, s30  }
0xba: {  	s0 =	sor.u32 s3, s0;
	s1 =	sshll.u32 s1, $0x11  }
0xbb: {  	s0 =	sor.u32 s1, s0  }
0xbc: {  	s0 =	sadd.s32 $0x8F2B, s0  }
0xbd: {  	[sflag:s0] =	ssyncadd.remote.s32 $0x1  }
0xbe: {  	_ =	sfence.sel $0xFFFF  }
0xbf: {  	[dreg:$0x0] =	wrdreg $0xFFFFFFFF;
	(pc) =	sbr.abs _section_cstart, $3  }
0xc0: {  	[dreg:$0x1] =	wrdreg $0xFFFFFFFF  }
0xc1: {  	_ =	task.clear_ibuf [dreg:s7], $0x2FFFF;
	_ =	strace $0x9FFFFFFF  }
0xc2: {  	(tm) =	ssettm $0x7FFFFFFF  }
0xc3: {  	_ =	shalt  }
tec
execute0_lowered:
.L_overlay_start_1:
0x0: {  	(tag) =	ssettag $0x1  }
0x1: {  	s2 =	rddreg [dreg:$0x0];
	s0 =	srdreg.scid  }
0x2: {  	s4 =	rddreg [dreg:$0x1];
	s1 =	stileid.u32;
	s3 =	simm.s32 $0x0  }
0x3: {  	s9 =	simm.s32 $0x2000;
	s10 =	simm.s32 $0x800000;
	s11 =	simm.s32 $0x1  }
0x4: {  	v0 =	vlaneseq.u32;
	s12 =	simm.s32 $0x4000;
	s13 =	simm.s32 $0x8000;
	s14 =	simm.s32 $0x2  }
0x5: {  	s15 =	simm.s32 $0xE000;
	s16 =	simm.s32 $0x3;
	s17 =	simm.s32 $0x4;
	v0 =	vmul.u32 $0x18, v0  }
0x6: {  	s18 =	simm.s32 $0x0;
	s5 =	sand.u32 $0x1, s0;
	s0 =	rddreg [dreg:$0x2]  }
0x7: {  	s6 =	sshll.u32 s1, $0x10;
	s7 =	sshll.u32 s5, $0xF;
	s5 =	ssub.s32 $0x2, s5;
	v1 =	vor.u32 $0x1, v0;
	v2 =	vor.u32 $0x2, v0;
	v3 =	vor.u32 $0x3, v0  }
0x8: {  	[smem:$0x7FF] =	sst s3;
	s6 =	sor.u32 s7, s6;
	s8 =	sshrl.u32 s5, $0x1;
	v4 =	vor.u32 $0x4, v0;
	v5 =	vor.u32 $0x5, v0;
	v6 =	vor.u32 $0x6, v0  }
0x9: {  	_ =	strace $0x80000047;
	v7 =	vor.u32 $0x7, v0;
	v8 =	vadd.s32 $0x8, v0;
	v9 =	vadd.s32 $0x9, v0;
	s7 =	sshll.u32 s6, $0x1;
	s8 =	ssub.s32 s5, s8  }
0xa: {  	v10 =	vadd.s32 $0xA, v0;
	v11 =	vadd.s32 $0xB, v0;
	v12 =	vadd.s32 $0xC, v0;
	s5 =	sadd.s32 s2, s6;
	s7 =	sadd.s32 s7, s4;
	s4 =	sshrl.u32 s6, $0x7  }
0xb: {  	v13 =	vadd.s32 $0xD, v0;
	v14 =	vadd.s32 $0xE, v0;
	v15 =	vadd.s32 $0xF, v0;
	s8 =	smax.u32 s8, $0x1;
	s6 =	sadd.s32 $0x800, s7;
	s7 =	sor.u32 $0x10, s4  }
.LBB2_1:
0xc: {  	[tilespmem:s3], [sflag:$0x1] =	stream.strided.gather [hbm4b:s5+s9], $0x4000, s10, s9, $0x38;
	[tilespmem:$0x14000] =	vst v63  }
0xd: {  	s19 =	simm.s32 $0x0  }
.LBB2_2:
0xe: {  	s20 =	sshll.u32 s19, $0x4  }
0xf: {  	s21 =	sadd.s32 s20, s4  }
0x10: {  	_ =	swait.ge [sflag:s11], $0x4000;
	s31 =	simm.s32 $0x0;
	s21 =	sshll.u32 s21, $0x7  }
0x11: {  	p0 =	seq.s32 s19, $0x0;
	[sflag:s11] =	ssyncset.done $0x0;
	s21 =	sadd.s32 s2, s21  }
0x12: {  	v16 =	vmov s31;
	s22 =	simm.s32 @!p0 $0x3;
	[sflag:s11] =	ssyncadd.s32 $0xFFFFC000;
	s21 =	sadd.s32 $0x400, s21  }
0x13: {  	v16 =	vmul.u32 $0x18, v16;
	[tilespmem:s12], [sflag:$0x2] =	stream.strided.gather [hbm4b:s21+s9], $0x4000, s10, s9, $0x38;
	[tilespmem:$0x14000] =	vst v63  }
0x14: {  	_ =	swait.ge @!p0 [sflag:s22], $0x4000  }
0x15: {  	s23 =	sand.u32 $0x70, s31;
	v16 =	vbroadcast v16, $0x0;
	s21 =	sand.u32 $0x1C00, s31;
	[sflag:s22] =	ssyncset.done @!p0 $0x0  }
0x16: {  	s24 =	sor.u32 s23, s21;
	[sflag:s22] =	ssyncadd.s32 @!p0 $0xFFFFC000  }
0x17: {  	v18 =	vadd.s32 v0, v16;
	v17 =	vld [tilespmem:s24+$0x0];
	_ =	sdelay $0x4  }
0x18: {  	[tilespmem:v18+s13+$0x0] =	vst.idx.msk $0xffff, v17  }
0x19: {  	v18 =	vadd.s32 v1, v16;
	v17 =	vld [tilespmem:s24+$0x80];
	_ =	sdelay $0x4  }
0x1a: {  	[tilespmem:v18+s13+$0x0] =	vst.idx.msk $0xffff, v17  }
0x1b: {  	v18 =	vadd.s32 v2, v16;
	v17 =	vld [tilespmem:s24+$0x100];
	_ =	sdelay $0x4  }
0x1c: {  	[tilespmem:v18+s13+$0x0] =	vst.idx.msk $0xffff, v17  }
0x1d: {  	v18 =	vadd.s32 v3, v16;
	v17 =	vld [tilespmem:s24+$0x180];
	_ =	sdelay $0x4  }
0x1e: {  	[tilespmem:v18+s13+$0x0] =	vst.idx.msk $0xffff, v17  }
0x1f: {  	v18 =	vadd.s32 v4, v16;
	v17 =	vld [tilespmem:s24+$0x200];
	_ =	sdelay $0x4  }
0x20: {  	[tilespmem:v18+s13+$0x0] =	vst.idx.msk $0xffff, v17  }
0x21: {  	v18 =	vadd.s32 v5, v16;
	v17 =	vld [tilespmem:s24+$0x280];
	_ =	sdelay $0x4  }
0x22: {  	[tilespmem:v18+s13+$0x0] =	vst.idx.msk $0xffff, v17  }
0x23: {  	v18 =	vadd.s32 v6, v16;
	v17 =	vld [tilespmem:s24+$0x300];
	_ =	sdelay $0x4  }
0x24: {  	[tilespmem:v18+s13+$0x0] =	vst.idx.msk $0xffff, v17  }
0x25: {  	v18 =	vadd.s32 v7, v16;
	v17 =	vld [tilespmem:s24+$0x380];
	_ =	sdelay $0x4  }
0x26: {  	[tilespmem:v18+s13+$0x0] =	vst.idx.msk $0xffff, v17  }
0x27: {  	v18 =	vadd.s32 v8, v16;
	v17 =	vld [tilespmem:s24+$0x2000];
	_ =	sdelay $0x4  }
0x28: {  	[tilespmem:v18+s13+$0x0] =	vst.idx.msk $0xffff, v17  }
0x29: {  	v18 =	vadd.s32 v9, v16;
	v17 =	vld [tilespmem:s24+$0x2080];
	_ =	sdelay $0x4  }
0x2a: {  	[tilespmem:v18+s13+$0x0] =	vst.idx.msk $0xffff, v17  }
0x2b: {  	v18 =	vadd.s32 v10, v16;
	v17 =	vld [tilespmem:s24+$0x2100];
	_ =	sdelay $0x4  }
0x2c: {  	[tilespmem:v18+s13+$0x0] =	vst.idx.msk $0xffff, v17  }
0x2d: {  	v18 =	vadd.s32 v11, v16;
	v17 =	vld [tilespmem:s24+$0x2180];
	_ =	sdelay $0x4  }
0x2e: {  	[tilespmem:v18+s13+$0x0] =	vst.idx.msk $0xffff, v17  }
0x2f: {  	v18 =	vadd.s32 v12, v16;
	v17 =	vld [tilespmem:s24+$0x2200];
	_ =	sdelay $0x4  }
0x30: {  	[tilespmem:v18+s13+$0x0] =	vst.idx.msk $0xffff, v17  }
0x31: {  	v18 =	vadd.s32 v13, v16;
	v17 =	vld [tilespmem:s24+$0x2280];
	_ =	sdelay $0x4  }
0x32: {  	[tilespmem:v18+s13+$0x0] =	vst.idx.msk $0xffff, v17  }
0x33: {  	v18 =	vadd.s32 v14, v16;
	v17 =	vld [tilespmem:s24+$0x2300];
	_ =	sdelay $0x4  }
0x34: {  	[tilespmem:v18+s13+$0x0] =	vst.idx.msk $0xffff, v17  }
0x35: {  	s22 =	simm.s32 $0x10;
	v18 =	vadd.s32 v15, v16;
	v17 =	vld [tilespmem:s24+$0x2380]  }
0x36: {  	s21 =	sshll.u32 s19, $0x1;
	s23 =	simm.s32 $0x80;
	v16 =	vmov s22;
	s24 =	simm.s32 $0x100  }
.LBB2_3:
0x37: {  	p1 =	sne.s32 s24, $0x1F80;
	v16 =	vmul.u32 $0x18, v16;
	_ =	sdelay $0x1  }
0x38: {  	s25 =	sand.u32 $0x70, s22;
	s26 =	sand.u32 $0x1C00, s23;
	s23 =	smov.u32 s24;
	v16 =	vbroadcast v16, $0x0  }
0x39: {  	s25 =	sor.u32 s25, s26;
	[tilespmem:v18+s13+$0x0] =	vst.idx.msk $0xffff, v17  }
0x3a: {  	v17 =	vld [tilespmem:s25+$0x0];
	v18 =	vadd.s32 v0, v16;
	_ =	sdelay $0x4  }
0x3b: {  	[tilespmem:v18+s13+$0x0] =	vst.idx.msk $0xffff, v17  }
0x3c: {  	v18 =	vadd.s32 v1, v16;
	v17 =	vld [tilespmem:s25+$0x80];
	_ =	sdelay $0x4  }
0x3d: {  	[tilespmem:v18+s13+$0x0] =	vst.idx.msk $0xffff, v17  }
0x3e: {  	v18 =	vadd.s32 v2, v16;
	v17 =	vld [tilespmem:s25+$0x100];
	_ =	sdelay $0x4  }
0x3f: {  	[tilespmem:v18+s13+$0x0] =	vst.idx.msk $0xffff, v17  }
0x40: {  	v18 =	vadd.s32 v3, v16;
	v17 =	vld [tilespmem:s25+$0x180];
	_ =	sdelay $0x4  }
0x41: {  	[tilespmem:v18+s13+$0x0] =	vst.idx.msk $0xffff, v17  }
0x42: {  	v18 =	vadd.s32 v4, v16;
	v17 =	vld [tilespmem:s25+$0x200];
	_ =	sdelay $0x4  }
0x43: {  	[tilespmem:v18+s13+$0x0] =	vst.idx.msk $0xffff, v17  }
0x44: {  	v18 =	vadd.s32 v5, v16;
	v17 =	vld [tilespmem:s25+$0x280];
	_ =	sdelay $0x4  }
0x45: {  	[tilespmem:v18+s13+$0x0] =	vst.idx.msk $0xffff, v17  }
0x46: {  	v18 =	vadd.s32 v6, v16;
	v17 =	vld [tilespmem:s25+$0x300];
	_ =	sdelay $0x4  }
0x47: {  	[tilespmem:v18+s13+$0x0] =	vst.idx.msk $0xffff, v17  }
0x48: {  	v18 =	vadd.s32 v7, v16;
	v17 =	vld [tilespmem:s25+$0x380];
	_ =	sdelay $0x4  }
0x49: {  	[tilespmem:v18+s13+$0x0] =	vst.idx.msk $0xffff, v17  }
0x4a: {  	v18 =	vadd.s32 v8, v16;
	v17 =	vld [tilespmem:s25+$0x2000];
	_ =	sdelay $0x4  }
0x4b: {  	[tilespmem:v18+s13+$0x0] =	vst.idx.msk $0xffff, v17  }
0x4c: {  	v18 =	vadd.s32 v9, v16;
	v17 =	vld [tilespmem:s25+$0x2080];
	_ =	sdelay $0x4  }
0x4d: {  	[tilespmem:v18+s13+$0x0] =	vst.idx.msk $0xffff, v17  }
0x4e: {  	v18 =	vadd.s32 v10, v16;
	v17 =	vld [tilespmem:s25+$0x2100];
	_ =	sdelay $0x4  }
0x4f: {  	[tilespmem:v18+s13+$0x0] =	vst.idx.msk $0xffff, v17  }
0x50: {  	v18 =	vadd.s32 v11, v16;
	v17 =	vld [tilespmem:s25+$0x2180];
	_ =	sdelay $0x4  }
0x51: {  	[tilespmem:v18+s13+$0x0] =	vst.idx.msk $0xffff, v17  }
0x52: {  	v18 =	vadd.s32 v12, v16;
	v17 =	vld [tilespmem:s25+$0x2200];
	_ =	sdelay $0x4  }
0x53: {  	[tilespmem:v18+s13+$0x0] =	vst.idx.msk $0xffff, v17  }
0x54: {  	v18 =	vadd.s32 v13, v16;
	v17 =	vld [tilespmem:s25+$0x2280];
	_ =	sdelay $0x4  }
0x55: {  	[tilespmem:v18+s13+$0x0] =	vst.idx.msk $0xffff, v17  }
0x56: {  	v18 =	vadd.s32 v14, v16;
	v17 =	vld [tilespmem:s25+$0x2300];
	_ =	sdelay $0x2  }
.Ltmp0:
0x57: {  	(pc) =	sbr.rel @p1 .LBB2_3-.Ltmp0, $4  }
0x58: {  	_ = 	snop  }
0x59: {  	[tilespmem:v18+s13+$0x0] =	vst.idx.msk $0xffff, v17  }
0x5a: {  	s22 =	sadd.s32 $0x10, s22;
	v18 =	vadd.s32 v15, v16;
	v17 =	vld [tilespmem:s25+$0x2380]  }
0x5b: {  	s24 =	sadd.s32 $0x80, s24;
	v16 =	vmov s22  }
0x5c: {  	_ = 	snop  }
0x5d: {  	v16 =	vmul.u32 $0x18, v16;
	_ =	sdelay $0x1  }
0x5e: {  	s22 =	sand.u32 $0x70, s22;
	s23 =	sand.u32 $0x1C00, s23;
	v16 =	vbroadcast v16, $0x0  }
0x5f: {  	s22 =	sor.u32 s22, s23;
	[tilespmem:v18+s13+$0x0] =	vst.idx.msk $0xffff, v17  }
0x60: {  	v17 =	vld [tilespmem:s22+$0x0];
	v49 =	vadd.s32 v0, v16;
	_ =	sdelay $0x4  }
0x61: {  	[tilespmem:v49+s13+$0x0] =	vst.idx.msk $0xffff, v17  }
0x62: {  	v50 =	vadd.s32 v1, v16;
	v17 =	vld [tilespmem:s22+$0x80];
	_ =	sdelay $0x4  }
0x63: {  	[tilespmem:v50+s13+$0x0] =	vst.idx.msk $0xffff, v17  }
0x64: {  	v51 =	vadd.s32 v2, v16;
	v17 =	vld [tilespmem:s22+$0x100];
	_ =	sdelay $0x4  }
0x65: {  	[tilespmem:v51+s13+$0x0] =	vst.idx.msk $0xffff, v17  }
0x66: {  	v52 =	vadd.s32 v3, v16;
	v17 =	vld [tilespmem:s22+$0x180];
	_ =	sdelay $0x4  }
0x67: {  	[tilespmem:v52+s13+$0x0] =	vst.idx.msk $0xffff, v17  }
0x68: {  	v53 =	vadd.s32 v4, v16;
	v17 =	vld [tilespmem:s22+$0x200];
	_ =	sdelay $0x4  }
0x69: {  	[tilespmem:v53+s13+$0x0] =	vst.idx.msk $0xffff, v17  }
0x6a: {  	v54 =	vadd.s32 v5, v16;
	v17 =	vld [tilespmem:s22+$0x280];
	_ =	sdelay $0x4  }
0x6b: {  	[tilespmem:v54+s13+$0x0] =	vst.idx.msk $0xffff, v17  }
0x6c: {  	v55 =	vadd.s32 v6, v16;
	v17 =	vld [tilespmem:s22+$0x300];
	_ =	sdelay $0x4  }
0x6d: {  	[tilespmem:v55+s13+$0x0] =	vst.idx.msk $0xffff, v17  }
0x6e: {  	v56 =	vadd.s32 v7, v16;
	v17 =	vld [tilespmem:s22+$0x380];
	_ =	sdelay $0x4  }
0x6f: {  	[tilespmem:v56+s13+$0x0] =	vst.idx.msk $0xffff, v17  }
0x70: {  	v57 =	vadd.s32 v8, v16;
	v17 =	vld [tilespmem:s22+$0x2000];
	_ =	sdelay $0x4  }
0x71: {  	[tilespmem:v57+s13+$0x0] =	vst.idx.msk $0xffff, v17  }
0x72: {  	v58 =	vadd.s32 v9, v16;
	v17 =	vld [tilespmem:s22+$0x2080];
	_ =	sdelay $0x4  }
0x73: {  	[tilespmem:v58+s13+$0x0] =	vst.idx.msk $0xffff, v17  }
0x74: {  	v59 =	vadd.s32 v10, v16;
	v17 =	vld [tilespmem:s22+$0x2100];
	_ =	sdelay $0x4  }
0x75: {  	[tilespmem:v59+s13+$0x0] =	vst.idx.msk $0xffff, v17  }
0x76: {  	v60 =	vadd.s32 v11, v16;
	v17 =	vld [tilespmem:s22+$0x2180];
	_ =	sdelay $0x4  }
0x77: {  	[tilespmem:v60+s13+$0x0] =	vst.idx.msk $0xffff, v17  }
0x78: {  	v61 =	vadd.s32 v12, v16;
	v17 =	vld [tilespmem:s22+$0x2200];
	_ =	sdelay $0x4  }
0x79: {  	[tilespmem:v61+s13+$0x0] =	vst.idx.msk $0xffff, v17  }
0x7a: {  	v62 =	vadd.s32 v13, v16;
	v17 =	vld [tilespmem:s22+$0x2280];
	_ =	sdelay $0x4  }
0x7b: {  	[tilespmem:v62+s13+$0x0] =	vst.idx.msk $0xffff, v17  }
0x7c: {  	v63 =	vadd.s32 v14, v16;
	v17 =	vld [tilespmem:s22+$0x2300];
	_ =	sdelay $0x4  }
0x7d: {  	[tilespmem:v63+s13+$0x0] =	vst.idx.msk $0xffff, v17  }
0x7e: {  	v16 =	vadd.s32 v15, v16;
	v17 =	vld [tilespmem:s22+$0x2380];
	_ =	sdelay $0x2  }
0x7f: {  	s31 =	sshll.u32 s19, $0xC  }
0x80: {  	s24 =	simm.s32 $0x2;
	s22 =	sadd.s32 s31, s6  }
0x81: {  	s25 =	simm.s32 $0x8018;
	s23 =	simm.s32 $0x8000;
	s26 =	sadd.s32 $0x0, s22;
	[tilespmem:v16+s13+$0x0] =	vst.idx.msk $0xffff, v17  }
.LBB2_5:
0x82: {  	[hbm4b:s26+s3] =	stream.linear.scatter [tilespmem:s23], [sflag:$0x3], $0x10, $0x38;
	[tilespmem:$0x14000] =	vst v63  }
0x83: {  	s26 =	smov.u32 s24;
	s23 =	smov.u32 s25;
	p1 =	sne.s32 s24, $0x7FE  }
.Ltmp1:
0x84: {  	s24 =	sadd.s32 $0x2, s24;
	(pc) =	sbr.rel @p1 .LBB2_5-.Ltmp1, $2  }
0x85: {  	_ =	sdelay $0x2  }
0x86: {  	s25 =	sadd.s32 $0x18, s25;
	s26 =	sadd.s32 s26, s22  }
0x87: {  	[hbm4b:s26+s3] =	stream.linear.scatter [tilespmem:s23], [sflag:$0x3], $0x10, $0x38;
	[tilespmem:$0x14000] =	vst v63  }
0x88: {  	s21 =	sor.u32 $0x1, s21  }
0x89: {  	p1 =	sgt.u32 s21, $0x1E;
	_ =	swait.ge [sflag:s14], $0x4000  }
0x8a: {  	s25 =	simm.s32 $0x0;
	s20 =	sadd.s32 @!p1 s20, s7;
	[sflag:s14] =	ssyncset.done $0x0  }
0x8b: {  	s22 =	simm.s32 @!p1 $0x2000;
	s23 =	simm.s32 @!p1 $0x800000;
	s20 =	sshll.u32 @!p1 s20, $0x7  }
0x8c: {  	s24 =	simm.s32 @!p1 $0x0;
	[sflag:s14] =	ssyncadd.s32 $0xFFFFC000;
	s20 =	sadd.s32 @!p1 s2, s20  }
0x8d: {  	v16 =	vmov s25;
	[tilespmem:s24], [sflag:$0x1] =	stream.strided.gather @!p1 [hbm4b:s20+s22], $0x4000, s23, s22, $0x38;
	[tilespmem:$0x14000] =	vst v63  }
0x8e: {  	v16 =	vmul.u32 $0x18, v16;
	s20 =	simm.s32 @!p0 $0x4  }
0x8f: {  	_ =	swait.ge @!p0 [sflag:s20], $0x4000  }
0x90: {  	s30 =	sand.u32 $0x70, s25;
	s31 =	sand.u32 $0x1C00, s25;
	v16 =	vbroadcast v16, $0x0;
	[sflag:s20] =	ssyncset.done @!p0 $0x0  }
0x91: {  	s23 =	sor.u32 s30, s31;
	[sflag:s20] =	ssyncadd.s32 @!p0 $0xFFFFC000  }
0x92: {  	v18 =	vadd.s32 v0, v16;
	v17 =	vld [tilespmem:s23+$0x4000];
	_ =	sdelay $0x4  }
0x93: {  	[tilespmem:v18+s15+$0x0] =	vst.idx.msk $0xffff, v17  }
0x94: {  	v18 =	vadd.s32 v1, v16;
	v17 =	vld [tilespmem:s23+$0x4080];
	_ =	sdelay $0x4  }
0x95: {  	[tilespmem:v18+s15+$0x0] =	vst.idx.msk $0xffff, v17  }
0x96: {  	v18 =	vadd.s32 v2, v16;
	v17 =	vld [tilespmem:s23+$0x4100];
	_ =	sdelay $0x4  }
0x97: {  	[tilespmem:v18+s15+$0x0] =	vst.idx.msk $0xffff, v17  }
0x98: {  	v18 =	vadd.s32 v3, v16;
	v17 =	vld [tilespmem:s23+$0x4180];
	_ =	sdelay $0x4  }
0x99: {  	[tilespmem:v18+s15+$0x0] =	vst.idx.msk $0xffff, v17  }
0x9a: {  	v18 =	vadd.s32 v4, v16;
	v17 =	vld [tilespmem:s23+$0x4200];
	_ =	sdelay $0x4  }
0x9b: {  	[tilespmem:v18+s15+$0x0] =	vst.idx.msk $0xffff, v17  }
0x9c: {  	v18 =	vadd.s32 v5, v16;
	v17 =	vld [tilespmem:s23+$0x4280];
	_ =	sdelay $0x4  }
0x9d: {  	[tilespmem:v18+s15+$0x0] =	vst.idx.msk $0xffff, v17  }
0x9e: {  	v18 =	vadd.s32 v6, v16;
	v17 =	vld [tilespmem:s23+$0x4300];
	_ =	sdelay $0x4  }
0x9f: {  	[tilespmem:v18+s15+$0x0] =	vst.idx.msk $0xffff, v17  }
0xa0: {  	v18 =	vadd.s32 v7, v16;
	v17 =	vld [tilespmem:s23+$0x4380];
	_ =	sdelay $0x4  }
0xa1: {  	[tilespmem:v18+s15+$0x0] =	vst.idx.msk $0xffff, v17  }
0xa2: {  	v18 =	vadd.s32 v8, v16;
	v17 =	vld [tilespmem:s23+$0x6000];
	_ =	sdelay $0x4  }
0xa3: {  	[tilespmem:v18+s15+$0x0] =	vst.idx.msk $0xffff, v17  }
0xa4: {  	v18 =	vadd.s32 v9, v16;
	v17 =	vld [tilespmem:s23+$0x6080];
	_ =	sdelay $0x4  }
0xa5: {  	[tilespmem:v18+s15+$0x0] =	vst.idx.msk $0xffff, v17  }
0xa6: {  	v18 =	vadd.s32 v10, v16;
	v17 =	vld [tilespmem:s23+$0x6100];
	_ =	sdelay $0x4  }
0xa7: {  	[tilespmem:v18+s15+$0x0] =	vst.idx.msk $0xffff, v17  }
0xa8: {  	v18 =	vadd.s32 v11, v16;
	v17 =	vld [tilespmem:s23+$0x6180];
	_ =	sdelay $0x4  }
0xa9: {  	[tilespmem:v18+s15+$0x0] =	vst.idx.msk $0xffff, v17  }
0xaa: {  	v18 =	vadd.s32 v12, v16;
	v17 =	vld [tilespmem:s23+$0x6200];
	_ =	sdelay $0x4  }
0xab: {  	[tilespmem:v18+s15+$0x0] =	vst.idx.msk $0xffff, v17  }
0xac: {  	v18 =	vadd.s32 v13, v16;
	v17 =	vld [tilespmem:s23+$0x6280];
	_ =	sdelay $0x4  }
0xad: {  	[tilespmem:v18+s15+$0x0] =	vst.idx.msk $0xffff, v17  }
0xae: {  	v18 =	vadd.s32 v14, v16;
	v17 =	vld [tilespmem:s23+$0x6300];
	_ =	sdelay $0x4  }
0xaf: {  	[tilespmem:v18+s15+$0x0] =	vst.idx.msk $0xffff, v17  }
0xb0: {  	s20 =	simm.s32 $0x10;
	v18 =	vadd.s32 v15, v16;
	v17 =	vld [tilespmem:s23+$0x6380]  }
0xb1: {  	s22 =	simm.s32 $0x80;
	v16 =	vmov s20;
	s23 =	simm.s32 $0x100  }
.LBB2_7:
0xb2: {  	p0 =	sne.s32 s23, $0x1F80;
	v16 =	vmul.u32 $0x18, v16;
	_ =	sdelay $0x1  }
0xb3: {  	s24 =	sand.u32 $0x70, s20;
	s25 =	sand.u32 $0x1C00, s22;
	s22 =	smov.u32 s23;
	v16 =	vbroadcast v16, $0x0  }
0xb4: {  	s24 =	sor.u32 s24, s25;
	[tilespmem:v18+s15+$0x0] =	vst.idx.msk $0xffff, v17  }
0xb5: {  	v17 =	vld [tilespmem:s24+$0x4000];
	v18 =	vadd.s32 v0, v16;
	_ =	sdelay $0x4  }
0xb6: {  	[tilespmem:v18+s15+$0x0] =	vst.idx.msk $0xffff, v17  }
0xb7: {  	v18 =	vadd.s32 v1, v16;
	v17 =	vld [tilespmem:s24+$0x4080];
	_ =	sdelay $0x4  }
0xb8: {  	[tilespmem:v18+s15+$0x0] =	vst.idx.msk $0xffff, v17  }
0xb9: {  	v18 =	vadd.s32 v2, v16;
	v17 =	vld [tilespmem:s24+$0x4100];
	_ =	sdelay $0x4  }
0xba: {  	[tilespmem:v18+s15+$0x0] =	vst.idx.msk $0xffff, v17  }
0xbb: {  	v18 =	vadd.s32 v3, v16;
	v17 =	vld [tilespmem:s24+$0x4180];
	_ =	sdelay $0x4  }
0xbc: {  	[tilespmem:v18+s15+$0x0] =	vst.idx.msk $0xffff, v17  }
0xbd: {  	v18 =	vadd.s32 v4, v16;
	v17 =	vld [tilespmem:s24+$0x4200];
	_ =	sdelay $0x4  }
0xbe: {  	[tilespmem:v18+s15+$0x0] =	vst.idx.msk $0xffff, v17  }
0xbf: {  	v18 =	vadd.s32 v5, v16;
	v17 =	vld [tilespmem:s24+$0x4280];
	_ =	sdelay $0x4  }
0xc0: {  	[tilespmem:v18+s15+$0x0] =	vst.idx.msk $0xffff, v17  }
0xc1: {  	v18 =	vadd.s32 v6, v16;
	v17 =	vld [tilespmem:s24+$0x4300];
	_ =	sdelay $0x4  }
0xc2: {  	[tilespmem:v18+s15+$0x0] =	vst.idx.msk $0xffff, v17  }
0xc3: {  	v18 =	vadd.s32 v7, v16;
	v17 =	vld [tilespmem:s24+$0x4380];
	_ =	sdelay $0x4  }
0xc4: {  	[tilespmem:v18+s15+$0x0] =	vst.idx.msk $0xffff, v17  }
0xc5: {  	v18 =	vadd.s32 v8, v16;
	v17 =	vld [tilespmem:s24+$0x6000];
	_ =	sdelay $0x4  }
0xc6: {  	[tilespmem:v18+s15+$0x0] =	vst.idx.msk $0xffff, v17  }
0xc7: {  	v18 =	vadd.s32 v9, v16;
	v17 =	vld [tilespmem:s24+$0x6080];
	_ =	sdelay $0x4  }
0xc8: {  	[tilespmem:v18+s15+$0x0] =	vst.idx.msk $0xffff, v17  }
0xc9: {  	v18 =	vadd.s32 v10, v16;
	v17 =	vld [tilespmem:s24+$0x6100];
	_ =	sdelay $0x4  }
0xca: {  	[tilespmem:v18+s15+$0x0] =	vst.idx.msk $0xffff, v17  }
0xcb: {  	v18 =	vadd.s32 v11, v16;
	v17 =	vld [tilespmem:s24+$0x6180];
	_ =	sdelay $0x4  }
0xcc: {  	[tilespmem:v18+s15+$0x0] =	vst.idx.msk $0xffff, v17  }
0xcd: {  	v18 =	vadd.s32 v12, v16;
	v17 =	vld [tilespmem:s24+$0x6200];
	_ =	sdelay $0x4  }
0xce: {  	[tilespmem:v18+s15+$0x0] =	vst.idx.msk $0xffff, v17  }
0xcf: {  	v18 =	vadd.s32 v13, v16;
	v17 =	vld [tilespmem:s24+$0x6280];
	_ =	sdelay $0x4  }
0xd0: {  	[tilespmem:v18+s15+$0x0] =	vst.idx.msk $0xffff, v17  }
0xd1: {  	v18 =	vadd.s32 v14, v16;
	v17 =	vld [tilespmem:s24+$0x6300];
	_ =	sdelay $0x2  }
.Ltmp2:
0xd2: {  	(pc) =	sbr.rel @p0 .LBB2_7-.Ltmp2, $4  }
0xd3: {  	_ = 	snop  }
0xd4: {  	[tilespmem:v18+s15+$0x0] =	vst.idx.msk $0xffff, v17  }
0xd5: {  	s20 =	sadd.s32 $0x10, s20;
	v18 =	vadd.s32 v15, v16;
	v17 =	vld [tilespmem:s24+$0x6380]  }
0xd6: {  	s23 =	sadd.s32 $0x80, s23;
	v16 =	vmov s20  }
0xd7: {  	_ = 	snop  }
0xd8: {  	v16 =	vmul.u32 $0x18, v16;
	_ =	sdelay $0x1  }
0xd9: {  	s20 =	sand.u32 $0x70, s20;
	s22 =	sand.u32 $0x1C00, s22;
	v16 =	vbroadcast v16, $0x0  }
0xda: {  	s20 =	sor.u32 s20, s22;
	[tilespmem:v18+s15+$0x0] =	vst.idx.msk $0xffff, v17  }
0xdb: {  	v17 =	vld [tilespmem:s20+$0x4000];
	v49 =	vadd.s32 v0, v16;
	_ =	sdelay $0x4  }
0xdc: {  	[tilespmem:v49+s15+$0x0] =	vst.idx.msk $0xffff, v17  }
0xdd: {  	v50 =	vadd.s32 v1, v16;
	v17 =	vld [tilespmem:s20+$0x4080];
	_ =	sdelay $0x4  }
0xde: {  	[tilespmem:v50+s15+$0x0] =	vst.idx.msk $0xffff, v17  }
0xdf: {  	v51 =	vadd.s32 v2, v16;
	v17 =	vld [tilespmem:s20+$0x4100];
	_ =	sdelay $0x4  }
0xe0: {  	[tilespmem:v51+s15+$0x0] =	vst.idx.msk $0xffff, v17  }
0xe1: {  	v52 =	vadd.s32 v3, v16;
	v17 =	vld [tilespmem:s20+$0x4180];
	_ =	sdelay $0x4  }
0xe2: {  	[tilespmem:v52+s15+$0x0] =	vst.idx.msk $0xffff, v17  }
0xe3: {  	v53 =	vadd.s32 v4, v16;
	v17 =	vld [tilespmem:s20+$0x4200];
	_ =	sdelay $0x4  }
0xe4: {  	[tilespmem:v53+s15+$0x0] =	vst.idx.msk $0xffff, v17  }
0xe5: {  	v54 =	vadd.s32 v5, v16;
	v17 =	vld [tilespmem:s20+$0x4280];
	_ =	sdelay $0x4  }
0xe6: {  	[tilespmem:v54+s15+$0x0] =	vst.idx.msk $0xffff, v17  }
0xe7: {  	v55 =	vadd.s32 v6, v16;
	v17 =	vld [tilespmem:s20+$0x4300];
	_ =	sdelay $0x4  }
0xe8: {  	[tilespmem:v55+s15+$0x0] =	vst.idx.msk $0xffff, v17  }
0xe9: {  	v56 =	vadd.s32 v7, v16;
	v17 =	vld [tilespmem:s20+$0x4380];
	_ =	sdelay $0x4  }
0xea: {  	[tilespmem:v56+s15+$0x0] =	vst.idx.msk $0xffff, v17  }
0xeb: {  	v57 =	vadd.s32 v8, v16;
	v17 =	vld [tilespmem:s20+$0x6000];
	_ =	sdelay $0x4  }
0xec: {  	[tilespmem:v57+s15+$0x0] =	vst.idx.msk $0xffff, v17  }
0xed: {  	v58 =	vadd.s32 v9, v16;
	v17 =	vld [tilespmem:s20+$0x6080];
	_ =	sdelay $0x4  }
0xee: {  	[tilespmem:v58+s15+$0x0] =	vst.idx.msk $0xffff, v17  }
0xef: {  	v59 =	vadd.s32 v10, v16;
	v17 =	vld [tilespmem:s20+$0x6100];
	_ =	sdelay $0x4  }
0xf0: {  	[tilespmem:v59+s15+$0x0] =	vst.idx.msk $0xffff, v17  }
0xf1: {  	v60 =	vadd.s32 v11, v16;
	v17 =	vld [tilespmem:s20+$0x6180];
	_ =	sdelay $0x4  }
0xf2: {  	[tilespmem:v60+s15+$0x0] =	vst.idx.msk $0xffff, v17  }
0xf3: {  	v61 =	vadd.s32 v12, v16;
	v17 =	vld [tilespmem:s20+$0x6200];
	_ =	sdelay $0x4  }
0xf4: {  	[tilespmem:v61+s15+$0x0] =	vst.idx.msk $0xffff, v17  }
0xf5: {  	v62 =	vadd.s32 v13, v16;
	v17 =	vld [tilespmem:s20+$0x6280];
	_ =	sdelay $0x4  }
0xf6: {  	[tilespmem:v62+s15+$0x0] =	vst.idx.msk $0xffff, v17  }
0xf7: {  	v63 =	vadd.s32 v14, v16;
	v17 =	vld [tilespmem:s20+$0x6300];
	_ =	sdelay $0x4  }
0xf8: {  	[tilespmem:v63+s15+$0x0] =	vst.idx.msk $0xffff, v17  }
0xf9: {  	v16 =	vadd.s32 v15, v16;
	v17 =	vld [tilespmem:s20+$0x6380];
	_ =	sdelay $0x2  }
0xfa: {  	s31 =	sshll.u32 s21, $0xB  }
0xfb: {  	s21 =	simm.s32 $0xE000;
	s20 =	sadd.s32 s31, s6  }
0xfc: {  	s23 =	simm.s32 $0xE018;
	s22 =	simm.s32 $0x2;
	s24 =	sadd.s32 $0x0, s20;
	[tilespmem:v16+s15+$0x0] =	vst.idx.msk $0xffff, v17  }
.LBB2_9:
0xfd: {  	[hbm4b:s24+s3] =	stream.linear.scatter [tilespmem:s21], [sflag:$0x4], $0x10, $0x38;
	[tilespmem:$0x14000] =	vst v63  }
0xfe: {  	s24 =	smov.u32 s22;
	s21 =	smov.u32 s23;
	p0 =	sne.s32 s22, $0x7FE  }
.Ltmp3:
0xff: {  	s22 =	sadd.s32 $0x2, s22;
	(pc) =	sbr.rel @p0 .LBB2_9-.Ltmp3, $2  }
0x100: {  	_ =	sdelay $0x2  }
0x101: {  	s23 =	sadd.s32 $0x18, s23;
	s24 =	sadd.s32 s24, s20  }
0x102: {  	s19 =	sadd.s32 $0x1, s19  }
0x103: {  	p0 =	sne.s32 s19, $0x10  }
.Ltmp4:
0x104: {  	_ = 	snop;
	(pc) =	sbr.rel @p0 .LBB2_2-.Ltmp4, $2  }
0x105: {  	_ =	sdelay $0x2  }
0x106: {  	[hbm4b:s24+s3] =	stream.linear.scatter [tilespmem:s21], [sflag:$0x4], $0x10, $0x38;
	[tilespmem:$0x14000] =	vst v63  }
0x107: {  	s18 =	sadd.s32 $0x1, s18  }
0x108: {  	_ =	swait.ge [sflag:s16], $0x4000;
	p0 =	sne.s32 s18, s8  }
.Ltmp5:
0x109: {  	[sflag:s16] =	ssyncset.done $0x0;
	(pc) =	sbr.rel @p0 .LBB2_1-.Ltmp5, $4  }
0x10a: {  	[sflag:s16] =	ssyncadd.s32 $0xFFFFC000  }
0x10b: {  	_ =	swait.ge [sflag:s17], $0x4000  }
0x10c: {  	[sflag:s17] =	ssyncset.done $0x0  }
0x10d: {  	[sflag:s17] =	ssyncadd.s32 $0xFFFFC000  }
0x10e: {  	_ =	sfence.sel $0x180000  }
0x10f: {  	[bflag:$0x0] =	sbarrier.arrive $0xFFFF  }
0x110: {  	p0 =	sne.s32 s1, $0x0;
	_ =	strace $0x90000047  }
0x111: {  	s0 =	sadd.s32 @!p0 $0x100000, s0;
	[bflag:$0x2] =	sbarrier.arrive $0xFFFF  }
0x112: {  	[sflag:s0] =	ssyncadd.tile.s32 @!p0 $0x1;
	_ =	shalt  }
.Lfunc_end2:
_tile_overlayer_lowered:
.L_overlay_start_2:
0x113: {  	(tag) =	ssettag $0x2  }
0x114: {  	s0 =	rddreg [dreg:$0x0];
	s2 =	stileid.u32  }
0x115: {  	s1 =	rddreg [dreg:$0x1];
	p0 =	sne.s32 s2, $0x0  }
0x116: {  	s3 =	rddreg [dreg:$0x2];
	[bflag:$0x3] =	sbarrier.arrive $0xFFFF;
	s2 =	simm.s32 @!p0 $0x1C05  }
0x117: {  	[timem:s3], [sflag:s2] =	dma.local @!p0 [hbm:s0], s1  }
0x118: {  	s0 =	simm.s32 @!p0 $0x5  }
0x119: {  	_ =	swait.ge @!p0 [sflag:s0], s1  }
0x11a: {  	s1 =	ssub.s32 @!p0 $0x0, s1;
	[sflag:s0] =	ssyncset.done @!p0 $0x0  }
0x11b: {  	[sflag:s0] =	ssyncadd.s32 @!p0 s1  }
0x11c: {  	[bflag:$0x3] =	sbarrier.arrive $0xFFFF  }
0x11d: {  	_ =	shalt  }

// kernel: kernel.8.cloned.1.call-start
scs
__scs_entry_jumppad:
0x0: {  	(pc) =	sbr.rel $0x88, $3  }
0x1: {  	(tag) =	ssettag $0x0;
	lr =	simm.s32 $0x1  }
0x2: {  	[smem:$0x3F9F] =	sst lr;
	_ =	strace $0xD0000000  }
0x3: {  	_ = 	snop  }
0x4: {  	_ = 	snop  }
0x5: {  	_ = 	snop  }
0x6: {  	_ = 	snop  }
0x7: {  	_ = 	snop  }
__scs_overlays_trampoline_lowered:
0x8: {  	[smem:$0x3FAE] =	sst s0  }
0x9: {  	[smem:$0x3FAF] =	sst s1  }
0xa: {  	[smem:$0x3FB0] =	sst s2  }
0xb: {  	[smem:$0x3FB1] =	sst s3  }
0xc: {  	[smem:$0x3FB2] =	sst s4  }
0xd: {  	[smem:$0x3FB3] =	sst s5  }
0xe: {  	[smem:$0x3FB4] =	sst s6  }
0xf: {  	[smem:$0x3FB5] =	sst s7  }
0x10: {  	[smem:$0x3FB6] =	sst s8  }
0x11: {  	[smem:$0x3FB7] =	sst s9;
	s0 =	simm.s32 @!p0 $0x0  }
0x12: {  	s1 =	sld [smem:$0x3F9D];
	s0 =	simm.s32 @p0 $0x1  }
0x13: {  	[smem:$0x3FB8] =	sst s0;
	s0 =	simm.s32 @!p1 $0x0  }
0x14: {  	s2 =	sld [smem:$0x3F9C];
	s0 =	simm.s32 @p1 $0x1  }
0x15: {  	[smem:$0x3FB9] =	sst s0;
	s0 =	simm.s32 @!p2 $0x0  }
0x16: {  	s3 =	sld [smem:$0x3FDB];
	s0 =	simm.s32 @p2 $0x1  }
0x17: {  	s4 =	simm.s32 $0x1BF5;
	[smem:$0x3FBB] =	sst s0  }
0x18: {  	s0 =	sld [smem:$0x3F9E];
	_ =	swait.ge [sflag:s4], $0x0  }
0x19: {  	s7 =	sld [smem:$0x3F9F]  }
0x1a: {  	s8 =	sadd.s32 $0xFFFFE003, lr  }
0x1b: {  	s9 =	sadd.s32 $0xFFFFFEF7, lr;
	s5 =	simm.s32 $0xFFFFFFFF;
	p2 =	slt.u32 s8, $0xFFFFF086  }
0x1c: {  	p1 =	slt.u32 s9, $0xF7A;
	s5 =	simm.s32 @!p2 $0x0  }
0x1d: {  	s5 =	simm.s32 @p1 $0x1;
	p0 =	seq.s32 s7, s2  }
0x1e: {  	s7 =	smul.u32 @!p0 $0xF7A, s2;
	p2 =	seq.s32 @!p0 s5, $0x0  }
0x1f: {  	s9 =	smul.u32 $0xF7A, s1;
	s8 =	simm.s32 @!p0 $0x1BF5;
	p2 =	por !p2, p0  }
0x20: {  	[sflag:s8] =	ssyncset.s32 @!p0 $0xFFFFF086;
	s6 =	sadd.s32 @!p0 s3, s7;
	s7 =	simm.s32 @!p0 $0x108  }
0x21: {  	s3 =	sadd.s32 s3, s9;
	s6 =	sadd.s32 @!p0 $0x88, s6;
	s7 =	simm.s32 @p2 $0x1082  }
0x22: {  	[simem:s7], [sflag:s8] =	dma.local @!p0 [hbm:s6], $0xF7A  }
0x23: {  	s9 =	sor.u32 $0xD0000000, s2;
	s6 =	simm.s32 $0x108;
	_ =	swait.ge @!p0 [sflag:s8], $0x0  }
0x24: {  	s3 =	sadd.s32 $0x88, s3;
	s6 =	simm.s32 @!p1 $0x1082;
	[sflag:s4] =	ssyncset.s32 $0xFFFFF086  }
0x25: {  	[simem:s6], [sflag:s4] =	dma.local [hbm:s3], $0xF7A  }
0x26: {  	[smem:$0x3F9F] =	sst s1;
	(tag) =	ssettag s2;
	_ =	strace s9  }
0x27: {  	s1 =	sld [smem:$0x3FAF]  }
0x28: {  	s2 =	sld [smem:$0x3FB0]  }
0x29: {  	s4 =	sld [smem:$0x3FB2]  }
0x2a: {  	p0 =	seq.s32 s5, $0x0;
	s5 =	sld [smem:$0x3FB3]  }
0x2b: {  	s6 =	sld [smem:$0x3FB4]  }
0x2c: {  	s7 =	sld [smem:$0x3FB5]  }
0x2d: {  	s3 =	simm.s32 $0x108;
	s8 =	sld [smem:$0x3FB6]  }
0x2e: {  	s3 =	simm.s32 @!p0 $0x1082;
	s9 =	sld [smem:$0x3FB7]  }
0x2f: {  	lr =	sadd.s32 s0, s3;
	s0 =	sld [smem:$0x3FAE]  }
0x30: {  	s3 =	sld [smem:$0x3FB1]  }
0x31: {  	[smem:$0x3FBA] =	sst s10  }
0x32: {  	s10 =	sld [smem:$0x3FB8];
	_ =	sdelay $0x3  }
0x33: {  	p0 =	seq.s32 s10, $0x1;
	s10 =	sld [smem:$0x3FBA];
	_ =	sdelay $0x3  }
0x34: {  	[smem:$0x3FBA] =	sst s10  }
0x35: {  	s10 =	sld [smem:$0x3FB9];
	_ =	sdelay $0x3  }
0x36: {  	p1 =	seq.s32 s10, $0x1;
	s10 =	sld [smem:$0x3FBA];
	_ =	sdelay $0x3  }
0x37: {  	[smem:$0x3FBA] =	sst s10  }
0x38: {  	s10 =	sld [smem:$0x3FBB]  }
0x39: {  	_ = 	snop;
	(pc) =	sbr.ind lr, $3  }
0x3a: {  	_ = 	snop  }
0x3b: {  	_ = 	snop  }
0x3c: {  	p2 =	seq.s32 s10, $0x1;
	s10 =	sld [smem:$0x3FBA]  }
0x3d: {  	_ =	shalt  }
0x3e: {  	_ =	shalt  }
0x3f: {  	_ =	shalt  }
0x40: {  	_ =	shalt  }
0x41: {  	_ =	shalt  }
0x42: {  	_ =	shalt  }
0x43: {  	_ =	shalt  }
0x44: {  	_ =	shalt  }
0x45: {  	_ =	shalt  }
0x46: {  	_ =	shalt  }
0x47: {  	_ =	shalt  }
0x48: {  	_ =	shalt  }
0x49: {  	_ =	shalt  }
0x4a: {  	_ =	shalt  }
0x4b: {  	_ =	shalt  }
0x4c: {  	_ =	shalt  }
0x4d: {  	_ =	shalt  }
0x4e: {  	_ =	shalt  }
0x4f: {  	_ =	shalt  }
0x50: {  	_ =	shalt  }
0x51: {  	_ =	shalt  }
0x52: {  	_ =	shalt  }
0x53: {  	_ =	shalt  }
0x54: {  	_ =	shalt  }
0x55: {  	_ =	shalt  }
0x56: {  	_ =	shalt  }
0x57: {  	_ =	shalt  }
0x58: {  	_ =	shalt  }
0x59: {  	_ =	shalt  }
0x5a: {  	_ =	shalt  }
0x5b: {  	_ =	shalt  }
0x5c: {  	_ =	shalt  }
0x5d: {  	_ =	shalt  }
0x5e: {  	_ =	shalt  }
0x5f: {  	_ =	shalt  }
0x60: {  	_ =	shalt  }
0x61: {  	_ =	shalt  }
0x62: {  	_ =	shalt  }
0x63: {  	_ =	shalt  }
0x64: {  	_ =	shalt  }
0x65: {  	_ =	shalt  }
0x66: {  	_ =	shalt  }
0x67: {  	_ =	shalt  }
0x68: {  	_ =	shalt  }
0x69: {  	_ =	shalt  }
0x6a: {  	_ =	shalt  }
0x6b: {  	_ =	shalt  }
0x6c: {  	_ =	shalt  }
0x6d: {  	_ =	shalt  }
0x6e: {  	_ =	shalt  }
0x6f: {  	_ =	shalt  }
0x70: {  	_ =	shalt  }
0x71: {  	_ =	shalt  }
0x72: {  	_ =	shalt  }
0x73: {  	_ =	shalt  }
0x74: {  	_ =	shalt  }
0x75: {  	_ =	shalt  }
0x76: {  	_ =	shalt  }
0x77: {  	_ =	shalt  }
0x78: {  	_ =	shalt  }
0x79: {  	_ =	shalt  }
0x7a: {  	_ =	shalt  }
0x7b: {  	_ =	shalt  }
0x7c: {  	_ =	shalt  }
0x7d: {  	_ =	shalt  }
0x7e: {  	_ =	shalt  }
0x7f: {  	_ =	shalt  }
0x80: {  	_ =	shalt  }
0x81: {  	_ =	shalt  }
0x82: {  	_ =	shalt  }
0x83: {  	_ =	shalt  }
0x84: {  	_ =	shalt  }
0x85: {  	_ =	shalt  }
0x86: {  	_ =	shalt  }
0x87: {  	_ =	shalt  }
.Lfunc_end0:
.L_simem_size_0:
called_computation.1_lowered:
.L_overlay_start_0:
0x88: {  	s2 =	sld [smem:$0x3FD9]  }
0x89: {  	s3 =	sld [smem:$0x3FFE];
	_ =	sdelay $0x1  }
0x8a: {  	s1 =	srdreg.scid  }
0x8b: {  	s0 =	sand.u32 $0x1, s1  }
0x8c: {  	s17 =	sshll.u32 s0, $0xA;
	s2 =	sadd.s32 s3, s2  }
0x8d: {  	s2 =	sadd.s32 s2, s17  }
0x8e: {  	[smem:$0x3FC6] =	sst s2  }
0x8f: {  	_ = 	snop  }
0x90: {  	s2 =	sld [smem:$0x3FC9]  }
0x91: {  	s18 =	sld [smem:$0x3FD0];
	(tm) =	ssettm $0x1  }
0x92: {  	s4 =	sld [smem:$0x3FFB];
	_ =	sdelay $0x3  }
0x93: {  	_ =	strace s4  }
0x94: {  	s4 =	sld [smem:$0x3FFC];
	_ =	sdelay $0x3  }
0x95: {  	_ =	strace s4  }
0x96: {  	s4 =	sld [smem:$0x3FFD];
	_ =	sdelay $0x3  }
0x97: {  	_ =	strace s4  }
0x98: {  	_ =	strace $0x8FFFFFFF  }
0x99: {  	s19 =	sld [smem:$0x3FDB];
	_ =	sdelay $0x1  }
0x9a: {  	s5 =	simm.s32 $_scs_section_size  }
0x9b: {  	s6 =	simm.s32 $_size__tile_overlayer_lowered;
	s7 =	simm.s32 $_tile_overlayer_lowered  }
0x9c: {  	s22 =	simm.s32 $0x1BFF;
	s21 =	sshll.u32 s7, $0x1;
	s4 =	sadd.s32 s5, s19  }
0x9d: {  	s8 =	simm.s32 $0x0;
	s20 =	sshll.u32 s6, $0x1;
	s6 =	sadd.s32 s21, s4  }
0x9e: {  	[timem:s8], [sflag:s22] =	dma.local [hbm:s6], s20  }
0x9f: {  	_ =	swait.ge [sflag:s22], s20  }
0xa0: {  	s5 =	ssub.s32 $0x0, s20;
	[sflag:s22] =	ssyncset.done $0x0  }
0xa1: {  	[sflag:s22] =	ssyncadd.s32 s5;
	_ =	sdelay $0x1  }
0xa2: {  	s23 =	simm.s32 $0x1B8B  }
0xa3: {  	_ =	swait.ge [sflag:s23], $0x1  }
0xa4: {  	[sflag:s23] =	ssyncset.done $0x0  }
0xa5: {  	s25 =	simm.s32 $0x1B8E;
	s24 =	sld [smem:$0x3FFE];
	[sflag:s23] =	ssyncadd.s32 $0xFFFFFFFF  }
0xa6: {  	s26 =	simm.s32 $execute0_lowered;
	[smem:$0x3FD2] =	sst s25  }
0xa7: {  	s6 =	sshll.u32 s26, $0x1;
	_ =	strace $0x80000049;
	[dreg:$0x1] =	wrdreg $0xFFFFFFFF  }
0xa8: {  	s28 =	simm.s32 $_size_execute0_lowered;
	s4 =	sadd.s32 s4, s6;
	[dreg:$0x0] =	wrdreg $0x0  }
0xa9: {  	s6 =	sshll.u32 s28, $0x1;
	[dreg:$0x2] =	wrdreg s4  }
0xaa: {  	[dreg:$0x3] =	wrdreg s6  }
0xab: {  	[dreg:$0x4] =	wrdreg $0xC0  }
0xac: {  	_ =	task [dreg:s8], $0x5FFFF  }
0xad: {  	[dreg:$0x1] =	wrdreg $0xFFFFFFFF  }
0xae: {  	[dreg:$0x0] =	wrdreg $0x60  }
0xaf: {  	[dreg:$0x2] =	wrdreg s24  }
0xb0: {  	[dreg:$0x3] =	wrdreg s2  }
0xb1: {  	[dreg:$0x4] =	wrdreg s18  }
0xb2: {  	[dreg:$0x5] =	wrdreg $0x9  }
0xb3: {  	_ =	task.clear_ibuf [dreg:s8], $0x6FFFF;
	_ =	strace $0x90000049  }
0xb4: {  	s29 =	simm.s32 $0x9;
	_ =	strace $0x8000004B  }
0xb5: {  	_ =	swait.ge [sflag:s29], $0x1  }
0xb6: {  	[sflag:s29] =	ssyncadd.s32 $0xFFFFFFFF  }
0xb7: {  	_ =	strace $0x9000004B  }
0xb8: {  	_ =	sfence  }
0xb9: {  	s30 =	sld [smem:$0x0];
	_ =	sdelay $0x2  }
0xba: {  	s31 =	sshll.u32 s1, $0xD;
	s1 =	sshrl.u32 s1, $0x2  }
0xbb: {  	s3 =	sand.u32 $0x4000, s31;
	s1 =	sadd.s32 s1, s30  }
0xbc: {  	s0 =	sor.u32 s3, s0;
	s1 =	sshll.u32 s1, $0x11  }
0xbd: {  	s0 =	sor.u32 s1, s0  }
0xbe: {  	s0 =	sadd.s32 $0x8F2B, s0  }
0xbf: {  	[sflag:s0] =	ssyncadd.remote.s32 $0x1  }
0xc0: {  	_ =	sfence.sel $0xFFFF  }
0xc1: {  	[dreg:$0x0] =	wrdreg $0xFFFFFFFF;
	(pc) =	sbr.abs _section_cstart, $3  }
0xc2: {  	[dreg:$0x1] =	wrdreg $0xFFFFFFFF  }
0xc3: {  	_ =	task.clear_ibuf [dreg:s8], $0x2FFFF;
	_ =	strace $0x9FFFFFFF  }
0xc4: {  	(tm) =	ssettm $0x7FFFFFFF  }
0xc5: {  	_ =	shalt  }
tec
execute0_lowered:
.L_overlay_start_1:
0x0: {  	(tag) =	ssettag $0x1  }
0x1: {  	vm13 =	vcmask $0x300  }
0x2: {  	v0 =	vimm.s32 $0x0;
	v1 =	vimm.s32 $0x18F8;
	v2 =	vimm.s32 $0x18F9  }
0x3: {  	vm14 =	vcmask $0x704;
	vm12 =	vcmask $0xB08;
	vm11 =	vcmask $0xF0C  }
0x4: {  	vm10 =	vcmask $0x1310;
	vm9 =	vcmask $0x1714;
	vm8 =	vcmask $0x1B18  }
0x5: {  	vm7 =	vcmask $0x1F1C;
	vm6 =	vcmask $0x2320;
	vm5 =	vcmask $0x2724  }
0x6: {  	vm4 =	vcmask $0x2B28;
	vm3 =	vcmask $0x2F2C;
	vm2 =	vcmask $0x3330  }
0x7: {  	vm1 =	vcmask $0x3734;
	vm0 =	vcmask $0x3B38;
	v3 =	vimm.s32 $0x18FA  }
0x8: {  	v4 =	vimm.s32 $0x18FB;
	v5 =	vimm.s32 $0x18FC;
	v6 =	vimm.s32 $0x18FD  }
0x9: {  	v7 =	vimm.s32 $0x18FE;
	v8 =	vimm.s32 $0x18FF;
	v9 =	vimm.s32 $0x1D38  }
0xa: {  	v10 =	vimm.s32 $0x1D39;
	v11 =	vimm.s32 $0x1D3A;
	v12 =	vimm.s32 $0x1D3B  }
0xb: {  	v13 =	vimm.s32 $0x1D3C;
	v14 =	vimm.s32 $0x1D3D;
	v15 =	vimm.s32 $0x1D3E  }
0xc: {  	v16 =	vimm.s32 $0x1D3F;
	v17 =	vimm.s32 $0x2178;
	v18 =	vimm.s32 $0x2179  }
0xd: {  	v19 =	vimm.s32 $0x217A;
	v20 =	vimm.s32 $0x217B;
	v21 =	vimm.s32 $0x217C  }
0xe: {  	v22 =	vimm.s32 $0x217D;
	v23 =	vimm.s32 $0x217E;
	v24 =	vimm.s32 $0x217F  }
0xf: {  	v25 =	vimm.s32 $0x25B8;
	v26 =	vimm.s32 $0x25B9;
	v27 =	vimm.s32 $0x25BA  }
0x10: {  	v28 =	vimm.s32 $0x25BB;
	v29 =	vimm.s32 $0x25BC;
	v30 =	vimm.s32 $0x25BD  }
0x11: {  	v31 =	vimm.s32 $0x25BE;
	v32 =	vimm.s32 $0x25BF;
	v1 =	vsel vm13, $0x0, v1  }
0x12: {  	v2 =	vsel vm13, $0x1, v2;
	v0 =	vsel vm13, $0x3, v0;
	v3 =	vsel vm13, $0x2, v3  }
0x13: {  	v4 =	vsel vm13, $0x3, v4;
	v5 =	vsel vm13, $0x4, v5;
	v6 =	vsel vm13, $0x5, v6  }
0x14: {  	v7 =	vsel vm13, $0x6, v7;
	v8 =	vsel vm13, $0x7, v8;
	v9 =	vsel vm13, $0x440, v9  }
0x15: {  	v10 =	vsel vm13, $0x441, v10;
	v11 =	vsel vm13, $0x442, v11;
	v12 =	vsel vm13, $0x443, v12  }
0x16: {  	v13 =	vsel vm13, $0x444, v13;
	v14 =	vsel vm13, $0x445, v14;
	v15 =	vsel vm13, $0x446, v15  }
0x17: {  	v16 =	vsel vm13, $0x447, v16;
	v17 =	vsel vm13, $0x880, v17;
	v18 =	vsel vm13, $0x881, v18  }
0x18: {  	v19 =	vsel vm13, $0x882, v19;
	v20 =	vsel vm13, $0x883, v20;
	v21 =	vsel vm13, $0x884, v21  }
0x19: {  	v22 =	vsel vm13, $0x885, v22;
	v23 =	vsel vm13, $0x886, v23;
	v24 =	vsel vm13, $0x887, v24  }
0x1a: {  	v25 =	vsel vm13, $0xCC0, v25;
	v26 =	vsel vm13, $0xCC1, v26;
	v27 =	vsel vm13, $0xCC2, v27  }
0x1b: {  	v28 =	vsel vm13, $0xCC3, v28;
	v29 =	vsel vm13, $0xCC4, v29;
	v30 =	vsel vm13, $0xCC5, v30  }
0x1c: {  	v31 =	vsel vm13, $0xCC6, v31;
	v32 =	vsel vm13, $0xCC7, v32;
	v1 =	vsel vm14, $0x88, v1  }
0x1d: {  	v2 =	vsel vm14, $0x89, v2;
	v3 =	vsel vm14, $0x8A, v3;
	v4 =	vsel vm14, $0x8B, v4  }
0x1e: {  	v5 =	vsel vm14, $0x8C, v5;
	v6 =	vsel vm14, $0x8D, v6;
	v7 =	vsel vm14, $0x8E, v7  }
0x1f: {  	v8 =	vsel vm14, $0x8F, v8;
	v9 =	vsel vm14, $0x4C8, v9;
	v10 =	vsel vm14, $0x4C9, v10  }
0x20: {  	v11 =	vsel vm14, $0x4CA, v11;
	v12 =	vsel vm14, $0x4CB, v12;
	v13 =	vsel vm14, $0x4CC, v13  }
0x21: {  	v14 =	vsel vm14, $0x4CD, v14;
	v15 =	vsel vm14, $0x4CE, v15;
	v16 =	vsel vm14, $0x4CF, v16  }
0x22: {  	v17 =	vsel vm14, $0x908, v17;
	v18 =	vsel vm14, $0x909, v18;
	v19 =	vsel vm14, $0x90A, v19  }
0x23: {  	v20 =	vsel vm14, $0x90B, v20;
	v21 =	vsel vm14, $0x90C, v21;
	v22 =	vsel vm14, $0x90D, v22  }
0x24: {  	v23 =	vsel vm14, $0x90E, v23;
	v24 =	vsel vm14, $0x90F, v24;
	v25 =	vsel vm14, $0xD48, v25  }
0x25: {  	v26 =	vsel vm14, $0xD49, v26;
	v27 =	vsel vm14, $0xD4A, v27;
	v28 =	vsel vm14, $0xD4B, v28  }
0x26: {  	v29 =	vsel vm14, $0xD4C, v29;
	v30 =	vsel vm14, $0xD4D, v30;
	v31 =	vsel vm14, $0xD4E, v31  }
0x27: {  	v32 =	vsel vm14, $0xD4F, v32;
	v1 =	vsel vm12, $0x110, v1;
	v2 =	vsel vm12, $0x111, v2  }
0x28: {  	v3 =	vsel vm12, $0x112, v3;
	v4 =	vsel vm12, $0x113, v4;
	v5 =	vsel vm12, $0x114, v5  }
0x29: {  	v6 =	vsel vm12, $0x115, v6;
	v7 =	vsel vm12, $0x116, v7;
	v8 =	vsel vm12, $0x117, v8  }
0x2a: {  	v9 =	vsel vm12, $0x550, v9;
	v10 =	vsel vm12, $0x551, v10;
	v11 =	vsel vm12, $0x552, v11  }
0x2b: {  	v12 =	vsel vm12, $0x553, v12;
	v13 =	vsel vm12, $0x554, v13;
	v14 =	vsel vm12, $0x555, v14  }
0x2c: {  	v15 =	vsel vm12, $0x556, v15;
	v16 =	vsel vm12, $0x557, v16;
	v17 =	vsel vm12, $0x990, v17  }
0x2d: {  	v18 =	vsel vm12, $0x991, v18;
	v19 =	vsel vm12, $0x992, v19;
	v20 =	vsel vm12, $0x993, v20  }
0x2e: {  	v21 =	vsel vm12, $0x994, v21;
	v22 =	vsel vm12, $0x995, v22;
	v23 =	vsel vm12, $0x996, v23  }
0x2f: {  	v24 =	vsel vm12, $0x997, v24;
	v25 =	vsel vm12, $0xDD0, v25;
	v26 =	vsel vm12, $0xDD1, v26  }
0x30: {  	v27 =	vsel vm12, $0xDD2, v27;
	v28 =	vsel vm12, $0xDD3, v28;
	v29 =	vsel vm12, $0xDD4, v29  }
0x31: {  	v30 =	vsel vm12, $0xDD5, v30;
	v31 =	vsel vm12, $0xDD6, v31;
	v32 =	vsel vm12, $0xDD7, v32  }
0x32: {  	v1 =	vsel vm11, $0x198, v1;
	v2 =	vsel vm11, $0x199, v2;
	v3 =	vsel vm11, $0x19A, v3  }
0x33: {  	v4 =	vsel vm11, $0x19B, v4;
	v5 =	vsel vm11, $0x19C, v5;
	v6 =	vsel vm11, $0x19D, v6  }
0x34: {  	v7 =	vsel vm11, $0x19E, v7;
	v8 =	vsel vm11, $0x19F, v8;
	v9 =	vsel vm11, $0x5D8, v9  }
0x35: {  	v10 =	vsel vm11, $0x5D9, v10;
	v11 =	vsel vm11, $0x5DA, v11;
	v12 =	vsel vm11, $0x5DB, v12  }
0x36: {  	v13 =	vsel vm11, $0x5DC, v13;
	v14 =	vsel vm11, $0x5DD, v14;
	v15 =	vsel vm11, $0x5DE, v15  }
0x37: {  	v16 =	vsel vm11, $0x5DF, v16;
	v17 =	vsel vm11, $0xA18, v17;
	v18 =	vsel vm11, $0xA19, v18  }
0x38: {  	v19 =	vsel vm11, $0xA1A, v19;
	v20 =	vsel vm11, $0xA1B, v20;
	v21 =	vsel vm11, $0xA1C, v21  }
0x39: {  	v22 =	vsel vm11, $0xA1D, v22;
	v23 =	vsel vm11, $0xA1E, v23;
	v24 =	vsel vm11, $0xA1F, v24  }
0x3a: {  	v25 =	vsel vm11, $0xE58, v25;
	v26 =	vsel vm11, $0xE59, v26;
	v27 =	vsel vm11, $0xE5A, v27  }
0x3b: {  	v28 =	vsel vm11, $0xE5B, v28;
	v29 =	vsel vm11, $0xE5C, v29;
	v30 =	vsel vm11, $0xE5D, v30  }
0x3c: {  	v31 =	vsel vm11, $0xE5E, v31;
	v32 =	vsel vm11, $0xE5F, v32;
	v1 =	vsel vm10, $0x220, v1  }
0x3d: {  	v2 =	vsel vm10, $0x221, v2;
	v3 =	vsel vm10, $0x222, v3;
	v4 =	vsel vm10, $0x223, v4  }
0x3e: {  	v5 =	vsel vm10, $0x224, v5;
	v6 =	vsel vm10, $0x225, v6;
	v7 =	vsel vm10, $0x226, v7  }
0x3f: {  	v8 =	vsel vm10, $0x227, v8;
	v9 =	vsel vm10, $0x660, v9;
	v10 =	vsel vm10, $0x661, v10  }
0x40: {  	v11 =	vsel vm10, $0x662, v11;
	v12 =	vsel vm10, $0x663, v12;
	v13 =	vsel vm10, $0x664, v13  }
0x41: {  	v14 =	vsel vm10, $0x665, v14;
	v15 =	vsel vm10, $0x666, v15;
	v16 =	vsel vm10, $0x667, v16  }
0x42: {  	v17 =	vsel vm10, $0xAA0, v17;
	v18 =	vsel vm10, $0xAA1, v18;
	v19 =	vsel vm10, $0xAA2, v19  }
0x43: {  	v20 =	vsel vm10, $0xAA3, v20;
	v21 =	vsel vm10, $0xAA4, v21;
	v22 =	vsel vm10, $0xAA5, v22  }
0x44: {  	v23 =	vsel vm10, $0xAA6, v23;
	v24 =	vsel vm10, $0xAA7, v24;
	v25 =	vsel vm10, $0xEE0, v25  }
0x45: {  	v26 =	vsel vm10, $0xEE1, v26;
	v27 =	vsel vm10, $0xEE2, v27;
	v28 =	vsel vm10, $0xEE3, v28  }
0x46: {  	v29 =	vsel vm10, $0xEE4, v29;
	v30 =	vsel vm10, $0xEE5, v30;
	v31 =	vsel vm10, $0xEE6, v31  }
0x47: {  	v32 =	vsel vm10, $0xEE7, v32;
	v1 =	vsel vm9, $0x2A8, v1;
	v2 =	vsel vm9, $0x2A9, v2  }
0x48: {  	v3 =	vsel vm9, $0x2AA, v3;
	v4 =	vsel vm9, $0x2AB, v4;
	v5 =	vsel vm9, $0x2AC, v5  }
0x49: {  	v6 =	vsel vm9, $0x2AD, v6;
	v7 =	vsel vm9, $0x2AE, v7;
	v8 =	vsel vm9, $0x2AF, v8  }
0x4a: {  	v9 =	vsel vm9, $0x6E8, v9;
	v10 =	vsel vm9, $0x6E9, v10;
	v11 =	vsel vm9, $0x6EA, v11  }
0x4b: {  	v12 =	vsel vm9, $0x6EB, v12;
	v13 =	vsel vm9, $0x6EC, v13;
	v14 =	vsel vm9, $0x6ED, v14  }
0x4c: {  	v15 =	vsel vm9, $0x6EE, v15;
	v16 =	vsel vm9, $0x6EF, v16;
	v17 =	vsel vm9, $0xB28, v17  }
0x4d: {  	v18 =	vsel vm9, $0xB29, v18;
	v19 =	vsel vm9, $0xB2A, v19;
	v20 =	vsel vm9, $0xB2B, v20  }
0x4e: {  	v21 =	vsel vm9, $0xB2C, v21;
	v22 =	vsel vm9, $0xB2D, v22;
	v23 =	vsel vm9, $0xB2E, v23  }
0x4f: {  	v24 =	vsel vm9, $0xB2F, v24;
	v25 =	vsel vm9, $0xF68, v25;
	v26 =	vsel vm9, $0xF69, v26  }
0x50: {  	v27 =	vsel vm9, $0xF6A, v27;
	v28 =	vsel vm9, $0xF6B, v28;
	v29 =	vsel vm9, $0xF6C, v29  }
0x51: {  	v30 =	vsel vm9, $0xF6D, v30;
	v31 =	vsel vm9, $0xF6E, v31;
	v32 =	vsel vm9, $0xF6F, v32  }
0x52: {  	v1 =	vsel vm8, $0x330, v1;
	v2 =	vsel vm8, $0x331, v2;
	v3 =	vsel vm8, $0x332, v3  }
0x53: {  	v4 =	vsel vm8, $0x333, v4;
	v5 =	vsel vm8, $0x334, v5;
	v6 =	vsel vm8, $0x335, v6  }
0x54: {  	v7 =	vsel vm8, $0x336, v7;
	v8 =	vsel vm8, $0x337, v8;
	v9 =	vsel vm8, $0x770, v9  }
0x55: {  	v10 =	vsel vm8, $0x771, v10;
	v11 =	vsel vm8, $0x772, v11;
	v12 =	vsel vm8, $0x773, v12  }
0x56: {  	v13 =	vsel vm8, $0x774, v13;
	v14 =	vsel vm8, $0x775, v14;
	v15 =	vsel vm8, $0x776, v15  }
0x57: {  	v16 =	vsel vm8, $0x777, v16;
	v17 =	vsel vm8, $0xBB0, v17;
	v18 =	vsel vm8, $0xBB1, v18  }
0x58: {  	v19 =	vsel vm8, $0xBB2, v19;
	v20 =	vsel vm8, $0xBB3, v20;
	v21 =	vsel vm8, $0xBB4, v21  }
0x59: {  	v22 =	vsel vm8, $0xBB5, v22;
	v23 =	vsel vm8, $0xBB6, v23;
	v24 =	vsel vm8, $0xBB7, v24  }
0x5a: {  	v25 =	vsel vm8, $0xFF0, v25;
	v26 =	vsel vm8, $0xFF1, v26;
	v27 =	vsel vm8, $0xFF2, v27  }
0x5b: {  	v28 =	vsel vm8, $0xFF3, v28;
	v29 =	vsel vm8, $0xFF4, v29;
	v30 =	vsel vm8, $0xFF5, v30  }
0x5c: {  	v31 =	vsel vm8, $0xFF6, v31;
	v32 =	vsel vm8, $0xFF7, v32;
	v1 =	vsel vm7, $0x3B8, v1  }
0x5d: {  	v2 =	vsel vm7, $0x3B9, v2;
	v3 =	vsel vm7, $0x3BA, v3;
	v4 =	vsel vm7, $0x3BB, v4  }
0x5e: {  	v5 =	vsel vm7, $0x3BC, v5;
	v6 =	vsel vm7, $0x3BD, v6;
	v7 =	vsel vm7, $0x3BE, v7  }
0x5f: {  	v8 =	vsel vm7, $0x3BF, v8;
	v9 =	vsel vm7, $0x7F8, v9;
	v10 =	vsel vm7, $0x7F9, v10  }
0x60: {  	v11 =	vsel vm7, $0x7FA, v11;
	v12 =	vsel vm7, $0x7FB, v12;
	v13 =	vsel vm7, $0x7FC, v13  }
0x61: {  	v14 =	vsel vm7, $0x7FD, v14;
	v15 =	vsel vm7, $0x7FE, v15;
	v16 =	vsel vm7, $0x7FF, v16  }
0x62: {  	v17 =	vsel vm7, $0xC38, v17;
	v18 =	vsel vm7, $0xC39, v18;
	v19 =	vsel vm7, $0xC3A, v19  }
0x63: {  	v20 =	vsel vm7, $0xC3B, v20;
	v21 =	vsel vm7, $0xC3C, v21;
	v22 =	vsel vm7, $0xC3D, v22  }
0x64: {  	v23 =	vsel vm7, $0xC3E, v23;
	v24 =	vsel vm7, $0xC3F, v24;
	v25 =	vsel vm7, $0x1078, v25  }
0x65: {  	v26 =	vsel vm7, $0x1079, v26;
	v27 =	vsel vm7, $0x107A, v27;
	v28 =	vsel vm7, $0x107B, v28  }
0x66: {  	v29 =	vsel vm7, $0x107C, v29;
	v30 =	vsel vm7, $0x107D, v30;
	v31 =	vsel vm7, $0x107E, v31  }
0x67: {  	v32 =	vsel vm7, $0x107F, v32;
	v1 =	vsel vm6, $0x1540, v1;
	v2 =	vsel vm6, $0x1541, v2  }
0x68: {  	v3 =	vsel vm6, $0x1542, v3;
	v4 =	vsel vm6, $0x1543, v4;
	v5 =	vsel vm6, $0x1544, v5  }
0x69: {  	v6 =	vsel vm6, $0x1545, v6;
	v7 =	vsel vm6, $0x1546, v7;
	v8 =	vsel vm6, $0x1547, v8  }
0x6a: {  	v9 =	vsel vm6, $0x1980, v9;
	v10 =	vsel vm6, $0x1981, v10;
	v11 =	vsel vm6, $0x1982, v11  }
0x6b: {  	v12 =	vsel vm6, $0x1983, v12;
	v13 =	vsel vm6, $0x1984, v13;
	v14 =	vsel vm6, $0x1985, v14  }
0x6c: {  	v15 =	vsel vm6, $0x1986, v15;
	v16 =	vsel vm6, $0x1987, v16;
	v17 =	vsel vm6, $0x1DC0, v17  }
0x6d: {  	v18 =	vsel vm6, $0x1DC1, v18;
	v19 =	vsel vm6, $0x1DC2, v19;
	v20 =	vsel vm6, $0x1DC3, v20  }
0x6e: {  	v21 =	vsel vm6, $0x1DC4, v21;
	v22 =	vsel vm6, $0x1DC5, v22;
	v23 =	vsel vm6, $0x1DC6, v23  }
0x6f: {  	v24 =	vsel vm6, $0x1DC7, v24;
	v25 =	vsel vm6, $0x2200, v25;
	v26 =	vsel vm6, $0x2201, v26  }
0x70: {  	v27 =	vsel vm6, $0x2202, v27;
	v28 =	vsel vm6, $0x2203, v28;
	v29 =	vsel vm6, $0x2204, v29  }
0x71: {  	v30 =	vsel vm6, $0x2205, v30;
	v31 =	vsel vm6, $0x2206, v31;
	v32 =	vsel vm6, $0x2207, v32  }
0x72: {  	v1 =	vsel vm5, $0x15C8, v1;
	v2 =	vsel vm5, $0x15C9, v2;
	v3 =	vsel vm5, $0x15CA, v3  }
0x73: {  	v4 =	vsel vm5, $0x15CB, v4;
	v5 =	vsel vm5, $0x15CC, v5;
	v6 =	vsel vm5, $0x15CD, v6  }
0x74: {  	v7 =	vsel vm5, $0x15CE, v7;
	v8 =	vsel vm5, $0x15CF, v8;
	v9 =	vsel vm5, $0x1A08, v9  }
0x75: {  	v10 =	vsel vm5, $0x1A09, v10;
	v11 =	vsel vm5, $0x1A0A, v11;
	v12 =	vsel vm5, $0x1A0B, v12  }
0x76: {  	v13 =	vsel vm5, $0x1A0C, v13;
	v14 =	vsel vm5, $0x1A0D, v14;
	v15 =	vsel vm5, $0x1A0E, v15  }
0x77: {  	v16 =	vsel vm5, $0x1A0F, v16;
	v17 =	vsel vm5, $0x1E48, v17;
	v18 =	vsel vm5, $0x1E49, v18  }
0x78: {  	v19 =	vsel vm5, $0x1E4A, v19;
	v20 =	vsel vm5, $0x1E4B, v20;
	v21 =	vsel vm5, $0x1E4C, v21  }
0x79: {  	v22 =	vsel vm5, $0x1E4D, v22;
	v23 =	vsel vm5, $0x1E4E, v23;
	v24 =	vsel vm5, $0x1E4F, v24  }
0x7a: {  	v25 =	vsel vm5, $0x2288, v25;
	v26 =	vsel vm5, $0x2289, v26;
	v27 =	vsel vm5, $0x228A, v27  }
0x7b: {  	v28 =	vsel vm5, $0x228B, v28;
	v29 =	vsel vm5, $0x228C, v29;
	v30 =	vsel vm5, $0x228D, v30  }
0x7c: {  	v31 =	vsel vm5, $0x228E, v31;
	v32 =	vsel vm5, $0x228F, v32;
	v1 =	vsel vm4, $0x1650, v1  }
0x7d: {  	v2 =	vsel vm4, $0x1651, v2;
	v3 =	vsel vm4, $0x1652, v3;
	v4 =	vsel vm4, $0x1653, v4  }
0x7e: {  	v5 =	vsel vm4, $0x1654, v5;
	v6 =	vsel vm4, $0x1655, v6;
	v7 =	vsel vm4, $0x1656, v7  }
0x7f: {  	v8 =	vsel vm4, $0x1657, v8;
	v9 =	vsel vm4, $0x1A90, v9;
	v10 =	vsel vm4, $0x1A91, v10  }
0x80: {  	v11 =	vsel vm4, $0x1A92, v11;
	v12 =	vsel vm4, $0x1A93, v12;
	v13 =	vsel vm4, $0x1A94, v13  }
0x81: {  	v14 =	vsel vm4, $0x1A95, v14;
	v15 =	vsel vm4, $0x1A96, v15;
	v16 =	vsel vm4, $0x1A97, v16  }
0x82: {  	v17 =	vsel vm4, $0x1ED0, v17;
	v18 =	vsel vm4, $0x1ED1, v18;
	v19 =	vsel vm4, $0x1ED2, v19  }
0x83: {  	v20 =	vsel vm4, $0x1ED3, v20;
	v21 =	vsel vm4, $0x1ED4, v21;
	v22 =	vsel vm4, $0x1ED5, v22  }
0x84: {  	v23 =	vsel vm4, $0x1ED6, v23;
	v24 =	vsel vm4, $0x1ED7, v24;
	v25 =	vsel vm4, $0x2310, v25  }
0x85: {  	v26 =	vsel vm4, $0x2311, v26;
	v27 =	vsel vm4, $0x2312, v27;
	v28 =	vsel vm4, $0x2313, v28  }
0x86: {  	v29 =	vsel vm4, $0x2314, v29;
	v30 =	vsel vm4, $0x2315, v30;
	v31 =	vsel vm4, $0x2316, v31  }
0x87: {  	v32 =	vsel vm4, $0x2317, v32;
	v1 =	vsel vm3, $0x16D8, v1;
	v2 =	vsel vm3, $0x16D9, v2  }
0x88: {  	v3 =	vsel vm3, $0x16DA, v3;
	v4 =	vsel vm3, $0x16DB, v4;
	v5 =	vsel vm3, $0x16DC, v5  }
0x89: {  	v6 =	vsel vm3, $0x16DD, v6;
	v7 =	vsel vm3, $0x16DE, v7;
	v8 =	vsel vm3, $0x16DF, v8  }
0x8a: {  	v9 =	vsel vm3, $0x1B18, v9;
	v10 =	vsel vm3, $0x1B19, v10;
	v11 =	vsel vm3, $0x1B1A, v11  }
0x8b: {  	v12 =	vsel vm3, $0x1B1B, v12;
	v13 =	vsel vm3, $0x1B1C, v13;
	v14 =	vsel vm3, $0x1B1D, v14  }
0x8c: {  	v15 =	vsel vm3, $0x1B1E, v15;
	v16 =	vsel vm3, $0x1B1F, v16;
	v17 =	vsel vm3, $0x1F58, v17  }
0x8d: {  	v18 =	vsel vm3, $0x1F59, v18;
	v19 =	vsel vm3, $0x1F5A, v19;
	v20 =	vsel vm3, $0x1F5B, v20  }
0x8e: {  	v21 =	vsel vm3, $0x1F5C, v21;
	v22 =	vsel vm3, $0x1F5D, v22;
	v23 =	vsel vm3, $0x1F5E, v23  }
0x8f: {  	v24 =	vsel vm3, $0x1F5F, v24;
	v25 =	vsel vm3, $0x2398, v25;
	v26 =	vsel vm3, $0x2399, v26  }
0x90: {  	v27 =	vsel vm3, $0x239A, v27;
	v28 =	vsel vm3, $0x239B, v28;
	v29 =	vsel vm3, $0x239C, v29  }
0x91: {  	v30 =	vsel vm3, $0x239D, v30;
	v31 =	vsel vm3, $0x239E, v31;
	v32 =	vsel vm3, $0x239F, v32  }
0x92: {  	v1 =	vsel vm2, $0x1760, v1;
	v2 =	vsel vm2, $0x1761, v2;
	v3 =	vsel vm2, $0x1762, v3  }
0x93: {  	v4 =	vsel vm2, $0x1763, v4;
	v5 =	vsel vm2, $0x1764, v5;
	v6 =	vsel vm2, $0x1765, v6  }
0x94: {  	v7 =	vsel vm2, $0x1766, v7;
	v8 =	vsel vm2, $0x1767, v8;
	v9 =	vsel vm2, $0x1BA0, v9  }
0x95: {  	v10 =	vsel vm2, $0x1BA1, v10;
	v11 =	vsel vm2, $0x1BA2, v11;
	v12 =	vsel vm2, $0x1BA3, v12  }
0x96: {  	v13 =	vsel vm2, $0x1BA4, v13;
	v14 =	vsel vm2, $0x1BA5, v14;
	v15 =	vsel vm2, $0x1BA6, v15  }
0x97: {  	v16 =	vsel vm2, $0x1BA7, v16;
	v17 =	vsel vm2, $0x1FE0, v17;
	v18 =	vsel vm2, $0x1FE1, v18  }
0x98: {  	v19 =	vsel vm2, $0x1FE2, v19;
	v20 =	vsel vm2, $0x1FE3, v20;
	v21 =	vsel vm2, $0x1FE4, v21  }
0x99: {  	v22 =	vsel vm2, $0x1FE5, v22;
	v23 =	vsel vm2, $0x1FE6, v23;
	v24 =	vsel vm2, $0x1FE7, v24  }
0x9a: {  	v25 =	vsel vm2, $0x2420, v25;
	v26 =	vsel vm2, $0x2421, v26;
	v27 =	vsel vm2, $0x2422, v27  }
0x9b: {  	v28 =	vsel vm2, $0x2423, v28;
	v29 =	vsel vm2, $0x2424, v29;
	v30 =	vsel vm2, $0x2425, v30  }
0x9c: {  	v31 =	vsel vm2, $0x2426, v31;
	v32 =	vsel vm2, $0x2427, v32;
	v1 =	vsel vm1, $0x17E8, v1  }
0x9d: {  	v2 =	vsel vm1, $0x17E9, v2;
	v3 =	vsel vm1, $0x17EA, v3;
	v4 =	vsel vm1, $0x17EB, v4  }
0x9e: {  	v5 =	vsel vm1, $0x17EC, v5;
	v6 =	vsel vm1, $0x17ED, v6;
	v7 =	vsel vm1, $0x17EE, v7  }
0x9f: {  	v8 =	vsel vm1, $0x17EF, v8;
	v9 =	vsel vm1, $0x1C28, v9;
	v10 =	vsel vm1, $0x1C29, v10  }
0xa0: {  	v11 =	vsel vm1, $0x1C2A, v11;
	v12 =	vsel vm1, $0x1C2B, v12;
	v13 =	vsel vm1, $0x1C2C, v13  }
0xa1: {  	v14 =	vsel vm1, $0x1C2D, v14;
	v15 =	vsel vm1, $0x1C2E, v15;
	v16 =	vsel vm1, $0x1C2F, v16  }
0xa2: {  	v17 =	vsel vm1, $0x2068, v17;
	v18 =	vsel vm1, $0x2069, v18;
	v19 =	vsel vm1, $0x206A, v19  }
0xa3: {  	s0 =	rddreg [dreg:$0x0];
	v20 =	vsel vm1, $0x206B, v20;
	v21 =	vsel vm1, $0x206C, v21;
	v22 =	vsel vm1, $0x206D, v22  }
0xa4: {  	s2 =	rddreg [dreg:$0x1];
	v23 =	vsel vm1, $0x206E, v23;
	v24 =	vsel vm1, $0x206F, v24;
	v25 =	vsel vm1, $0x24A8, v25  }
0xa5: {  	s1 =	rddreg [dreg:$0x2];
	s4 =	srdreg.scid;
	v26 =	vsel vm1, $0x24A9, v26;
	v27 =	vsel vm1, $0x24AA, v27;
	v28 =	vsel vm1, $0x24AB, v28  }
0xa6: {  	s3 =	simm.s32 $0x0;
	s5 =	stileid.u32;
	s11 =	simm.s32 $0x1;
	v29 =	vsel vm1, $0x24AC, v29;
	v30 =	vsel vm1, $0x24AD, v30;
	v31 =	vsel vm1, $0x24AE, v31  }
0xa7: {  	s12 =	simm.s32 $0x80;
	s15 =	simm.s32 $0x2800;
	s17 =	simm.s32 $0x3000;
	v32 =	vsel vm1, $0x24AF, v32;
	v1 =	vsel vm0, $0x1870, v1;
	v2 =	vsel vm0, $0x1871, v2  }
0xa8: {  	s19 =	simm.s32 $0x3800;
	s21 =	simm.s32 $0x4000;
	s22 =	simm.s32 $0x4800;
	v3 =	vsel vm0, $0x1872, v3;
	v4 =	vsel vm0, $0x1873, v4;
	v5 =	vsel vm0, $0x1874, v5  }
0xa9: {  	s23 =	simm.s32 $0x5000;
	s24 =	simm.s32 $0x5800;
	s25 =	simm.s32 $0x3;
	v6 =	vsel vm0, $0x1875, v6;
	v7 =	vsel vm0, $0x1876, v7;
	v8 =	vsel vm0, $0x1877, v8  }
0xaa: {  	s28 =	simm.s32 $0x4;
	s30 =	simm.s32 $0x8A80;
	s4 =	sand.u32 $0x1, s4;
	v9 =	vsel vm0, $0x1CB0, v9;
	v10 =	vsel vm0, $0x1CB1, v10;
	v11 =	vsel vm0, $0x1CB2, v11  }
0xab: {  	[smem:$0x7FF] =	sst s3;
	s5 =	sshll.u32 s5, $0xA;
	s8 =	sadd.s32 $0x4000, s1;
	v12 =	vsel vm0, $0x1CB3, v12;
	v13 =	vsel vm0, $0x1CB4, v13;
	v14 =	vsel vm0, $0x1CB5, v14  }
0xac: {  	s29 =	simm.s32 $0x2;
	s6 =	sshll.u32 s4, $0x9;
	_ =	strace $0x8000004A;
	v15 =	vsel vm0, $0x1CB6, v15;
	v16 =	vsel vm0, $0x1CB7, v16;
	v17 =	vsel vm0, $0x20F0, v17  }
0xad: {  	s7 =	ssub.s32 $0x2, s4;
	s4 =	sor.u32 s6, s5;
	s5 =	sadd.s32 $0x800, s0;
	v18 =	vsel vm0, $0x20F1, v18;
	v19 =	vsel vm0, $0x20F2, v19;
	v20 =	vsel vm0, $0x20F3, v20  }
0xae: {  	s26 =	sshrl.u32 s7, $0x1;
	s6 =	simm.s32 $0x0;
	s2 =	sadd.s32 s2, s4;
	v21 =	vsel vm0, $0x20F4, v21;
	v22 =	vsel vm0, $0x20F5, v22;
	v23 =	vsel vm0, $0x20F6, v23  }
0xaf: {  	s0 =	ssub.s32 s7, s26;
	s31 =	sadd.s32 $0x4000, s2;
	[dreg:$0x4] =	wrdreg s2;
	v24 =	vsel vm0, $0x20F7, v24;
	v25 =	vsel vm0, $0x2530, v25;
	v26 =	vsel vm0, $0x2531, v26  }
0xb0: {  	s26 =	simm.s32 $0x6000;
	s0 =	smax.u32 s0, $0x1;
	[dreg:$0x5] =	wrdreg s31;
	v27 =	vsel vm0, $0x2532, v27;
	v28 =	vsel vm0, $0x2533, v28;
	v29 =	vsel vm0, $0x2534, v29  }
0xb1: {  	s9 =	sadd.s32 $0x8000, s2;
	[dreg:$0x6] =	wrdreg s0;
	s0 =	simm.s32 $0x6;
	v30 =	vsel vm0, $0x2535, v30;
	v31 =	vsel vm0, $0x2536, v31;
	v32 =	vsel vm0, $0x2537, v32  }
.LBB2_1:
0xb2: {  	[dreg:$0x7] =	wrdreg s6  }
0xb3: {  	s2 =	rddreg [dreg:$0x4]  }
0xb4: {  	[tilespmem:s3], [sflag:$0x1] =	stream.linear.gather [hbm4b:s2+s3], $0x1000, $0x38;
	[tilespmem:$0xB500] =	vst v63  }
0xb5: {  	_ =	swait.ge [sflag:s11], $0x1000  }
0xb6: {  	[sflag:s11] =	ssyncset.done $0x0  }
0xb7: {  	s13 =	simm.s32 $0x2000;
	[sflag:s11] =	ssyncadd.s32 $0xFFFFF000  }
0xb8: {  	[tilespmem:s13], [sflag:$0x3] =	stream.indirect.gather [hbm4b:s5+s12], $0x10, s3, s12, $0xb8;
	[tilespmem:$0xB500] =	vst v63  }
0xb9: {  	s14 =	simm.s32 $0x400  }
0xba: {  	[tilespmem:s15], [sflag:$0x3] =	stream.indirect.gather [hbm4b:s5+s12], $0x10, s14, s12, $0xb8;
	[tilespmem:$0xB500] =	vst v63  }
0xbb: {  	s16 =	simm.s32 $0x800  }
0xbc: {  	[tilespmem:s17], [sflag:$0x3] =	stream.indirect.gather [hbm4b:s5+s12], $0x10, s16, s12, $0xb8;
	[tilespmem:$0xB500] =	vst v63  }
0xbd: {  	s18 =	simm.s32 $0xC00  }
0xbe: {  	[tilespmem:s19], [sflag:$0x3] =	stream.indirect.gather [hbm4b:s5+s12], $0x10, s18, s12, $0xb8;
	[tilespmem:$0xB500] =	vst v63  }
0xbf: {  	s31 =	simm.s32 $0x1000;
	s20 =	rddreg [dreg:$0x5];
	s14 =	simm.s32 $0x0  }
0xc0: {  	[tilespmem:s31], [sflag:$0x2] =	stream.linear.gather [hbm4b:s20+s3], $0x1000, $0x38;
	[tilespmem:$0xB500] =	vst v63  }
.LBB2_2:
0xc1: {  	s16 =	sshllo.u32 s14, $0x1  }
0xc2: {  	s18 =	sshll.u32 s14, $0xA;
	s2 =	sshll.u32 s16, $0x7  }
0xc3: {  	s6 =	sand.u32 $0x1000, s18;
	s2 =	sand.u32 $0x380, s2  }
0xc4: {  	s2 =	sor.u32 s2, s6  }
0xc5: {  	[tilespmem:s21], [sflag:$0x4] =	stream.indirect.gather [hbm4b:s5+s12], $0x10, s2, s12, $0xb8;
	[tilespmem:$0xB500] =	vst v63  }
0xc6: {  	s6 =	sor.u32 $0x400, s2  }
0xc7: {  	[tilespmem:s22], [sflag:$0x4] =	stream.indirect.gather [hbm4b:s5+s12], $0x10, s6, s12, $0xb8;
	[tilespmem:$0xB500] =	vst v63  }
0xc8: {  	s10 =	sor.u32 $0x800, s2  }
0xc9: {  	[tilespmem:s23], [sflag:$0x4] =	stream.indirect.gather [hbm4b:s5+s12], $0x10, s10, s12, $0xb8;
	[tilespmem:$0xB500] =	vst v63  }
0xca: {  	s2 =	sor.u32 $0xC00, s2  }
0xcb: {  	[tilespmem:s24], [sflag:$0x4] =	stream.indirect.gather [hbm4b:s5+s12], $0x10, s2, s12, $0xb8;
	[tilespmem:$0xB500] =	vst v63  }
0xcc: {  	_ =	swait.ge [sflag:s25], $0x800  }
0xcd: {  	[sflag:s25] =	ssyncset.done $0x0  }
0xce: {  	[sflag:s25] =	ssyncadd.s32 $0xFFFFF800  }
0xcf: {  	_ =	swait.ge [sflag:s25], $0x800  }
0xd0: {  	[sflag:s25] =	ssyncset.done $0x0  }
0xd1: {  	[sflag:s25] =	ssyncadd.s32 $0xFFFFF800  }
0xd2: {  	_ =	swait.ge [sflag:s25], $0x800  }
0xd3: {  	[sflag:s25] =	ssyncset.done $0x0  }
0xd4: {  	[sflag:s25] =	ssyncadd.s32 $0xFFFFF800  }
0xd5: {  	_ =	swait.ge [sflag:s25], $0x800  }
0xd6: {  	p0 =	seq.s32 s14, $0x0;
	[sflag:s25] =	ssyncset.done $0x0  }
0xd7: {  	s2 =	simm.s32 @!p0 $0x5;
	[sflag:s25] =	ssyncadd.s32 $0xFFFFF800  }
0xd8: {  	s13 =	simm.s32 $0x0;
	_ =	swait.ge @!p0 [sflag:s2], $0x1000  }
0xd9: {  	v33 =	vmov s13;
	[sflag:s2] =	ssyncset.done @!p0 $0x0  }
0xda: {  	v33 =	vshrl.u32 v33, $0x3;
	[sflag:s2] =	ssyncadd.s32 @!p0 $0xFFFFF000  }
0xdb: {  	v33 =	vshll.u32 v33, v0;
	_ =	swait.ge @!p0 [sflag:s2], $0x1000  }
0xdc: {  	v33 =	vbroadcast v33, $0x0;
	[sflag:s2] =	ssyncset.done @!p0 $0x0  }
0xdd: {  	s7 =	simm.s32 $0x2040;
	[sflag:s2] =	ssyncadd.s32 @!p0 $0xFFFFF000  }
0xde: {  	s20 =	simm.s32 $0x1;
	v33 =	vadd.s32 v1, v33;
	v34 =	vld [tilespmem:s7+$0xFFFFFFC0]  }
0xdf: {  	v35 =	vmov s20  }
0xe0: {  	v35 =	vshrl.u32 v35, $0x3  }
0xe1: {  	v35 =	vshll.u32 v35, v0  }
0xe2: {  	v35 =	vbroadcast v35, $0x0  }
0xe3: {  	[tilespmem:v33+s26+$0x0] =	vst.idx.msk $0xffff, v34  }
0xe4: {  	s31 =	simm.s32 $0x2;
	v52 =	vadd.s32 v2, v35;
	v33 =	vld [tilespmem:s7+$0xFFFFFFD0]  }
0xe5: {  	v53 =	vmov s31  }
0xe6: {  	v35 =	vshrl.u32 v53, $0x3  }
0xe7: {  	v35 =	vshll.u32 v35, v0  }
0xe8: {  	v35 =	vbroadcast v35, $0x0  }
0xe9: {  	[tilespmem:v52+s26+$0x0] =	vst.idx.msk $0xffff, v33  }
0xea: {  	s6 =	simm.s32 $0x3;
	v54 =	vadd.s32 v3, v35;
	v33 =	vld [tilespmem:s7+$0xFFFFFFE0]  }
0xeb: {  	v55 =	vmov s6  }
0xec: {  	v35 =	vshrl.u32 v55, $0x3  }
0xed: {  	v35 =	vshll.u32 v35, v0  }
0xee: {  	v35 =	vbroadcast v35, $0x0  }
0xef: {  	[tilespmem:v54+s26+$0x0] =	vst.idx.msk $0xffff, v33  }
0xf0: {  	s10 =	simm.s32 $0x4;
	v56 =	vadd.s32 v4, v35;
	v33 =	vld [tilespmem:s7+$0xFFFFFFF0]  }
0xf1: {  	v57 =	vmov s10  }
0xf2: {  	v35 =	vshrl.u32 v57, $0x3  }
0xf3: {  	v35 =	vshll.u32 v35, v0  }
0xf4: {  	v35 =	vbroadcast v35, $0x0  }
0xf5: {  	[tilespmem:v56+s26+$0x0] =	vst.idx.msk $0xffff, v33  }
0xf6: {  	s13 =	simm.s32 $0x5;
	v58 =	vadd.s32 v5, v35;
	v33 =	vld [tilespmem:s7+$0x0]  }
0xf7: {  	v59 =	vmov s13  }
0xf8: {  	v35 =	vshrl.u32 v59, $0x3  }
0xf9: {  	v35 =	vshll.u32 v35, v0  }
0xfa: {  	v35 =	vbroadcast v35, $0x0  }
0xfb: {  	[tilespmem:v58+s26+$0x0] =	vst.idx.msk $0xffff, v33  }
0xfc: {  	s20 =	simm.s32 $0x6;
	v60 =	vadd.s32 v6, v35;
	v33 =	vld [tilespmem:s7+$0x10]  }
0xfd: {  	v61 =	vmov s20  }
0xfe: {  	v35 =	vshrl.u32 v61, $0x3  }
0xff: {  	v35 =	vshll.u32 v35, v0  }
0x100: {  	v35 =	vbroadcast v35, $0x0  }
0x101: {  	[tilespmem:v60+s26+$0x0] =	vst.idx.msk $0xffff, v33  }
0x102: {  	s31 =	simm.s32 $0x7;
	v62 =	vadd.s32 v7, v35;
	v33 =	vld [tilespmem:s7+$0x20]  }
0x103: {  	v63 =	vmov s31  }
0x104: {  	v35 =	vshrl.u32 v63, $0x3  }
0x105: {  	v35 =	vshll.u32 v35, v0  }
0x106: {  	v35 =	vbroadcast v35, $0x0  }
0x107: {  	s20 =	sand.u32 $0x4, s14;
	[tilespmem:v62+s26+$0x0] =	vst.idx.msk $0xffff, v33  }
0x108: {  	s6 =	simm.s32 $0x17;
	s10 =	simm.s32 $0xF;
	s2 =	simm.s32 $0x8;
	v34 =	vadd.s32 v8, v35;
	v33 =	vld [tilespmem:s7+$0x30]  }
.LBB2_3:
0x109: {  	p1 =	sne.s32 s6, $0x7F;
	v35 =	vmov s2  }
0x10a: {  	v35 =	vshrl.u32 v35, $0x3  }
0x10b: {  	v35 =	vshll.u32 v35, v0  }
0x10c: {  	v35 =	vbroadcast v35, $0x0  }
0x10d: {  	s7 =	sadd.s32 $0x80, s7;
	[tilespmem:v34+s26+$0x0] =	vst.idx.msk $0xffff, v33  }
0x10e: {  	s2 =	sadd.s32 $0xFFFFFFFA, s10;
	v33 =	vld [tilespmem:s7+$0xFFFFFFC0];
	v34 =	vadd.s32 v1, v35  }
0x10f: {  	v35 =	vmov s2  }
0x110: {  	v35 =	vshrl.u32 v35, $0x3  }
0x111: {  	v35 =	vshll.u32 v35, v0  }
0x112: {  	v35 =	vbroadcast v35, $0x0  }
0x113: {  	[tilespmem:v34+s26+$0x0] =	vst.idx.msk $0xffff, v33  }
0x114: {  	s2 =	sadd.s32 $0xFFFFFFFB, s10;
	v34 =	vadd.s32 v2, v35;
	v33 =	vld [tilespmem:s7+$0xFFFFFFD0]  }
0x115: {  	v35 =	vmov s2  }
0x116: {  	v35 =	vshrl.u32 v35, $0x3  }
0x117: {  	v35 =	vshll.u32 v35, v0  }
0x118: {  	v35 =	vbroadcast v35, $0x0  }
0x119: {  	[tilespmem:v34+s26+$0x0] =	vst.idx.msk $0xffff, v33  }
0x11a: {  	s2 =	sadd.s32 $0xFFFFFFFC, s10;
	v34 =	vadd.s32 v3, v35;
	v33 =	vld [tilespmem:s7+$0xFFFFFFE0]  }
0x11b: {  	v35 =	vmov s2  }
0x11c: {  	v35 =	vshrl.u32 v35, $0x3  }
0x11d: {  	v35 =	vshll.u32 v35, v0  }
0x11e: {  	v35 =	vbroadcast v35, $0x0  }
0x11f: {  	[tilespmem:v34+s26+$0x0] =	vst.idx.msk $0xffff, v33  }
0x120: {  	s2 =	sadd.s32 $0xFFFFFFFD, s10;
	v34 =	vadd.s32 v4, v35;
	v33 =	vld [tilespmem:s7+$0xFFFFFFF0]  }
0x121: {  	v35 =	vmov s2  }
0x122: {  	v35 =	vshrl.u32 v35, $0x3  }
0x123: {  	v35 =	vshll.u32 v35, v0  }
0x124: {  	v35 =	vbroadcast v35, $0x0  }
0x125: {  	[tilespmem:v34+s26+$0x0] =	vst.idx.msk $0xffff, v33  }
0x126: {  	s2 =	sadd.s32 $0xFFFFFFFE, s10;
	v34 =	vadd.s32 v5, v35;
	v33 =	vld [tilespmem:s7+$0x0]  }
0x127: {  	v35 =	vmov s2  }
0x128: {  	v35 =	vshrl.u32 v35, $0x3  }
0x129: {  	v35 =	vshll.u32 v35, v0  }
0x12a: {  	v35 =	vbroadcast v35, $0x0  }
0x12b: {  	[tilespmem:v34+s26+$0x0] =	vst.idx.msk $0xffff, v33  }
0x12c: {  	s2 =	sadd.s32 $0xFFFFFFFF, s10;
	v34 =	vadd.s32 v6, v35;
	v33 =	vld [tilespmem:s7+$0x10]  }
0x12d: {  	v35 =	vmov s2  }
0x12e: {  	v35 =	vshrl.u32 v35, $0x3  }
0x12f: {  	v35 =	vshll.u32 v35, v0  }
0x130: {  	v35 =	vbroadcast v35, $0x0  }
0x131: {  	[tilespmem:v34+s26+$0x0] =	vst.idx.msk $0xffff, v33  }
0x132: {  	v34 =	vadd.s32 v7, v35;
	v33 =	vld [tilespmem:s7+$0x20]  }
0x133: {  	v35 =	vmov s10;
	s10 =	smov.u32 s6  }
.Ltmp0:
0x134: {  	v35 =	vshrl.u32 v35, $0x3;
	(pc) =	sbr.rel @p1 .LBB2_3-.Ltmp0, $4  }
0x135: {  	v35 =	vshll.u32 v35, v0  }
0x136: {  	v35 =	vbroadcast v35, $0x0  }
0x137: {  	[tilespmem:v34+s26+$0x0] =	vst.idx.msk $0xffff, v33  }
0x138: {  	s6 =	sadd.s32 $0x8, s6;
	s2 =	sadd.s32 $0xFFFFFFF9, s10;
	v34 =	vadd.s32 v8, v35;
	v33 =	vld [tilespmem:s7+$0x30]  }
0x139: {  	v35 =	vmov s2  }
0x13a: {  	v35 =	vshrl.u32 v35, $0x3  }
0x13b: {  	v35 =	vshll.u32 v35, v0  }
0x13c: {  	v35 =	vbroadcast v35, $0x0  }
0x13d: {  	s2 =	sadd.s32 $0x80, s7;
	[tilespmem:v34+s26+$0x0] =	vst.idx.msk $0xffff, v33  }
0x13e: {  	s6 =	sadd.s32 $0xFFFFFFFA, s10;
	v33 =	vld [tilespmem:s2+$0xFFFFFFC0];
	v42 =	vadd.s32 v1, v35  }
0x13f: {  	v43 =	vmov s6  }
0x140: {  	v35 =	vshrl.u32 v43, $0x3  }
0x141: {  	v35 =	vshll.u32 v35, v0  }
0x142: {  	v35 =	vbroadcast v35, $0x0  }
0x143: {  	[tilespmem:v42+s26+$0x0] =	vst.idx.msk $0xffff, v33  }
0x144: {  	s7 =	sadd.s32 $0xFFFFFFFB, s10;
	v44 =	vadd.s32 v2, v35;
	v33 =	vld [tilespmem:s2+$0xFFFFFFD0]  }
0x145: {  	v45 =	vmov s7  }
0x146: {  	v35 =	vshrl.u32 v45, $0x3  }
0x147: {  	v35 =	vshll.u32 v35, v0  }
0x148: {  	v35 =	vbroadcast v35, $0x0  }
0x149: {  	[tilespmem:v44+s26+$0x0] =	vst.idx.msk $0xffff, v33  }
0x14a: {  	s13 =	sadd.s32 $0xFFFFFFFC, s10;
	v46 =	vadd.s32 v3, v35;
	v33 =	vld [tilespmem:s2+$0xFFFFFFE0]  }
0x14b: {  	v47 =	vmov s13  }
0x14c: {  	v35 =	vshrl.u32 v47, $0x3  }
0x14d: {  	v35 =	vshll.u32 v35, v0  }
0x14e: {  	v35 =	vbroadcast v35, $0x0  }
0x14f: {  	[tilespmem:v46+s26+$0x0] =	vst.idx.msk $0xffff, v33  }
0x150: {  	s31 =	sadd.s32 $0xFFFFFFFD, s10;
	v48 =	vadd.s32 v4, v35;
	v33 =	vld [tilespmem:s2+$0xFFFFFFF0]  }
0x151: {  	v49 =	vmov s31  }
0x152: {  	v35 =	vshrl.u32 v49, $0x3  }
0x153: {  	v35 =	vshll.u32 v35, v0  }
0x154: {  	v35 =	vbroadcast v35, $0x0  }
0x155: {  	[tilespmem:v48+s26+$0x0] =	vst.idx.msk $0xffff, v33  }
0x156: {  	s7 =	sadd.s32 $0xFFFFFFFE, s10;
	v50 =	vadd.s32 v5, v35;
	v33 =	vld [tilespmem:s2+$0x0]  }
0x157: {  	v51 =	vmov s7  }
0x158: {  	v35 =	vshrl.u32 v51, $0x3  }
0x159: {  	v35 =	vshll.u32 v35, v0  }
0x15a: {  	v35 =	vbroadcast v35, $0x0  }
0x15b: {  	[tilespmem:v50+s26+$0x0] =	vst.idx.msk $0xffff, v33  }
0x15c: {  	s13 =	sadd.s32 $0xFFFFFFFF, s10;
	v52 =	vadd.s32 v6, v35;
	v33 =	vld [tilespmem:s2+$0x10]  }
0x15d: {  	v53 =	vmov s13  }
0x15e: {  	v35 =	vshrl.u32 v53, $0x3  }
0x15f: {  	v35 =	vshll.u32 v35, v0  }
0x160: {  	v35 =	vbroadcast v35, $0x0  }
0x161: {  	[tilespmem:v52+s26+$0x0] =	vst.idx.msk $0xffff, v33  }
0x162: {  	v54 =	vadd.s32 v7, v35;
	v33 =	vld [tilespmem:s2+$0x20]  }
0x163: {  	v55 =	vmov s10  }
0x164: {  	v35 =	vshrl.u32 v55, $0x3  }
0x165: {  	v35 =	vshll.u32 v35, v0  }
0x166: {  	v35 =	vbroadcast v35, $0x0  }
0x167: {  	[tilespmem:v54+s26+$0x0] =	vst.idx.msk $0xffff, v33  }
0x168: {  	s31 =	simm.s32 $0x0;
	v35 =	vadd.s32 v8, v35;
	v34 =	vld [tilespmem:s2+$0x30]  }
0x169: {  	v56 =	vmov s31  }
0x16a: {  	v33 =	vshrl.u32 v56, $0x3  }
0x16b: {  	v33 =	vshll.u32 v33, $0x3  }
0x16c: {  	v33 =	vbroadcast v33, $0x0  }
0x16d: {  	s6 =	simm.s32 $0x2870;
	[tilespmem:v35+s26+$0x0] =	vst.idx.msk $0xffff, v34  }
0x16e: {  	v57 =	vadd.s32 v9, v33;
	v34 =	vld [tilespmem:s6+$0xFFFFFF90];
	_ =	sdelay $0x4  }
0x16f: {  	[tilespmem:v57+s26+$0x0] =	vst.idx.msk $0xffff, v34  }
0x170: {  	v58 =	vadd.s32 v10, v33;
	v34 =	vld [tilespmem:s6+$0xFFFFFFA0];
	_ =	sdelay $0x4  }
0x171: {  	[tilespmem:v58+s26+$0x0] =	vst.idx.msk $0xffff, v34  }
0x172: {  	v59 =	vadd.s32 v11, v33;
	v34 =	vld [tilespmem:s6+$0xFFFFFFB0];
	_ =	sdelay $0x4  }
0x173: {  	[tilespmem:v59+s26+$0x0] =	vst.idx.msk $0xffff, v34  }
0x174: {  	v60 =	vadd.s32 v12, v33;
	v34 =	vld [tilespmem:s6+$0xFFFFFFC0];
	_ =	sdelay $0x4  }
0x175: {  	[tilespmem:v60+s26+$0x0] =	vst.idx.msk $0xffff, v34  }
0x176: {  	v61 =	vadd.s32 v13, v33;
	v34 =	vld [tilespmem:s6+$0xFFFFFFD0];
	_ =	sdelay $0x4  }
0x177: {  	[tilespmem:v61+s26+$0x0] =	vst.idx.msk $0xffff, v34  }
0x178: {  	v62 =	vadd.s32 v14, v33;
	v34 =	vld [tilespmem:s6+$0xFFFFFFE0];
	_ =	sdelay $0x4  }
0x179: {  	[tilespmem:v62+s26+$0x0] =	vst.idx.msk $0xffff, v34  }
0x17a: {  	v63 =	vadd.s32 v15, v33;
	v34 =	vld [tilespmem:s6+$0xFFFFFFF0];
	_ =	sdelay $0x4  }
0x17b: {  	[tilespmem:v63+s26+$0x0] =	vst.idx.msk $0xffff, v34  }
0x17c: {  	s7 =	simm.s32 $0x8;
	v35 =	vadd.s32 v16, v33;
	v34 =	vld [tilespmem:s6+$0x0]  }
0x17d: {  	s10 =	simm.s32 $0x10;
	v36 =	vmov s7  }
.LBB2_5:
0x17e: {  	p1 =	sne.s32 s10, $0x78;
	v36 =	vshrl.u32 v36, $0x3  }
0x17f: {  	v36 =	vshll.u32 v36, $0x3  }
0x180: {  	v36 =	vbroadcast v36, $0x0  }
0x181: {  	s6 =	sadd.s32 $0x80, s6;
	[tilespmem:v35+s26+$0x0] =	vst.idx.msk $0xffff, v34  }
0x182: {  	v34 =	vld [tilespmem:s6+$0xFFFFFF90];
	v35 =	vadd.s32 v9, v36;
	_ =	sdelay $0x4  }
0x183: {  	[tilespmem:v35+s26+$0x0] =	vst.idx.msk $0xffff, v34  }
0x184: {  	v35 =	vadd.s32 v10, v36;
	v34 =	vld [tilespmem:s6+$0xFFFFFFA0];
	_ =	sdelay $0x4  }
0x185: {  	[tilespmem:v35+s26+$0x0] =	vst.idx.msk $0xffff, v34  }
0x186: {  	v35 =	vadd.s32 v11, v36;
	v34 =	vld [tilespmem:s6+$0xFFFFFFB0];
	_ =	sdelay $0x4  }
0x187: {  	[tilespmem:v35+s26+$0x0] =	vst.idx.msk $0xffff, v34  }
0x188: {  	v35 =	vadd.s32 v12, v36;
	v34 =	vld [tilespmem:s6+$0xFFFFFFC0];
	_ =	sdelay $0x4  }
0x189: {  	[tilespmem:v35+s26+$0x0] =	vst.idx.msk $0xffff, v34  }
0x18a: {  	v35 =	vadd.s32 v13, v36;
	v34 =	vld [tilespmem:s6+$0xFFFFFFD0];
	_ =	sdelay $0x4  }
0x18b: {  	[tilespmem:v35+s26+$0x0] =	vst.idx.msk $0xffff, v34  }
0x18c: {  	v35 =	vadd.s32 v14, v36;
	v34 =	vld [tilespmem:s6+$0xFFFFFFE0];
	_ =	sdelay $0x4  }
0x18d: {  	[tilespmem:v35+s26+$0x0] =	vst.idx.msk $0xffff, v34  }
0x18e: {  	v35 =	vadd.s32 v15, v36;
	v34 =	vld [tilespmem:s6+$0xFFFFFFF0];
	_ =	sdelay $0x2  }
.Ltmp1:
0x18f: {  	(pc) =	sbr.rel @p1 .LBB2_5-.Ltmp1, $4  }
0x190: {  	_ = 	snop  }
0x191: {  	[tilespmem:v35+s26+$0x0] =	vst.idx.msk $0xffff, v34  }
0x192: {  	v35 =	vadd.s32 v16, v36;
	v34 =	vld [tilespmem:s6+$0x0]  }
0x193: {  	v36 =	vmov s10;
	s10 =	sadd.s32 $0x8, s10  }
0x194: {  	_ = 	snop  }
0x195: {  	v36 =	vshrl.u32 v36, $0x3  }
0x196: {  	v36 =	vshll.u32 v36, $0x3  }
0x197: {  	v36 =	vbroadcast v36, $0x0  }
0x198: {  	s2 =	sadd.s32 $0x80, s6;
	[tilespmem:v35+s26+$0x0] =	vst.idx.msk $0xffff, v34  }
0x199: {  	v34 =	vld [tilespmem:s2+$0xFFFFFF90];
	v49 =	vadd.s32 v9, v36;
	_ =	sdelay $0x4  }
0x19a: {  	[tilespmem:v49+s26+$0x0] =	vst.idx.msk $0xffff, v34  }
0x19b: {  	v50 =	vadd.s32 v10, v36;
	v34 =	vld [tilespmem:s2+$0xFFFFFFA0];
	_ =	sdelay $0x4  }
0x19c: {  	[tilespmem:v50+s26+$0x0] =	vst.idx.msk $0xffff, v34  }
0x19d: {  	v51 =	vadd.s32 v11, v36;
	v34 =	vld [tilespmem:s2+$0xFFFFFFB0];
	_ =	sdelay $0x4  }
0x19e: {  	[tilespmem:v51+s26+$0x0] =	vst.idx.msk $0xffff, v34  }
0x19f: {  	v52 =	vadd.s32 v12, v36;
	v34 =	vld [tilespmem:s2+$0xFFFFFFC0];
	_ =	sdelay $0x4  }
0x1a0: {  	[tilespmem:v52+s26+$0x0] =	vst.idx.msk $0xffff, v34  }
0x1a1: {  	v53 =	vadd.s32 v13, v36;
	v34 =	vld [tilespmem:s2+$0xFFFFFFD0];
	_ =	sdelay $0x4  }
0x1a2: {  	[tilespmem:v53+s26+$0x0] =	vst.idx.msk $0xffff, v34  }
0x1a3: {  	v54 =	vadd.s32 v14, v36;
	v34 =	vld [tilespmem:s2+$0xFFFFFFE0];
	_ =	sdelay $0x4  }
0x1a4: {  	[tilespmem:v54+s26+$0x0] =	vst.idx.msk $0xffff, v34  }
0x1a5: {  	v55 =	vadd.s32 v15, v36;
	v34 =	vld [tilespmem:s2+$0xFFFFFFF0];
	_ =	sdelay $0x4  }
0x1a6: {  	[tilespmem:v55+s26+$0x0] =	vst.idx.msk $0xffff, v34  }
0x1a7: {  	v56 =	vadd.s32 v16, v36;
	v34 =	vld [tilespmem:s2+$0x0];
	_ =	sdelay $0x4  }
0x1a8: {  	s6 =	simm.s32 $0x3070;
	[tilespmem:v56+s26+$0x0] =	vst.idx.msk $0xffff, v34  }
0x1a9: {  	v57 =	vadd.s32 v17, v33;
	v34 =	vld [tilespmem:s6+$0xFFFFFF90];
	_ =	sdelay $0x4  }
0x1aa: {  	[tilespmem:v57+s26+$0x0] =	vst.idx.msk $0xffff, v34  }
0x1ab: {  	v58 =	vadd.s32 v18, v33;
	v34 =	vld [tilespmem:s6+$0xFFFFFFA0];
	_ =	sdelay $0x4  }
0x1ac: {  	[tilespmem:v58+s26+$0x0] =	vst.idx.msk $0xffff, v34  }
0x1ad: {  	v59 =	vadd.s32 v19, v33;
	v34 =	vld [tilespmem:s6+$0xFFFFFFB0];
	_ =	sdelay $0x4  }
0x1ae: {  	[tilespmem:v59+s26+$0x0] =	vst.idx.msk $0xffff, v34  }
0x1af: {  	v60 =	vadd.s32 v20, v33;
	v34 =	vld [tilespmem:s6+$0xFFFFFFC0];
	_ =	sdelay $0x4  }
0x1b0: {  	[tilespmem:v60+s26+$0x0] =	vst.idx.msk $0xffff, v34  }
0x1b1: {  	v61 =	vadd.s32 v21, v33;
	v34 =	vld [tilespmem:s6+$0xFFFFFFD0];
	_ =	sdelay $0x4  }
0x1b2: {  	[tilespmem:v61+s26+$0x0] =	vst.idx.msk $0xffff, v34  }
0x1b3: {  	v62 =	vadd.s32 v22, v33;
	v34 =	vld [tilespmem:s6+$0xFFFFFFE0];
	_ =	sdelay $0x4  }
0x1b4: {  	[tilespmem:v62+s26+$0x0] =	vst.idx.msk $0xffff, v34  }
0x1b5: {  	v63 =	vadd.s32 v23, v33;
	v34 =	vld [tilespmem:s6+$0xFFFFFFF0];
	_ =	sdelay $0x4  }
0x1b6: {  	[tilespmem:v63+s26+$0x0] =	vst.idx.msk $0xffff, v34  }
0x1b7: {  	v33 =	vadd.s32 v24, v33;
	v34 =	vld [tilespmem:s6+$0x0]  }
0x1b8: {  	v35 =	vmov s7;
	s7 =	simm.s32 $0x10  }
.LBB2_7:
0x1b9: {  	p1 =	sne.s32 s7, $0x78;
	v35 =	vshrl.u32 v35, $0x3  }
0x1ba: {  	v35 =	vshll.u32 v35, $0x3  }
0x1bb: {  	v35 =	vbroadcast v35, $0x0  }
0x1bc: {  	s6 =	sadd.s32 $0x80, s6;
	[tilespmem:v33+s26+$0x0] =	vst.idx.msk $0xffff, v34  }
0x1bd: {  	v33 =	vld [tilespmem:s6+$0xFFFFFF90];
	v34 =	vadd.s32 v17, v35;
	_ =	sdelay $0x4  }
0x1be: {  	[tilespmem:v34+s26+$0x0] =	vst.idx.msk $0xffff, v33  }
0x1bf: {  	v34 =	vadd.s32 v18, v35;
	v33 =	vld [tilespmem:s6+$0xFFFFFFA0];
	_ =	sdelay $0x4  }
0x1c0: {  	[tilespmem:v34+s26+$0x0] =	vst.idx.msk $0xffff, v33  }
0x1c1: {  	v34 =	vadd.s32 v19, v35;
	v33 =	vld [tilespmem:s6+$0xFFFFFFB0];
	_ =	sdelay $0x4  }
0x1c2: {  	[tilespmem:v34+s26+$0x0] =	vst.idx.msk $0xffff, v33  }
0x1c3: {  	v34 =	vadd.s32 v20, v35;
	v33 =	vld [tilespmem:s6+$0xFFFFFFC0];
	_ =	sdelay $0x4  }
0x1c4: {  	[tilespmem:v34+s26+$0x0] =	vst.idx.msk $0xffff, v33  }
0x1c5: {  	v34 =	vadd.s32 v21, v35;
	v33 =	vld [tilespmem:s6+$0xFFFFFFD0];
	_ =	sdelay $0x4  }
0x1c6: {  	[tilespmem:v34+s26+$0x0] =	vst.idx.msk $0xffff, v33  }
0x1c7: {  	v34 =	vadd.s32 v22, v35;
	v33 =	vld [tilespmem:s6+$0xFFFFFFE0];
	_ =	sdelay $0x4  }
0x1c8: {  	[tilespmem:v34+s26+$0x0] =	vst.idx.msk $0xffff, v33  }
0x1c9: {  	v34 =	vadd.s32 v23, v35;
	v33 =	vld [tilespmem:s6+$0xFFFFFFF0];
	_ =	sdelay $0x2  }
.Ltmp2:
0x1ca: {  	(pc) =	sbr.rel @p1 .LBB2_7-.Ltmp2, $4  }
0x1cb: {  	_ = 	snop  }
0x1cc: {  	[tilespmem:v34+s26+$0x0] =	vst.idx.msk $0xffff, v33  }
0x1cd: {  	v33 =	vadd.s32 v24, v35;
	v34 =	vld [tilespmem:s6+$0x0]  }
0x1ce: {  	v35 =	vmov s7;
	s7 =	sadd.s32 $0x8, s7  }
0x1cf: {  	_ = 	snop  }
0x1d0: {  	v35 =	vshrl.u32 v35, $0x3  }
0x1d1: {  	v35 =	vshll.u32 v35, $0x3  }
0x1d2: {  	v35 =	vbroadcast v35, $0x0  }
0x1d3: {  	s2 =	sadd.s32 $0x80, s6;
	[tilespmem:v33+s26+$0x0] =	vst.idx.msk $0xffff, v34  }
0x1d4: {  	v33 =	vld [tilespmem:s2+$0xFFFFFF90];
	v48 =	vadd.s32 v17, v35;
	_ =	sdelay $0x4  }
0x1d5: {  	[tilespmem:v48+s26+$0x0] =	vst.idx.msk $0xffff, v33  }
0x1d6: {  	v49 =	vadd.s32 v18, v35;
	v33 =	vld [tilespmem:s2+$0xFFFFFFA0];
	_ =	sdelay $0x4  }
0x1d7: {  	[tilespmem:v49+s26+$0x0] =	vst.idx.msk $0xffff, v33  }
0x1d8: {  	v50 =	vadd.s32 v19, v35;
	v33 =	vld [tilespmem:s2+$0xFFFFFFB0];
	_ =	sdelay $0x4  }
0x1d9: {  	[tilespmem:v50+s26+$0x0] =	vst.idx.msk $0xffff, v33  }
0x1da: {  	v51 =	vadd.s32 v20, v35;
	v33 =	vld [tilespmem:s2+$0xFFFFFFC0];
	_ =	sdelay $0x4  }
0x1db: {  	[tilespmem:v51+s26+$0x0] =	vst.idx.msk $0xffff, v33  }
0x1dc: {  	v52 =	vadd.s32 v21, v35;
	v33 =	vld [tilespmem:s2+$0xFFFFFFD0];
	_ =	sdelay $0x4  }
0x1dd: {  	[tilespmem:v52+s26+$0x0] =	vst.idx.msk $0xffff, v33  }
0x1de: {  	v53 =	vadd.s32 v22, v35;
	v33 =	vld [tilespmem:s2+$0xFFFFFFE0];
	_ =	sdelay $0x4  }
0x1df: {  	[tilespmem:v53+s26+$0x0] =	vst.idx.msk $0xffff, v33  }
0x1e0: {  	v54 =	vadd.s32 v23, v35;
	v33 =	vld [tilespmem:s2+$0xFFFFFFF0];
	_ =	sdelay $0x4  }
0x1e1: {  	[tilespmem:v54+s26+$0x0] =	vst.idx.msk $0xffff, v33  }
0x1e2: {  	s13 =	simm.s32 $0x0;
	v55 =	vadd.s32 v24, v35;
	v33 =	vld [tilespmem:s2+$0x0]  }
0x1e3: {  	v56 =	vmov s13  }
0x1e4: {  	v35 =	vshrl.u32 v56, $0x3  }
0x1e5: {  	v35 =	vshll.u32 v35, $0x3  }
0x1e6: {  	v35 =	vbroadcast v35, $0x0  }
0x1e7: {  	s6 =	simm.s32 $0x3870;
	[tilespmem:v55+s26+$0x0] =	vst.idx.msk $0xffff, v33  }
0x1e8: {  	v57 =	vadd.s32 v25, v35;
	v33 =	vld [tilespmem:s6+$0xFFFFFF90];
	_ =	sdelay $0x4  }
0x1e9: {  	[tilespmem:v57+s26+$0x0] =	vst.idx.msk $0xffff, v33  }
0x1ea: {  	v58 =	vadd.s32 v26, v35;
	v33 =	vld [tilespmem:s6+$0xFFFFFFA0];
	_ =	sdelay $0x4  }
0x1eb: {  	[tilespmem:v58+s26+$0x0] =	vst.idx.msk $0xffff, v33  }
0x1ec: {  	v59 =	vadd.s32 v27, v35;
	v33 =	vld [tilespmem:s6+$0xFFFFFFB0];
	_ =	sdelay $0x4  }
0x1ed: {  	[tilespmem:v59+s26+$0x0] =	vst.idx.msk $0xffff, v33  }
0x1ee: {  	v60 =	vadd.s32 v28, v35;
	v33 =	vld [tilespmem:s6+$0xFFFFFFC0];
	_ =	sdelay $0x4  }
0x1ef: {  	[tilespmem:v60+s26+$0x0] =	vst.idx.msk $0xffff, v33  }
0x1f0: {  	v61 =	vadd.s32 v29, v35;
	v33 =	vld [tilespmem:s6+$0xFFFFFFD0];
	_ =	sdelay $0x4  }
0x1f1: {  	[tilespmem:v61+s26+$0x0] =	vst.idx.msk $0xffff, v33  }
0x1f2: {  	v62 =	vadd.s32 v30, v35;
	v33 =	vld [tilespmem:s6+$0xFFFFFFE0];
	_ =	sdelay $0x4  }
0x1f3: {  	[tilespmem:v62+s26+$0x0] =	vst.idx.msk $0xffff, v33  }
0x1f4: {  	v63 =	vadd.s32 v31, v35;
	v33 =	vld [tilespmem:s6+$0xFFFFFFF0];
	_ =	sdelay $0x4  }
0x1f5: {  	[tilespmem:v63+s26+$0x0] =	vst.idx.msk $0xffff, v33  }
0x1f6: {  	s31 =	simm.s32 $0x8;
	v34 =	vadd.s32 v32, v35;
	v33 =	vld [tilespmem:s6+$0x0]  }
0x1f7: {  	s7 =	simm.s32 $0x10;
	v35 =	vmov s31  }
.LBB2_9:
0x1f8: {  	p1 =	sne.s32 s7, $0x78;
	v35 =	vshrl.u32 v35, $0x3  }
0x1f9: {  	v35 =	vshll.u32 v35, $0x3  }
0x1fa: {  	v35 =	vbroadcast v35, $0x0  }
0x1fb: {  	s6 =	sadd.s32 $0x80, s6;
	[tilespmem:v34+s26+$0x0] =	vst.idx.msk $0xffff, v33  }
0x1fc: {  	v33 =	vld [tilespmem:s6+$0xFFFFFF90];
	v34 =	vadd.s32 v25, v35;
	_ =	sdelay $0x4  }
0x1fd: {  	[tilespmem:v34+s26+$0x0] =	vst.idx.msk $0xffff, v33  }
0x1fe: {  	v34 =	vadd.s32 v26, v35;
	v33 =	vld [tilespmem:s6+$0xFFFFFFA0];
	_ =	sdelay $0x4  }
0x1ff: {  	[tilespmem:v34+s26+$0x0] =	vst.idx.msk $0xffff, v33  }
0x200: {  	v34 =	vadd.s32 v27, v35;
	v33 =	vld [tilespmem:s6+$0xFFFFFFB0];
	_ =	sdelay $0x4  }
0x201: {  	[tilespmem:v34+s26+$0x0] =	vst.idx.msk $0xffff, v33  }
0x202: {  	v34 =	vadd.s32 v28, v35;
	v33 =	vld [tilespmem:s6+$0xFFFFFFC0];
	_ =	sdelay $0x4  }
0x203: {  	[tilespmem:v34+s26+$0x0] =	vst.idx.msk $0xffff, v33  }
0x204: {  	v34 =	vadd.s32 v29, v35;
	v33 =	vld [tilespmem:s6+$0xFFFFFFD0];
	_ =	sdelay $0x4  }
0x205: {  	[tilespmem:v34+s26+$0x0] =	vst.idx.msk $0xffff, v33  }
0x206: {  	v34 =	vadd.s32 v30, v35;
	v33 =	vld [tilespmem:s6+$0xFFFFFFE0];
	_ =	sdelay $0x4  }
0x207: {  	[tilespmem:v34+s26+$0x0] =	vst.idx.msk $0xffff, v33  }
0x208: {  	v34 =	vadd.s32 v31, v35;
	v33 =	vld [tilespmem:s6+$0xFFFFFFF0];
	_ =	sdelay $0x2  }
.Ltmp3:
0x209: {  	(pc) =	sbr.rel @p1 .LBB2_9-.Ltmp3, $4  }
0x20a: {  	_ = 	snop  }
0x20b: {  	[tilespmem:v34+s26+$0x0] =	vst.idx.msk $0xffff, v33  }
0x20c: {  	v34 =	vadd.s32 v32, v35;
	v33 =	vld [tilespmem:s6+$0x0]  }
0x20d: {  	v35 =	vmov s7;
	s7 =	sadd.s32 $0x8, s7  }
0x20e: {  	_ = 	snop  }
0x20f: {  	v35 =	vshrl.u32 v35, $0x3  }
0x210: {  	v35 =	vshll.u32 v35, $0x3  }
0x211: {  	v35 =	vbroadcast v35, $0x0  }
0x212: {  	s2 =	sadd.s32 $0x80, s6;
	[tilespmem:v34+s26+$0x0] =	vst.idx.msk $0xffff, v33  }
0x213: {  	v33 =	vld [tilespmem:s2+$0xFFFFFF90];
	v56 =	vadd.s32 v25, v35;
	_ =	sdelay $0x4  }
0x214: {  	[tilespmem:v56+s26+$0x0] =	vst.idx.msk $0xffff, v33  }
0x215: {  	v57 =	vadd.s32 v26, v35;
	v33 =	vld [tilespmem:s2+$0xFFFFFFA0];
	_ =	sdelay $0x4  }
0x216: {  	[tilespmem:v57+s26+$0x0] =	vst.idx.msk $0xffff, v33  }
0x217: {  	v58 =	vadd.s32 v27, v35;
	v33 =	vld [tilespmem:s2+$0xFFFFFFB0];
	_ =	sdelay $0x4  }
0x218: {  	[tilespmem:v58+s26+$0x0] =	vst.idx.msk $0xffff, v33  }
0x219: {  	v59 =	vadd.s32 v28, v35;
	v33 =	vld [tilespmem:s2+$0xFFFFFFC0];
	_ =	sdelay $0x4  }
0x21a: {  	[tilespmem:v59+s26+$0x0] =	vst.idx.msk $0xffff, v33  }
0x21b: {  	v60 =	vadd.s32 v29, v35;
	v33 =	vld [tilespmem:s2+$0xFFFFFFD0];
	_ =	sdelay $0x4  }
0x21c: {  	[tilespmem:v60+s26+$0x0] =	vst.idx.msk $0xffff, v33  }
0x21d: {  	v61 =	vadd.s32 v30, v35;
	v33 =	vld [tilespmem:s2+$0xFFFFFFE0];
	_ =	sdelay $0x4  }
0x21e: {  	[tilespmem:v61+s26+$0x0] =	vst.idx.msk $0xffff, v33  }
0x21f: {  	v62 =	vadd.s32 v31, v35;
	v33 =	vld [tilespmem:s2+$0xFFFFFFF0];
	_ =	sdelay $0x4  }
0x220: {  	[tilespmem:v62+s26+$0x0] =	vst.idx.msk $0xffff, v33  }
0x221: {  	v63 =	vadd.s32 v32, v35;
	v33 =	vld [tilespmem:s2+$0x0];
	_ =	sdelay $0x1  }
0x222: {  	s13 =	sshll.u32 s14, $0x10  }
0x223: {  	s6 =	sor.u32 s4, s13  }
0x224: {  	s10 =	simm.s32 $0x6000;
	s7 =	sadd.s32 s1, s6  }
0x225: {  	s31 =	simm.s32 $0x10;
	s13 =	sadd.s32 $0x0, s7;
	s2 =	simm.s32 $0x6088;
	[tilespmem:v63+s26+$0x0] =	vst.idx.msk $0xffff, v33  }
.LBB2_11:
0x226: {  	[hbm4b:s13+s3] =	stream.linear.scatter [tilespmem:s10], [sflag:$0x5], $0x80, $0x38;
	[tilespmem:$0xB500] =	vst v63  }
0x227: {  	s13 =	smov.u32 s31;
	s10 =	smov.u32 s2;
	p1 =	sne.s32 s31, $0x1F0  }
.Ltmp4:
0x228: {  	s31 =	sadd.s32 $0x10, s31;
	(pc) =	sbr.rel @p1 .LBB2_11-.Ltmp4, $2  }
0x229: {  	_ =	sdelay $0x2  }
0x22a: {  	s2 =	sadd.s32 $0x88, s2;
	s13 =	sadd.s32 s13, s7  }
0x22b: {  	[hbm4b:s13+s3] =	stream.linear.scatter [tilespmem:s10], [sflag:$0x5], $0x80, $0x38;
	[tilespmem:$0xB500] =	vst v63  }
0x22c: {  	s6 =	sadd.s32 s6, s8;
	s7 =	simm.s32 $0x7540  }
0x22d: {  	s10 =	simm.s32 $0x10;
	s2 =	simm.s32 $0x75C8;
	s13 =	sadd.s32 $0x0, s6  }
.LBB2_13:
0x22e: {  	[hbm4b:s13+s3] =	stream.linear.scatter [tilespmem:s7], [sflag:$0x5], $0x80, $0x38;
	[tilespmem:$0xB500] =	vst v63  }
0x22f: {  	s13 =	smov.u32 s10;
	s7 =	smov.u32 s2;
	p1 =	sne.s32 s10, $0x1F0  }
.Ltmp5:
0x230: {  	s10 =	sadd.s32 $0x10, s10;
	(pc) =	sbr.rel @p1 .LBB2_13-.Ltmp5, $2  }
0x231: {  	_ =	sdelay $0x2  }
0x232: {  	s2 =	sadd.s32 $0x88, s2;
	s13 =	sadd.s32 s13, s6  }
0x233: {  	[hbm4b:s13+s3] =	stream.linear.scatter [tilespmem:s7], [sflag:$0x5], $0x80, $0x38;
	[tilespmem:$0xB500] =	vst v63  }
0x234: {  	s2 =	sand.u32 $0x7, s16;
	p1 =	sgt.u32 s16, $0xC6  }
0x235: {  	p3 =	seq.s32 @!p1 s2, $0x7  }
0x236: {  	s6 =	sshrl.u32 s14, $0x2;
	p2 =	por p3, p1  }
0x237: {  	s7 =	sand.u32 @!p2 $0x1, s6  }
0x238: {  	p4 =	seq.s32 @!p2 s7, $0x1;
	s7 =	sshll.u32 @!p2 s14, $0xA  }
0x239: {  	s7 =	sadd.s32 @!p2 $0x400, s7;
	p3 =	por @!p1 !p4, p3  }
0x23a: {  	s10 =	simm.s32 @!p2 $0x1000;
	s7 =	sand.u32 @!p2 $0xC00, s7;
	p3 =	por !p3, p1  }
0x23b: {  	s10 =	simm.s32 @!p3 $0x0;
	s7 =	sshrl.u32 @!p2 s7, $0x2  }
0x23c: {  	s13 =	simm.s32 @!p2 $0x2000;
	s7 =	sor.u32 @!p2 s7, s10;
	s10 =	simm.s32 @!p2 $0x80  }
0x23d: {  	[tilespmem:s13], [sflag:$0x3] =	stream.indirect.gather @!p2 [hbm4b:s5+s10], $0x10, s7, s10, $0xb8;
	[tilespmem:$0xB500] =	vst v63  }
0x23e: {  	s31 =	simm.s32 @!p2 $0x2800;
	s13 =	sor.u32 @!p2 $0x400, s7  }
0x23f: {  	[tilespmem:s31], [sflag:$0x3] =	stream.indirect.gather @!p2 [hbm4b:s5+s10], $0x10, s13, s10, $0xb8;
	[tilespmem:$0xB500] =	vst v63  }
0x240: {  	s13 =	sor.u32 @!p2 $0x800, s7;
	s31 =	simm.s32 @!p2 $0x3000  }
0x241: {  	[tilespmem:s31], [sflag:$0x3] =	stream.indirect.gather @!p2 [hbm4b:s5+s10], $0x10, s13, s10, $0xb8;
	[tilespmem:$0xB500] =	vst v63  }
0x242: {  	s7 =	sor.u32 @!p2 $0xC00, s7;
	s13 =	simm.s32 @!p2 $0x3800  }
0x243: {  	[tilespmem:s13], [sflag:$0x3] =	stream.indirect.gather @!p2 [hbm4b:s5+s10], $0x10, s7, s10, $0xb8;
	[tilespmem:$0xB500] =	vst v63  }
0x244: {  	_ =	swait.ge [sflag:s28], $0x800  }
0x245: {  	[sflag:s28] =	ssyncset.done $0x0  }
0x246: {  	[sflag:s28] =	ssyncadd.s32 $0xFFFFF800  }
0x247: {  	_ =	swait.ge [sflag:s28], $0x800  }
0x248: {  	[sflag:s28] =	ssyncset.done $0x0  }
0x249: {  	p2 =	sne.s32 @!p1 s2, $0x7;
	[sflag:s28] =	ssyncadd.s32 $0xFFFFF800  }
0x24a: {  	p1 =	por p1, p2;
	_ =	swait.ge [sflag:s28], $0x800  }
.Ltmp6:
0x24b: {  	[sflag:s28] =	ssyncset.done $0x0;
	(pc) =	sbr.rel @p1 .LBB2_18-.Ltmp6, $4  }
0x24c: {  	[sflag:s28] =	ssyncadd.s32 $0xFFFFF800  }
0x24d: {  	_ =	swait.ge [sflag:s28], $0x800  }
0x24e: {  	[sflag:s28] =	ssyncset.done $0x0  }
0x24f: {  	[sflag:s28] =	ssyncadd.s32 $0xFFFFF800  }
0x250: {  	p2 =	sne.s32 s20, $0x0  }
.Ltmp7:
0x251: {  	_ = 	snop;
	(pc) =	sbr.rel @p2 .LBB2_35-.Ltmp7, $3  }
0x252: {  	_ =	sdelay $0x1  }
0x253: {  	s2 =	sadd.s32 $0x400, s18  }
0x254: {  	p1 =	slt.u32 s14, $0x5C;
	s2 =	sand.u32 $0xC00, s2  }
0x255: {  	_ =	swait.ge [sflag:s29], $0x1000  }
0x256: {  	s2 =	sshrl.u32 s2, $0x2;
	[sflag:s29] =	ssyncset.done $0x0  }
0x257: {  	s10 =	simm.s32 $0x2000;
	s7 =	sor.u32 $0x1000, s2;
	[sflag:s29] =	ssyncadd.s32 $0xFFFFF000  }
0x258: {  	[tilespmem:s10], [sflag:$0x3] =	stream.indirect.gather [hbm4b:s5+s12], $0x10, s7, s12, $0xb8;
	[tilespmem:$0xB500] =	vst v63  }
0x259: {  	s20 =	sor.u32 $0x1400, s2  }
0x25a: {  	[tilespmem:s15], [sflag:$0x3] =	stream.indirect.gather [hbm4b:s5+s12], $0x10, s20, s12, $0xb8;
	[tilespmem:$0xB500] =	vst v63  }
.Ltmp8:
0x25b: {  	_ = 	snop;
	(pc) =	sbr.rel @!p1 .LBB2_19-.Ltmp8, $4  }
0x25c: {  	s31 =	sor.u32 $0x1800, s2  }
0x25d: {  	[tilespmem:s17], [sflag:$0x3] =	stream.indirect.gather [hbm4b:s5+s12], $0x10, s31, s12, $0xb8;
	[tilespmem:$0xB500] =	vst v63  }
0x25e: {  	s2 =	sor.u32 $0x1C00, s2  }
0x25f: {  	[tilespmem:s19], [sflag:$0x3] =	stream.indirect.gather [hbm4b:s5+s12], $0x10, s2, s12, $0xb8;
	[tilespmem:$0xB500] =	vst v63  }
0x260: {  	s2 =	sshll.u32 s6, $0xE  }
0x261: {  	s2 =	sadd.s32 s2, s9  }
0x262: {  	[tilespmem:s3], [sflag:$0x1] =	stream.linear.gather [hbm4b:s2+s3], $0x1000, $0x38;
	[tilespmem:$0xB500] =	vst v63  }
.LBB2_18:
.Ltmp9:
0x263: {  	(pc) =	sbr.rel @!p0 .LBB2_19-.Ltmp9, $4  }
.Ltmp10:
0x264: {  	(pc) =	sbr.rel @p0 .LBB2_20-.Ltmp10, $4  }
0x265: {  	_ = 	snop  }
0x266: {  	_ = 	snop  }
0x267: {  	_ = 	snop  }
0x268: {  	_ = 	snop  }
.LBB2_35:
0x269: {  	_ =	swait.ge [sflag:s11], $0x1000  }
0x26a: {  	[sflag:s11] =	ssyncset.done $0x0  }
0x26b: {  	s2 =	sshrl.u32 s2, $0x2;
	s7 =	simm.s32 $0x2000;
	[sflag:s11] =	ssyncadd.s32 $0xFFFFF000  }
0x26c: {  	[tilespmem:s7], [sflag:$0x3] =	stream.indirect.gather [hbm4b:s5+s12], $0x10, s2, s12, $0xb8;
	[tilespmem:$0xB500] =	vst v63  }
0x26d: {  	s20 =	sor.u32 $0x400, s2  }
0x26e: {  	[tilespmem:s15], [sflag:$0x3] =	stream.indirect.gather [hbm4b:s5+s12], $0x10, s20, s12, $0xb8;
	[tilespmem:$0xB500] =	vst v63  }
0x26f: {  	s31 =	sor.u32 $0x800, s2  }
0x270: {  	[tilespmem:s17], [sflag:$0x3] =	stream.indirect.gather [hbm4b:s5+s12], $0x10, s31, s12, $0xb8;
	[tilespmem:$0xB500] =	vst v63  }
0x271: {  	s2 =	sor.u32 $0xC00, s2  }
0x272: {  	[tilespmem:s19], [sflag:$0x3] =	stream.indirect.gather [hbm4b:s5+s12], $0x10, s2, s12, $0xb8;
	[tilespmem:$0xB500] =	vst v63  }
0x273: {  	s2 =	sshll.u32 @p1 s6, $0xE  }
0x274: {  	s7 =	simm.s32 @p1 $0x1000;
	s6 =	simm.s32 @p1 $0x0;
	s2 =	sadd.s32 @p1 s2, s9  }
0x275: {  	[tilespmem:s7], [sflag:$0x2] =	stream.linear.gather @p1 [hbm4b:s2+s6], $0x1000, $0x38;
	[tilespmem:$0xB500] =	vst v63  }
.LBB2_19:
0x276: {  	_ =	swait.ge [sflag:s0], $0x1000  }
0x277: {  	[sflag:s0] =	ssyncset.done $0x0  }
0x278: {  	[sflag:s0] =	ssyncadd.s32 $0xFFFFF000  }
0x279: {  	_ =	swait.ge [sflag:s0], $0x1000  }
0x27a: {  	[sflag:s0] =	ssyncset.done $0x0  }
0x27b: {  	[sflag:s0] =	ssyncadd.s32 $0xFFFFF000  }
.LBB2_20:
0x27c: {  	s2 =	simm.s32 $0x0  }
0x27d: {  	v33 =	vmov s2  }
0x27e: {  	v33 =	vshrl.u32 v33, $0x3  }
0x27f: {  	v33 =	vshll.u32 v33, v0  }
0x280: {  	v33 =	vbroadcast v33, $0x0  }
0x281: {  	s7 =	simm.s32 $0x4040  }
0x282: {  	s31 =	simm.s32 $0x1;
	v34 =	vld [tilespmem:s7+$0xFFFFFFC0];
	v33 =	vadd.s32 v1, v33  }
0x283: {  	v35 =	vmov s31  }
0x284: {  	v35 =	vshrl.u32 v35, $0x3  }
0x285: {  	v35 =	vshll.u32 v35, v0  }
0x286: {  	v35 =	vbroadcast v35, $0x0  }
0x287: {  	[tilespmem:v33+s30+$0x0] =	vst.idx.msk $0xffff, v34  }
0x288: {  	s6 =	simm.s32 $0x2;
	v52 =	vadd.s32 v2, v35;
	v33 =	vld [tilespmem:s7+$0xFFFFFFD0]  }
0x289: {  	v53 =	vmov s6  }
0x28a: {  	v35 =	vshrl.u32 v53, $0x3  }
0x28b: {  	v35 =	vshll.u32 v35, v0  }
0x28c: {  	v35 =	vbroadcast v35, $0x0  }
0x28d: {  	[tilespmem:v52+s30+$0x0] =	vst.idx.msk $0xffff, v33  }
0x28e: {  	s10 =	simm.s32 $0x3;
	v54 =	vadd.s32 v3, v35;
	v33 =	vld [tilespmem:s7+$0xFFFFFFE0]  }
0x28f: {  	v55 =	vmov s10  }
0x290: {  	v35 =	vshrl.u32 v55, $0x3  }
0x291: {  	v35 =	vshll.u32 v35, v0  }
0x292: {  	v35 =	vbroadcast v35, $0x0  }
0x293: {  	[tilespmem:v54+s30+$0x0] =	vst.idx.msk $0xffff, v33  }
0x294: {  	s13 =	simm.s32 $0x4;
	v56 =	vadd.s32 v4, v35;
	v33 =	vld [tilespmem:s7+$0xFFFFFFF0]  }
0x295: {  	v57 =	vmov s13  }
0x296: {  	v35 =	vshrl.u32 v57, $0x3  }
0x297: {  	v35 =	vshll.u32 v35, v0  }
0x298: {  	v35 =	vbroadcast v35, $0x0  }
0x299: {  	[tilespmem:v56+s30+$0x0] =	vst.idx.msk $0xffff, v33  }
0x29a: {  	s18 =	simm.s32 $0x5;
	v58 =	vadd.s32 v5, v35;
	v33 =	vld [tilespmem:s7+$0x0]  }
0x29b: {  	v59 =	vmov s18  }
0x29c: {  	v35 =	vshrl.u32 v59, $0x3  }
0x29d: {  	v35 =	vshll.u32 v35, v0  }
0x29e: {  	v35 =	vbroadcast v35, $0x0  }
0x29f: {  	[tilespmem:v58+s30+$0x0] =	vst.idx.msk $0xffff, v33  }
0x2a0: {  	s20 =	simm.s32 $0x6;
	v60 =	vadd.s32 v6, v35;
	v33 =	vld [tilespmem:s7+$0x10]  }
0x2a1: {  	v61 =	vmov s20  }
0x2a2: {  	v35 =	vshrl.u32 v61, $0x3  }
0x2a3: {  	v35 =	vshll.u32 v35, v0  }
0x2a4: {  	v35 =	vbroadcast v35, $0x0  }
0x2a5: {  	[tilespmem:v60+s30+$0x0] =	vst.idx.msk $0xffff, v33  }
0x2a6: {  	s31 =	simm.s32 $0x7;
	v62 =	vadd.s32 v7, v35;
	v33 =	vld [tilespmem:s7+$0x20]  }
0x2a7: {  	v63 =	vmov s31  }
0x2a8: {  	v35 =	vshrl.u32 v63, $0x3  }
0x2a9: {  	v35 =	vshll.u32 v35, v0  }
0x2aa: {  	v35 =	vbroadcast v35, $0x0  }
0x2ab: {  	[tilespmem:v62+s30+$0x0] =	vst.idx.msk $0xffff, v33  }
0x2ac: {  	s10 =	simm.s32 $0xF;
	s2 =	simm.s32 $0x8;
	s6 =	simm.s32 $0x17;
	v34 =	vadd.s32 v8, v35;
	v33 =	vld [tilespmem:s7+$0x30]  }
.LBB2_21:
0x2ad: {  	p0 =	sne.s32 s6, $0x7F;
	v35 =	vmov s2  }
0x2ae: {  	v35 =	vshrl.u32 v35, $0x3  }
0x2af: {  	v35 =	vshll.u32 v35, v0  }
0x2b0: {  	v35 =	vbroadcast v35, $0x0  }
0x2b1: {  	s7 =	sadd.s32 $0x80, s7;
	[tilespmem:v34+s30+$0x0] =	vst.idx.msk $0xffff, v33  }
0x2b2: {  	s2 =	sadd.s32 $0xFFFFFFFA, s10;
	v33 =	vld [tilespmem:s7+$0xFFFFFFC0];
	v34 =	vadd.s32 v1, v35  }
0x2b3: {  	v35 =	vmov s2  }
0x2b4: {  	v35 =	vshrl.u32 v35, $0x3  }
0x2b5: {  	v35 =	vshll.u32 v35, v0  }
0x2b6: {  	v35 =	vbroadcast v35, $0x0  }
0x2b7: {  	[tilespmem:v34+s30+$0x0] =	vst.idx.msk $0xffff, v33  }
0x2b8: {  	s2 =	sadd.s32 $0xFFFFFFFB, s10;
	v34 =	vadd.s32 v2, v35;
	v33 =	vld [tilespmem:s7+$0xFFFFFFD0]  }
0x2b9: {  	v35 =	vmov s2  }
0x2ba: {  	v35 =	vshrl.u32 v35, $0x3  }
0x2bb: {  	v35 =	vshll.u32 v35, v0  }
0x2bc: {  	v35 =	vbroadcast v35, $0x0  }
0x2bd: {  	[tilespmem:v34+s30+$0x0] =	vst.idx.msk $0xffff, v33  }
0x2be: {  	s2 =	sadd.s32 $0xFFFFFFFC, s10;
	v34 =	vadd.s32 v3, v35;
	v33 =	vld [tilespmem:s7+$0xFFFFFFE0]  }
0x2bf: {  	v35 =	vmov s2  }
0x2c0: {  	v35 =	vshrl.u32 v35, $0x3  }
0x2c1: {  	v35 =	vshll.u32 v35, v0  }
0x2c2: {  	v35 =	vbroadcast v35, $0x0  }
0x2c3: {  	[tilespmem:v34+s30+$0x0] =	vst.idx.msk $0xffff, v33  }
0x2c4: {  	s2 =	sadd.s32 $0xFFFFFFFD, s10;
	v34 =	vadd.s32 v4, v35;
	v33 =	vld [tilespmem:s7+$0xFFFFFFF0]  }
0x2c5: {  	v35 =	vmov s2  }
0x2c6: {  	v35 =	vshrl.u32 v35, $0x3  }
0x2c7: {  	v35 =	vshll.u32 v35, v0  }
0x2c8: {  	v35 =	vbroadcast v35, $0x0  }
0x2c9: {  	[tilespmem:v34+s30+$0x0] =	vst.idx.msk $0xffff, v33  }
0x2ca: {  	s2 =	sadd.s32 $0xFFFFFFFE, s10;
	v34 =	vadd.s32 v5, v35;
	v33 =	vld [tilespmem:s7+$0x0]  }
0x2cb: {  	v35 =	vmov s2  }
0x2cc: {  	v35 =	vshrl.u32 v35, $0x3  }
0x2cd: {  	v35 =	vshll.u32 v35, v0  }
0x2ce: {  	v35 =	vbroadcast v35, $0x0  }
0x2cf: {  	[tilespmem:v34+s30+$0x0] =	vst.idx.msk $0xffff, v33  }
0x2d0: {  	s2 =	sadd.s32 $0xFFFFFFFF, s10;
	v34 =	vadd.s32 v6, v35;
	v33 =	vld [tilespmem:s7+$0x10]  }
0x2d1: {  	v35 =	vmov s2  }
0x2d2: {  	v35 =	vshrl.u32 v35, $0x3  }
0x2d3: {  	v35 =	vshll.u32 v35, v0  }
0x2d4: {  	v35 =	vbroadcast v35, $0x0  }
0x2d5: {  	[tilespmem:v34+s30+$0x0] =	vst.idx.msk $0xffff, v33  }
0x2d6: {  	v34 =	vadd.s32 v7, v35;
	v33 =	vld [tilespmem:s7+$0x20]  }
0x2d7: {  	v35 =	vmov s10;
	s10 =	smov.u32 s6  }
.Ltmp11:
0x2d8: {  	v35 =	vshrl.u32 v35, $0x3;
	(pc) =	sbr.rel @p0 .LBB2_21-.Ltmp11, $4  }
0x2d9: {  	v35 =	vshll.u32 v35, v0  }
0x2da: {  	v35 =	vbroadcast v35, $0x0  }
0x2db: {  	[tilespmem:v34+s30+$0x0] =	vst.idx.msk $0xffff, v33  }
0x2dc: {  	s6 =	sadd.s32 $0x8, s6;
	s2 =	sadd.s32 $0xFFFFFFF9, s10;
	v34 =	vadd.s32 v8, v35;
	v33 =	vld [tilespmem:s7+$0x30]  }
0x2dd: {  	v35 =	vmov s2  }
0x2de: {  	v35 =	vshrl.u32 v35, $0x3  }
0x2df: {  	v35 =	vshll.u32 v35, v0  }
0x2e0: {  	v35 =	vbroadcast v35, $0x0  }
0x2e1: {  	s2 =	sadd.s32 $0x80, s7;
	[tilespmem:v34+s30+$0x0] =	vst.idx.msk $0xffff, v33  }
0x2e2: {  	s6 =	sadd.s32 $0xFFFFFFFA, s10;
	v33 =	vld [tilespmem:s2+$0xFFFFFFC0];
	v42 =	vadd.s32 v1, v35  }
0x2e3: {  	v43 =	vmov s6  }
0x2e4: {  	v35 =	vshrl.u32 v43, $0x3  }
0x2e5: {  	v35 =	vshll.u32 v35, v0  }
0x2e6: {  	v35 =	vbroadcast v35, $0x0  }
0x2e7: {  	[tilespmem:v42+s30+$0x0] =	vst.idx.msk $0xffff, v33  }
0x2e8: {  	s31 =	sadd.s32 $0xFFFFFFFB, s10;
	v44 =	vadd.s32 v2, v35;
	v33 =	vld [tilespmem:s2+$0xFFFFFFD0]  }
0x2e9: {  	v45 =	vmov s31  }
0x2ea: {  	v35 =	vshrl.u32 v45, $0x3  }
0x2eb: {  	v35 =	vshll.u32 v35, v0  }
0x2ec: {  	v35 =	vbroadcast v35, $0x0  }
0x2ed: {  	[tilespmem:v44+s30+$0x0] =	vst.idx.msk $0xffff, v33  }
0x2ee: {  	s7 =	sadd.s32 $0xFFFFFFFC, s10;
	v46 =	vadd.s32 v3, v35;
	v33 =	vld [tilespmem:s2+$0xFFFFFFE0]  }
0x2ef: {  	v47 =	vmov s7  }
0x2f0: {  	v35 =	vshrl.u32 v47, $0x3  }
0x2f1: {  	v35 =	vshll.u32 v35, v0  }
0x2f2: {  	v35 =	vbroadcast v35, $0x0  }
0x2f3: {  	[tilespmem:v46+s30+$0x0] =	vst.idx.msk $0xffff, v33  }
0x2f4: {  	s13 =	sadd.s32 $0xFFFFFFFD, s10;
	v48 =	vadd.s32 v4, v35;
	v33 =	vld [tilespmem:s2+$0xFFFFFFF0]  }
0x2f5: {  	v49 =	vmov s13  }
0x2f6: {  	v35 =	vshrl.u32 v49, $0x3  }
0x2f7: {  	v35 =	vshll.u32 v35, v0  }
0x2f8: {  	v35 =	vbroadcast v35, $0x0  }
0x2f9: {  	[tilespmem:v48+s30+$0x0] =	vst.idx.msk $0xffff, v33  }
0x2fa: {  	s18 =	sadd.s32 $0xFFFFFFFE, s10;
	v50 =	vadd.s32 v5, v35;
	v33 =	vld [tilespmem:s2+$0x0]  }
0x2fb: {  	v51 =	vmov s18  }
0x2fc: {  	v35 =	vshrl.u32 v51, $0x3  }
0x2fd: {  	v35 =	vshll.u32 v35, v0  }
0x2fe: {  	v35 =	vbroadcast v35, $0x0  }
0x2ff: {  	[tilespmem:v50+s30+$0x0] =	vst.idx.msk $0xffff, v33  }
0x300: {  	s20 =	sadd.s32 $0xFFFFFFFF, s10;
	v52 =	vadd.s32 v6, v35;
	v33 =	vld [tilespmem:s2+$0x10]  }
0x301: {  	v53 =	vmov s20  }
0x302: {  	v35 =	vshrl.u32 v53, $0x3  }
0x303: {  	v35 =	vshll.u32 v35, v0  }
0x304: {  	v35 =	vbroadcast v35, $0x0  }
0x305: {  	[tilespmem:v52+s30+$0x0] =	vst.idx.msk $0xffff, v33  }
0x306: {  	v54 =	vadd.s32 v7, v35;
	v33 =	vld [tilespmem:s2+$0x20]  }
0x307: {  	v55 =	vmov s10  }
0x308: {  	v35 =	vshrl.u32 v55, $0x3  }
0x309: {  	v35 =	vshll.u32 v35, v0  }
0x30a: {  	v35 =	vbroadcast v35, $0x0  }
0x30b: {  	[tilespmem:v54+s30+$0x0] =	vst.idx.msk $0xffff, v33  }
0x30c: {  	s31 =	simm.s32 $0x0;
	v35 =	vadd.s32 v8, v35;
	v34 =	vld [tilespmem:s2+$0x30]  }
0x30d: {  	v56 =	vmov s31  }
0x30e: {  	v33 =	vshrl.u32 v56, $0x3  }
0x30f: {  	v33 =	vshll.u32 v33, $0x3  }
0x310: {  	v33 =	vbroadcast v33, $0x0  }
0x311: {  	s6 =	simm.s32 $0x4870;
	[tilespmem:v35+s30+$0x0] =	vst.idx.msk $0xffff, v34  }
0x312: {  	v57 =	vadd.s32 v9, v33;
	v34 =	vld [tilespmem:s6+$0xFFFFFF90];
	_ =	sdelay $0x4  }
0x313: {  	[tilespmem:v57+s30+$0x0] =	vst.idx.msk $0xffff, v34  }
0x314: {  	v58 =	vadd.s32 v10, v33;
	v34 =	vld [tilespmem:s6+$0xFFFFFFA0];
	_ =	sdelay $0x4  }
0x315: {  	[tilespmem:v58+s30+$0x0] =	vst.idx.msk $0xffff, v34  }
0x316: {  	v59 =	vadd.s32 v11, v33;
	v34 =	vld [tilespmem:s6+$0xFFFFFFB0];
	_ =	sdelay $0x4  }
0x317: {  	[tilespmem:v59+s30+$0x0] =	vst.idx.msk $0xffff, v34  }
0x318: {  	v60 =	vadd.s32 v12, v33;
	v34 =	vld [tilespmem:s6+$0xFFFFFFC0];
	_ =	sdelay $0x4  }
0x319: {  	[tilespmem:v60+s30+$0x0] =	vst.idx.msk $0xffff, v34  }
0x31a: {  	v61 =	vadd.s32 v13, v33;
	v34 =	vld [tilespmem:s6+$0xFFFFFFD0];
	_ =	sdelay $0x4  }
0x31b: {  	[tilespmem:v61+s30+$0x0] =	vst.idx.msk $0xffff, v34  }
0x31c: {  	v62 =	vadd.s32 v14, v33;
	v34 =	vld [tilespmem:s6+$0xFFFFFFE0];
	_ =	sdelay $0x4  }
0x31d: {  	[tilespmem:v62+s30+$0x0] =	vst.idx.msk $0xffff, v34  }
0x31e: {  	v63 =	vadd.s32 v15, v33;
	v34 =	vld [tilespmem:s6+$0xFFFFFFF0];
	_ =	sdelay $0x4  }
0x31f: {  	[tilespmem:v63+s30+$0x0] =	vst.idx.msk $0xffff, v34  }
0x320: {  	s7 =	simm.s32 $0x8;
	v35 =	vadd.s32 v16, v33;
	v34 =	vld [tilespmem:s6+$0x0]  }
0x321: {  	s10 =	simm.s32 $0x10;
	v36 =	vmov s7  }
.LBB2_23:
0x322: {  	p0 =	sne.s32 s10, $0x78;
	v36 =	vshrl.u32 v36, $0x3  }
0x323: {  	v36 =	vshll.u32 v36, $0x3  }
0x324: {  	v36 =	vbroadcast v36, $0x0  }
0x325: {  	s6 =	sadd.s32 $0x80, s6;
	[tilespmem:v35+s30+$0x0] =	vst.idx.msk $0xffff, v34  }
0x326: {  	v34 =	vld [tilespmem:s6+$0xFFFFFF90];
	v35 =	vadd.s32 v9, v36;
	_ =	sdelay $0x4  }
0x327: {  	[tilespmem:v35+s30+$0x0] =	vst.idx.msk $0xffff, v34  }
0x328: {  	v35 =	vadd.s32 v10, v36;
	v34 =	vld [tilespmem:s6+$0xFFFFFFA0];
	_ =	sdelay $0x4  }
0x329: {  	[tilespmem:v35+s30+$0x0] =	vst.idx.msk $0xffff, v34  }
0x32a: {  	v35 =	vadd.s32 v11, v36;
	v34 =	vld [tilespmem:s6+$0xFFFFFFB0];
	_ =	sdelay $0x4  }
0x32b: {  	[tilespmem:v35+s30+$0x0] =	vst.idx.msk $0xffff, v34  }
0x32c: {  	v35 =	vadd.s32 v12, v36;
	v34 =	vld [tilespmem:s6+$0xFFFFFFC0];
	_ =	sdelay $0x4  }
0x32d: {  	[tilespmem:v35+s30+$0x0] =	vst.idx.msk $0xffff, v34  }
0x32e: {  	v35 =	vadd.s32 v13, v36;
	v34 =	vld [tilespmem:s6+$0xFFFFFFD0];
	_ =	sdelay $0x4  }
0x32f: {  	[tilespmem:v35+s30+$0x0] =	vst.idx.msk $0xffff, v34  }
0x330: {  	v35 =	vadd.s32 v14, v36;
	v34 =	vld [tilespmem:s6+$0xFFFFFFE0];
	_ =	sdelay $0x4  }
0x331: {  	[tilespmem:v35+s30+$0x0] =	vst.idx.msk $0xffff, v34  }
0x332: {  	v35 =	vadd.s32 v15, v36;
	v34 =	vld [tilespmem:s6+$0xFFFFFFF0];
	_ =	sdelay $0x2  }
.Ltmp12:
0x333: {  	(pc) =	sbr.rel @p0 .LBB2_23-.Ltmp12, $4  }
0x334: {  	_ = 	snop  }
0x335: {  	[tilespmem:v35+s30+$0x0] =	vst.idx.msk $0xffff, v34  }
0x336: {  	v35 =	vadd.s32 v16, v36;
	v34 =	vld [tilespmem:s6+$0x0]  }
0x337: {  	v36 =	vmov s10;
	s10 =	sadd.s32 $0x8, s10  }
0x338: {  	_ = 	snop  }
0x339: {  	v36 =	vshrl.u32 v36, $0x3  }
0x33a: {  	v36 =	vshll.u32 v36, $0x3  }
0x33b: {  	v36 =	vbroadcast v36, $0x0  }
0x33c: {  	s2 =	sadd.s32 $0x80, s6;
	[tilespmem:v35+s30+$0x0] =	vst.idx.msk $0xffff, v34  }
0x33d: {  	v34 =	vld [tilespmem:s2+$0xFFFFFF90];
	v49 =	vadd.s32 v9, v36;
	_ =	sdelay $0x4  }
0x33e: {  	[tilespmem:v49+s30+$0x0] =	vst.idx.msk $0xffff, v34  }
0x33f: {  	v50 =	vadd.s32 v10, v36;
	v34 =	vld [tilespmem:s2+$0xFFFFFFA0];
	_ =	sdelay $0x4  }
0x340: {  	[tilespmem:v50+s30+$0x0] =	vst.idx.msk $0xffff, v34  }
0x341: {  	v51 =	vadd.s32 v11, v36;
	v34 =	vld [tilespmem:s2+$0xFFFFFFB0];
	_ =	sdelay $0x4  }
0x342: {  	[tilespmem:v51+s30+$0x0] =	vst.idx.msk $0xffff, v34  }
0x343: {  	v52 =	vadd.s32 v12, v36;
	v34 =	vld [tilespmem:s2+$0xFFFFFFC0];
	_ =	sdelay $0x4  }
0x344: {  	[tilespmem:v52+s30+$0x0] =	vst.idx.msk $0xffff, v34  }
0x345: {  	v53 =	vadd.s32 v13, v36;
	v34 =	vld [tilespmem:s2+$0xFFFFFFD0];
	_ =	sdelay $0x4  }
0x346: {  	[tilespmem:v53+s30+$0x0] =	vst.idx.msk $0xffff, v34  }
0x347: {  	v54 =	vadd.s32 v14, v36;
	v34 =	vld [tilespmem:s2+$0xFFFFFFE0];
	_ =	sdelay $0x4  }
0x348: {  	[tilespmem:v54+s30+$0x0] =	vst.idx.msk $0xffff, v34  }
0x349: {  	v55 =	vadd.s32 v15, v36;
	v34 =	vld [tilespmem:s2+$0xFFFFFFF0];
	_ =	sdelay $0x4  }
0x34a: {  	[tilespmem:v55+s30+$0x0] =	vst.idx.msk $0xffff, v34  }
0x34b: {  	v56 =	vadd.s32 v16, v36;
	v34 =	vld [tilespmem:s2+$0x0];
	_ =	sdelay $0x4  }
0x34c: {  	s6 =	simm.s32 $0x5070;
	[tilespmem:v56+s30+$0x0] =	vst.idx.msk $0xffff, v34  }
0x34d: {  	v57 =	vadd.s32 v17, v33;
	v34 =	vld [tilespmem:s6+$0xFFFFFF90];
	_ =	sdelay $0x4  }
0x34e: {  	[tilespmem:v57+s30+$0x0] =	vst.idx.msk $0xffff, v34  }
0x34f: {  	v58 =	vadd.s32 v18, v33;
	v34 =	vld [tilespmem:s6+$0xFFFFFFA0];
	_ =	sdelay $0x4  }
0x350: {  	[tilespmem:v58+s30+$0x0] =	vst.idx.msk $0xffff, v34  }
0x351: {  	v59 =	vadd.s32 v19, v33;
	v34 =	vld [tilespmem:s6+$0xFFFFFFB0];
	_ =	sdelay $0x4  }
0x352: {  	[tilespmem:v59+s30+$0x0] =	vst.idx.msk $0xffff, v34  }
0x353: {  	v60 =	vadd.s32 v20, v33;
	v34 =	vld [tilespmem:s6+$0xFFFFFFC0];
	_ =	sdelay $0x4  }
0x354: {  	[tilespmem:v60+s30+$0x0] =	vst.idx.msk $0xffff, v34  }
0x355: {  	v61 =	vadd.s32 v21, v33;
	v34 =	vld [tilespmem:s6+$0xFFFFFFD0];
	_ =	sdelay $0x4  }
0x356: {  	[tilespmem:v61+s30+$0x0] =	vst.idx.msk $0xffff, v34  }
0x357: {  	v62 =	vadd.s32 v22, v33;
	v34 =	vld [tilespmem:s6+$0xFFFFFFE0];
	_ =	sdelay $0x4  }
0x358: {  	[tilespmem:v62+s30+$0x0] =	vst.idx.msk $0xffff, v34  }
0x359: {  	v63 =	vadd.s32 v23, v33;
	v34 =	vld [tilespmem:s6+$0xFFFFFFF0];
	_ =	sdelay $0x4  }
0x35a: {  	[tilespmem:v63+s30+$0x0] =	vst.idx.msk $0xffff, v34  }
0x35b: {  	v33 =	vadd.s32 v24, v33;
	v34 =	vld [tilespmem:s6+$0x0]  }
0x35c: {  	v35 =	vmov s7;
	s7 =	simm.s32 $0x10  }
.LBB2_25:
0x35d: {  	p0 =	sne.s32 s7, $0x78;
	v35 =	vshrl.u32 v35, $0x3  }
0x35e: {  	v35 =	vshll.u32 v35, $0x3  }
0x35f: {  	v35 =	vbroadcast v35, $0x0  }
0x360: {  	s6 =	sadd.s32 $0x80, s6;
	[tilespmem:v33+s30+$0x0] =	vst.idx.msk $0xffff, v34  }
0x361: {  	v33 =	vld [tilespmem:s6+$0xFFFFFF90];
	v34 =	vadd.s32 v17, v35;
	_ =	sdelay $0x4  }
0x362: {  	[tilespmem:v34+s30+$0x0] =	vst.idx.msk $0xffff, v33  }
0x363: {  	v34 =	vadd.s32 v18, v35;
	v33 =	vld [tilespmem:s6+$0xFFFFFFA0];
	_ =	sdelay $0x4  }
0x364: {  	[tilespmem:v34+s30+$0x0] =	vst.idx.msk $0xffff, v33  }
0x365: {  	v34 =	vadd.s32 v19, v35;
	v33 =	vld [tilespmem:s6+$0xFFFFFFB0];
	_ =	sdelay $0x4  }
0x366: {  	[tilespmem:v34+s30+$0x0] =	vst.idx.msk $0xffff, v33  }
0x367: {  	v34 =	vadd.s32 v20, v35;
	v33 =	vld [tilespmem:s6+$0xFFFFFFC0];
	_ =	sdelay $0x4  }
0x368: {  	[tilespmem:v34+s30+$0x0] =	vst.idx.msk $0xffff, v33  }
0x369: {  	v34 =	vadd.s32 v21, v35;
	v33 =	vld [tilespmem:s6+$0xFFFFFFD0];
	_ =	sdelay $0x4  }
0x36a: {  	[tilespmem:v34+s30+$0x0] =	vst.idx.msk $0xffff, v33  }
0x36b: {  	v34 =	vadd.s32 v22, v35;
	v33 =	vld [tilespmem:s6+$0xFFFFFFE0];
	_ =	sdelay $0x4  }
0x36c: {  	[tilespmem:v34+s30+$0x0] =	vst.idx.msk $0xffff, v33  }
0x36d: {  	v34 =	vadd.s32 v23, v35;
	v33 =	vld [tilespmem:s6+$0xFFFFFFF0];
	_ =	sdelay $0x2  }
.Ltmp13:
0x36e: {  	(pc) =	sbr.rel @p0 .LBB2_25-.Ltmp13, $4  }
0x36f: {  	_ = 	snop  }
0x370: {  	[tilespmem:v34+s30+$0x0] =	vst.idx.msk $0xffff, v33  }
0x371: {  	v33 =	vadd.s32 v24, v35;
	v34 =	vld [tilespmem:s6+$0x0]  }
0x372: {  	v35 =	vmov s7;
	s7 =	sadd.s32 $0x8, s7  }
0x373: {  	_ = 	snop  }
0x374: {  	v35 =	vshrl.u32 v35, $0x3  }
0x375: {  	v35 =	vshll.u32 v35, $0x3  }
0x376: {  	v35 =	vbroadcast v35, $0x0  }
0x377: {  	s2 =	sadd.s32 $0x80, s6;
	[tilespmem:v33+s30+$0x0] =	vst.idx.msk $0xffff, v34  }
0x378: {  	v33 =	vld [tilespmem:s2+$0xFFFFFF90];
	v48 =	vadd.s32 v17, v35;
	_ =	sdelay $0x4  }
0x379: {  	[tilespmem:v48+s30+$0x0] =	vst.idx.msk $0xffff, v33  }
0x37a: {  	v49 =	vadd.s32 v18, v35;
	v33 =	vld [tilespmem:s2+$0xFFFFFFA0];
	_ =	sdelay $0x4  }
0x37b: {  	[tilespmem:v49+s30+$0x0] =	vst.idx.msk $0xffff, v33  }
0x37c: {  	v50 =	vadd.s32 v19, v35;
	v33 =	vld [tilespmem:s2+$0xFFFFFFB0];
	_ =	sdelay $0x4  }
0x37d: {  	[tilespmem:v50+s30+$0x0] =	vst.idx.msk $0xffff, v33  }
0x37e: {  	v51 =	vadd.s32 v20, v35;
	v33 =	vld [tilespmem:s2+$0xFFFFFFC0];
	_ =	sdelay $0x4  }
0x37f: {  	[tilespmem:v51+s30+$0x0] =	vst.idx.msk $0xffff, v33  }
0x380: {  	v52 =	vadd.s32 v21, v35;
	v33 =	vld [tilespmem:s2+$0xFFFFFFD0];
	_ =	sdelay $0x4  }
0x381: {  	[tilespmem:v52+s30+$0x0] =	vst.idx.msk $0xffff, v33  }
0x382: {  	v53 =	vadd.s32 v22, v35;
	v33 =	vld [tilespmem:s2+$0xFFFFFFE0];
	_ =	sdelay $0x4  }
0x383: {  	[tilespmem:v53+s30+$0x0] =	vst.idx.msk $0xffff, v33  }
0x384: {  	v54 =	vadd.s32 v23, v35;
	v33 =	vld [tilespmem:s2+$0xFFFFFFF0];
	_ =	sdelay $0x4  }
0x385: {  	[tilespmem:v54+s30+$0x0] =	vst.idx.msk $0xffff, v33  }
0x386: {  	s20 =	simm.s32 $0x0;
	v55 =	vadd.s32 v24, v35;
	v33 =	vld [tilespmem:s2+$0x0]  }
0x387: {  	v56 =	vmov s20  }
0x388: {  	v35 =	vshrl.u32 v56, $0x3  }
0x389: {  	v35 =	vshll.u32 v35, $0x3  }
0x38a: {  	v35 =	vbroadcast v35, $0x0  }
0x38b: {  	s6 =	simm.s32 $0x5870;
	[tilespmem:v55+s30+$0x0] =	vst.idx.msk $0xffff, v33  }
0x38c: {  	v57 =	vadd.s32 v25, v35;
	v33 =	vld [tilespmem:s6+$0xFFFFFF90];
	_ =	sdelay $0x4  }
0x38d: {  	[tilespmem:v57+s30+$0x0] =	vst.idx.msk $0xffff, v33  }
0x38e: {  	v58 =	vadd.s32 v26, v35;
	v33 =	vld [tilespmem:s6+$0xFFFFFFA0];
	_ =	sdelay $0x4  }
0x38f: {  	[tilespmem:v58+s30+$0x0] =	vst.idx.msk $0xffff, v33  }
0x390: {  	v59 =	vadd.s32 v27, v35;
	v33 =	vld [tilespmem:s6+$0xFFFFFFB0];
	_ =	sdelay $0x4  }
0x391: {  	[tilespmem:v59+s30+$0x0] =	vst.idx.msk $0xffff, v33  }
0x392: {  	v60 =	vadd.s32 v28, v35;
	v33 =	vld [tilespmem:s6+$0xFFFFFFC0];
	_ =	sdelay $0x4  }
0x393: {  	[tilespmem:v60+s30+$0x0] =	vst.idx.msk $0xffff, v33  }
0x394: {  	v61 =	vadd.s32 v29, v35;
	v33 =	vld [tilespmem:s6+$0xFFFFFFD0];
	_ =	sdelay $0x4  }
0x395: {  	[tilespmem:v61+s30+$0x0] =	vst.idx.msk $0xffff, v33  }
0x396: {  	v62 =	vadd.s32 v30, v35;
	v33 =	vld [tilespmem:s6+$0xFFFFFFE0];
	_ =	sdelay $0x4  }
0x397: {  	[tilespmem:v62+s30+$0x0] =	vst.idx.msk $0xffff, v33  }
0x398: {  	v63 =	vadd.s32 v31, v35;
	v33 =	vld [tilespmem:s6+$0xFFFFFFF0];
	_ =	sdelay $0x4  }
0x399: {  	[tilespmem:v63+s30+$0x0] =	vst.idx.msk $0xffff, v33  }
0x39a: {  	s31 =	simm.s32 $0x8;
	v34 =	vadd.s32 v32, v35;
	v33 =	vld [tilespmem:s6+$0x0]  }
0x39b: {  	s7 =	simm.s32 $0x10;
	v35 =	vmov s31  }
.LBB2_27:
0x39c: {  	p0 =	sne.s32 s7, $0x78;
	v35 =	vshrl.u32 v35, $0x3  }
0x39d: {  	v35 =	vshll.u32 v35, $0x3  }
0x39e: {  	v35 =	vbroadcast v35, $0x0  }
0x39f: {  	s6 =	sadd.s32 $0x80, s6;
	[tilespmem:v34+s30+$0x0] =	vst.idx.msk $0xffff, v33  }
0x3a0: {  	v33 =	vld [tilespmem:s6+$0xFFFFFF90];
	v34 =	vadd.s32 v25, v35;
	_ =	sdelay $0x4  }
0x3a1: {  	[tilespmem:v34+s30+$0x0] =	vst.idx.msk $0xffff, v33  }
0x3a2: {  	v34 =	vadd.s32 v26, v35;
	v33 =	vld [tilespmem:s6+$0xFFFFFFA0];
	_ =	sdelay $0x4  }
0x3a3: {  	[tilespmem:v34+s30+$0x0] =	vst.idx.msk $0xffff, v33  }
0x3a4: {  	v34 =	vadd.s32 v27, v35;
	v33 =	vld [tilespmem:s6+$0xFFFFFFB0];
	_ =	sdelay $0x4  }
0x3a5: {  	[tilespmem:v34+s30+$0x0] =	vst.idx.msk $0xffff, v33  }
0x3a6: {  	v34 =	vadd.s32 v28, v35;
	v33 =	vld [tilespmem:s6+$0xFFFFFFC0];
	_ =	sdelay $0x4  }
0x3a7: {  	[tilespmem:v34+s30+$0x0] =	vst.idx.msk $0xffff, v33  }
0x3a8: {  	v34 =	vadd.s32 v29, v35;
	v33 =	vld [tilespmem:s6+$0xFFFFFFD0];
	_ =	sdelay $0x4  }
0x3a9: {  	[tilespmem:v34+s30+$0x0] =	vst.idx.msk $0xffff, v33  }
0x3aa: {  	v34 =	vadd.s32 v30, v35;
	v33 =	vld [tilespmem:s6+$0xFFFFFFE0];
	_ =	sdelay $0x4  }
0x3ab: {  	[tilespmem:v34+s30+$0x0] =	vst.idx.msk $0xffff, v33  }
0x3ac: {  	v34 =	vadd.s32 v31, v35;
	v33 =	vld [tilespmem:s6+$0xFFFFFFF0];
	_ =	sdelay $0x2  }
.Ltmp14:
0x3ad: {  	(pc) =	sbr.rel @p0 .LBB2_27-.Ltmp14, $4  }
0x3ae: {  	_ = 	snop  }
0x3af: {  	[tilespmem:v34+s30+$0x0] =	vst.idx.msk $0xffff, v33  }
0x3b0: {  	v34 =	vadd.s32 v32, v35;
	v33 =	vld [tilespmem:s6+$0x0]  }
0x3b1: {  	v35 =	vmov s7;
	s7 =	sadd.s32 $0x8, s7  }
0x3b2: {  	_ = 	snop  }
0x3b3: {  	v35 =	vshrl.u32 v35, $0x3  }
0x3b4: {  	v35 =	vshll.u32 v35, $0x3  }
0x3b5: {  	v35 =	vbroadcast v35, $0x0  }
0x3b6: {  	s2 =	sadd.s32 $0x80, s6;
	[tilespmem:v34+s30+$0x0] =	vst.idx.msk $0xffff, v33  }
0x3b7: {  	v33 =	vld [tilespmem:s2+$0xFFFFFF90];
	v56 =	vadd.s32 v25, v35;
	_ =	sdelay $0x4  }
0x3b8: {  	[tilespmem:v56+s30+$0x0] =	vst.idx.msk $0xffff, v33  }
0x3b9: {  	v57 =	vadd.s32 v26, v35;
	v33 =	vld [tilespmem:s2+$0xFFFFFFA0];
	_ =	sdelay $0x4  }
0x3ba: {  	[tilespmem:v57+s30+$0x0] =	vst.idx.msk $0xffff, v33  }
0x3bb: {  	v58 =	vadd.s32 v27, v35;
	v33 =	vld [tilespmem:s2+$0xFFFFFFB0];
	_ =	sdelay $0x4  }
0x3bc: {  	[tilespmem:v58+s30+$0x0] =	vst.idx.msk $0xffff, v33  }
0x3bd: {  	v59 =	vadd.s32 v28, v35;
	v33 =	vld [tilespmem:s2+$0xFFFFFFC0];
	_ =	sdelay $0x4  }
0x3be: {  	[tilespmem:v59+s30+$0x0] =	vst.idx.msk $0xffff, v33  }
0x3bf: {  	v60 =	vadd.s32 v29, v35;
	v33 =	vld [tilespmem:s2+$0xFFFFFFD0];
	_ =	sdelay $0x4  }
0x3c0: {  	[tilespmem:v60+s30+$0x0] =	vst.idx.msk $0xffff, v33  }
0x3c1: {  	v61 =	vadd.s32 v30, v35;
	v33 =	vld [tilespmem:s2+$0xFFFFFFE0];
	_ =	sdelay $0x4  }
0x3c2: {  	[tilespmem:v61+s30+$0x0] =	vst.idx.msk $0xffff, v33  }
0x3c3: {  	v62 =	vadd.s32 v31, v35;
	v33 =	vld [tilespmem:s2+$0xFFFFFFF0];
	_ =	sdelay $0x4  }
0x3c4: {  	[tilespmem:v62+s30+$0x0] =	vst.idx.msk $0xffff, v33  }
0x3c5: {  	v63 =	vadd.s32 v32, v35;
	v33 =	vld [tilespmem:s2+$0x0];
	_ =	sdelay $0x1  }
0x3c6: {  	s31 =	sshll.u32 s16, $0xF  }
0x3c7: {  	s6 =	sor.u32 s4, s31  }
0x3c8: {  	s10 =	simm.s32 $0x8A80;
	s7 =	sadd.s32 s1, s6  }
0x3c9: {  	s16 =	simm.s32 $0x10;
	s13 =	sadd.s32 $0x0, s7;
	s2 =	simm.s32 $0x8B08;
	[tilespmem:v63+s30+$0x0] =	vst.idx.msk $0xffff, v33  }
.LBB2_29:
0x3ca: {  	[hbm4b:s13+s3] =	stream.linear.scatter [tilespmem:s10], [sflag:$0x6], $0x80, $0x38;
	[tilespmem:$0xB500] =	vst v63  }
0x3cb: {  	s13 =	smov.u32 s16;
	s10 =	smov.u32 s2;
	p0 =	sne.s32 s16, $0x1F0  }
.Ltmp15:
0x3cc: {  	s16 =	sadd.s32 $0x10, s16;
	(pc) =	sbr.rel @p0 .LBB2_29-.Ltmp15, $2  }
0x3cd: {  	_ =	sdelay $0x2  }
0x3ce: {  	s2 =	sadd.s32 $0x88, s2;
	s13 =	sadd.s32 s13, s7  }
0x3cf: {  	[hbm4b:s13+s3] =	stream.linear.scatter [tilespmem:s10], [sflag:$0x6], $0x80, $0x38;
	[tilespmem:$0xB500] =	vst v63  }
0x3d0: {  	s6 =	sadd.s32 s6, s8;
	s7 =	simm.s32 $0x9FC0  }
0x3d1: {  	s10 =	simm.s32 $0x10;
	s2 =	simm.s32 $0xA048;
	s13 =	sadd.s32 $0x0, s6  }
.LBB2_31:
0x3d2: {  	[hbm4b:s13+s3] =	stream.linear.scatter [tilespmem:s7], [sflag:$0x6], $0x80, $0x38;
	[tilespmem:$0xB500] =	vst v63  }
0x3d3: {  	s13 =	smov.u32 s10;
	s7 =	smov.u32 s2;
	p0 =	sne.s32 s10, $0x1F0  }
.Ltmp16:
0x3d4: {  	s10 =	sadd.s32 $0x10, s10;
	(pc) =	sbr.rel @p0 .LBB2_31-.Ltmp16, $2  }
0x3d5: {  	_ =	sdelay $0x2  }
0x3d6: {  	s2 =	sadd.s32 $0x88, s2;
	s13 =	sadd.s32 s13, s6  }
0x3d7: {  	s14 =	sadd.s32 $0x1, s14  }
0x3d8: {  	p0 =	sne.s32 s14, $0x64  }
.Ltmp17:
0x3d9: {  	_ = 	snop;
	(pc) =	sbr.rel @p0 .LBB2_2-.Ltmp17, $2  }
0x3da: {  	_ =	sdelay $0x2  }
0x3db: {  	[hbm4b:s13+s3] =	stream.linear.scatter [tilespmem:s7], [sflag:$0x6], $0x80, $0x38;
	[tilespmem:$0xB500] =	vst v63  }
0x3dc: {  	s2 =	simm.s32 $0x5  }
0x3dd: {  	_ =	swait.ge [sflag:s2], $0x1000  }
0x3de: {  	[sflag:s2] =	ssyncset.done $0x0  }
0x3df: {  	[sflag:s2] =	ssyncadd.s32 $0xFFFFF000  }
0x3e0: {  	_ =	swait.ge [sflag:s2], $0x1000  }
0x3e1: {  	[sflag:s2] =	ssyncset.done $0x0  }
0x3e2: {  	[sflag:s2] =	ssyncadd.s32 $0xFFFFF000  }
0x3e3: {  	_ =	swait.ge [sflag:s0], $0x1000  }
0x3e4: {  	[sflag:s0] =	ssyncset.done $0x0  }
0x3e5: {  	[sflag:s0] =	ssyncadd.s32 $0xFFFFF000  }
0x3e6: {  	_ =	swait.ge [sflag:s0], $0x1000  }
0x3e7: {  	s6 =	rddreg [dreg:$0x7]  }
0x3e8: {  	s31 =	rddreg [dreg:$0x6];
	s6 =	sadd.s32 $0x1, s6  }
0x3e9: {  	p0 =	sne.s32 s6, s31  }
.Ltmp18:
0x3ea: {  	_ = 	snop;
	(pc) =	sbr.rel @p0 .LBB2_1-.Ltmp18, $3  }
0x3eb: {  	_ =	sdelay $0x1  }
0x3ec: {  	[sflag:s0] =	ssyncset.done $0x0  }
0x3ed: {  	[sflag:s0] =	ssyncadd.s32 $0xFFFFF000  }
0x3ee: {  	_ =	sfence.sel $0x180000  }
0x3ef: {  	[bflag:$0x0] =	sbarrier.arrive $0xFFFF  }
0x3f0: {  	_ =	strace $0x9000004A  }
0x3f1: {  	s0 =	stileid.u32;
	[bflag:$0x2] =	sbarrier.arrive $0xFFFF  }
0x3f2: {  	p0 =	sne.s32 s0, $0x0;
	s0 =	rddreg [dreg:$0x3]  }
0x3f3: {  	s0 =	sadd.s32 @!p0 $0x100000, s0  }
0x3f4: {  	[sflag:s0] =	ssyncadd.tile.s32 @!p0 $0x1;
	_ =	shalt  }
.Lfunc_end2:
_tile_overlayer_lowered:
.L_overlay_start_2:
0x3f5: {  	(tag) =	ssettag $0x2  }
0x3f6: {  	s0 =	rddreg [dreg:$0x0];
	s2 =	stileid.u32  }
0x3f7: {  	s1 =	rddreg [dreg:$0x1];
	p0 =	sne.s32 s2, $0x0  }
0x3f8: {  	s3 =	rddreg [dreg:$0x2];
	[bflag:$0x3] =	sbarrier.arrive $0xFFFF;
	s2 =	simm.s32 @!p0 $0x1C07  }
0x3f9: {  	[timem:s3], [sflag:s2] =	dma.local @!p0 [hbm:s0], s1  }
0x3fa: {  	s0 =	simm.s32 @!p0 $0x7  }
0x3fb: {  	_ =	swait.ge @!p0 [sflag:s0], s1  }
0x3fc: {  	s1 =	ssub.s32 @!p0 $0x0, s1;
	[sflag:s0] =	ssyncset.done @!p0 $0x0  }
0x3fd: {  	[sflag:s0] =	ssyncadd.s32 @!p0 s1  }
0x3fe: {  	[bflag:$0x3] =	sbarrier.arrive $0xFFFF  }
0x3ff: {  	_ =	shalt  }

</sc_bundles>
